<compile_context>
chip_gen: v7x
topology: tpu7x:2x2x1
jax: 0.10.2.dev20260603
libtpu: 0.0.44.dev20260713+nightly
codegen_flags: <defaults>
</compile_context>

<pallas_src>
import functools

import jax

jax.config.update("jax_default_matmul_precision", "highest")

import jax.numpy as jnp
from jax import lax
from jax.experimental import pallas as pl
from jax.experimental.pallas import tpu as pltpu
from jax.experimental.pallas import tpu_sc as plsc

NC = 2
NS = 16
NW = NC * NS
CH = 64
EMB = 128
RB = 1024

f32 = jnp.float32
i32 = jnp.int32


def _zero_rows(ref, nrows, ncols):
  z = jnp.zeros((16,), f32)
  offs = list(range(0, ncols - 15, 16))
  if ncols % 16:
    offs.append(ncols - 16)

  @pl.loop(0, nrows)
  def _(r):
    for off in offs:
      ref[r, pl.ds(off, 16)] = z


def _make_edge_kernel(NP, nch, width):
  rpt = NP // NS
  mesh = plsc.VectorSubcoreMesh(core_axis_name="c", subcore_axis_name="s")

  @functools.partial(
      pl.kernel,
      out_type=jax.ShapeDtypeStruct((NC, NP, width), f32),
      mesh=mesh,
      scratch_types=[
          pltpu.VMEM((nch + 2, CH), i32),
          pltpu.VMEM((nch, CH), i32),
          pltpu.VMEM((CH, width), f32),
          pltpu.VMEM((CH, width), f32),
          pltpu.VMEM((CH, width), f32),
          pltpu.VMEM_SHARED((NP, width), f32),
          pltpu.SemaphoreType.DMA,
          pltpu.SemaphoreType.DMA,
          pltpu.SemaphoreType.DMA,
      ],
      compiler_params=pltpu.CompilerParams(use_tc_tiling_on_sc=False),
  )
  def kern(tab_hbm, gidx_hbm, dst_hbm, dep_hbm, out_hbm, gv, dstv, rows0,
           rows1, rows2, acc, sem0, sem1, sem2):
    del dep_hbm
    c = lax.axis_index("c")
    s = lax.axis_index("s")
    wid = c * NS + s
    rows = (rows0, rows1, rows2)
    sems = (sem0, sem1, sem2)

    _zero_rows(rows0, CH, width)
    for z in range(rpt // CH):
      pltpu.sync_copy(rows0, acc.at[pl.ds(s * rpt + z * CH, CH)])
    plsc.subcore_barrier()

    pltpu.sync_copy(gidx_hbm.at[wid], gv)
    pltpu.sync_copy(dst_hbm.at[wid], dstv)

    pltpu.async_copy(tab_hbm.at[gv.at[0]], rows0, sem0)
    pltpu.async_copy(tab_hbm.at[gv.at[1]], rows1, sem1)

    @pl.loop(0, nch, step=3)
    def _(j):
      for b in range(3):
        jj = j + b
        pltpu.async_copy(tab_hbm.at[gv.at[jj + 2]], rows[(b + 2) % 3],
                         sems[(b + 2) % 3])
        pltpu.make_async_copy(tab_hbm.at[gv.at[jj]], rows[b], sems[b]).wait()
        pltpu.sync_copy(rows[b], acc.at[dstv.at[jj]], add=True)

    pltpu.make_async_copy(tab_hbm.at[gv.at[0]], rows0, sem0).wait()
    pltpu.make_async_copy(tab_hbm.at[gv.at[1]], rows1, sem1).wait()

    plsc.subcore_barrier()
    pltpu.sync_copy(acc.at[pl.ds(s * rpt, rpt)],
                    out_hbm.at[c, pl.ds(s * rpt, rpt)])

  return kern


def _f32_dot(a, b):
  return jnp.dot(a, b, preferred_element_type=f32,
                 precision=lax.Precision.HIGHEST)


def _embed_body(x0_ref, x1_ref, t1_ref, t2_ref, h_ref):
  lanes = lax.broadcasted_iota(i32, (RB, 128), 1)
  oh1 = (jnp.broadcast_to(x0_ref[...], (RB, 128)) == lanes).astype(f32)
  oh2 = (jnp.broadcast_to(x1_ref[...], (RB, 128)) == lanes).astype(f32)
  h_ref[...] = _f32_dot(oh1, t1_ref[...]) + _f32_dot(oh2, t2_ref[...])


def _mlp_stats_body(p_ref, h_ref, cnt_ref, elut_ref, sl_ref, w1_ref, b1_ref,
                    w2_ref, b2_ref, y_ref, ssum_ref, ssq_ref, acc1, acc2, *,
                    nb, nvalid):
  i = pl.program_id(0)
  agg = p_ref[0] + p_ref[1] + h_ref[...]
  cn = cnt_ref[0] + cnt_ref[1]
  agg = agg + _f32_dot(cn, elut_ref[...]) + sl_ref[...]
  mid = jnp.maximum(_f32_dot(agg, w1_ref[...]) + b1_ref[...], 0.0)
  y = _f32_dot(mid, w2_ref[...]) + b2_ref[...]
  y_ref[...] = y

  rows = lax.broadcasted_iota(i32, (RB, 1), 0) + i * RB
  m = (rows < nvalid).astype(f32)
  ym = y * m
  s1 = jnp.broadcast_to(jnp.sum(ym, axis=0, keepdims=True), (8, EMB))
  s2 = jnp.broadcast_to(jnp.sum(ym * ym, axis=0, keepdims=True), (8, EMB))

  @pl.when(i == 0)
  def _():
    acc1[...] = jnp.zeros((8, EMB), f32)
    acc2[...] = jnp.zeros((8, EMB), f32)

  acc1[...] += s1
  acc2[...] += s2

  @pl.when(i == nb - 1)
  def _():
    ssum_ref[...] = acc1[...]
    ssq_ref[...] = acc2[...]


def _bn_body(y_ref, ssum_ref, ssq_ref, gamma_ref, beta_ref, out_ref, *,
             nvalid, relu):
  i = pl.program_id(0)
  inv_n = 1.0 / nvalid
  mean = ssum_ref[0:1, :] * inv_n
  var = ssq_ref[0:1, :] * inv_n - mean * mean
  rstd = lax.rsqrt(var + 1e-5)
  out = (y_ref[...] - mean) * (rstd * gamma_ref[...]) + beta_ref[...]
  if relu:
    out = jnp.maximum(out, 0.0)
  rows = lax.broadcasted_iota(i32, (RB, 1), 0) + i * RB
  out_ref[...] = jnp.where(rows < nvalid, out, 0.0)


def _make_tc_kernels(NP, nvalid):
  nb = NP // RB
  full = lambda shape: pl.BlockSpec(shape, lambda i: tuple(0 for _ in shape))
  tck0 = pl.pallas_call(
      _embed_body,
      grid=(nb,),
      in_specs=[
          pl.BlockSpec((RB, 1), lambda i: (i, 0)),
          pl.BlockSpec((RB, 1), lambda i: (i, 0)),
          full((128, EMB)),
          full((128, EMB)),
      ],
      out_specs=pl.BlockSpec((RB, EMB), lambda i: (i, 0)),
      out_shape=jax.ShapeDtypeStruct((NP, EMB), f32),
  )
  tck1 = pl.pallas_call(
      functools.partial(_mlp_stats_body, nb=nb, nvalid=nvalid),
      grid=(nb,),
      in_specs=[
          pl.BlockSpec((NC, RB, EMB), lambda i: (0, i, 0)),
          pl.BlockSpec((RB, EMB), lambda i: (i, 0)),
          pl.BlockSpec((NC, RB, EMB), lambda i: (0, i, 0)),
          full((EMB, EMB)),
          full((1, EMB)),
          full((EMB, 2 * EMB)),
          full((1, 2 * EMB)),
          full((2 * EMB, EMB)),
          full((1, EMB)),
      ],
      out_specs=[
          pl.BlockSpec((RB, EMB), lambda i: (i, 0)),
          full((8, EMB)),
          full((8, EMB)),
      ],
      out_shape=[
          jax.ShapeDtypeStruct((NP, EMB), f32),
          jax.ShapeDtypeStruct((8, EMB), f32),
          jax.ShapeDtypeStruct((8, EMB), f32),
      ],
      scratch_shapes=[pltpu.VMEM((8, EMB), f32), pltpu.VMEM((8, EMB), f32)],
  )

  def make_bn(relu):
    return pl.pallas_call(
        functools.partial(_bn_body, nvalid=nvalid, relu=relu),
        grid=(nb,),
        in_specs=[
            pl.BlockSpec((RB, EMB), lambda i: (i, 0)),
            full((8, EMB)),
            full((8, EMB)),
            full((1, EMB)),
            full((1, EMB)),
        ],
        out_specs=pl.BlockSpec((RB, EMB), lambda i: (i, 0)),
        out_shape=jax.ShapeDtypeStruct((NP, EMB), f32),
    )

  return tck0, tck1, make_bn(True), make_bn(False)


def kernel(x, edge_index, edge_attr, atom_emb1, atom_emb2, edge_emb1,
           edge_emb2, W1, b1, W2, b2, gamma, beta):
  N = x.shape[0]
  E = edge_index.shape[1]
  num_layer = W1.shape[0]

  npw = ((N + NW - 1) // NW + 63) // 64 * 64
  NP = NW * npw
  nch = (E + NW * CH - 1) // (NW * CH)
  nch = nch + (-nch) % 3
  E_pad = NW * nch * CH

  src = edge_index[0].astype(i32)
  dst = edge_index[1].astype(i32)
  kcode = (edge_attr[:, 0] * 3 + edge_attr[:, 1]).astype(i32)
  pe = E_pad - E
  pad_dst = N + (jnp.arange(pe, dtype=i32) % (NP - N))
  src_p = jnp.concatenate([src, jnp.zeros((pe,), i32)]).reshape(NW, nch, CH)
  dst_p = jnp.concatenate([dst, pad_dst]).reshape(NW, nch, CH)
  kcode = kcode + 24 * (jnp.arange(E, dtype=i32) % 512)
  pad_k = 23 + 24 * (jnp.arange(pe, dtype=i32) % 512)
  k_p = jnp.concatenate([kcode, pad_k]).reshape(NW, nch, CH)
  src_p = jnp.concatenate([src_p, src_p[:, :2]], axis=1)
  k_p = jnp.concatenate([k_p, k_p[:, :2]], axis=1)

  pn = NP - N
  x0 = jnp.concatenate([x[:, 0].astype(i32), jnp.zeros((pn,), i32)])[:, None]
  x1 = jnp.concatenate([x[:, 1].astype(i32), jnp.zeros((pn,), i32)])[:, None]
  REP = 512
  oh = ((jnp.arange(24)[:, None] == jnp.arange(EMB)[None, :])
        & (jnp.arange(24)[:, None] < 21)).astype(f32)
  oh = jnp.tile(oh, (REP, 1))
  t1 = jnp.zeros((128, EMB), f32).at[:atom_emb1.shape[0]].set(atom_emb1)
  t2 = jnp.zeros((128, EMB), f32).at[:atom_emb2.shape[0]].set(atom_emb2)

  nbt = edge_emb1.shape[1]
  nbd = edge_emb2.shape[1]
  elut = (edge_emb1[:, :, None, :] + edge_emb2[:, None, :, :]
          ).reshape(num_layer, nbt * nbd, EMB)
  elut = jnp.concatenate(
      [elut, jnp.zeros((num_layer, EMB - nbt * nbd, EMB), f32)], axis=1)
  sl = edge_emb1[:, 4, :] + edge_emb2[:, 0, :]

  edge_k = _make_edge_kernel(NP, nch, EMB)
  count_k = edge_k
  tck0, tck1, bn_relu, bn_last = _make_tc_kernels(NP, N)

  h = tck0(x0, x1, t1, t2)
  cnt = count_k(oh, k_p, dst_p, x0)
  for l in range(num_layer):
    part = edge_k(h, src_p, dst_p, cnt)
    y, s1, s2 = tck1(part, h, cnt, elut[l], sl[l][None, :], W1[l],
                     b1[l][None, :], W2[l], b2[l][None, :])
    bn = bn_relu if l != num_layer - 1 else bn_last
    h = bn(y, s1, s2, gamma[l][None, :], beta[l][None, :])
  return h[:N]

# --- scband reference (transcript-rebuilt; emitter-appended) ---
"""Pipeline reference for scband-gnn-codebook-51110110822776 (READ-ONLY COPY).

The authoritative reference and input builder live on the scoring server;
editing this copy changes nothing except your own understanding.
"""

import jax, jax.numpy as jnp
import numpy as np

N_NODES = 10000
N_EDGES = 320000
EMB = 128
NUM_LAYER = 5
NUM_ATOM_TYPE = 121
NUM_CHIRALITY = 11
NUM_BOND_TYPE = 7
NUM_BOND_DIR = 3


def setup_inputs(seed: int = 0) -> dict:
    key = jax.random.key(seed)
    ks = jax.random.split(key, 16)
    x = jax.random.randint(ks[0], (N_NODES, 2), 0, NUM_CHIRALITY, dtype=jnp.int64 if jax.config.jax_enable_x64 else jnp.int32)
    edge_index = jax.random.randint(ks[1], (2, N_EDGES), 0, N_NODES)
    edge_attr = jax.random.randint(ks[2], (N_EDGES, 2), 0, NUM_BOND_DIR)
    s = 0.05
    atom_emb1 = jax.random.normal(ks[3], (NUM_ATOM_TYPE, EMB), dtype=jnp.float32) * s
    atom_emb2 = jax.random.normal(ks[4], (NUM_CHIRALITY, EMB), dtype=jnp.float32) * s
    edge_emb1 = jax.random.normal(ks[5], (NUM_LAYER, NUM_BOND_TYPE, EMB), dtype=jnp.float32) * s
    edge_emb2 = jax.random.normal(ks[6], (NUM_LAYER, NUM_BOND_DIR, EMB), dtype=jnp.float32) * s
    W1 = jax.random.normal(ks[7], (NUM_LAYER, EMB, 2 * EMB), dtype=jnp.float32) * (1.0 / np.sqrt(EMB))
    b1 = jnp.zeros((NUM_LAYER, 2 * EMB), dtype=jnp.float32)
    W2 = jax.random.normal(ks[8], (NUM_LAYER, 2 * EMB, EMB), dtype=jnp.float32) * (1.0 / np.sqrt(2 * EMB))
    b2 = jnp.zeros((NUM_LAYER, EMB), dtype=jnp.float32)
    gamma = jnp.ones((NUM_LAYER, EMB), dtype=jnp.float32)
    beta = jnp.zeros((NUM_LAYER, EMB), dtype=jnp.float32)
    return {"x": x, "edge_index": edge_index, "edge_attr": edge_attr,
            "atom_emb1": atom_emb1, "atom_emb2": atom_emb2,
            "edge_emb1": edge_emb1, "edge_emb2": edge_emb2,
            "W1": W1, "b1": b1, "W2": W2, "b2": b2,
            "gamma": gamma, "beta": beta}


def reference(x, edge_index, edge_attr, atom_emb1, atom_emb2,
              edge_emb1, edge_emb2, W1, b1, W2, b2, gamma, beta):
    # GNN (gin type, JK='last', drop_ratio=0): embed atoms, then NUM_LAYER GINConv
    # layers each followed by BatchNorm (batch statistics) and ReLU (except last).
    N = x.shape[0]
    h = atom_emb1[x[:, 0]] + atom_emb2[x[:, 1]]
    src, dst = edge_index[0], edge_index[1]
    loop = jnp.arange(N, dtype=edge_index.dtype)
    src_f = jnp.concatenate([src, loop])
    dst_f = jnp.concatenate([dst, loop])
    # self-loop edge attr: bond type 4, direction 0
    sl_attr = jnp.concatenate([
        jnp.full((N, 1), 4, dtype=edge_attr.dtype),
        jnp.zeros((N, 1), dtype=edge_attr.dtype)], axis=1)
    ea = jnp.concatenate([edge_attr, sl_attr], axis=0)
    num_layer = W1.shape[0]
    for l in range(num_layer):
        ee = edge_emb1[l][ea[:, 0]] + edge_emb2[l][ea[:, 1]]
        msg = h[src_f] + ee                      # gather (memory bound)
        agg = jax.ops.segment_sum(msg, dst_f, num_segments=N)  # scatter-add
        hmid = jnp.maximum(agg @ W1[l] + b1[l], 0.0)
        h_new = hmid @ W2[l] + b2[l]
        mean = jnp.mean(h_new, axis=0)
        var = jnp.var(h_new, axis=0)
        h_new = (h_new - mean) / jnp.sqrt(var + 1e-5) * gamma[l] + beta[l]
        if l != num_layer - 1:
            h_new = jnp.maximum(h_new, 0.0)
        h = h_new
    return h

if __name__ == "__main__":
    import jax
    _d = setup_inputs()
    print(jax.jit(kernel)(*tuple(_d.values())))

</pallas_src>

<mosaic_0001>
#map = affine_map<(d0, d1) -> (0, 0)>
#map1 = affine_map<(d0, d1) -> (0, 0, 0)>
module attributes {stable_mosaic.version = 14 : i64} {
  func.func @kern(%arg0: i32, %arg1: i32, %arg2: memref<10240x128xf32, #tpu.memory_space<hbm>>, %arg3: memref<32x161x64xi32, #tpu.memory_space<hbm>>, %arg4: memref<32x159x64xi32, #tpu.memory_space<hbm>>, %arg5: memref<2x10240x128xf32, #tpu.memory_space<hbm>>, %arg6: memref<2x10240x128xf32, #tpu.memory_space<hbm>>, %arg7: memref<161x64xi32, #tpu.memory_space<vmem>>, %arg8: memref<159x64xi32, #tpu.memory_space<vmem>>, %arg9: memref<64x128xf32, #tpu.memory_space<vmem>>, %arg10: memref<64x128xf32, #tpu.memory_space<vmem>>, %arg11: memref<64x128xf32, #tpu.memory_space<vmem>>, %arg12: memref<10240x128xf32, #tpu.memory_space<vmem_shared>>, %arg13: memref<!tpu.dma_semaphore, #tpu.memory_space<semaphore_mem>>, %arg14: memref<!tpu.dma_semaphore, #tpu.memory_space<semaphore_mem>>, %arg15: memref<!tpu.dma_semaphore, #tpu.memory_space<semaphore_mem>>) attributes {dimension_semantics = [#tpu.dimension_semantics<core_parallel>, #tpu.dimension_semantics<subcore_parallel>], iteration_bounds = array<i64: 2, 16>, scalar_prefetch = 0 : i64, scratch_operands = 9 : i64, tpu.core_type = #tpu.core_type<sc_vector_subcore>, window_params = [{transform_indices = #map}, {transform_indices = #map1}, {transform_indices = #map1}, {transform_indices = #map1}, {transform_indices = #map1}]} {
    %mul3A = arith.constant 16 : i32
    %mul3A_0 = arith.muli %arg0, %mul3A : i32
    %add3A = arith.addi %mul3A_0, %arg1 : i32
    %broadcast_in_dim3A = arith.constant 0.000000e+00 : f32
    %broadcast_in_dim3A_1 = vector.broadcast %broadcast_in_dim3A : f32 to vector<16xf32>
    %scan3A = arith.constant 0 : i32
    %scan3A_2 = arith.constant 64 : i32
    %scan3A_3 = arith.addi %scan3A, %scan3A_2 : i32
    %scan3A_4 = arith.constant 1 : i32
    scf.for %scan3A_82 = %scan3A to %scan3A_3 step %scan3A_4  : i32 {
      %mul3A_83 = arith.constant 1 : i32
      %mul3A_84 = arith.muli %scan3A_82, %mul3A_83 : i32
      %add3A_85 = arith.constant 0 : i32
      %add3A_86 = arith.addi %add3A_85, %mul3A_84 : i32
      %swap3A = arith.index_cast %add3A_86 : i32 to index
      %swap3A_87 = arith.constant 0 : index
      %swap3A_88 = tpu.vector_load %arg9[%swap3A, %swap3A_87] {strides = array<i32>} : memref<64x128xf32, #tpu.memory_space<vmem>>, vector<1x16xf32>,
      %swap3A_89 = vector.shape_cast %swap3A_88 : vector<1x16xf32> to vector<16xf32>
      %swap3A_90 = vector.shape_cast %broadcast_in_dim3A_1 : vector<16xf32> to vector<1x16xf32>
      tpu.vector_store %arg9[%swap3A, %swap3A_87], %swap3A_90 {strides = array<i32>} : memref<64x128xf32, #tpu.memory_space<vmem>>, vector<1x16xf32>,
      %swap3A_91 = arith.index_cast %add3A_86 : i32 to index
      %swap3A_92 = arith.constant 16 : index
      %swap3A_93 = tpu.vector_load %arg9[%swap3A_91, %swap3A_92] {strides = array<i32>} : memref<64x128xf32, #tpu.memory_space<vmem>>, vector<1x16xf32>,
      %swap3A_94 = vector.shape_cast %swap3A_93 : vector<1x16xf32> to vector<16xf32>
      %swap3A_95 = vector.shape_cast %broadcast_in_dim3A_1 : vector<16xf32> to vector<1x16xf32>
      tpu.vector_store %arg9[%swap3A_91, %swap3A_92], %swap3A_95 {strides = array<i32>} : memref<64x128xf32, #tpu.memory_space<vmem>>, vector<1x16xf32>,
      %swap3A_96 = arith.index_cast %add3A_86 : i32 to index
      %swap3A_97 = arith.constant 32 : index
      %swap3A_98 = tpu.vector_load %arg9[%swap3A_96, %swap3A_97] {strides = array<i32>} : memref<64x128xf32, #tpu.memory_space<vmem>>, vector<1x16xf32>,
      %swap3A_99 = vector.shape_cast %swap3A_98 : vector<1x16xf32> to vector<16xf32>
      %swap3A_100 = vector.shape_cast %broadcast_in_dim3A_1 : vector<16xf32> to vector<1x16xf32>
      tpu.vector_store %arg9[%swap3A_96, %swap3A_97], %swap3A_100 {strides = array<i32>} : memref<64x128xf32, #tpu.memory_space<vmem>>, vector<1x16xf32>,
      %swap3A_101 = arith.index_cast %add3A_86 : i32 to index
      %swap3A_102 = arith.constant 48 : index
      %swap3A_103 = tpu.vector_load %arg9[%swap3A_101, %swap3A_102] {strides = array<i32>} : memref<64x128xf32, #tpu.memory_space<vmem>>, vector<1x16xf32>,
      %swap3A_104 = vector.shape_cast %swap3A_103 : vector<1x16xf32> to vector<16xf32>
      %swap3A_105 = vector.shape_cast %broadcast_in_dim3A_1 : vector<16xf32> to vector<1x16xf32>
      tpu.vector_store %arg9[%swap3A_101, %swap3A_102], %swap3A_105 {strides = array<i32>} : memref<64x128xf32, #tpu.memory_space<vmem>>, vector<1x16xf32>,
      %swap3A_106 = arith.index_cast %add3A_86 : i32 to index
      %swap3A_107 = arith.constant 64 : index
      %swap3A_108 = tpu.vector_load %arg9[%swap3A_106, %swap3A_107] {strides = array<i32>} : memref<64x128xf32, #tpu.memory_space<vmem>>, vector<1x16xf32>,
      %swap3A_109 = vector.shape_cast %swap3A_108 : vector<1x16xf32> to vector<16xf32>
      %swap3A_110 = vector.shape_cast %broadcast_in_dim3A_1 : vector<16xf32> to vector<1x16xf32>
      tpu.vector_store %arg9[%swap3A_106, %swap3A_107], %swap3A_110 {strides = array<i32>} : memref<64x128xf32, #tpu.memory_space<vmem>>, vector<1x16xf32>,
      %swap3A_111 = arith.index_cast %add3A_86 : i32 to index
      %swap3A_112 = arith.constant 80 : index
      %swap3A_113 = tpu.vector_load %arg9[%swap3A_111, %swap3A_112] {strides = array<i32>} : memref<64x128xf32, #tpu.memory_space<vmem>>, vector<1x16xf32>,
      %swap3A_114 = vector.shape_cast %swap3A_113 : vector<1x16xf32> to vector<16xf32>
      %swap3A_115 = vector.shape_cast %broadcast_in_dim3A_1 : vector<16xf32> to vector<1x16xf32>
      tpu.vector_store %arg9[%swap3A_111, %swap3A_112], %swap3A_115 {strides = array<i32>} : memref<64x128xf32, #tpu.memory_space<vmem>>, vector<1x16xf32>,
      %swap3A_116 = arith.index_cast %add3A_86 : i32 to index
      %swap3A_117 = arith.constant 96 : index
      %swap3A_118 = tpu.vector_load %arg9[%swap3A_116, %swap3A_117] {strides = array<i32>} : memref<64x128xf32, #tpu.memory_space<vmem>>, vector<1x16xf32>,
      %swap3A_119 = vector.shape_cast %swap3A_118 : vector<1x16xf32> to vector<16xf32>
      %swap3A_120 = vector.shape_cast %broadcast_in_dim3A_1 : vector<16xf32> to vector<1x16xf32>
      tpu.vector_store %arg9[%swap3A_116, %swap3A_117], %swap3A_120 {strides = array<i32>} : memref<64x128xf32, #tpu.memory_space<vmem>>, vector<1x16xf32>,
      %swap3A_121 = arith.index_cast %add3A_86 : i32 to index
      %swap3A_122 = arith.constant 112 : index
      %swap3A_123 = tpu.vector_load %arg9[%swap3A_121, %swap3A_122] {strides = array<i32>} : memref<64x128xf32, #tpu.memory_space<vmem>>, vector<1x16xf32>,
      %swap3A_124 = vector.shape_cast %swap3A_123 : vector<1x16xf32> to vector<16xf32>
      %swap3A_125 = vector.shape_cast %broadcast_in_dim3A_1 : vector<16xf32> to vector<1x16xf32>
      tpu.vector_store %arg9[%swap3A_121, %swap3A_122], %swap3A_125 {strides = array<i32>} : memref<64x128xf32, #tpu.memory_space<vmem>>, vector<1x16xf32>,
    }
    %scan3A_5 = arith.constant 64 : i32
    %mul3A_6 = arith.constant 640 : i32
    %mul3A_7 = arith.muli %arg1, %mul3A_6 : i32
    %add3A_8 = arith.constant 0 : i32
    %add3A_9 = arith.addi %mul3A_7, %add3A_8 : i32
    "tpu.region"() ({
      %run_scoped3A = tpu.sem_alloc : memref<!tpu.dma_semaphore, #tpu.memory_space<semaphore_mem>>
      %dma_start3A_82 = arith.constant 0 : i32
      %dma_start3A_83 = tpu.memref_slice %arg12[%add3A_9, %dma_start3A_82] : memref<10240x128xf32, #tpu.memory_space<vmem_shared>> -> memref<64x128xf32, #tpu.memory_space<vmem_shared>>
      %dma_start3A_84 = arith.constant 0 : i32
      %dma_start3A_85 = tpu.memref_slice %arg12[%add3A_9, %dma_start3A_84] : memref<10240x128xf32, #tpu.memory_space<vmem_shared>> -> memref<64x128xf32, #tpu.memory_space<vmem_shared>>
      tpu.enqueue_dma source(%arg9 : memref<64x128xf32, #tpu.memory_space<vmem>>) target(%dma_start3A_85 : memref<64x128xf32, #tpu.memory_space<vmem_shared>>) target_semaphore(%run_scoped3A : memref<!tpu.dma_semaphore, #tpu.memory_space<semaphore_mem>>)
      %dma_wait3A_86 = arith.constant 0 : i32
      %dma_wait3A_87 = tpu.memref_slice %arg12[%add3A_9, %dma_wait3A_86] : memref<10240x128xf32, #tpu.memory_space<vmem_shared>> -> memref<64x128xf32, #tpu.memory_space<vmem_shared>>
      %dma_wait3A_88 = arith.constant 0 : i32
      %dma_wait3A_89 = tpu.memref_slice %arg12[%add3A_9, %dma_wait3A_88] : memref<10240x128xf32, #tpu.memory_space<vmem_shared>> -> memref<64x128xf32, #tpu.memory_space<vmem_shared>>
      tpu.wait_dma2 semaphore(%run_scoped3A : memref<!tpu.dma_semaphore, #tpu.memory_space<semaphore_mem>>) src(%arg9 : memref<64x128xf32, #tpu.memory_space<vmem>>) dst(%dma_wait3A_89 : memref<64x128xf32, #tpu.memory_space<vmem_shared>>)
      tpu.yield
    }) : () -> ()
    %mul3A_10 = arith.constant 640 : i32
    %mul3A_11 = arith.muli %arg1, %mul3A_10 : i32
    %add3A_12 = arith.constant 64 : i32
    %add3A_13 = arith.addi %mul3A_11, %add3A_12 : i32
    "tpu.region"() ({
      %run_scoped3A = tpu.sem_alloc : memref<!tpu.dma_semaphore, #tpu.memory_space<semaphore_mem>>
      %dma_start3A_82 = arith.constant 0 : i32
      %dma_start3A_83 = tpu.memref_slice %arg12[%add3A_13, %dma_start3A_82] : memref<10240x128xf32, #tpu.memory_space<vmem_shared>> -> memref<64x128xf32, #tpu.memory_space<vmem_shared>>
      %dma_start3A_84 = arith.constant 0 : i32
      %dma_start3A_85 = tpu.memref_slice %arg12[%add3A_13, %dma_start3A_84] : memref<10240x128xf32, #tpu.memory_space<vmem_shared>> -> memref<64x128xf32, #tpu.memory_space<vmem_shared>>
      tpu.enqueue_dma source(%arg9 : memref<64x128xf32, #tpu.memory_space<vmem>>) target(%dma_start3A_85 : memref<64x128xf32, #tpu.memory_space<vmem_shared>>) target_semaphore(%run_scoped3A : memref<!tpu.dma_semaphore, #tpu.memory_space<semaphore_mem>>)
      %dma_wait3A_86 = arith.constant 0 : i32
      %dma_wait3A_87 = tpu.memref_slice %arg12[%add3A_13, %dma_wait3A_86] : memref<10240x128xf32, #tpu.memory_space<vmem_shared>> -> memref<64x128xf32, #tpu.memory_space<vmem_shared>>
      %dma_wait3A_88 = arith.constant 0 : i32
      %dma_wait3A_89 = tpu.memref_slice %arg12[%add3A_13, %dma_wait3A_88] : memref<10240x128xf32, #tpu.memory_space<vmem_shared>> -> memref<64x128xf32, #tpu.memory_space<vmem_shared>>
      tpu.wait_dma2 semaphore(%run_scoped3A : memref<!tpu.dma_semaphore, #tpu.memory_space<semaphore_mem>>) src(%arg9 : memref<64x128xf32, #tpu.memory_space<vmem>>) dst(%dma_wait3A_89 : memref<64x128xf32, #tpu.memory_space<vmem_shared>>)
      tpu.yield
    }) : () -> ()
    %mul3A_14 = arith.constant 640 : i32
    %mul3A_15 = arith.muli %arg1, %mul3A_14 : i32
    %add3A_16 = arith.constant 128 : i32
    %add3A_17 = arith.addi %mul3A_15, %add3A_16 : i32
    "tpu.region"() ({
      %run_scoped3A = tpu.sem_alloc : memref<!tpu.dma_semaphore, #tpu.memory_space<semaphore_mem>>
      %dma_start3A_82 = arith.constant 0 : i32
      %dma_start3A_83 = tpu.memref_slice %arg12[%add3A_17, %dma_start3A_82] : memref<10240x128xf32, #tpu.memory_space<vmem_shared>> -> memref<64x128xf32, #tpu.memory_space<vmem_shared>>
      %dma_start3A_84 = arith.constant 0 : i32
      %dma_start3A_85 = tpu.memref_slice %arg12[%add3A_17, %dma_start3A_84] : memref<10240x128xf32, #tpu.memory_space<vmem_shared>> -> memref<64x128xf32, #tpu.memory_space<vmem_shared>>
      tpu.enqueue_dma source(%arg9 : memref<64x128xf32, #tpu.memory_space<vmem>>) target(%dma_start3A_85 : memref<64x128xf32, #tpu.memory_space<vmem_shared>>) target_semaphore(%run_scoped3A : memref<!tpu.dma_semaphore, #tpu.memory_space<semaphore_mem>>)
      %dma_wait3A_86 = arith.constant 0 : i32
      %dma_wait3A_87 = tpu.memref_slice %arg12[%add3A_17, %dma_wait3A_86] : memref<10240x128xf32, #tpu.memory_space<vmem_shared>> -> memref<64x128xf32, #tpu.memory_space<vmem_shared>>
      %dma_wait3A_88 = arith.constant 0 : i32
      %dma_wait3A_89 = tpu.memref_slice %arg12[%add3A_17, %dma_wait3A_88] : memref<10240x128xf32, #tpu.memory_space<vmem_shared>> -> memref<64x128xf32, #tpu.memory_space<vmem_shared>>
      tpu.wait_dma2 semaphore(%run_scoped3A : memref<!tpu.dma_semaphore, #tpu.memory_space<semaphore_mem>>) src(%arg9 : memref<64x128xf32, #tpu.memory_space<vmem>>) dst(%dma_wait3A_89 : memref<64x128xf32, #tpu.memory_space<vmem_shared>>)
      tpu.yield
    }) : () -> ()
    %mul3A_18 = arith.constant 640 : i32
    %mul3A_19 = arith.muli %arg1, %mul3A_18 : i32
    %add3A_20 = arith.constant 192 : i32
    %add3A_21 = arith.addi %mul3A_19, %add3A_20 : i32
    "tpu.region"() ({
      %run_scoped3A = tpu.sem_alloc : memref<!tpu.dma_semaphore, #tpu.memory_space<semaphore_mem>>
      %dma_start3A_82 = arith.constant 0 : i32
      %dma_start3A_83 = tpu.memref_slice %arg12[%add3A_21, %dma_start3A_82] : memref<10240x128xf32, #tpu.memory_space<vmem_shared>> -> memref<64x128xf32, #tpu.memory_space<vmem_shared>>
      %dma_start3A_84 = arith.constant 0 : i32
      %dma_start3A_85 = tpu.memref_slice %arg12[%add3A_21, %dma_start3A_84] : memref<10240x128xf32, #tpu.memory_space<vmem_shared>> -> memref<64x128xf32, #tpu.memory_space<vmem_shared>>
      tpu.enqueue_dma source(%arg9 : memref<64x128xf32, #tpu.memory_space<vmem>>) target(%dma_start3A_85 : memref<64x128xf32, #tpu.memory_space<vmem_shared>>) target_semaphore(%run_scoped3A : memref<!tpu.dma_semaphore, #tpu.memory_space<semaphore_mem>>)
      %dma_wait3A_86 = arith.constant 0 : i32
      %dma_wait3A_87 = tpu.memref_slice %arg12[%add3A_21, %dma_wait3A_86] : memref<10240x128xf32, #tpu.memory_space<vmem_shared>> -> memref<64x128xf32, #tpu.memory_space<vmem_shared>>
      %dma_wait3A_88 = arith.constant 0 : i32
      %dma_wait3A_89 = tpu.memref_slice %arg12[%add3A_21, %dma_wait3A_88] : memref<10240x128xf32, #tpu.memory_space<vmem_shared>> -> memref<64x128xf32, #tpu.memory_space<vmem_shared>>
      tpu.wait_dma2 semaphore(%run_scoped3A : memref<!tpu.dma_semaphore, #tpu.memory_space<semaphore_mem>>) src(%arg9 : memref<64x128xf32, #tpu.memory_space<vmem>>) dst(%dma_wait3A_89 : memref<64x128xf32, #tpu.memory_space<vmem_shared>>)
      tpu.yield
    }) : () -> ()
    %mul3A_22 = arith.constant 640 : i32
    %mul3A_23 = arith.muli %arg1, %mul3A_22 : i32
    %add3A_24 = arith.constant 256 : i32
    %add3A_25 = arith.addi %mul3A_23, %add3A_24 : i32
    "tpu.region"() ({
      %run_scoped3A = tpu.sem_alloc : memref<!tpu.dma_semaphore, #tpu.memory_space<semaphore_mem>>
      %dma_start3A_82 = arith.constant 0 : i32
      %dma_start3A_83 = tpu.memref_slice %arg12[%add3A_25, %dma_start3A_82] : memref<10240x128xf32, #tpu.memory_space<vmem_shared>> -> memref<64x128xf32, #tpu.memory_space<vmem_shared>>
      %dma_start3A_84 = arith.constant 0 : i32
      %dma_start3A_85 = tpu.memref_slice %arg12[%add3A_25, %dma_start3A_84] : memref<10240x128xf32, #tpu.memory_space<vmem_shared>> -> memref<64x128xf32, #tpu.memory_space<vmem_shared>>
      tpu.enqueue_dma source(%arg9 : memref<64x128xf32, #tpu.memory_space<vmem>>) target(%dma_start3A_85 : memref<64x128xf32, #tpu.memory_space<vmem_shared>>) target_semaphore(%run_scoped3A : memref<!tpu.dma_semaphore, #tpu.memory_space<semaphore_mem>>)
      %dma_wait3A_86 = arith.constant 0 : i32
      %dma_wait3A_87 = tpu.memref_slice %arg12[%add3A_25, %dma_wait3A_86] : memref<10240x128xf32, #tpu.memory_space<vmem_shared>> -> memref<64x128xf32, #tpu.memory_space<vmem_shared>>
      %dma_wait3A_88 = arith.constant 0 : i32
      %dma_wait3A_89 = tpu.memref_slice %arg12[%add3A_25, %dma_wait3A_88] : memref<10240x128xf32, #tpu.memory_space<vmem_shared>> -> memref<64x128xf32, #tpu.memory_space<vmem_shared>>
      tpu.wait_dma2 semaphore(%run_scoped3A : memref<!tpu.dma_semaphore, #tpu.memory_space<semaphore_mem>>) src(%arg9 : memref<64x128xf32, #tpu.memory_space<vmem>>) dst(%dma_wait3A_89 : memref<64x128xf32, #tpu.memory_space<vmem_shared>>)
      tpu.yield
    }) : () -> ()
    %mul3A_26 = arith.constant 640 : i32
    %mul3A_27 = arith.muli %arg1, %mul3A_26 : i32
    %add3A_28 = arith.constant 320 : i32
    %add3A_29 = arith.addi %mul3A_27, %add3A_28 : i32
    "tpu.region"() ({
      %run_scoped3A = tpu.sem_alloc : memref<!tpu.dma_semaphore, #tpu.memory_space<semaphore_mem>>
      %dma_start3A_82 = arith.constant 0 : i32
      %dma_start3A_83 = tpu.memref_slice %arg12[%add3A_29, %dma_start3A_82] : memref<10240x128xf32, #tpu.memory_space<vmem_shared>> -> memref<64x128xf32, #tpu.memory_space<vmem_shared>>
      %dma_start3A_84 = arith.constant 0 : i32
      %dma_start3A_85 = tpu.memref_slice %arg12[%add3A_29, %dma_start3A_84] : memref<10240x128xf32, #tpu.memory_space<vmem_shared>> -> memref<64x128xf32, #tpu.memory_space<vmem_shared>>
      tpu.enqueue_dma source(%arg9 : memref<64x128xf32, #tpu.memory_space<vmem>>) target(%dma_start3A_85 : memref<64x128xf32, #tpu.memory_space<vmem_shared>>) target_semaphore(%run_scoped3A : memref<!tpu.dma_semaphore, #tpu.memory_space<semaphore_mem>>)
      %dma_wait3A_86 = arith.constant 0 : i32
      %dma_wait3A_87 = tpu.memref_slice %arg12[%add3A_29, %dma_wait3A_86] : memref<10240x128xf32, #tpu.memory_space<vmem_shared>> -> memref<64x128xf32, #tpu.memory_space<vmem_shared>>
      %dma_wait3A_88 = arith.constant 0 : i32
      %dma_wait3A_89 = tpu.memref_slice %arg12[%add3A_29, %dma_wait3A_88] : memref<10240x128xf32, #tpu.memory_space<vmem_shared>> -> memref<64x128xf32, #tpu.memory_space<vmem_shared>>
      tpu.wait_dma2 semaphore(%run_scoped3A : memref<!tpu.dma_semaphore, #tpu.memory_space<semaphore_mem>>) src(%arg9 : memref<64x128xf32, #tpu.memory_space<vmem>>) dst(%dma_wait3A_89 : memref<64x128xf32, #tpu.memory_space<vmem_shared>>)
      tpu.yield
    }) : () -> ()
    %mul3A_30 = arith.constant 640 : i32
    %mul3A_31 = arith.muli %arg1, %mul3A_30 : i32
    %add3A_32 = arith.constant 384 : i32
    %add3A_33 = arith.addi %mul3A_31, %add3A_32 : i32
    "tpu.region"() ({
      %run_scoped3A = tpu.sem_alloc : memref<!tpu.dma_semaphore, #tpu.memory_space<semaphore_mem>>
      %dma_start3A_82 = arith.constant 0 : i32
      %dma_start3A_83 = tpu.memref_slice %arg12[%add3A_33, %dma_start3A_82] : memref<10240x128xf32, #tpu.memory_space<vmem_shared>> -> memref<64x128xf32, #tpu.memory_space<vmem_shared>>
      %dma_start3A_84 = arith.constant 0 : i32
      %dma_start3A_85 = tpu.memref_slice %arg12[%add3A_33, %dma_start3A_84] : memref<10240x128xf32, #tpu.memory_space<vmem_shared>> -> memref<64x128xf32, #tpu.memory_space<vmem_shared>>
      tpu.enqueue_dma source(%arg9 : memref<64x128xf32, #tpu.memory_space<vmem>>) target(%dma_start3A_85 : memref<64x128xf32, #tpu.memory_space<vmem_shared>>) target_semaphore(%run_scoped3A : memref<!tpu.dma_semaphore, #tpu.memory_space<semaphore_mem>>)
      %dma_wait3A_86 = arith.constant 0 : i32
      %dma_wait3A_87 = tpu.memref_slice %arg12[%add3A_33, %dma_wait3A_86] : memref<10240x128xf32, #tpu.memory_space<vmem_shared>> -> memref<64x128xf32, #tpu.memory_space<vmem_shared>>
      %dma_wait3A_88 = arith.constant 0 : i32
      %dma_wait3A_89 = tpu.memref_slice %arg12[%add3A_33, %dma_wait3A_88] : memref<10240x128xf32, #tpu.memory_space<vmem_shared>> -> memref<64x128xf32, #tpu.memory_space<vmem_shared>>
      tpu.wait_dma2 semaphore(%run_scoped3A : memref<!tpu.dma_semaphore, #tpu.memory_space<semaphore_mem>>) src(%arg9 : memref<64x128xf32, #tpu.memory_space<vmem>>) dst(%dma_wait3A_89 : memref<64x128xf32, #tpu.memory_space<vmem_shared>>)
      tpu.yield
    }) : () -> ()
    %mul3A_34 = arith.constant 640 : i32
    %mul3A_35 = arith.muli %arg1, %mul3A_34 : i32
    %add3A_36 = arith.constant 448 : i32
    %add3A_37 = arith.addi %mul3A_35, %add3A_36 : i32
    "tpu.region"() ({
      %run_scoped3A = tpu.sem_alloc : memref<!tpu.dma_semaphore, #tpu.memory_space<semaphore_mem>>
      %dma_start3A_82 = arith.constant 0 : i32
      %dma_start3A_83 = tpu.memref_slice %arg12[%add3A_37, %dma_start3A_82] : memref<10240x128xf32, #tpu.memory_space<vmem_shared>> -> memref<64x128xf32, #tpu.memory_space<vmem_shared>>
      %dma_start3A_84 = arith.constant 0 : i32
      %dma_start3A_85 = tpu.memref_slice %arg12[%add3A_37, %dma_start3A_84] : memref<10240x128xf32, #tpu.memory_space<vmem_shared>> -> memref<64x128xf32, #tpu.memory_space<vmem_shared>>
      tpu.enqueue_dma source(%arg9 : memref<64x128xf32, #tpu.memory_space<vmem>>) target(%dma_start3A_85 : memref<64x128xf32, #tpu.memory_space<vmem_shared>>) target_semaphore(%run_scoped3A : memref<!tpu.dma_semaphore, #tpu.memory_space<semaphore_mem>>)
      %dma_wait3A_86 = arith.constant 0 : i32
      %dma_wait3A_87 = tpu.memref_slice %arg12[%add3A_37, %dma_wait3A_86] : memref<10240x128xf32, #tpu.memory_space<vmem_shared>> -> memref<64x128xf32, #tpu.memory_space<vmem_shared>>
      %dma_wait3A_88 = arith.constant 0 : i32
      %dma_wait3A_89 = tpu.memref_slice %arg12[%add3A_37, %dma_wait3A_88] : memref<10240x128xf32, #tpu.memory_space<vmem_shared>> -> memref<64x128xf32, #tpu.memory_space<vmem_shared>>
      tpu.wait_dma2 semaphore(%run_scoped3A : memref<!tpu.dma_semaphore, #tpu.memory_space<semaphore_mem>>) src(%arg9 : memref<64x128xf32, #tpu.memory_space<vmem>>) dst(%dma_wait3A_89 : memref<64x128xf32, #tpu.memory_space<vmem_shared>>)
      tpu.yield
    }) : () -> ()
    %mul3A_38 = arith.constant 640 : i32
    %mul3A_39 = arith.muli %arg1, %mul3A_38 : i32
    %add3A_40 = arith.constant 512 : i32
    %add3A_41 = arith.addi %mul3A_39, %add3A_40 : i32
    "tpu.region"() ({
      %run_scoped3A = tpu.sem_alloc : memref<!tpu.dma_semaphore, #tpu.memory_space<semaphore_mem>>
      %dma_start3A_82 = arith.constant 0 : i32
      %dma_start3A_83 = tpu.memref_slice %arg12[%add3A_41, %dma_start3A_82] : memref<10240x128xf32, #tpu.memory_space<vmem_shared>> -> memref<64x128xf32, #tpu.memory_space<vmem_shared>>
      %dma_start3A_84 = arith.constant 0 : i32
      %dma_start3A_85 = tpu.memref_slice %arg12[%add3A_41, %dma_start3A_84] : memref<10240x128xf32, #tpu.memory_space<vmem_shared>> -> memref<64x128xf32, #tpu.memory_space<vmem_shared>>
      tpu.enqueue_dma source(%arg9 : memref<64x128xf32, #tpu.memory_space<vmem>>) target(%dma_start3A_85 : memref<64x128xf32, #tpu.memory_space<vmem_shared>>) target_semaphore(%run_scoped3A : memref<!tpu.dma_semaphore, #tpu.memory_space<semaphore_mem>>)
      %dma_wait3A_86 = arith.constant 0 : i32
      %dma_wait3A_87 = tpu.memref_slice %arg12[%add3A_41, %dma_wait3A_86] : memref<10240x128xf32, #tpu.memory_space<vmem_shared>> -> memref<64x128xf32, #tpu.memory_space<vmem_shared>>
      %dma_wait3A_88 = arith.constant 0 : i32
      %dma_wait3A_89 = tpu.memref_slice %arg12[%add3A_41, %dma_wait3A_88] : memref<10240x128xf32, #tpu.memory_space<vmem_shared>> -> memref<64x128xf32, #tpu.memory_space<vmem_shared>>
      tpu.wait_dma2 semaphore(%run_scoped3A : memref<!tpu.dma_semaphore, #tpu.memory_space<semaphore_mem>>) src(%arg9 : memref<64x128xf32, #tpu.memory_space<vmem>>) dst(%dma_wait3A_89 : memref<64x128xf32, #tpu.memory_space<vmem_shared>>)
      tpu.yield
    }) : () -> ()
    %mul3A_42 = arith.constant 640 : i32
    %mul3A_43 = arith.muli %arg1, %mul3A_42 : i32
    %add3A_44 = arith.constant 576 : i32
    %add3A_45 = arith.addi %mul3A_43, %add3A_44 : i32
    "tpu.region"() ({
      %run_scoped3A = tpu.sem_alloc : memref<!tpu.dma_semaphore, #tpu.memory_space<semaphore_mem>>
      %dma_start3A_82 = arith.constant 0 : i32
      %dma_start3A_83 = tpu.memref_slice %arg12[%add3A_45, %dma_start3A_82] : memref<10240x128xf32, #tpu.memory_space<vmem_shared>> -> memref<64x128xf32, #tpu.memory_space<vmem_shared>>
      %dma_start3A_84 = arith.constant 0 : i32
      %dma_start3A_85 = tpu.memref_slice %arg12[%add3A_45, %dma_start3A_84] : memref<10240x128xf32, #tpu.memory_space<vmem_shared>> -> memref<64x128xf32, #tpu.memory_space<vmem_shared>>
      tpu.enqueue_dma source(%arg9 : memref<64x128xf32, #tpu.memory_space<vmem>>) target(%dma_start3A_85 : memref<64x128xf32, #tpu.memory_space<vmem_shared>>) target_semaphore(%run_scoped3A : memref<!tpu.dma_semaphore, #tpu.memory_space<semaphore_mem>>)
      %dma_wait3A_86 = arith.constant 0 : i32
      %dma_wait3A_87 = tpu.memref_slice %arg12[%add3A_45, %dma_wait3A_86] : memref<10240x128xf32, #tpu.memory_space<vmem_shared>> -> memref<64x128xf32, #tpu.memory_space<vmem_shared>>
      %dma_wait3A_88 = arith.constant 0 : i32
      %dma_wait3A_89 = tpu.memref_slice %arg12[%add3A_45, %dma_wait3A_88] : memref<10240x128xf32, #tpu.memory_space<vmem_shared>> -> memref<64x128xf32, #tpu.memory_space<vmem_shared>>
      tpu.wait_dma2 semaphore(%run_scoped3A : memref<!tpu.dma_semaphore, #tpu.memory_space<semaphore_mem>>) src(%arg9 : memref<64x128xf32, #tpu.memory_space<vmem>>) dst(%dma_wait3A_89 : memref<64x128xf32, #tpu.memory_space<vmem_shared>>)
      tpu.yield
    }) : () -> ()
    %barrier3A = arith.constant 0 : index
    tpu.barrier barrier_id(%barrier3A)
    "tpu.region"() ({
      %run_scoped3A = tpu.sem_alloc : memref<!tpu.dma_semaphore, #tpu.memory_space<semaphore_mem>>
      %dma_start3A_82 = arith.constant 0 : i32
      %dma_start3A_83 = arith.constant 0 : i32
      %dma_start3A_84 = tpu.memref_slice %arg3[%add3A, %dma_start3A_82, %dma_start3A_83] : memref<32x161x64xi32, #tpu.memory_space<hbm>> -> memref<1x161x64xi32, #tpu.memory_space<hbm>>
      %dma_start3A_85 = tpu.memref_squeeze %dma_start3A_84 : memref<1x161x64xi32, #tpu.memory_space<hbm>> -> memref<161x64xi32, #tpu.memory_space<hbm>>
      %dma_start3A_86 = arith.constant 0 : i32
      %dma_start3A_87 = arith.constant 0 : i32
      %dma_start3A_88 = tpu.memref_slice %arg3[%add3A, %dma_start3A_86, %dma_start3A_87] : memref<32x161x64xi32, #tpu.memory_space<hbm>> -> memref<1x161x64xi32, #tpu.memory_space<hbm>>
      %dma_start3A_89 = tpu.memref_squeeze %dma_start3A_88 : memref<1x161x64xi32, #tpu.memory_space<hbm>> -> memref<161x64xi32, #tpu.memory_space<hbm>>
      tpu.enqueue_dma source(%dma_start3A_89 : memref<161x64xi32, #tpu.memory_space<hbm>>) target(%arg7 : memref<161x64xi32, #tpu.memory_space<vmem>>) target_semaphore(%run_scoped3A : memref<!tpu.dma_semaphore, #tpu.memory_space<semaphore_mem>>)
      %dma_wait3A_90 = arith.constant 0 : i32
      %dma_wait3A_91 = arith.constant 0 : i32
      %dma_wait3A_92 = tpu.memref_slice %arg3[%add3A, %dma_wait3A_90, %dma_wait3A_91] : memref<32x161x64xi32, #tpu.memory_space<hbm>> -> memref<1x161x64xi32, #tpu.memory_space<hbm>>
      %dma_wait3A_93 = tpu.memref_squeeze %dma_wait3A_92 : memref<1x161x64xi32, #tpu.memory_space<hbm>> -> memref<161x64xi32, #tpu.memory_space<hbm>>
      %dma_wait3A_94 = arith.constant 0 : i32
      %dma_wait3A_95 = arith.constant 0 : i32
      %dma_wait3A_96 = tpu.memref_slice %arg3[%add3A, %dma_wait3A_94, %dma_wait3A_95] : memref<32x161x64xi32, #tpu.memory_space<hbm>> -> memref<1x161x64xi32, #tpu.memory_space<hbm>>
      %dma_wait3A_97 = tpu.memref_squeeze %dma_wait3A_96 : memref<1x161x64xi32, #tpu.memory_space<hbm>> -> memref<161x64xi32, #tpu.memory_space<hbm>>
      tpu.wait_dma2 semaphore(%run_scoped3A : memref<!tpu.dma_semaphore, #tpu.memory_space<semaphore_mem>>) src(%dma_wait3A_97 : memref<161x64xi32, #tpu.memory_space<hbm>>) dst(%arg7 : memref<161x64xi32, #tpu.memory_space<vmem>>)
      tpu.yield
    }) : () -> ()
    "tpu.region"() ({
      %run_scoped3A = tpu.sem_alloc : memref<!tpu.dma_semaphore, #tpu.memory_space<semaphore_mem>>
      %dma_start3A_82 = arith.constant 0 : i32
      %dma_start3A_83 = arith.constant 0 : i32
      %dma_start3A_84 = tpu.memref_slice %arg4[%add3A, %dma_start3A_82, %dma_start3A_83] : memref<32x159x64xi32, #tpu.memory_space<hbm>> -> memref<1x159x64xi32, #tpu.memory_space<hbm>>
      %dma_start3A_85 = tpu.memref_squeeze %dma_start3A_84 : memref<1x159x64xi32, #tpu.memory_space<hbm>> -> memref<159x64xi32, #tpu.memory_space<hbm>>
      %dma_start3A_86 = arith.constant 0 : i32
      %dma_start3A_87 = arith.constant 0 : i32
      %dma_start3A_88 = tpu.memref_slice %arg4[%add3A, %dma_start3A_86, %dma_start3A_87] : memref<32x159x64xi32, #tpu.memory_space<hbm>> -> memref<1x159x64xi32, #tpu.memory_space<hbm>>
      %dma_start3A_89 = tpu.memref_squeeze %dma_start3A_88 : memref<1x159x64xi32, #tpu.memory_space<hbm>> -> memref<159x64xi32, #tpu.memory_space<hbm>>
      tpu.enqueue_dma source(%dma_start3A_89 : memref<159x64xi32, #tpu.memory_space<hbm>>) target(%arg8 : memref<159x64xi32, #tpu.memory_space<vmem>>) target_semaphore(%run_scoped3A : memref<!tpu.dma_semaphore, #tpu.memory_space<semaphore_mem>>)
      %dma_wait3A_90 = arith.constant 0 : i32
      %dma_wait3A_91 = arith.constant 0 : i32
      %dma_wait3A_92 = tpu.memref_slice %arg4[%add3A, %dma_wait3A_90, %dma_wait3A_91] : memref<32x159x64xi32, #tpu.memory_space<hbm>> -> memref<1x159x64xi32, #tpu.memory_space<hbm>>
      %dma_wait3A_93 = tpu.memref_squeeze %dma_wait3A_92 : memref<1x159x64xi32, #tpu.memory_space<hbm>> -> memref<159x64xi32, #tpu.memory_space<hbm>>
      %dma_wait3A_94 = arith.constant 0 : i32
      %dma_wait3A_95 = arith.constant 0 : i32
      %dma_wait3A_96 = tpu.memref_slice %arg4[%add3A, %dma_wait3A_94, %dma_wait3A_95] : memref<32x159x64xi32, #tpu.memory_space<hbm>> -> memref<1x159x64xi32, #tpu.memory_space<hbm>>
      %dma_wait3A_97 = tpu.memref_squeeze %dma_wait3A_96 : memref<1x159x64xi32, #tpu.memory_space<hbm>> -> memref<159x64xi32, #tpu.memory_space<hbm>>
      tpu.wait_dma2 semaphore(%run_scoped3A : memref<!tpu.dma_semaphore, #tpu.memory_space<semaphore_mem>>) src(%dma_wait3A_97 : memref<159x64xi32, #tpu.memory_space<hbm>>) dst(%arg8 : memref<159x64xi32, #tpu.memory_space<vmem>>)
      tpu.yield
    }) : () -> ()
    %dma_start3A = arith.constant 0 : i32
    %dma_start3A_46 = arith.constant 0 : i32
    %dma_start3A_47 = tpu.memref_slice %arg7[%dma_start3A, %dma_start3A_46] : memref<161x64xi32, #tpu.memory_space<vmem>> -> memref<1x64xi32, #tpu.memory_space<vmem>>
    %dma_start3A_48 = tpu.memref_squeeze %dma_start3A_47 : memref<1x64xi32, #tpu.memory_space<vmem>> -> memref<64xi32, #tpu.memory_space<vmem>>
    %dma_start3A_49 = arith.constant 0 : i32
    %dma_start3A_50 = arith.constant 0 : i32
    %dma_start3A_51 = tpu.memref_slice %arg2[%dma_start3A_49, %dma_start3A_50] : memref<10240x128xf32, #tpu.memory_space<hbm>> -> memref<10240x128xf32, #tpu.memory_space<hbm>>
    tpu.enqueue_indirect_dma source(%dma_start3A_51 : memref<10240x128xf32, #tpu.memory_space<hbm>>) target(%arg9 : memref<64x128xf32, #tpu.memory_space<vmem>>) offsets(%dma_start3A_48 : memref<64xi32, #tpu.memory_space<vmem>>) semaphore(%arg13 : memref<!tpu.dma_semaphore, #tpu.memory_space<semaphore_mem>>)
    %dma_start3A_52 = arith.constant 1 : i32
    %dma_start3A_53 = arith.constant 0 : i32
    %dma_start3A_54 = tpu.memref_slice %arg7[%dma_start3A_52, %dma_start3A_53] : memref<161x64xi32, #tpu.memory_space<vmem>> -> memref<1x64xi32, #tpu.memory_space<vmem>>
    %dma_start3A_55 = tpu.memref_squeeze %dma_start3A_54 : memref<1x64xi32, #tpu.memory_space<vmem>> -> memref<64xi32, #tpu.memory_space<vmem>>
    %dma_start3A_56 = arith.constant 0 : i32
    %dma_start3A_57 = arith.constant 0 : i32
    %dma_start3A_58 = tpu.memref_slice %arg2[%dma_start3A_56, %dma_start3A_57] : memref<10240x128xf32, #tpu.memory_space<hbm>> -> memref<10240x128xf32, #tpu.memory_space<hbm>>
    tpu.enqueue_indirect_dma source(%dma_start3A_58 : memref<10240x128xf32, #tpu.memory_space<hbm>>) target(%arg10 : memref<64x128xf32, #tpu.memory_space<vmem>>) offsets(%dma_start3A_55 : memref<64xi32, #tpu.memory_space<vmem>>) semaphore(%arg14 : memref<!tpu.dma_semaphore, #tpu.memory_space<semaphore_mem>>)
    %scan3A_59 = arith.constant 0 : i32
    %scan3A_60 = arith.constant 53 : i32
    %scan3A_61 = arith.addi %scan3A_59, %scan3A_60 : i32
    %scan3A_62 = arith.constant 1 : i32
    scf.for %scan3A_82 = %scan3A_59 to %scan3A_61 step %scan3A_62  : i32 {
      %mul3A_83 = arith.constant 3 : i32
      %mul3A_84 = arith.muli %scan3A_82, %mul3A_83 : i32
      %add3A_85 = arith.constant 0 : i32
      %add3A_86 = arith.addi %add3A_85, %mul3A_84 : i32
      %add3A_87 = arith.constant 0 : i32
      %add3A_88 = arith.addi %add3A_86, %add3A_87 : i32
      %add3A_89 = arith.constant 2 : i32
      %add3A_90 = arith.addi %add3A_88, %add3A_89 : i32
      %dma_start3A_91 = arith.constant 0 : i32
      %dma_start3A_92 = tpu.memref_slice %arg7[%add3A_90, %dma_start3A_91] : memref<161x64xi32, #tpu.memory_space<vmem>> -> memref<1x64xi32, #tpu.memory_space<vmem>>
      %dma_start3A_93 = tpu.memref_squeeze %dma_start3A_92 : memref<1x64xi32, #tpu.memory_space<vmem>> -> memref<64xi32, #tpu.memory_space<vmem>>
      %dma_start3A_94 = arith.constant 0 : i32
      %dma_start3A_95 = arith.constant 0 : i32
      %dma_start3A_96 = tpu.memref_slice %arg2[%dma_start3A_94, %dma_start3A_95] : memref<10240x128xf32, #tpu.memory_space<hbm>> -> memref<10240x128xf32, #tpu.memory_space<hbm>>
      tpu.enqueue_indirect_dma source(%dma_start3A_96 : memref<10240x128xf32, #tpu.memory_space<hbm>>) target(%arg11 : memref<64x128xf32, #tpu.memory_space<vmem>>) offsets(%dma_start3A_93 : memref<64xi32, #tpu.memory_space<vmem>>) semaphore(%arg15 : memref<!tpu.dma_semaphore, #tpu.memory_space<semaphore_mem>>)
      %dma_wait3A_97 = arith.constant 0 : i32
      %dma_wait3A_98 = tpu.memref_slice %arg7[%add3A_88, %dma_wait3A_97] : memref<161x64xi32, #tpu.memory_space<vmem>> -> memref<1x64xi32, #tpu.memory_space<vmem>>
      %dma_wait3A_99 = tpu.memref_squeeze %dma_wait3A_98 : memref<1x64xi32, #tpu.memory_space<vmem>> -> memref<64xi32, #tpu.memory_space<vmem>>
      %dma_wait3A_100 = arith.constant 0 : i32
      %dma_wait3A_101 = arith.constant 0 : i32
      %dma_wait3A_102 = tpu.memref_slice %arg2[%dma_wait3A_100, %dma_wait3A_101] : memref<10240x128xf32, #tpu.memory_space<hbm>> -> memref<10240x128xf32, #tpu.memory_space<hbm>>
      tpu.wait_indirect_dma semaphore(%arg13 : memref<!tpu.dma_semaphore, #tpu.memory_space<semaphore_mem>>) src(%dma_wait3A_102 : memref<10240x128xf32, #tpu.memory_space<hbm>>) dst(%arg9 : memref<64x128xf32, #tpu.memory_space<vmem>>)
      "tpu.region"() ({
        %run_scoped3A = tpu.sem_alloc : memref<!tpu.dma_semaphore, #tpu.memory_space<semaphore_mem>>
        %dma_start3A_135 = arith.constant 0 : i32
        %dma_start3A_136 = tpu.memref_slice %arg8[%add3A_88, %dma_start3A_135] : memref<159x64xi32, #tpu.memory_space<vmem>> -> memref<1x64xi32, #tpu.memory_space<vmem>>
        %dma_start3A_137 = tpu.memref_squeeze %dma_start3A_136 : memref<1x64xi32, #tpu.memory_space<vmem>> -> memref<64xi32, #tpu.memory_space<vmem>>
        %dma_start3A_138 = arith.constant 0 : i32
        %dma_start3A_139 = arith.constant 0 : i32
        %dma_start3A_140 = tpu.memref_slice %arg12[%dma_start3A_138, %dma_start3A_139] : memref<10240x128xf32, #tpu.memory_space<vmem_shared>> -> memref<10240x128xf32, #tpu.memory_space<vmem_shared>>
        tpu.enqueue_indirect_dma source(%arg9 : memref<64x128xf32, #tpu.memory_space<vmem>>) target(%dma_start3A_140 : memref<10240x128xf32, #tpu.memory_space<vmem_shared>>) offsets(%dma_start3A_137 : memref<64xi32, #tpu.memory_space<vmem>>) semaphore(%run_scoped3A : memref<!tpu.dma_semaphore, #tpu.memory_space<semaphore_mem>>) {add = true}
        %dma_wait3A_141 = arith.constant 0 : i32
        %dma_wait3A_142 = tpu.memref_slice %arg8[%add3A_88, %dma_wait3A_141] : memref<159x64xi32, #tpu.memory_space<vmem>> -> memref<1x64xi32, #tpu.memory_space<vmem>>
        %dma_wait3A_143 = tpu.memref_squeeze %dma_wait3A_142 : memref<1x64xi32, #tpu.memory_space<vmem>> -> memref<64xi32, #tpu.memory_space<vmem>>
        %dma_wait3A_144 = arith.constant 0 : i32
        %dma_wait3A_145 = arith.constant 0 : i32
        %dma_wait3A_146 = tpu.memref_slice %arg12[%dma_wait3A_144, %dma_wait3A_145] : memref<10240x128xf32, #tpu.memory_space<vmem_shared>> -> memref<10240x128xf32, #tpu.memory_space<vmem_shared>>
        tpu.wait_indirect_dma semaphore(%run_scoped3A : memref<!tpu.dma_semaphore, #tpu.memory_space<semaphore_mem>>) src(%arg9 : memref<64x128xf32, #tpu.memory_space<vmem>>) dst(%dma_wait3A_146 : memref<10240x128xf32, #tpu.memory_space<vmem_shared>>)
        tpu.yield
      }) : () -> ()
      %add3A_103 = arith.constant 1 : i32
      %add3A_104 = arith.addi %add3A_86, %add3A_103 : i32
      %add3A_105 = arith.constant 2 : i32
      %add3A_106 = arith.addi %add3A_104, %add3A_105 : i32
      %dma_start3A_107 = arith.constant 0 : i32
      %dma_start3A_108 = tpu.memref_slice %arg7[%add3A_106, %dma_start3A_107] : memref<161x64xi32, #tpu.memory_space<vmem>> -> memref<1x64xi32, #tpu.memory_space<vmem>>
      %dma_start3A_109 = tpu.memref_squeeze %dma_start3A_108 : memref<1x64xi32, #tpu.memory_space<vmem>> -> memref<64xi32, #tpu.memory_space<vmem>>
      %dma_start3A_110 = arith.constant 0 : i32
      %dma_start3A_111 = arith.constant 0 : i32
      %dma_start3A_112 = tpu.memref_slice %arg2[%dma_start3A_110, %dma_start3A_111] : memref<10240x128xf32, #tpu.memory_space<hbm>> -> memref<10240x128xf32, #tpu.memory_space<hbm>>
      tpu.enqueue_indirect_dma source(%dma_start3A_112 : memref<10240x128xf32, #tpu.memory_space<hbm>>) target(%arg9 : memref<64x128xf32, #tpu.memory_space<vmem>>) offsets(%dma_start3A_109 : memref<64xi32, #tpu.memory_space<vmem>>) semaphore(%arg13 : memref<!tpu.dma_semaphore, #tpu.memory_space<semaphore_mem>>)
      %dma_wait3A_113 = arith.constant 0 : i32
      %dma_wait3A_114 = tpu.memref_slice %arg7[%add3A_104, %dma_wait3A_113] : memref<161x64xi32, #tpu.memory_space<vmem>> -> memref<1x64xi32, #tpu.memory_space<vmem>>
      %dma_wait3A_115 = tpu.memref_squeeze %dma_wait3A_114 : memref<1x64xi32, #tpu.memory_space<vmem>> -> memref<64xi32, #tpu.memory_space<vmem>>
      %dma_wait3A_116 = arith.constant 0 : i32
      %dma_wait3A_117 = arith.constant 0 : i32
      %dma_wait3A_118 = tpu.memref_slice %arg2[%dma_wait3A_116, %dma_wait3A_117] : memref<10240x128xf32, #tpu.memory_space<hbm>> -> memref<10240x128xf32, #tpu.memory_space<hbm>>
      tpu.wait_indirect_dma semaphore(%arg14 : memref<!tpu.dma_semaphore, #tpu.memory_space<semaphore_mem>>) src(%dma_wait3A_118 : memref<10240x128xf32, #tpu.memory_space<hbm>>) dst(%arg10 : memref<64x128xf32, #tpu.memory_space<vmem>>)
      "tpu.region"() ({
        %run_scoped3A = tpu.sem_alloc : memref<!tpu.dma_semaphore, #tpu.memory_space<semaphore_mem>>
        %dma_start3A_135 = arith.constant 0 : i32
        %dma_start3A_136 = tpu.memref_slice %arg8[%add3A_104, %dma_start3A_135] : memref<159x64xi32, #tpu.memory_space<vmem>> -> memref<1x64xi32, #tpu.memory_space<vmem>>
        %dma_start3A_137 = tpu.memref_squeeze %dma_start3A_136 : memref<1x64xi32, #tpu.memory_space<vmem>> -> memref<64xi32, #tpu.memory_space<vmem>>
        %dma_start3A_138 = arith.constant 0 : i32
        %dma_start3A_139 = arith.constant 0 : i32
        %dma_start3A_140 = tpu.memref_slice %arg12[%dma_start3A_138, %dma_start3A_139] : memref<10240x128xf32, #tpu.memory_space<vmem_shared>> -> memref<10240x128xf32, #tpu.memory_space<vmem_shared>>
        tpu.enqueue_indirect_dma source(%arg10 : memref<64x128xf32, #tpu.memory_space<vmem>>) target(%dma_start3A_140 : memref<10240x128xf32, #tpu.memory_space<vmem_shared>>) offsets(%dma_start3A_137 : memref<64xi32, #tpu.memory_space<vmem>>) semaphore(%run_scoped3A : memref<!tpu.dma_semaphore, #tpu.memory_space<semaphore_mem>>) {add = true}
        %dma_wait3A_141 = arith.constant 0 : i32
        %dma_wait3A_142 = tpu.memref_slice %arg8[%add3A_104, %dma_wait3A_141] : memref<159x64xi32, #tpu.memory_space<vmem>> -> memref<1x64xi32, #tpu.memory_space<vmem>>
        %dma_wait3A_143 = tpu.memref_squeeze %dma_wait3A_142 : memref<1x64xi32, #tpu.memory_space<vmem>> -> memref<64xi32, #tpu.memory_space<vmem>>
        %dma_wait3A_144 = arith.constant 0 : i32
        %dma_wait3A_145 = arith.constant 0 : i32
        %dma_wait3A_146 = tpu.memref_slice %arg12[%dma_wait3A_144, %dma_wait3A_145] : memref<10240x128xf32, #tpu.memory_space<vmem_shared>> -> memref<10240x128xf32, #tpu.memory_space<vmem_shared>>
        tpu.wait_indirect_dma semaphore(%run_scoped3A : memref<!tpu.dma_semaphore, #tpu.memory_space<semaphore_mem>>) src(%arg10 : memref<64x128xf32, #tpu.memory_space<vmem>>) dst(%dma_wait3A_146 : memref<10240x128xf32, #tpu.memory_space<vmem_shared>>)
        tpu.yield
      }) : () -> ()
      %add3A_119 = arith.constant 2 : i32
      %add3A_120 = arith.addi %add3A_86, %add3A_119 : i32
      %add3A_121 = arith.constant 2 : i32
      %add3A_122 = arith.addi %add3A_120, %add3A_121 : i32
      %dma_start3A_123 = arith.constant 0 : i32
      %dma_start3A_124 = tpu.memref_slice %arg7[%add3A_122, %dma_start3A_123] : memref<161x64xi32, #tpu.memory_space<vmem>> -> memref<1x64xi32, #tpu.memory_space<vmem>>
      %dma_start3A_125 = tpu.memref_squeeze %dma_start3A_124 : memref<1x64xi32, #tpu.memory_space<vmem>> -> memref<64xi32, #tpu.memory_space<vmem>>
      %dma_start3A_126 = arith.constant 0 : i32
      %dma_start3A_127 = arith.constant 0 : i32
      %dma_start3A_128 = tpu.memref_slice %arg2[%dma_start3A_126, %dma_start3A_127] : memref<10240x128xf32, #tpu.memory_space<hbm>> -> memref<10240x128xf32, #tpu.memory_space<hbm>>
      tpu.enqueue_indirect_dma source(%dma_start3A_128 : memref<10240x128xf32, #tpu.memory_space<hbm>>) target(%arg10 : memref<64x128xf32, #tpu.memory_space<vmem>>) offsets(%dma_start3A_125 : memref<64xi32, #tpu.memory_space<vmem>>) semaphore(%arg14 : memref<!tpu.dma_semaphore, #tpu.memory_space<semaphore_mem>>)
      %dma_wait3A_129 = arith.constant 0 : i32
      %dma_wait3A_130 = tpu.memref_slice %arg7[%add3A_120, %dma_wait3A_129] : memref<161x64xi32, #tpu.memory_space<vmem>> -> memref<1x64xi32, #tpu.memory_space<vmem>>
      %dma_wait3A_131 = tpu.memref_squeeze %dma_wait3A_130 : memref<1x64xi32, #tpu.memory_space<vmem>> -> memref<64xi32, #tpu.memory_space<vmem>>
      %dma_wait3A_132 = arith.constant 0 : i32
      %dma_wait3A_133 = arith.constant 0 : i32
      %dma_wait3A_134 = tpu.memref_slice %arg2[%dma_wait3A_132, %dma_wait3A_133] : memref<10240x128xf32, #tpu.memory_space<hbm>> -> memref<10240x128xf32, #tpu.memory_space<hbm>>
      tpu.wait_indirect_dma semaphore(%arg15 : memref<!tpu.dma_semaphore, #tpu.memory_space<semaphore_mem>>) src(%dma_wait3A_134 : memref<10240x128xf32, #tpu.memory_space<hbm>>) dst(%arg11 : memref<64x128xf32, #tpu.memory_space<vmem>>)
      "tpu.region"() ({
        %run_scoped3A = tpu.sem_alloc : memref<!tpu.dma_semaphore, #tpu.memory_space<semaphore_mem>>
        %dma_start3A_135 = arith.constant 0 : i32
        %dma_start3A_136 = tpu.memref_slice %arg8[%add3A_120, %dma_start3A_135] : memref<159x64xi32, #tpu.memory_space<vmem>> -> memref<1x64xi32, #tpu.memory_space<vmem>>
        %dma_start3A_137 = tpu.memref_squeeze %dma_start3A_136 : memref<1x64xi32, #tpu.memory_space<vmem>> -> memref<64xi32, #tpu.memory_space<vmem>>
        %dma_start3A_138 = arith.constant 0 : i32
        %dma_start3A_139 = arith.constant 0 : i32
        %dma_start3A_140 = tpu.memref_slice %arg12[%dma_start3A_138, %dma_start3A_139] : memref<10240x128xf32, #tpu.memory_space<vmem_shared>> -> memref<10240x128xf32, #tpu.memory_space<vmem_shared>>
        tpu.enqueue_indirect_dma source(%arg11 : memref<64x128xf32, #tpu.memory_space<vmem>>) target(%dma_start3A_140 : memref<10240x128xf32, #tpu.memory_space<vmem_shared>>) offsets(%dma_start3A_137 : memref<64xi32, #tpu.memory_space<vmem>>) semaphore(%run_scoped3A : memref<!tpu.dma_semaphore, #tpu.memory_space<semaphore_mem>>) {add = true}
        %dma_wait3A_141 = arith.constant 0 : i32
        %dma_wait3A_142 = tpu.memref_slice %arg8[%add3A_120, %dma_wait3A_141] : memref<159x64xi32, #tpu.memory_space<vmem>> -> memref<1x64xi32, #tpu.memory_space<vmem>>
        %dma_wait3A_143 = tpu.memref_squeeze %dma_wait3A_142 : memref<1x64xi32, #tpu.memory_space<vmem>> -> memref<64xi32, #tpu.memory_space<vmem>>
        %dma_wait3A_144 = arith.constant 0 : i32
        %dma_wait3A_145 = arith.constant 0 : i32
        %dma_wait3A_146 = tpu.memref_slice %arg12[%dma_wait3A_144, %dma_wait3A_145] : memref<10240x128xf32, #tpu.memory_space<vmem_shared>> -> memref<10240x128xf32, #tpu.memory_space<vmem_shared>>
        tpu.wait_indirect_dma semaphore(%run_scoped3A : memref<!tpu.dma_semaphore, #tpu.memory_space<semaphore_mem>>) src(%arg11 : memref<64x128xf32, #tpu.memory_space<vmem>>) dst(%dma_wait3A_146 : memref<10240x128xf32, #tpu.memory_space<vmem_shared>>)
        tpu.yield
      }) : () -> ()
    }
    %scan3A_63 = arith.constant 53 : i32
    %dma_wait3A = arith.constant 0 : i32
    %dma_wait3A_64 = arith.constant 0 : i32
    %dma_wait3A_65 = tpu.memref_slice %arg7[%dma_wait3A, %dma_wait3A_64] : memref<161x64xi32, #tpu.memory_space<vmem>> -> memref<1x64xi32, #tpu.memory_space<vmem>>
    %dma_wait3A_66 = tpu.memref_squeeze %dma_wait3A_65 : memref<1x64xi32, #tpu.memory_space<vmem>> -> memref<64xi32, #tpu.memory_space<vmem>>
    %dma_wait3A_67 = arith.constant 0 : i32
    %dma_wait3A_68 = arith.constant 0 : i32
    %dma_wait3A_69 = tpu.memref_slice %arg2[%dma_wait3A_67, %dma_wait3A_68] : memref<10240x128xf32, #tpu.memory_space<hbm>> -> memref<10240x128xf32, #tpu.memory_space<hbm>>
    tpu.wait_indirect_dma semaphore(%arg13 : memref<!tpu.dma_semaphore, #tpu.memory_space<semaphore_mem>>) src(%dma_wait3A_69 : memref<10240x128xf32, #tpu.memory_space<hbm>>) dst(%arg9 : memref<64x128xf32, #tpu.memory_space<vmem>>)
    %dma_wait3A_70 = arith.constant 1 : i32
    %dma_wait3A_71 = arith.constant 0 : i32
    %dma_wait3A_72 = tpu.memref_slice %arg7[%dma_wait3A_70, %dma_wait3A_71] : memref<161x64xi32, #tpu.memory_space<vmem>> -> memref<1x64xi32, #tpu.memory_space<vmem>>
    %dma_wait3A_73 = tpu.memref_squeeze %dma_wait3A_72 : memref<1x64xi32, #tpu.memory_space<vmem>> -> memref<64xi32, #tpu.memory_space<vmem>>
    %dma_wait3A_74 = arith.constant 0 : i32
    %dma_wait3A_75 = arith.constant 0 : i32
    %dma_wait3A_76 = tpu.memref_slice %arg2[%dma_wait3A_74, %dma_wait3A_75] : memref<10240x128xf32, #tpu.memory_space<hbm>> -> memref<10240x128xf32, #tpu.memory_space<hbm>>
    tpu.wait_indirect_dma semaphore(%arg14 : memref<!tpu.dma_semaphore, #tpu.memory_space<semaphore_mem>>) src(%dma_wait3A_76 : memref<10240x128xf32, #tpu.memory_space<hbm>>) dst(%arg10 : memref<64x128xf32, #tpu.memory_space<vmem>>)
    %barrier3A_77 = arith.constant 0 : index
    tpu.barrier barrier_id(%barrier3A_77)
    %mul3A_78 = arith.constant 640 : i32
    %mul3A_79 = arith.muli %arg1, %mul3A_78 : i32
    %mul3A_80 = arith.constant 640 : i32
    %mul3A_81 = arith.muli %arg1, %mul3A_80 : i32
    "tpu.region"() ({
      %run_scoped3A = tpu.sem_alloc : memref<!tpu.dma_semaphore, #tpu.memory_space<semaphore_mem>>
      %dma_start3A_82 = arith.constant 0 : i32
      %dma_start3A_83 = tpu.memref_slice %arg6[%arg0, %mul3A_81, %dma_start3A_82] : memref<2x10240x128xf32, #tpu.memory_space<hbm>> -> memref<1x640x128xf32, #tpu.memory_space<hbm>>
      %dma_start3A_84 = tpu.memref_squeeze %dma_start3A_83 : memref<1x640x128xf32, #tpu.memory_space<hbm>> -> memref<640x128xf32, #tpu.memory_space<hbm>>
      %dma_start3A_85 = arith.constant 0 : i32
      %dma_start3A_86 = tpu.memref_slice %arg12[%mul3A_79, %dma_start3A_85] : memref<10240x128xf32, #tpu.memory_space<vmem_shared>> -> memref<640x128xf32, #tpu.memory_space<vmem_shared>>
      tpu.enqueue_dma source(%dma_start3A_86 : memref<640x128xf32, #tpu.memory_space<vmem_shared>>) target(%dma_start3A_84 : memref<640x128xf32, #tpu.memory_space<hbm>>) target_semaphore(%run_scoped3A : memref<!tpu.dma_semaphore, #tpu.memory_space<semaphore_mem>>)
      %dma_wait3A_87 = arith.constant 0 : i32
      %dma_wait3A_88 = tpu.memref_slice %arg6[%arg0, %mul3A_81, %dma_wait3A_87] : memref<2x10240x128xf32, #tpu.memory_space<hbm>> -> memref<1x640x128xf32, #tpu.memory_space<hbm>>
      %dma_wait3A_89 = tpu.memref_squeeze %dma_wait3A_88 : memref<1x640x128xf32, #tpu.memory_space<hbm>> -> memref<640x128xf32, #tpu.memory_space<hbm>>
      %dma_wait3A_90 = arith.constant 0 : i32
      %dma_wait3A_91 = tpu.memref_slice %arg12[%mul3A_79, %dma_wait3A_90] : memref<10240x128xf32, #tpu.memory_space<vmem_shared>> -> memref<640x128xf32, #tpu.memory_space<vmem_shared>>
      tpu.wait_dma2 semaphore(%run_scoped3A : memref<!tpu.dma_semaphore, #tpu.memory_space<semaphore_mem>>) src(%dma_wait3A_91 : memref<640x128xf32, #tpu.memory_space<vmem_shared>>) dst(%dma_wait3A_89 : memref<640x128xf32, #tpu.memory_space<hbm>>)
      tpu.yield
    }) : () -> ()
    return
  }
}

#map = affine_map<(d0, d1) -> (0, 0)>
#map1 = affine_map<(d0, d1) -> (0, 0, 0)>
module attributes {stable_mosaic.version = 14 : i64} {
  func.func @kern(%arg0: i32, %arg1: i32, %arg2: memref<12288x128xf32, #tpu.memory_space<hbm>>, %arg3: memref<32x161x64xi32, #tpu.memory_space<hbm>>, %arg4: memref<32x159x64xi32, #tpu.memory_space<hbm>>, %arg5: memref<10240x1xi32, #tpu.memory_space<hbm>>, %arg6: memref<2x10240x128xf32, #tpu.memory_space<hbm>>, %arg7: memref<161x64xi32, #tpu.memory_space<vmem>>, %arg8: memref<159x64xi32, #tpu.memory_space<vmem>>, %arg9: memref<64x128xf32, #tpu.memory_space<vmem>>, %arg10: memref<64x128xf32, #tpu.memory_space<vmem>>, %arg11: memref<64x128xf32, #tpu.memory_space<vmem>>, %arg12: memref<10240x128xf32, #tpu.memory_space<vmem_shared>>, %arg13: memref<!tpu.dma_semaphore, #tpu.memory_space<semaphore_mem>>, %arg14: memref<!tpu.dma_semaphore, #tpu.memory_space<semaphore_mem>>, %arg15: memref<!tpu.dma_semaphore, #tpu.memory_space<semaphore_mem>>) attributes {dimension_semantics = [#tpu.dimension_semantics<core_parallel>, #tpu.dimension_semantics<subcore_parallel>], iteration_bounds = array<i64: 2, 16>, scalar_prefetch = 0 : i64, scratch_operands = 9 : i64, tpu.core_type = #tpu.core_type<sc_vector_subcore>, window_params = [{transform_indices = #map}, {transform_indices = #map1}, {transform_indices = #map1}, {transform_indices = #map}, {transform_indices = #map1}]} {
    %mul3A = arith.constant 16 : i32
    %mul3A_0 = arith.muli %arg0, %mul3A : i32
    %add3A = arith.addi %mul3A_0, %arg1 : i32
    %broadcast_in_dim3A = arith.constant 0.000000e+00 : f32
    %broadcast_in_dim3A_1 = vector.broadcast %broadcast_in_dim3A : f32 to vector<16xf32>
    %scan3A = arith.constant 0 : i32
    %scan3A_2 = arith.constant 64 : i32
    %scan3A_3 = arith.addi %scan3A, %scan3A_2 : i32
    %scan3A_4 = arith.constant 1 : i32
    scf.for %scan3A_82 = %scan3A to %scan3A_3 step %scan3A_4  : i32 {
      %mul3A_83 = arith.constant 1 : i32
      %mul3A_84 = arith.muli %scan3A_82, %mul3A_83 : i32
      %add3A_85 = arith.constant 0 : i32
      %add3A_86 = arith.addi %add3A_85, %mul3A_84 : i32
      %swap3A = arith.index_cast %add3A_86 : i32 to index
      %swap3A_87 = arith.constant 0 : index
      %swap3A_88 = tpu.vector_load %arg9[%swap3A, %swap3A_87] {strides = array<i32>} : memref<64x128xf32, #tpu.memory_space<vmem>>, vector<1x16xf32>,
      %swap3A_89 = vector.shape_cast %swap3A_88 : vector<1x16xf32> to vector<16xf32>
      %swap3A_90 = vector.shape_cast %broadcast_in_dim3A_1 : vector<16xf32> to vector<1x16xf32>
      tpu.vector_store %arg9[%swap3A, %swap3A_87], %swap3A_90 {strides = array<i32>} : memref<64x128xf32, #tpu.memory_space<vmem>>, vector<1x16xf32>,
      %swap3A_91 = arith.index_cast %add3A_86 : i32 to index
      %swap3A_92 = arith.constant 16 : index
      %swap3A_93 = tpu.vector_load %arg9[%swap3A_91, %swap3A_92] {strides = array<i32>} : memref<64x128xf32, #tpu.memory_space<vmem>>, vector<1x16xf32>,
      %swap3A_94 = vector.shape_cast %swap3A_93 : vector<1x16xf32> to vector<16xf32>
      %swap3A_95 = vector.shape_cast %broadcast_in_dim3A_1 : vector<16xf32> to vector<1x16xf32>
      tpu.vector_store %arg9[%swap3A_91, %swap3A_92], %swap3A_95 {strides = array<i32>} : memref<64x128xf32, #tpu.memory_space<vmem>>, vector<1x16xf32>,
      %swap3A_96 = arith.index_cast %add3A_86 : i32 to index
      %swap3A_97 = arith.constant 32 : index
      %swap3A_98 = tpu.vector_load %arg9[%swap3A_96, %swap3A_97] {strides = array<i32>} : memref<64x128xf32, #tpu.memory_space<vmem>>, vector<1x16xf32>,
      %swap3A_99 = vector.shape_cast %swap3A_98 : vector<1x16xf32> to vector<16xf32>
      %swap3A_100 = vector.shape_cast %broadcast_in_dim3A_1 : vector<16xf32> to vector<1x16xf32>
      tpu.vector_store %arg9[%swap3A_96, %swap3A_97], %swap3A_100 {strides = array<i32>} : memref<64x128xf32, #tpu.memory_space<vmem>>, vector<1x16xf32>,
      %swap3A_101 = arith.index_cast %add3A_86 : i32 to index
      %swap3A_102 = arith.constant 48 : index
      %swap3A_103 = tpu.vector_load %arg9[%swap3A_101, %swap3A_102] {strides = array<i32>} : memref<64x128xf32, #tpu.memory_space<vmem>>, vector<1x16xf32>,
      %swap3A_104 = vector.shape_cast %swap3A_103 : vector<1x16xf32> to vector<16xf32>
      %swap3A_105 = vector.shape_cast %broadcast_in_dim3A_1 : vector<16xf32> to vector<1x16xf32>
      tpu.vector_store %arg9[%swap3A_101, %swap3A_102], %swap3A_105 {strides = array<i32>} : memref<64x128xf32, #tpu.memory_space<vmem>>, vector<1x16xf32>,
      %swap3A_106 = arith.index_cast %add3A_86 : i32 to index
      %swap3A_107 = arith.constant 64 : index
      %swap3A_108 = tpu.vector_load %arg9[%swap3A_106, %swap3A_107] {strides = array<i32>} : memref<64x128xf32, #tpu.memory_space<vmem>>, vector<1x16xf32>,
      %swap3A_109 = vector.shape_cast %swap3A_108 : vector<1x16xf32> to vector<16xf32>
      %swap3A_110 = vector.shape_cast %broadcast_in_dim3A_1 : vector<16xf32> to vector<1x16xf32>
      tpu.vector_store %arg9[%swap3A_106, %swap3A_107], %swap3A_110 {strides = array<i32>} : memref<64x128xf32, #tpu.memory_space<vmem>>, vector<1x16xf32>,
      %swap3A_111 = arith.index_cast %add3A_86 : i32 to index
      %swap3A_112 = arith.constant 80 : index
      %swap3A_113 = tpu.vector_load %arg9[%swap3A_111, %swap3A_112] {strides = array<i32>} : memref<64x128xf32, #tpu.memory_space<vmem>>, vector<1x16xf32>,
      %swap3A_114 = vector.shape_cast %swap3A_113 : vector<1x16xf32> to vector<16xf32>
      %swap3A_115 = vector.shape_cast %broadcast_in_dim3A_1 : vector<16xf32> to vector<1x16xf32>
      tpu.vector_store %arg9[%swap3A_111, %swap3A_112], %swap3A_115 {strides = array<i32>} : memref<64x128xf32, #tpu.memory_space<vmem>>, vector<1x16xf32>,
      %swap3A_116 = arith.index_cast %add3A_86 : i32 to index
      %swap3A_117 = arith.constant 96 : index
      %swap3A_118 = tpu.vector_load %arg9[%swap3A_116, %swap3A_117] {strides = array<i32>} : memref<64x128xf32, #tpu.memory_space<vmem>>, vector<1x16xf32>,
      %swap3A_119 = vector.shape_cast %swap3A_118 : vector<1x16xf32> to vector<16xf32>
      %swap3A_120 = vector.shape_cast %broadcast_in_dim3A_1 : vector<16xf32> to vector<1x16xf32>
      tpu.vector_store %arg9[%swap3A_116, %swap3A_117], %swap3A_120 {strides = array<i32>} : memref<64x128xf32, #tpu.memory_space<vmem>>, vector<1x16xf32>,
      %swap3A_121 = arith.index_cast %add3A_86 : i32 to index
      %swap3A_122 = arith.constant 112 : index
      %swap3A_123 = tpu.vector_load %arg9[%swap3A_121, %swap3A_122] {strides = array<i32>} : memref<64x128xf32, #tpu.memory_space<vmem>>, vector<1x16xf32>,
      %swap3A_124 = vector.shape_cast %swap3A_123 : vector<1x16xf32> to vector<16xf32>
      %swap3A_125 = vector.shape_cast %broadcast_in_dim3A_1 : vector<16xf32> to vector<1x16xf32>
      tpu.vector_store %arg9[%swap3A_121, %swap3A_122], %swap3A_125 {strides = array<i32>} : memref<64x128xf32, #tpu.memory_space<vmem>>, vector<1x16xf32>,
    }
    %scan3A_5 = arith.constant 64 : i32
    %mul3A_6 = arith.constant 640 : i32
    %mul3A_7 = arith.muli %arg1, %mul3A_6 : i32
    %add3A_8 = arith.constant 0 : i32
    %add3A_9 = arith.addi %mul3A_7, %add3A_8 : i32
    "tpu.region"() ({
      %run_scoped3A = tpu.sem_alloc : memref<!tpu.dma_semaphore, #tpu.memory_space<semaphore_mem>>
      %dma_start3A_82 = arith.constant 0 : i32
      %dma_start3A_83 = tpu.memref_slice %arg12[%add3A_9, %dma_start3A_82] : memref<10240x128xf32, #tpu.memory_space<vmem_shared>> -> memref<64x128xf32, #tpu.memory_space<vmem_shared>>
      %dma_start3A_84 = arith.constant 0 : i32
      %dma_start3A_85 = tpu.memref_slice %arg12[%add3A_9, %dma_start3A_84] : memref<10240x128xf32, #tpu.memory_space<vmem_shared>> -> memref<64x128xf32, #tpu.memory_space<vmem_shared>>
      tpu.enqueue_dma source(%arg9 : memref<64x128xf32, #tpu.memory_space<vmem>>) target(%dma_start3A_85 : memref<64x128xf32, #tpu.memory_space<vmem_shared>>) target_semaphore(%run_scoped3A : memref<!tpu.dma_semaphore, #tpu.memory_space<semaphore_mem>>)
      %dma_wait3A_86 = arith.constant 0 : i32
      %dma_wait3A_87 = tpu.memref_slice %arg12[%add3A_9, %dma_wait3A_86] : memref<10240x128xf32, #tpu.memory_space<vmem_shared>> -> memref<64x128xf32, #tpu.memory_space<vmem_shared>>
      %dma_wait3A_88 = arith.constant 0 : i32
      %dma_wait3A_89 = tpu.memref_slice %arg12[%add3A_9, %dma_wait3A_88] : memref<10240x128xf32, #tpu.memory_space<vmem_shared>> -> memref<64x128xf32, #tpu.memory_space<vmem_shared>>
      tpu.wait_dma2 semaphore(%run_scoped3A : memref<!tpu.dma_semaphore, #tpu.memory_space<semaphore_mem>>) src(%arg9 : memref<64x128xf32, #tpu.memory_space<vmem>>) dst(%dma_wait3A_89 : memref<64x128xf32, #tpu.memory_space<vmem_shared>>)
      tpu.yield
    }) : () -> ()
    %mul3A_10 = arith.constant 640 : i32
    %mul3A_11 = arith.muli %arg1, %mul3A_10 : i32
    %add3A_12 = arith.constant 64 : i32
    %add3A_13 = arith.addi %mul3A_11, %add3A_12 : i32
    "tpu.region"() ({
      %run_scoped3A = tpu.sem_alloc : memref<!tpu.dma_semaphore, #tpu.memory_space<semaphore_mem>>
      %dma_start3A_82 = arith.constant 0 : i32
      %dma_start3A_83 = tpu.memref_slice %arg12[%add3A_13, %dma_start3A_82] : memref<10240x128xf32, #tpu.memory_space<vmem_shared>> -> memref<64x128xf32, #tpu.memory_space<vmem_shared>>
      %dma_start3A_84 = arith.constant 0 : i32
      %dma_start3A_85 = tpu.memref_slice %arg12[%add3A_13, %dma_start3A_84] : memref<10240x128xf32, #tpu.memory_space<vmem_shared>> -> memref<64x128xf32, #tpu.memory_space<vmem_shared>>
      tpu.enqueue_dma source(%arg9 : memref<64x128xf32, #tpu.memory_space<vmem>>) target(%dma_start3A_85 : memref<64x128xf32, #tpu.memory_space<vmem_shared>>) target_semaphore(%run_scoped3A : memref<!tpu.dma_semaphore, #tpu.memory_space<semaphore_mem>>)
      %dma_wait3A_86 = arith.constant 0 : i32
      %dma_wait3A_87 = tpu.memref_slice %arg12[%add3A_13, %dma_wait3A_86] : memref<10240x128xf32, #tpu.memory_space<vmem_shared>> -> memref<64x128xf32, #tpu.memory_space<vmem_shared>>
      %dma_wait3A_88 = arith.constant 0 : i32
      %dma_wait3A_89 = tpu.memref_slice %arg12[%add3A_13, %dma_wait3A_88] : memref<10240x128xf32, #tpu.memory_space<vmem_shared>> -> memref<64x128xf32, #tpu.memory_space<vmem_shared>>
      tpu.wait_dma2 semaphore(%run_scoped3A : memref<!tpu.dma_semaphore, #tpu.memory_space<semaphore_mem>>) src(%arg9 : memref<64x128xf32, #tpu.memory_space<vmem>>) dst(%dma_wait3A_89 : memref<64x128xf32, #tpu.memory_space<vmem_shared>>)
      tpu.yield
    }) : () -> ()
    %mul3A_14 = arith.constant 640 : i32
    %mul3A_15 = arith.muli %arg1, %mul3A_14 : i32
    %add3A_16 = arith.constant 128 : i32
    %add3A_17 = arith.addi %mul3A_15, %add3A_16 : i32
    "tpu.region"() ({
      %run_scoped3A = tpu.sem_alloc : memref<!tpu.dma_semaphore, #tpu.memory_space<semaphore_mem>>
      %dma_start3A_82 = arith.constant 0 : i32
      %dma_start3A_83 = tpu.memref_slice %arg12[%add3A_17, %dma_start3A_82] : memref<10240x128xf32, #tpu.memory_space<vmem_shared>> -> memref<64x128xf32, #tpu.memory_space<vmem_shared>>
      %dma_start3A_84 = arith.constant 0 : i32
      %dma_start3A_85 = tpu.memref_slice %arg12[%add3A_17, %dma_start3A_84] : memref<10240x128xf32, #tpu.memory_space<vmem_shared>> -> memref<64x128xf32, #tpu.memory_space<vmem_shared>>
      tpu.enqueue_dma source(%arg9 : memref<64x128xf32, #tpu.memory_space<vmem>>) target(%dma_start3A_85 : memref<64x128xf32, #tpu.memory_space<vmem_shared>>) target_semaphore(%run_scoped3A : memref<!tpu.dma_semaphore, #tpu.memory_space<semaphore_mem>>)
      %dma_wait3A_86 = arith.constant 0 : i32
      %dma_wait3A_87 = tpu.memref_slice %arg12[%add3A_17, %dma_wait3A_86] : memref<10240x128xf32, #tpu.memory_space<vmem_shared>> -> memref<64x128xf32, #tpu.memory_space<vmem_shared>>
      %dma_wait3A_88 = arith.constant 0 : i32
      %dma_wait3A_89 = tpu.memref_slice %arg12[%add3A_17, %dma_wait3A_88] : memref<10240x128xf32, #tpu.memory_space<vmem_shared>> -> memref<64x128xf32, #tpu.memory_space<vmem_shared>>
      tpu.wait_dma2 semaphore(%run_scoped3A : memref<!tpu.dma_semaphore, #tpu.memory_space<semaphore_mem>>) src(%arg9 : memref<64x128xf32, #tpu.memory_space<vmem>>) dst(%dma_wait3A_89 : memref<64x128xf32, #tpu.memory_space<vmem_shared>>)
      tpu.yield
    }) : () -> ()
    %mul3A_18 = arith.constant 640 : i32
    %mul3A_19 = arith.muli %arg1, %mul3A_18 : i32
    %add3A_20 = arith.constant 192 : i32
    %add3A_21 = arith.addi %mul3A_19, %add3A_20 : i32
    "tpu.region"() ({
      %run_scoped3A = tpu.sem_alloc : memref<!tpu.dma_semaphore, #tpu.memory_space<semaphore_mem>>
      %dma_start3A_82 = arith.constant 0 : i32
      %dma_start3A_83 = tpu.memref_slice %arg12[%add3A_21, %dma_start3A_82] : memref<10240x128xf32, #tpu.memory_space<vmem_shared>> -> memref<64x128xf32, #tpu.memory_space<vmem_shared>>
      %dma_start3A_84 = arith.constant 0 : i32
      %dma_start3A_85 = tpu.memref_slice %arg12[%add3A_21, %dma_start3A_84] : memref<10240x128xf32, #tpu.memory_space<vmem_shared>> -> memref<64x128xf32, #tpu.memory_space<vmem_shared>>
      tpu.enqueue_dma source(%arg9 : memref<64x128xf32, #tpu.memory_space<vmem>>) target(%dma_start3A_85 : memref<64x128xf32, #tpu.memory_space<vmem_shared>>) target_semaphore(%run_scoped3A : memref<!tpu.dma_semaphore, #tpu.memory_space<semaphore_mem>>)
      %dma_wait3A_86 = arith.constant 0 : i32
      %dma_wait3A_87 = tpu.memref_slice %arg12[%add3A_21, %dma_wait3A_86] : memref<10240x128xf32, #tpu.memory_space<vmem_shared>> -> memref<64x128xf32, #tpu.memory_space<vmem_shared>>
      %dma_wait3A_88 = arith.constant 0 : i32
      %dma_wait3A_89 = tpu.memref_slice %arg12[%add3A_21, %dma_wait3A_88] : memref<10240x128xf32, #tpu.memory_space<vmem_shared>> -> memref<64x128xf32, #tpu.memory_space<vmem_shared>>
      tpu.wait_dma2 semaphore(%run_scoped3A : memref<!tpu.dma_semaphore, #tpu.memory_space<semaphore_mem>>) src(%arg9 : memref<64x128xf32, #tpu.memory_space<vmem>>) dst(%dma_wait3A_89 : memref<64x128xf32, #tpu.memory_space<vmem_shared>>)
      tpu.yield
    }) : () -> ()
    %mul3A_22 = arith.constant 640 : i32
    %mul3A_23 = arith.muli %arg1, %mul3A_22 : i32
    %add3A_24 = arith.constant 256 : i32
    %add3A_25 = arith.addi %mul3A_23, %add3A_24 : i32
    "tpu.region"() ({
      %run_scoped3A = tpu.sem_alloc : memref<!tpu.dma_semaphore, #tpu.memory_space<semaphore_mem>>
      %dma_start3A_82 = arith.constant 0 : i32
      %dma_start3A_83 = tpu.memref_slice %arg12[%add3A_25, %dma_start3A_82] : memref<10240x128xf32, #tpu.memory_space<vmem_shared>> -> memref<64x128xf32, #tpu.memory_space<vmem_shared>>
      %dma_start3A_84 = arith.constant 0 : i32
      %dma_start3A_85 = tpu.memref_slice %arg12[%add3A_25, %dma_start3A_84] : memref<10240x128xf32, #tpu.memory_space<vmem_shared>> -> memref<64x128xf32, #tpu.memory_space<vmem_shared>>
      tpu.enqueue_dma source(%arg9 : memref<64x128xf32, #tpu.memory_space<vmem>>) target(%dma_start3A_85 : memref<64x128xf32, #tpu.memory_space<vmem_shared>>) target_semaphore(%run_scoped3A : memref<!tpu.dma_semaphore, #tpu.memory_space<semaphore_mem>>)
      %dma_wait3A_86 = arith.constant 0 : i32
      %dma_wait3A_87 = tpu.memref_slice %arg12[%add3A_25, %dma_wait3A_86] : memref<10240x128xf32, #tpu.memory_space<vmem_shared>> -> memref<64x128xf32, #tpu.memory_space<vmem_shared>>
      %dma_wait3A_88 = arith.constant 0 : i32
      %dma_wait3A_89 = tpu.memref_slice %arg12[%add3A_25, %dma_wait3A_88] : memref<10240x128xf32, #tpu.memory_space<vmem_shared>> -> memref<64x128xf32, #tpu.memory_space<vmem_shared>>
      tpu.wait_dma2 semaphore(%run_scoped3A : memref<!tpu.dma_semaphore, #tpu.memory_space<semaphore_mem>>) src(%arg9 : memref<64x128xf32, #tpu.memory_space<vmem>>) dst(%dma_wait3A_89 : memref<64x128xf32, #tpu.memory_space<vmem_shared>>)
      tpu.yield
    }) : () -> ()
    %mul3A_26 = arith.constant 640 : i32
    %mul3A_27 = arith.muli %arg1, %mul3A_26 : i32
    %add3A_28 = arith.constant 320 : i32
    %add3A_29 = arith.addi %mul3A_27, %add3A_28 : i32
    "tpu.region"() ({
      %run_scoped3A = tpu.sem_alloc : memref<!tpu.dma_semaphore, #tpu.memory_space<semaphore_mem>>
      %dma_start3A_82 = arith.constant 0 : i32
      %dma_start3A_83 = tpu.memref_slice %arg12[%add3A_29, %dma_start3A_82] : memref<10240x128xf32, #tpu.memory_space<vmem_shared>> -> memref<64x128xf32, #tpu.memory_space<vmem_shared>>
      %dma_start3A_84 = arith.constant 0 : i32
      %dma_start3A_85 = tpu.memref_slice %arg12[%add3A_29, %dma_start3A_84] : memref<10240x128xf32, #tpu.memory_space<vmem_shared>> -> memref<64x128xf32, #tpu.memory_space<vmem_shared>>
      tpu.enqueue_dma source(%arg9 : memref<64x128xf32, #tpu.memory_space<vmem>>) target(%dma_start3A_85 : memref<64x128xf32, #tpu.memory_space<vmem_shared>>) target_semaphore(%run_scoped3A : memref<!tpu.dma_semaphore, #tpu.memory_space<semaphore_mem>>)
      %dma_wait3A_86 = arith.constant 0 : i32
      %dma_wait3A_87 = tpu.memref_slice %arg12[%add3A_29, %dma_wait3A_86] : memref<10240x128xf32, #tpu.memory_space<vmem_shared>> -> memref<64x128xf32, #tpu.memory_space<vmem_shared>>
      %dma_wait3A_88 = arith.constant 0 : i32
      %dma_wait3A_89 = tpu.memref_slice %arg12[%add3A_29, %dma_wait3A_88] : memref<10240x128xf32, #tpu.memory_space<vmem_shared>> -> memref<64x128xf32, #tpu.memory_space<vmem_shared>>
      tpu.wait_dma2 semaphore(%run_scoped3A : memref<!tpu.dma_semaphore, #tpu.memory_space<semaphore_mem>>) src(%arg9 : memref<64x128xf32, #tpu.memory_space<vmem>>) dst(%dma_wait3A_89 : memref<64x128xf32, #tpu.memory_space<vmem_shared>>)
      tpu.yield
    }) : () -> ()
    %mul3A_30 = arith.constant 640 : i32
    %mul3A_31 = arith.muli %arg1, %mul3A_30 : i32
    %add3A_32 = arith.constant 384 : i32
    %add3A_33 = arith.addi %mul3A_31, %add3A_32 : i32
    "tpu.region"() ({
      %run_scoped3A = tpu.sem_alloc : memref<!tpu.dma_semaphore, #tpu.memory_space<semaphore_mem>>
      %dma_start3A_82 = arith.constant 0 : i32
      %dma_start3A_83 = tpu.memref_slice %arg12[%add3A_33, %dma_start3A_82] : memref<10240x128xf32, #tpu.memory_space<vmem_shared>> -> memref<64x128xf32, #tpu.memory_space<vmem_shared>>
      %dma_start3A_84 = arith.constant 0 : i32
      %dma_start3A_85 = tpu.memref_slice %arg12[%add3A_33, %dma_start3A_84] : memref<10240x128xf32, #tpu.memory_space<vmem_shared>> -> memref<64x128xf32, #tpu.memory_space<vmem_shared>>
      tpu.enqueue_dma source(%arg9 : memref<64x128xf32, #tpu.memory_space<vmem>>) target(%dma_start3A_85 : memref<64x128xf32, #tpu.memory_space<vmem_shared>>) target_semaphore(%run_scoped3A : memref<!tpu.dma_semaphore, #tpu.memory_space<semaphore_mem>>)
      %dma_wait3A_86 = arith.constant 0 : i32
      %dma_wait3A_87 = tpu.memref_slice %arg12[%add3A_33, %dma_wait3A_86] : memref<10240x128xf32, #tpu.memory_space<vmem_shared>> -> memref<64x128xf32, #tpu.memory_space<vmem_shared>>
      %dma_wait3A_88 = arith.constant 0 : i32
      %dma_wait3A_89 = tpu.memref_slice %arg12[%add3A_33, %dma_wait3A_88] : memref<10240x128xf32, #tpu.memory_space<vmem_shared>> -> memref<64x128xf32, #tpu.memory_space<vmem_shared>>
      tpu.wait_dma2 semaphore(%run_scoped3A : memref<!tpu.dma_semaphore, #tpu.memory_space<semaphore_mem>>) src(%arg9 : memref<64x128xf32, #tpu.memory_space<vmem>>) dst(%dma_wait3A_89 : memref<64x128xf32, #tpu.memory_space<vmem_shared>>)
      tpu.yield
    }) : () -> ()
    %mul3A_34 = arith.constant 640 : i32
    %mul3A_35 = arith.muli %arg1, %mul3A_34 : i32
    %add3A_36 = arith.constant 448 : i32
    %add3A_37 = arith.addi %mul3A_35, %add3A_36 : i32
    "tpu.region"() ({
      %run_scoped3A = tpu.sem_alloc : memref<!tpu.dma_semaphore, #tpu.memory_space<semaphore_mem>>
      %dma_start3A_82 = arith.constant 0 : i32
      %dma_start3A_83 = tpu.memref_slice %arg12[%add3A_37, %dma_start3A_82] : memref<10240x128xf32, #tpu.memory_space<vmem_shared>> -> memref<64x128xf32, #tpu.memory_space<vmem_shared>>
      %dma_start3A_84 = arith.constant 0 : i32
      %dma_start3A_85 = tpu.memref_slice %arg12[%add3A_37, %dma_start3A_84] : memref<10240x128xf32, #tpu.memory_space<vmem_shared>> -> memref<64x128xf32, #tpu.memory_space<vmem_shared>>
      tpu.enqueue_dma source(%arg9 : memref<64x128xf32, #tpu.memory_space<vmem>>) target(%dma_start3A_85 : memref<64x128xf32, #tpu.memory_space<vmem_shared>>) target_semaphore(%run_scoped3A : memref<!tpu.dma_semaphore, #tpu.memory_space<semaphore_mem>>)
      %dma_wait3A_86 = arith.constant 0 : i32
      %dma_wait3A_87 = tpu.memref_slice %arg12[%add3A_37, %dma_wait3A_86] : memref<10240x128xf32, #tpu.memory_space<vmem_shared>> -> memref<64x128xf32, #tpu.memory_space<vmem_shared>>
      %dma_wait3A_88 = arith.constant 0 : i32
      %dma_wait3A_89 = tpu.memref_slice %arg12[%add3A_37, %dma_wait3A_88] : memref<10240x128xf32, #tpu.memory_space<vmem_shared>> -> memref<64x128xf32, #tpu.memory_space<vmem_shared>>
      tpu.wait_dma2 semaphore(%run_scoped3A : memref<!tpu.dma_semaphore, #tpu.memory_space<semaphore_mem>>) src(%arg9 : memref<64x128xf32, #tpu.memory_space<vmem>>) dst(%dma_wait3A_89 : memref<64x128xf32, #tpu.memory_space<vmem_shared>>)
      tpu.yield
    }) : () -> ()
    %mul3A_38 = arith.constant 640 : i32
    %mul3A_39 = arith.muli %arg1, %mul3A_38 : i32
    %add3A_40 = arith.constant 512 : i32
    %add3A_41 = arith.addi %mul3A_39, %add3A_40 : i32
    "tpu.region"() ({
      %run_scoped3A = tpu.sem_alloc : memref<!tpu.dma_semaphore, #tpu.memory_space<semaphore_mem>>
      %dma_start3A_82 = arith.constant 0 : i32
      %dma_start3A_83 = tpu.memref_slice %arg12[%add3A_41, %dma_start3A_82] : memref<10240x128xf32, #tpu.memory_space<vmem_shared>> -> memref<64x128xf32, #tpu.memory_space<vmem_shared>>
      %dma_start3A_84 = arith.constant 0 : i32
      %dma_start3A_85 = tpu.memref_slice %arg12[%add3A_41, %dma_start3A_84] : memref<10240x128xf32, #tpu.memory_space<vmem_shared>> -> memref<64x128xf32, #tpu.memory_space<vmem_shared>>
      tpu.enqueue_dma source(%arg9 : memref<64x128xf32, #tpu.memory_space<vmem>>) target(%dma_start3A_85 : memref<64x128xf32, #tpu.memory_space<vmem_shared>>) target_semaphore(%run_scoped3A : memref<!tpu.dma_semaphore, #tpu.memory_space<semaphore_mem>>)
      %dma_wait3A_86 = arith.constant 0 : i32
      %dma_wait3A_87 = tpu.memref_slice %arg12[%add3A_41, %dma_wait3A_86] : memref<10240x128xf32, #tpu.memory_space<vmem_shared>> -> memref<64x128xf32, #tpu.memory_space<vmem_shared>>
      %dma_wait3A_88 = arith.constant 0 : i32
      %dma_wait3A_89 = tpu.memref_slice %arg12[%add3A_41, %dma_wait3A_88] : memref<10240x128xf32, #tpu.memory_space<vmem_shared>> -> memref<64x128xf32, #tpu.memory_space<vmem_shared>>
      tpu.wait_dma2 semaphore(%run_scoped3A : memref<!tpu.dma_semaphore, #tpu.memory_space<semaphore_mem>>) src(%arg9 : memref<64x128xf32, #tpu.memory_space<vmem>>) dst(%dma_wait3A_89 : memref<64x128xf32, #tpu.memory_space<vmem_shared>>)
      tpu.yield
    }) : () -> ()
    %mul3A_42 = arith.constant 640 : i32
    %mul3A_43 = arith.muli %arg1, %mul3A_42 : i32
    %add3A_44 = arith.constant 576 : i32
    %add3A_45 = arith.addi %mul3A_43, %add3A_44 : i32
    "tpu.region"() ({
      %run_scoped3A = tpu.sem_alloc : memref<!tpu.dma_semaphore, #tpu.memory_space<semaphore_mem>>
      %dma_start3A_82 = arith.constant 0 : i32
      %dma_start3A_83 = tpu.memref_slice %arg12[%add3A_45, %dma_start3A_82] : memref<10240x128xf32, #tpu.memory_space<vmem_shared>> -> memref<64x128xf32, #tpu.memory_space<vmem_shared>>
      %dma_start3A_84 = arith.constant 0 : i32
      %dma_start3A_85 = tpu.memref_slice %arg12[%add3A_45, %dma_start3A_84] : memref<10240x128xf32, #tpu.memory_space<vmem_shared>> -> memref<64x128xf32, #tpu.memory_space<vmem_shared>>
      tpu.enqueue_dma source(%arg9 : memref<64x128xf32, #tpu.memory_space<vmem>>) target(%dma_start3A_85 : memref<64x128xf32, #tpu.memory_space<vmem_shared>>) target_semaphore(%run_scoped3A : memref<!tpu.dma_semaphore, #tpu.memory_space<semaphore_mem>>)
      %dma_wait3A_86 = arith.constant 0 : i32
      %dma_wait3A_87 = tpu.memref_slice %arg12[%add3A_45, %dma_wait3A_86] : memref<10240x128xf32, #tpu.memory_space<vmem_shared>> -> memref<64x128xf32, #tpu.memory_space<vmem_shared>>
      %dma_wait3A_88 = arith.constant 0 : i32
      %dma_wait3A_89 = tpu.memref_slice %arg12[%add3A_45, %dma_wait3A_88] : memref<10240x128xf32, #tpu.memory_space<vmem_shared>> -> memref<64x128xf32, #tpu.memory_space<vmem_shared>>
      tpu.wait_dma2 semaphore(%run_scoped3A : memref<!tpu.dma_semaphore, #tpu.memory_space<semaphore_mem>>) src(%arg9 : memref<64x128xf32, #tpu.memory_space<vmem>>) dst(%dma_wait3A_89 : memref<64x128xf32, #tpu.memory_space<vmem_shared>>)
      tpu.yield
    }) : () -> ()
    %barrier3A = arith.constant 0 : index
    tpu.barrier barrier_id(%barrier3A)
    "tpu.region"() ({
      %run_scoped3A = tpu.sem_alloc : memref<!tpu.dma_semaphore, #tpu.memory_space<semaphore_mem>>
      %dma_start3A_82 = arith.constant 0 : i32
      %dma_start3A_83 = arith.constant 0 : i32
      %dma_start3A_84 = tpu.memref_slice %arg3[%add3A, %dma_start3A_82, %dma_start3A_83] : memref<32x161x64xi32, #tpu.memory_space<hbm>> -> memref<1x161x64xi32, #tpu.memory_space<hbm>>
      %dma_start3A_85 = tpu.memref_squeeze %dma_start3A_84 : memref<1x161x64xi32, #tpu.memory_space<hbm>> -> memref<161x64xi32, #tpu.memory_space<hbm>>
      %dma_start3A_86 = arith.constant 0 : i32
      %dma_start3A_87 = arith.constant 0 : i32
      %dma_start3A_88 = tpu.memref_slice %arg3[%add3A, %dma_start3A_86, %dma_start3A_87] : memref<32x161x64xi32, #tpu.memory_space<hbm>> -> memref<1x161x64xi32, #tpu.memory_space<hbm>>
      %dma_start3A_89 = tpu.memref_squeeze %dma_start3A_88 : memref<1x161x64xi32, #tpu.memory_space<hbm>> -> memref<161x64xi32, #tpu.memory_space<hbm>>
      tpu.enqueue_dma source(%dma_start3A_89 : memref<161x64xi32, #tpu.memory_space<hbm>>) target(%arg7 : memref<161x64xi32, #tpu.memory_space<vmem>>) target_semaphore(%run_scoped3A : memref<!tpu.dma_semaphore, #tpu.memory_space<semaphore_mem>>)
      %dma_wait3A_90 = arith.constant 0 : i32
      %dma_wait3A_91 = arith.constant 0 : i32
      %dma_wait3A_92 = tpu.memref_slice %arg3[%add3A, %dma_wait3A_90, %dma_wait3A_91] : memref<32x161x64xi32, #tpu.memory_space<hbm>> -> memref<1x161x64xi32, #tpu.memory_space<hbm>>
      %dma_wait3A_93 = tpu.memref_squeeze %dma_wait3A_92 : memref<1x161x64xi32, #tpu.memory_space<hbm>> -> memref<161x64xi32, #tpu.memory_space<hbm>>
      %dma_wait3A_94 = arith.constant 0 : i32
      %dma_wait3A_95 = arith.constant 0 : i32
      %dma_wait3A_96 = tpu.memref_slice %arg3[%add3A, %dma_wait3A_94, %dma_wait3A_95] : memref<32x161x64xi32, #tpu.memory_space<hbm>> -> memref<1x161x64xi32, #tpu.memory_space<hbm>>
      %dma_wait3A_97 = tpu.memref_squeeze %dma_wait3A_96 : memref<1x161x64xi32, #tpu.memory_space<hbm>> -> memref<161x64xi32, #tpu.memory_space<hbm>>
      tpu.wait_dma2 semaphore(%run_scoped3A : memref<!tpu.dma_semaphore, #tpu.memory_space<semaphore_mem>>) src(%dma_wait3A_97 : memref<161x64xi32, #tpu.memory_space<hbm>>) dst(%arg7 : memref<161x64xi32, #tpu.memory_space<vmem>>)
      tpu.yield
    }) : () -> ()
    "tpu.region"() ({
      %run_scoped3A = tpu.sem_alloc : memref<!tpu.dma_semaphore, #tpu.memory_space<semaphore_mem>>
      %dma_start3A_82 = arith.constant 0 : i32
      %dma_start3A_83 = arith.constant 0 : i32
      %dma_start3A_84 = tpu.memref_slice %arg4[%add3A, %dma_start3A_82, %dma_start3A_83] : memref<32x159x64xi32, #tpu.memory_space<hbm>> -> memref<1x159x64xi32, #tpu.memory_space<hbm>>
      %dma_start3A_85 = tpu.memref_squeeze %dma_start3A_84 : memref<1x159x64xi32, #tpu.memory_space<hbm>> -> memref<159x64xi32, #tpu.memory_space<hbm>>
      %dma_start3A_86 = arith.constant 0 : i32
      %dma_start3A_87 = arith.constant 0 : i32
      %dma_start3A_88 = tpu.memref_slice %arg4[%add3A, %dma_start3A_86, %dma_start3A_87] : memref<32x159x64xi32, #tpu.memory_space<hbm>> -> memref<1x159x64xi32, #tpu.memory_space<hbm>>
      %dma_start3A_89 = tpu.memref_squeeze %dma_start3A_88 : memref<1x159x64xi32, #tpu.memory_space<hbm>> -> memref<159x64xi32, #tpu.memory_space<hbm>>
      tpu.enqueue_dma source(%dma_start3A_89 : memref<159x64xi32, #tpu.memory_space<hbm>>) target(%arg8 : memref<159x64xi32, #tpu.memory_space<vmem>>) target_semaphore(%run_scoped3A : memref<!tpu.dma_semaphore, #tpu.memory_space<semaphore_mem>>)
      %dma_wait3A_90 = arith.constant 0 : i32
      %dma_wait3A_91 = arith.constant 0 : i32
      %dma_wait3A_92 = tpu.memref_slice %arg4[%add3A, %dma_wait3A_90, %dma_wait3A_91] : memref<32x159x64xi32, #tpu.memory_space<hbm>> -> memref<1x159x64xi32, #tpu.memory_space<hbm>>
      %dma_wait3A_93 = tpu.memref_squeeze %dma_wait3A_92 : memref<1x159x64xi32, #tpu.memory_space<hbm>> -> memref<159x64xi32, #tpu.memory_space<hbm>>
      %dma_wait3A_94 = arith.constant 0 : i32
      %dma_wait3A_95 = arith.constant 0 : i32
      %dma_wait3A_96 = tpu.memref_slice %arg4[%add3A, %dma_wait3A_94, %dma_wait3A_95] : memref<32x159x64xi32, #tpu.memory_space<hbm>> -> memref<1x159x64xi32, #tpu.memory_space<hbm>>
      %dma_wait3A_97 = tpu.memref_squeeze %dma_wait3A_96 : memref<1x159x64xi32, #tpu.memory_space<hbm>> -> memref<159x64xi32, #tpu.memory_space<hbm>>
      tpu.wait_dma2 semaphore(%run_scoped3A : memref<!tpu.dma_semaphore, #tpu.memory_space<semaphore_mem>>) src(%dma_wait3A_97 : memref<159x64xi32, #tpu.memory_space<hbm>>) dst(%arg8 : memref<159x64xi32, #tpu.memory_space<vmem>>)
      tpu.yield
    }) : () -> ()
    %dma_start3A = arith.constant 0 : i32
    %dma_start3A_46 = arith.constant 0 : i32
    %dma_start3A_47 = tpu.memref_slice %arg7[%dma_start3A, %dma_start3A_46] : memref<161x64xi32, #tpu.memory_space<vmem>> -> memref<1x64xi32, #tpu.memory_space<vmem>>
    %dma_start3A_48 = tpu.memref_squeeze %dma_start3A_47 : memref<1x64xi32, #tpu.memory_space<vmem>> -> memref<64xi32, #tpu.memory_space<vmem>>
    %dma_start3A_49 = arith.constant 0 : i32
    %dma_start3A_50 = arith.constant 0 : i32
    %dma_start3A_51 = tpu.memref_slice %arg2[%dma_start3A_49, %dma_start3A_50] : memref<12288x128xf32, #tpu.memory_space<hbm>> -> memref<12288x128xf32, #tpu.memory_space<hbm>>
    tpu.enqueue_indirect_dma source(%dma_start3A_51 : memref<12288x128xf32, #tpu.memory_space<hbm>>) target(%arg9 : memref<64x128xf32, #tpu.memory_space<vmem>>) offsets(%dma_start3A_48 : memref<64xi32, #tpu.memory_space<vmem>>) semaphore(%arg13 : memref<!tpu.dma_semaphore, #tpu.memory_space<semaphore_mem>>)
    %dma_start3A_52 = arith.constant 1 : i32
    %dma_start3A_53 = arith.constant 0 : i32
    %dma_start3A_54 = tpu.memref_slice %arg7[%dma_start3A_52, %dma_start3A_53] : memref<161x64xi32, #tpu.memory_space<vmem>> -> memref<1x64xi32, #tpu.memory_space<vmem>>
    %dma_start3A_55 = tpu.memref_squeeze %dma_start3A_54 : memref<1x64xi32, #tpu.memory_space<vmem>> -> memref<64xi32, #tpu.memory_space<vmem>>
    %dma_start3A_56 = arith.constant 0 : i32
    %dma_start3A_57 = arith.constant 0 : i32
    %dma_start3A_58 = tpu.memref_slice %arg2[%dma_start3A_56, %dma_start3A_57] : memref<12288x128xf32, #tpu.memory_space<hbm>> -> memref<12288x128xf32, #tpu.memory_space<hbm>>
    tpu.enqueue_indirect_dma source(%dma_start3A_58 : memref<12288x128xf32, #tpu.memory_space<hbm>>) target(%arg10 : memref<64x128xf32, #tpu.memory_space<vmem>>) offsets(%dma_start3A_55 : memref<64xi32, #tpu.memory_space<vmem>>) semaphore(%arg14 : memref<!tpu.dma_semaphore, #tpu.memory_space<semaphore_mem>>)
    %scan3A_59 = arith.constant 0 : i32
    %scan3A_60 = arith.constant 53 : i32
    %scan3A_61 = arith.addi %scan3A_59, %scan3A_60 : i32
    %scan3A_62 = arith.constant 1 : i32
    scf.for %scan3A_82 = %scan3A_59 to %scan3A_61 step %scan3A_62  : i32 {
      %mul3A_83 = arith.constant 3 : i32
      %mul3A_84 = arith.muli %scan3A_82, %mul3A_83 : i32
      %add3A_85 = arith.constant 0 : i32
      %add3A_86 = arith.addi %add3A_85, %mul3A_84 : i32
      %add3A_87 = arith.constant 0 : i32
      %add3A_88 = arith.addi %add3A_86, %add3A_87 : i32
      %add3A_89 = arith.constant 2 : i32
      %add3A_90 = arith.addi %add3A_88, %add3A_89 : i32
      %dma_start3A_91 = arith.constant 0 : i32
      %dma_start3A_92 = tpu.memref_slice %arg7[%add3A_90, %dma_start3A_91] : memref<161x64xi32, #tpu.memory_space<vmem>> -> memref<1x64xi32, #tpu.memory_space<vmem>>
      %dma_start3A_93 = tpu.memref_squeeze %dma_start3A_92 : memref<1x64xi32, #tpu.memory_space<vmem>> -> memref<64xi32, #tpu.memory_space<vmem>>
      %dma_start3A_94 = arith.constant 0 : i32
      %dma_start3A_95 = arith.constant 0 : i32
      %dma_start3A_96 = tpu.memref_slice %arg2[%dma_start3A_94, %dma_start3A_95] : memref<12288x128xf32, #tpu.memory_space<hbm>> -> memref<12288x128xf32, #tpu.memory_space<hbm>>
      tpu.enqueue_indirect_dma source(%dma_start3A_96 : memref<12288x128xf32, #tpu.memory_space<hbm>>) target(%arg11 : memref<64x128xf32, #tpu.memory_space<vmem>>) offsets(%dma_start3A_93 : memref<64xi32, #tpu.memory_space<vmem>>) semaphore(%arg15 : memref<!tpu.dma_semaphore, #tpu.memory_space<semaphore_mem>>)
      %dma_wait3A_97 = arith.constant 0 : i32
      %dma_wait3A_98 = tpu.memref_slice %arg7[%add3A_88, %dma_wait3A_97] : memref<161x64xi32, #tpu.memory_space<vmem>> -> memref<1x64xi32, #tpu.memory_space<vmem>>
      %dma_wait3A_99 = tpu.memref_squeeze %dma_wait3A_98 : memref<1x64xi32, #tpu.memory_space<vmem>> -> memref<64xi32, #tpu.memory_space<vmem>>
      %dma_wait3A_100 = arith.constant 0 : i32
      %dma_wait3A_101 = arith.constant 0 : i32
      %dma_wait3A_102 = tpu.memref_slice %arg2[%dma_wait3A_100, %dma_wait3A_101] : memref<12288x128xf32, #tpu.memory_space<hbm>> -> memref<12288x128xf32, #tpu.memory_space<hbm>>
      tpu.wait_indirect_dma semaphore(%arg13 : memref<!tpu.dma_semaphore, #tpu.memory_space<semaphore_mem>>) src(%dma_wait3A_102 : memref<12288x128xf32, #tpu.memory_space<hbm>>) dst(%arg9 : memref<64x128xf32, #tpu.memory_space<vmem>>)
      "tpu.region"() ({
        %run_scoped3A = tpu.sem_alloc : memref<!tpu.dma_semaphore, #tpu.memory_space<semaphore_mem>>
        %dma_start3A_135 = arith.constant 0 : i32
        %dma_start3A_136 = tpu.memref_slice %arg8[%add3A_88, %dma_start3A_135] : memref<159x64xi32, #tpu.memory_space<vmem>> -> memref<1x64xi32, #tpu.memory_space<vmem>>
        %dma_start3A_137 = tpu.memref_squeeze %dma_start3A_136 : memref<1x64xi32, #tpu.memory_space<vmem>> -> memref<64xi32, #tpu.memory_space<vmem>>
        %dma_start3A_138 = arith.constant 0 : i32
        %dma_start3A_139 = arith.constant 0 : i32
        %dma_start3A_140 = tpu.memref_slice %arg12[%dma_start3A_138, %dma_start3A_139] : memref<10240x128xf32, #tpu.memory_space<vmem_shared>> -> memref<10240x128xf32, #tpu.memory_space<vmem_shared>>
        tpu.enqueue_indirect_dma source(%arg9 : memref<64x128xf32, #tpu.memory_space<vmem>>) target(%dma_start3A_140 : memref<10240x128xf32, #tpu.memory_space<vmem_shared>>) offsets(%dma_start3A_137 : memref<64xi32, #tpu.memory_space<vmem>>) semaphore(%run_scoped3A : memref<!tpu.dma_semaphore, #tpu.memory_space<semaphore_mem>>) {add = true}
        %dma_wait3A_141 = arith.constant 0 : i32
        %dma_wait3A_142 = tpu.memref_slice %arg8[%add3A_88, %dma_wait3A_141] : memref<159x64xi32, #tpu.memory_space<vmem>> -> memref<1x64xi32, #tpu.memory_space<vmem>>
        %dma_wait3A_143 = tpu.memref_squeeze %dma_wait3A_142 : memref<1x64xi32, #tpu.memory_space<vmem>> -> memref<64xi32, #tpu.memory_space<vmem>>
        %dma_wait3A_144 = arith.constant 0 : i32
        %dma_wait3A_145 = arith.constant 0 : i32
        %dma_wait3A_146 = tpu.memref_slice %arg12[%dma_wait3A_144, %dma_wait3A_145] : memref<10240x128xf32, #tpu.memory_space<vmem_shared>> -> memref<10240x128xf32, #tpu.memory_space<vmem_shared>>
        tpu.wait_indirect_dma semaphore(%run_scoped3A : memref<!tpu.dma_semaphore, #tpu.memory_space<semaphore_mem>>) src(%arg9 : memref<64x128xf32, #tpu.memory_space<vmem>>) dst(%dma_wait3A_146 : memref<10240x128xf32, #tpu.memory_space<vmem_shared>>)
        tpu.yield
      }) : () -> ()
      %add3A_103 = arith.constant 1 : i32
      %add3A_104 = arith.addi %add3A_86, %add3A_103 : i32
      %add3A_105 = arith.constant 2 : i32
      %add3A_106 = arith.addi %add3A_104, %add3A_105 : i32
      %dma_start3A_107 = arith.constant 0 : i32
      %dma_start3A_108 = tpu.memref_slice %arg7[%add3A_106, %dma_start3A_107] : memref<161x64xi32, #tpu.memory_space<vmem>> -> memref<1x64xi32, #tpu.memory_space<vmem>>
      %dma_start3A_109 = tpu.memref_squeeze %dma_start3A_108 : memref<1x64xi32, #tpu.memory_space<vmem>> -> memref<64xi32, #tpu.memory_space<vmem>>
      %dma_start3A_110 = arith.constant 0 : i32
      %dma_start3A_111 = arith.constant 0 : i32
      %dma_start3A_112 = tpu.memref_slice %arg2[%dma_start3A_110, %dma_start3A_111] : memref<12288x128xf32, #tpu.memory_space<hbm>> -> memref<12288x128xf32, #tpu.memory_space<hbm>>
      tpu.enqueue_indirect_dma source(%dma_start3A_112 : memref<12288x128xf32, #tpu.memory_space<hbm>>) target(%arg9 : memref<64x128xf32, #tpu.memory_space<vmem>>) offsets(%dma_start3A_109 : memref<64xi32, #tpu.memory_space<vmem>>) semaphore(%arg13 : memref<!tpu.dma_semaphore, #tpu.memory_space<semaphore_mem>>)
      %dma_wait3A_113 = arith.constant 0 : i32
      %dma_wait3A_114 = tpu.memref_slice %arg7[%add3A_104, %dma_wait3A_113] : memref<161x64xi32, #tpu.memory_space<vmem>> -> memref<1x64xi32, #tpu.memory_space<vmem>>
      %dma_wait3A_115 = tpu.memref_squeeze %dma_wait3A_114 : memref<1x64xi32, #tpu.memory_space<vmem>> -> memref<64xi32, #tpu.memory_space<vmem>>
      %dma_wait3A_116 = arith.constant 0 : i32
      %dma_wait3A_117 = arith.constant 0 : i32
      %dma_wait3A_118 = tpu.memref_slice %arg2[%dma_wait3A_116, %dma_wait3A_117] : memref<12288x128xf32, #tpu.memory_space<hbm>> -> memref<12288x128xf32, #tpu.memory_space<hbm>>
      tpu.wait_indirect_dma semaphore(%arg14 : memref<!tpu.dma_semaphore, #tpu.memory_space<semaphore_mem>>) src(%dma_wait3A_118 : memref<12288x128xf32, #tpu.memory_space<hbm>>) dst(%arg10 : memref<64x128xf32, #tpu.memory_space<vmem>>)
      "tpu.region"() ({
        %run_scoped3A = tpu.sem_alloc : memref<!tpu.dma_semaphore, #tpu.memory_space<semaphore_mem>>
        %dma_start3A_135 = arith.constant 0 : i32
        %dma_start3A_136 = tpu.memref_slice %arg8[%add3A_104, %dma_start3A_135] : memref<159x64xi32, #tpu.memory_space<vmem>> -> memref<1x64xi32, #tpu.memory_space<vmem>>
        %dma_start3A_137 = tpu.memref_squeeze %dma_start3A_136 : memref<1x64xi32, #tpu.memory_space<vmem>> -> memref<64xi32, #tpu.memory_space<vmem>>
        %dma_start3A_138 = arith.constant 0 : i32
        %dma_start3A_139 = arith.constant 0 : i32
        %dma_start3A_140 = tpu.memref_slice %arg12[%dma_start3A_138, %dma_start3A_139] : memref<10240x128xf32, #tpu.memory_space<vmem_shared>> -> memref<10240x128xf32, #tpu.memory_space<vmem_shared>>
        tpu.enqueue_indirect_dma source(%arg10 : memref<64x128xf32, #tpu.memory_space<vmem>>) target(%dma_start3A_140 : memref<10240x128xf32, #tpu.memory_space<vmem_shared>>) offsets(%dma_start3A_137 : memref<64xi32, #tpu.memory_space<vmem>>) semaphore(%run_scoped3A : memref<!tpu.dma_semaphore, #tpu.memory_space<semaphore_mem>>) {add = true}
        %dma_wait3A_141 = arith.constant 0 : i32
        %dma_wait3A_142 = tpu.memref_slice %arg8[%add3A_104, %dma_wait3A_141] : memref<159x64xi32, #tpu.memory_space<vmem>> -> memref<1x64xi32, #tpu.memory_space<vmem>>
        %dma_wait3A_143 = tpu.memref_squeeze %dma_wait3A_142 : memref<1x64xi32, #tpu.memory_space<vmem>> -> memref<64xi32, #tpu.memory_space<vmem>>
        %dma_wait3A_144 = arith.constant 0 : i32
        %dma_wait3A_145 = arith.constant 0 : i32
        %dma_wait3A_146 = tpu.memref_slice %arg12[%dma_wait3A_144, %dma_wait3A_145] : memref<10240x128xf32, #tpu.memory_space<vmem_shared>> -> memref<10240x128xf32, #tpu.memory_space<vmem_shared>>
        tpu.wait_indirect_dma semaphore(%run_scoped3A : memref<!tpu.dma_semaphore, #tpu.memory_space<semaphore_mem>>) src(%arg10 : memref<64x128xf32, #tpu.memory_space<vmem>>) dst(%dma_wait3A_146 : memref<10240x128xf32, #tpu.memory_space<vmem_shared>>)
        tpu.yield
      }) : () -> ()
      %add3A_119 = arith.constant 2 : i32
      %add3A_120 = arith.addi %add3A_86, %add3A_119 : i32
      %add3A_121 = arith.constant 2 : i32
      %add3A_122 = arith.addi %add3A_120, %add3A_121 : i32
      %dma_start3A_123 = arith.constant 0 : i32
      %dma_start3A_124 = tpu.memref_slice %arg7[%add3A_122, %dma_start3A_123] : memref<161x64xi32, #tpu.memory_space<vmem>> -> memref<1x64xi32, #tpu.memory_space<vmem>>
      %dma_start3A_125 = tpu.memref_squeeze %dma_start3A_124 : memref<1x64xi32, #tpu.memory_space<vmem>> -> memref<64xi32, #tpu.memory_space<vmem>>
      %dma_start3A_126 = arith.constant 0 : i32
      %dma_start3A_127 = arith.constant 0 : i32
      %dma_start3A_128 = tpu.memref_slice %arg2[%dma_start3A_126, %dma_start3A_127] : memref<12288x128xf32, #tpu.memory_space<hbm>> -> memref<12288x128xf32, #tpu.memory_space<hbm>>
      tpu.enqueue_indirect_dma source(%dma_start3A_128 : memref<12288x128xf32, #tpu.memory_space<hbm>>) target(%arg10 : memref<64x128xf32, #tpu.memory_space<vmem>>) offsets(%dma_start3A_125 : memref<64xi32, #tpu.memory_space<vmem>>) semaphore(%arg14 : memref<!tpu.dma_semaphore, #tpu.memory_space<semaphore_mem>>)
      %dma_wait3A_129 = arith.constant 0 : i32
      %dma_wait3A_130 = tpu.memref_slice %arg7[%add3A_120, %dma_wait3A_129] : memref<161x64xi32, #tpu.memory_space<vmem>> -> memref<1x64xi32, #tpu.memory_space<vmem>>
      %dma_wait3A_131 = tpu.memref_squeeze %dma_wait3A_130 : memref<1x64xi32, #tpu.memory_space<vmem>> -> memref<64xi32, #tpu.memory_space<vmem>>
      %dma_wait3A_132 = arith.constant 0 : i32
      %dma_wait3A_133 = arith.constant 0 : i32
      %dma_wait3A_134 = tpu.memref_slice %arg2[%dma_wait3A_132, %dma_wait3A_133] : memref<12288x128xf32, #tpu.memory_space<hbm>> -> memref<12288x128xf32, #tpu.memory_space<hbm>>
      tpu.wait_indirect_dma semaphore(%arg15 : memref<!tpu.dma_semaphore, #tpu.memory_space<semaphore_mem>>) src(%dma_wait3A_134 : memref<12288x128xf32, #tpu.memory_space<hbm>>) dst(%arg11 : memref<64x128xf32, #tpu.memory_space<vmem>>)
      "tpu.region"() ({
        %run_scoped3A = tpu.sem_alloc : memref<!tpu.dma_semaphore, #tpu.memory_space<semaphore_mem>>
        %dma_start3A_135 = arith.constant 0 : i32
        %dma_start3A_136 = tpu.memref_slice %arg8[%add3A_120, %dma_start3A_135] : memref<159x64xi32, #tpu.memory_space<vmem>> -> memref<1x64xi32, #tpu.memory_space<vmem>>
        %dma_start3A_137 = tpu.memref_squeeze %dma_start3A_136 : memref<1x64xi32, #tpu.memory_space<vmem>> -> memref<64xi32, #tpu.memory_space<vmem>>
        %dma_start3A_138 = arith.constant 0 : i32
        %dma_start3A_139 = arith.constant 0 : i32
        %dma_start3A_140 = tpu.memref_slice %arg12[%dma_start3A_138, %dma_start3A_139] : memref<10240x128xf32, #tpu.memory_space<vmem_shared>> -> memref<10240x128xf32, #tpu.memory_space<vmem_shared>>
        tpu.enqueue_indirect_dma source(%arg11 : memref<64x128xf32, #tpu.memory_space<vmem>>) target(%dma_start3A_140 : memref<10240x128xf32, #tpu.memory_space<vmem_shared>>) offsets(%dma_start3A_137 : memref<64xi32, #tpu.memory_space<vmem>>) semaphore(%run_scoped3A : memref<!tpu.dma_semaphore, #tpu.memory_space<semaphore_mem>>) {add = true}
        %dma_wait3A_141 = arith.constant 0 : i32
        %dma_wait3A_142 = tpu.memref_slice %arg8[%add3A_120, %dma_wait3A_141] : memref<159x64xi32, #tpu.memory_space<vmem>> -> memref<1x64xi32, #tpu.memory_space<vmem>>
        %dma_wait3A_143 = tpu.memref_squeeze %dma_wait3A_142 : memref<1x64xi32, #tpu.memory_space<vmem>> -> memref<64xi32, #tpu.memory_space<vmem>>
        %dma_wait3A_144 = arith.constant 0 : i32
        %dma_wait3A_145 = arith.constant 0 : i32
        %dma_wait3A_146 = tpu.memref_slice %arg12[%dma_wait3A_144, %dma_wait3A_145] : memref<10240x128xf32, #tpu.memory_space<vmem_shared>> -> memref<10240x128xf32, #tpu.memory_space<vmem_shared>>
        tpu.wait_indirect_dma semaphore(%run_scoped3A : memref<!tpu.dma_semaphore, #tpu.memory_space<semaphore_mem>>) src(%arg11 : memref<64x128xf32, #tpu.memory_space<vmem>>) dst(%dma_wait3A_146 : memref<10240x128xf32, #tpu.memory_space<vmem_shared>>)
        tpu.yield
      }) : () -> ()
    }
    %scan3A_63 = arith.constant 53 : i32
    %dma_wait3A = arith.constant 0 : i32
    %dma_wait3A_64 = arith.constant 0 : i32
    %dma_wait3A_65 = tpu.memref_slice %arg7[%dma_wait3A, %dma_wait3A_64] : memref<161x64xi32, #tpu.memory_space<vmem>> -> memref<1x64xi32, #tpu.memory_space<vmem>>
    %dma_wait3A_66 = tpu.memref_squeeze %dma_wait3A_65 : memref<1x64xi32, #tpu.memory_space<vmem>> -> memref<64xi32, #tpu.memory_space<vmem>>
    %dma_wait3A_67 = arith.constant 0 : i32
    %dma_wait3A_68 = arith.constant 0 : i32
    %dma_wait3A_69 = tpu.memref_slice %arg2[%dma_wait3A_67, %dma_wait3A_68] : memref<12288x128xf32, #tpu.memory_space<hbm>> -> memref<12288x128xf32, #tpu.memory_space<hbm>>
    tpu.wait_indirect_dma semaphore(%arg13 : memref<!tpu.dma_semaphore, #tpu.memory_space<semaphore_mem>>) src(%dma_wait3A_69 : memref<12288x128xf32, #tpu.memory_space<hbm>>) dst(%arg9 : memref<64x128xf32, #tpu.memory_space<vmem>>)
    %dma_wait3A_70 = arith.constant 1 : i32
    %dma_wait3A_71 = arith.constant 0 : i32
    %dma_wait3A_72 = tpu.memref_slice %arg7[%dma_wait3A_70, %dma_wait3A_71] : memref<161x64xi32, #tpu.memory_space<vmem>> -> memref<1x64xi32, #tpu.memory_space<vmem>>
    %dma_wait3A_73 = tpu.memref_squeeze %dma_wait3A_72 : memref<1x64xi32, #tpu.memory_space<vmem>> -> memref<64xi32, #tpu.memory_space<vmem>>
    %dma_wait3A_74 = arith.constant 0 : i32
    %dma_wait3A_75 = arith.constant 0 : i32
    %dma_wait3A_76 = tpu.memref_slice %arg2[%dma_wait3A_74, %dma_wait3A_75] : memref<12288x128xf32, #tpu.memory_space<hbm>> -> memref<12288x128xf32, #tpu.memory_space<hbm>>
    tpu.wait_indirect_dma semaphore(%arg14 : memref<!tpu.dma_semaphore, #tpu.memory_space<semaphore_mem>>) src(%dma_wait3A_76 : memref<12288x128xf32, #tpu.memory_space<hbm>>) dst(%arg10 : memref<64x128xf32, #tpu.memory_space<vmem>>)
    %barrier3A_77 = arith.constant 0 : index
    tpu.barrier barrier_id(%barrier3A_77)
    %mul3A_78 = arith.constant 640 : i32
    %mul3A_79 = arith.muli %arg1, %mul3A_78 : i32
    %mul3A_80 = arith.constant 640 : i32
    %mul3A_81 = arith.muli %arg1, %mul3A_80 : i32
    "tpu.region"() ({
      %run_scoped3A = tpu.sem_alloc : memref<!tpu.dma_semaphore, #tpu.memory_space<semaphore_mem>>
      %dma_start3A_82 = arith.constant 0 : i32
      %dma_start3A_83 = tpu.memref_slice %arg6[%arg0, %mul3A_81, %dma_start3A_82] : memref<2x10240x128xf32, #tpu.memory_space<hbm>> -> memref<1x640x128xf32, #tpu.memory_space<hbm>>
      %dma_start3A_84 = tpu.memref_squeeze %dma_start3A_83 : memref<1x640x128xf32, #tpu.memory_space<hbm>> -> memref<640x128xf32, #tpu.memory_space<hbm>>
      %dma_start3A_85 = arith.constant 0 : i32
      %dma_start3A_86 = tpu.memref_slice %arg12[%mul3A_79, %dma_start3A_85] : memref<10240x128xf32, #tpu.memory_space<vmem_shared>> -> memref<640x128xf32, #tpu.memory_space<vmem_shared>>
      tpu.enqueue_dma source(%dma_start3A_86 : memref<640x128xf32, #tpu.memory_space<vmem_shared>>) target(%dma_start3A_84 : memref<640x128xf32, #tpu.memory_space<hbm>>) target_semaphore(%run_scoped3A : memref<!tpu.dma_semaphore, #tpu.memory_space<semaphore_mem>>)
      %dma_wait3A_87 = arith.constant 0 : i32
      %dma_wait3A_88 = tpu.memref_slice %arg6[%arg0, %mul3A_81, %dma_wait3A_87] : memref<2x10240x128xf32, #tpu.memory_space<hbm>> -> memref<1x640x128xf32, #tpu.memory_space<hbm>>
      %dma_wait3A_89 = tpu.memref_squeeze %dma_wait3A_88 : memref<1x640x128xf32, #tpu.memory_space<hbm>> -> memref<640x128xf32, #tpu.memory_space<hbm>>
      %dma_wait3A_90 = arith.constant 0 : i32
      %dma_wait3A_91 = tpu.memref_slice %arg12[%mul3A_79, %dma_wait3A_90] : memref<10240x128xf32, #tpu.memory_space<vmem_shared>> -> memref<640x128xf32, #tpu.memory_space<vmem_shared>>
      tpu.wait_dma2 semaphore(%run_scoped3A : memref<!tpu.dma_semaphore, #tpu.memory_space<semaphore_mem>>) src(%dma_wait3A_91 : memref<640x128xf32, #tpu.memory_space<vmem_shared>>) dst(%dma_wait3A_89 : memref<640x128xf32, #tpu.memory_space<hbm>>)
      tpu.yield
    }) : () -> ()
    return
  }
}

#map = affine_map<(d0, d1) -> (0, 0)>
#map1 = affine_map<(d0, d1) -> (0, 0, 0)>
module attributes {stable_mosaic.version = 14 : i64} {
  func.func @kern(%arg0: i32, %arg1: i32, %arg2: memref<10240x128xf32, #tpu.memory_space<hbm>>, %arg3: memref<32x161x64xi32, #tpu.memory_space<hbm>>, %arg4: memref<32x159x64xi32, #tpu.memory_space<hbm>>, %arg5: memref<2x10240x128xf32, #tpu.memory_space<hbm>>, %arg6: memref<2x10240x128xf32, #tpu.memory_space<hbm>>, %arg7: memref<161x64xi32, #tpu.memory_space<vmem>>, %arg8: memref<159x64xi32, #tpu.memory_space<vmem>>, %arg9: memref<64x128xf32, #tpu.memory_space<vmem>>, %arg10: memref<64x128xf32, #tpu.memory_space<vmem>>, %arg11: memref<64x128xf32, #tpu.memory_space<vmem>>, %arg12: memref<10240x128xf32, #tpu.memory_space<vmem_shared>>, %arg13: memref<!tpu.dma_semaphore, #tpu.memory_space<semaphore_mem>>, %arg14: memref<!tpu.dma_semaphore, #tpu.memory_space<semaphore_mem>>, %arg15: memref<!tpu.dma_semaphore, #tpu.memory_space<semaphore_mem>>) attributes {dimension_semantics = [#tpu.dimension_semantics<core_parallel>, #tpu.dimension_semantics<subcore_parallel>], iteration_bounds = array<i64: 2, 16>, scalar_prefetch = 0 : i64, scratch_operands = 9 : i64, tpu.core_type = #tpu.core_type<sc_vector_subcore>, window_params = [{transform_indices = #map}, {transform_indices = #map1}, {transform_indices = #map1}, {transform_indices = #map1}, {transform_indices = #map1}]} {
    %mul3A = arith.constant 16 : i32
    %mul3A_0 = arith.muli %arg0, %mul3A : i32
    %add3A = arith.addi %mul3A_0, %arg1 : i32
    %broadcast_in_dim3A = arith.constant 0.000000e+00 : f32
    %broadcast_in_dim3A_1 = vector.broadcast %broadcast_in_dim3A : f32 to vector<16xf32>
    %scan3A = arith.constant 0 : i32
    %scan3A_2 = arith.constant 64 : i32
    %scan3A_3 = arith.addi %scan3A, %scan3A_2 : i32
    %scan3A_4 = arith.constant 1 : i32
    scf.for %scan3A_82 = %scan3A to %scan3A_3 step %scan3A_4  : i32 {
      %mul3A_83 = arith.constant 1 : i32
      %mul3A_84 = arith.muli %scan3A_82, %mul3A_83 : i32
      %add3A_85 = arith.constant 0 : i32
      %add3A_86 = arith.addi %add3A_85, %mul3A_84 : i32
      %swap3A = arith.index_cast %add3A_86 : i32 to index
      %swap3A_87 = arith.constant 0 : index
      %swap3A_88 = tpu.vector_load %arg9[%swap3A, %swap3A_87] {strides = array<i32>} : memref<64x128xf32, #tpu.memory_space<vmem>>, vector<1x16xf32>,
      %swap3A_89 = vector.shape_cast %swap3A_88 : vector<1x16xf32> to vector<16xf32>
      %swap3A_90 = vector.shape_cast %broadcast_in_dim3A_1 : vector<16xf32> to vector<1x16xf32>
      tpu.vector_store %arg9[%swap3A, %swap3A_87], %swap3A_90 {strides = array<i32>} : memref<64x128xf32, #tpu.memory_space<vmem>>, vector<1x16xf32>,
      %swap3A_91 = arith.index_cast %add3A_86 : i32 to index
      %swap3A_92 = arith.constant 16 : index
      %swap3A_93 = tpu.vector_load %arg9[%swap3A_91, %swap3A_92] {strides = array<i32>} : memref<64x128xf32, #tpu.memory_space<vmem>>, vector<1x16xf32>,
      %swap3A_94 = vector.shape_cast %swap3A_93 : vector<1x16xf32> to vector<16xf32>
      %swap3A_95 = vector.shape_cast %broadcast_in_dim3A_1 : vector<16xf32> to vector<1x16xf32>
      tpu.vector_store %arg9[%swap3A_91, %swap3A_92], %swap3A_95 {strides = array<i32>} : memref<64x128xf32, #tpu.memory_space<vmem>>, vector<1x16xf32>,
      %swap3A_96 = arith.index_cast %add3A_86 : i32 to index
      %swap3A_97 = arith.constant 32 : index
      %swap3A_98 = tpu.vector_load %arg9[%swap3A_96, %swap3A_97] {strides = array<i32>} : memref<64x128xf32, #tpu.memory_space<vmem>>, vector<1x16xf32>,
      %swap3A_99 = vector.shape_cast %swap3A_98 : vector<1x16xf32> to vector<16xf32>
      %swap3A_100 = vector.shape_cast %broadcast_in_dim3A_1 : vector<16xf32> to vector<1x16xf32>
      tpu.vector_store %arg9[%swap3A_96, %swap3A_97], %swap3A_100 {strides = array<i32>} : memref<64x128xf32, #tpu.memory_space<vmem>>, vector<1x16xf32>,
      %swap3A_101 = arith.index_cast %add3A_86 : i32 to index
      %swap3A_102 = arith.constant 48 : index
      %swap3A_103 = tpu.vector_load %arg9[%swap3A_101, %swap3A_102] {strides = array<i32>} : memref<64x128xf32, #tpu.memory_space<vmem>>, vector<1x16xf32>,
      %swap3A_104 = vector.shape_cast %swap3A_103 : vector<1x16xf32> to vector<16xf32>
      %swap3A_105 = vector.shape_cast %broadcast_in_dim3A_1 : vector<16xf32> to vector<1x16xf32>
      tpu.vector_store %arg9[%swap3A_101, %swap3A_102], %swap3A_105 {strides = array<i32>} : memref<64x128xf32, #tpu.memory_space<vmem>>, vector<1x16xf32>,
      %swap3A_106 = arith.index_cast %add3A_86 : i32 to index
      %swap3A_107 = arith.constant 64 : index
      %swap3A_108 = tpu.vector_load %arg9[%swap3A_106, %swap3A_107] {strides = array<i32>} : memref<64x128xf32, #tpu.memory_space<vmem>>, vector<1x16xf32>,
      %swap3A_109 = vector.shape_cast %swap3A_108 : vector<1x16xf32> to vector<16xf32>
      %swap3A_110 = vector.shape_cast %broadcast_in_dim3A_1 : vector<16xf32> to vector<1x16xf32>
      tpu.vector_store %arg9[%swap3A_106, %swap3A_107], %swap3A_110 {strides = array<i32>} : memref<64x128xf32, #tpu.memory_space<vmem>>, vector<1x16xf32>,
      %swap3A_111 = arith.index_cast %add3A_86 : i32 to index
      %swap3A_112 = arith.constant 80 : index
      %swap3A_113 = tpu.vector_load %arg9[%swap3A_111, %swap3A_112] {strides = array<i32>} : memref<64x128xf32, #tpu.memory_space<vmem>>, vector<1x16xf32>,
      %swap3A_114 = vector.shape_cast %swap3A_113 : vector<1x16xf32> to vector<16xf32>
      %swap3A_115 = vector.shape_cast %broadcast_in_dim3A_1 : vector<16xf32> to vector<1x16xf32>
      tpu.vector_store %arg9[%swap3A_111, %swap3A_112], %swap3A_115 {strides = array<i32>} : memref<64x128xf32, #tpu.memory_space<vmem>>, vector<1x16xf32>,
      %swap3A_116 = arith.index_cast %add3A_86 : i32 to index
      %swap3A_117 = arith.constant 96 : index
      %swap3A_118 = tpu.vector_load %arg9[%swap3A_116, %swap3A_117] {strides = array<i32>} : memref<64x128xf32, #tpu.memory_space<vmem>>, vector<1x16xf32>,
      %swap3A_119 = vector.shape_cast %swap3A_118 : vector<1x16xf32> to vector<16xf32>
      %swap3A_120 = vector.shape_cast %broadcast_in_dim3A_1 : vector<16xf32> to vector<1x16xf32>
      tpu.vector_store %arg9[%swap3A_116, %swap3A_117], %swap3A_120 {strides = array<i32>} : memref<64x128xf32, #tpu.memory_space<vmem>>, vector<1x16xf32>,
      %swap3A_121 = arith.index_cast %add3A_86 : i32 to index
      %swap3A_122 = arith.constant 112 : index
      %swap3A_123 = tpu.vector_load %arg9[%swap3A_121, %swap3A_122] {strides = array<i32>} : memref<64x128xf32, #tpu.memory_space<vmem>>, vector<1x16xf32>,
      %swap3A_124 = vector.shape_cast %swap3A_123 : vector<1x16xf32> to vector<16xf32>
      %swap3A_125 = vector.shape_cast %broadcast_in_dim3A_1 : vector<16xf32> to vector<1x16xf32>
      tpu.vector_store %arg9[%swap3A_121, %swap3A_122], %swap3A_125 {strides = array<i32>} : memref<64x128xf32, #tpu.memory_space<vmem>>, vector<1x16xf32>,
    }
    %scan3A_5 = arith.constant 64 : i32
    %mul3A_6 = arith.constant 640 : i32
    %mul3A_7 = arith.muli %arg1, %mul3A_6 : i32
    %add3A_8 = arith.constant 0 : i32
    %add3A_9 = arith.addi %mul3A_7, %add3A_8 : i32
    "tpu.region"() ({
      %run_scoped3A = tpu.sem_alloc : memref<!tpu.dma_semaphore, #tpu.memory_space<semaphore_mem>>
      %dma_start3A_82 = arith.constant 0 : i32
      %dma_start3A_83 = tpu.memref_slice %arg12[%add3A_9, %dma_start3A_82] : memref<10240x128xf32, #tpu.memory_space<vmem_shared>> -> memref<64x128xf32, #tpu.memory_space<vmem_shared>>
      %dma_start3A_84 = arith.constant 0 : i32
      %dma_start3A_85 = tpu.memref_slice %arg12[%add3A_9, %dma_start3A_84] : memref<10240x128xf32, #tpu.memory_space<vmem_shared>> -> memref<64x128xf32, #tpu.memory_space<vmem_shared>>
      tpu.enqueue_dma source(%arg9 : memref<64x128xf32, #tpu.memory_space<vmem>>) target(%dma_start3A_85 : memref<64x128xf32, #tpu.memory_space<vmem_shared>>) target_semaphore(%run_scoped3A : memref<!tpu.dma_semaphore, #tpu.memory_space<semaphore_mem>>)
      %dma_wait3A_86 = arith.constant 0 : i32
      %dma_wait3A_87 = tpu.memref_slice %arg12[%add3A_9, %dma_wait3A_86] : memref<10240x128xf32, #tpu.memory_space<vmem_shared>> -> memref<64x128xf32, #tpu.memory_space<vmem_shared>>
      %dma_wait3A_88 = arith.constant 0 : i32
      %dma_wait3A_89 = tpu.memref_slice %arg12[%add3A_9, %dma_wait3A_88] : memref<10240x128xf32, #tpu.memory_space<vmem_shared>> -> memref<64x128xf32, #tpu.memory_space<vmem_shared>>
      tpu.wait_dma2 semaphore(%run_scoped3A : memref<!tpu.dma_semaphore, #tpu.memory_space<semaphore_mem>>) src(%arg9 : memref<64x128xf32, #tpu.memory_space<vmem>>) dst(%dma_wait3A_89 : memref<64x128xf32, #tpu.memory_space<vmem_shared>>)
      tpu.yield
    }) : () -> ()
    %mul3A_10 = arith.constant 640 : i32
    %mul3A_11 = arith.muli %arg1, %mul3A_10 : i32
    %add3A_12 = arith.constant 64 : i32
    %add3A_13 = arith.addi %mul3A_11, %add3A_12 : i32
    "tpu.region"() ({
      %run_scoped3A = tpu.sem_alloc : memref<!tpu.dma_semaphore, #tpu.memory_space<semaphore_mem>>
      %dma_start3A_82 = arith.constant 0 : i32
      %dma_start3A_83 = tpu.memref_slice %arg12[%add3A_13, %dma_start3A_82] : memref<10240x128xf32, #tpu.memory_space<vmem_shared>> -> memref<64x128xf32, #tpu.memory_space<vmem_shared>>
      %dma_start3A_84 = arith.constant 0 : i32
      %dma_start3A_85 = tpu.memref_slice %arg12[%add3A_13, %dma_start3A_84] : memref<10240x128xf32, #tpu.memory_space<vmem_shared>> -> memref<64x128xf32, #tpu.memory_space<vmem_shared>>
      tpu.enqueue_dma source(%arg9 : memref<64x128xf32, #tpu.memory_space<vmem>>) target(%dma_start3A_85 : memref<64x128xf32, #tpu.memory_space<vmem_shared>>) target_semaphore(%run_scoped3A : memref<!tpu.dma_semaphore, #tpu.memory_space<semaphore_mem>>)
      %dma_wait3A_86 = arith.constant 0 : i32
      %dma_wait3A_87 = tpu.memref_slice %arg12[%add3A_13, %dma_wait3A_86] : memref<10240x128xf32, #tpu.memory_space<vmem_shared>> -> memref<64x128xf32, #tpu.memory_space<vmem_shared>>
      %dma_wait3A_88 = arith.constant 0 : i32
      %dma_wait3A_89 = tpu.memref_slice %arg12[%add3A_13, %dma_wait3A_88] : memref<10240x128xf32, #tpu.memory_space<vmem_shared>> -> memref<64x128xf32, #tpu.memory_space<vmem_shared>>
      tpu.wait_dma2 semaphore(%run_scoped3A : memref<!tpu.dma_semaphore, #tpu.memory_space<semaphore_mem>>) src(%arg9 : memref<64x128xf32, #tpu.memory_space<vmem>>) dst(%dma_wait3A_89 : memref<64x128xf32, #tpu.memory_space<vmem_shared>>)
      tpu.yield
    }) : () -> ()
    %mul3A_14 = arith.constant 640 : i32
    %mul3A_15 = arith.muli %arg1, %mul3A_14 : i32
    %add3A_16 = arith.constant 128 : i32
    %add3A_17 = arith.addi %mul3A_15, %add3A_16 : i32
    "tpu.region"() ({
      %run_scoped3A = tpu.sem_alloc : memref<!tpu.dma_semaphore, #tpu.memory_space<semaphore_mem>>
      %dma_start3A_82 = arith.constant 0 : i32
      %dma_start3A_83 = tpu.memref_slice %arg12[%add3A_17, %dma_start3A_82] : memref<10240x128xf32, #tpu.memory_space<vmem_shared>> -> memref<64x128xf32, #tpu.memory_space<vmem_shared>>
      %dma_start3A_84 = arith.constant 0 : i32
      %dma_start3A_85 = tpu.memref_slice %arg12[%add3A_17, %dma_start3A_84] : memref<10240x128xf32, #tpu.memory_space<vmem_shared>> -> memref<64x128xf32, #tpu.memory_space<vmem_shared>>
      tpu.enqueue_dma source(%arg9 : memref<64x128xf32, #tpu.memory_space<vmem>>) target(%dma_start3A_85 : memref<64x128xf32, #tpu.memory_space<vmem_shared>>) target_semaphore(%run_scoped3A : memref<!tpu.dma_semaphore, #tpu.memory_space<semaphore_mem>>)
      %dma_wait3A_86 = arith.constant 0 : i32
      %dma_wait3A_87 = tpu.memref_slice %arg12[%add3A_17, %dma_wait3A_86] : memref<10240x128xf32, #tpu.memory_space<vmem_shared>> -> memref<64x128xf32, #tpu.memory_space<vmem_shared>>
      %dma_wait3A_88 = arith.constant 0 : i32
      %dma_wait3A_89 = tpu.memref_slice %arg12[%add3A_17, %dma_wait3A_88] : memref<10240x128xf32, #tpu.memory_space<vmem_shared>> -> memref<64x128xf32, #tpu.memory_space<vmem_shared>>
      tpu.wait_dma2 semaphore(%run_scoped3A : memref<!tpu.dma_semaphore, #tpu.memory_space<semaphore_mem>>) src(%arg9 : memref<64x128xf32, #tpu.memory_space<vmem>>) dst(%dma_wait3A_89 : memref<64x128xf32, #tpu.memory_space<vmem_shared>>)
      tpu.yield
    }) : () -> ()
    %mul3A_18 = arith.constant 640 : i32
    %mul3A_19 = arith.muli %arg1, %mul3A_18 : i32
    %add3A_20 = arith.constant 192 : i32
    %add3A_21 = arith.addi %mul3A_19, %add3A_20 : i32
    "tpu.region"() ({
      %run_scoped3A = tpu.sem_alloc : memref<!tpu.dma_semaphore, #tpu.memory_space<semaphore_mem>>
      %dma_start3A_82 = arith.constant 0 : i32
      %dma_start3A_83 = tpu.memref_slice %arg12[%add3A_21, %dma_start3A_82] : memref<10240x128xf32, #tpu.memory_space<vmem_shared>> -> memref<64x128xf32, #tpu.memory_space<vmem_shared>>
      %dma_start3A_84 = arith.constant 0 : i32
      %dma_start3A_85 = tpu.memref_slice %arg12[%add3A_21, %dma_start3A_84] : memref<10240x128xf32, #tpu.memory_space<vmem_shared>> -> memref<64x128xf32, #tpu.memory_space<vmem_shared>>
      tpu.enqueue_dma source(%arg9 : memref<64x128xf32, #tpu.memory_space<vmem>>) target(%dma_start3A_85 : memref<64x128xf32, #tpu.memory_space<vmem_shared>>) target_semaphore(%run_scoped3A : memref<!tpu.dma_semaphore, #tpu.memory_space<semaphore_mem>>)
      %dma_wait3A_86 = arith.constant 0 : i32
      %dma_wait3A_87 = tpu.memref_slice %arg12[%add3A_21, %dma_wait3A_86] : memref<10240x128xf32, #tpu.memory_space<vmem_shared>> -> memref<64x128xf32, #tpu.memory_space<vmem_shared>>
      %dma_wait3A_88 = arith.constant 0 : i32
      %dma_wait3A_89 = tpu.memref_slice %arg12[%add3A_21, %dma_wait3A_88] : memref<10240x128xf32, #tpu.memory_space<vmem_shared>> -> memref<64x128xf32, #tpu.memory_space<vmem_shared>>
      tpu.wait_dma2 semaphore(%run_scoped3A : memref<!tpu.dma_semaphore, #tpu.memory_space<semaphore_mem>>) src(%arg9 : memref<64x128xf32, #tpu.memory_space<vmem>>) dst(%dma_wait3A_89 : memref<64x128xf32, #tpu.memory_space<vmem_shared>>)
      tpu.yield
    }) : () -> ()
    %mul3A_22 = arith.constant 640 : i32
    %mul3A_23 = arith.muli %arg1, %mul3A_22 : i32
    %add3A_24 = arith.constant 256 : i32
    %add3A_25 = arith.addi %mul3A_23, %add3A_24 : i32
    "tpu.region"() ({
      %run_scoped3A = tpu.sem_alloc : memref<!tpu.dma_semaphore, #tpu.memory_space<semaphore_mem>>
      %dma_start3A_82 = arith.constant 0 : i32
      %dma_start3A_83 = tpu.memref_slice %arg12[%add3A_25, %dma_start3A_82] : memref<10240x128xf32, #tpu.memory_space<vmem_shared>> -> memref<64x128xf32, #tpu.memory_space<vmem_shared>>
      %dma_start3A_84 = arith.constant 0 : i32
      %dma_start3A_85 = tpu.memref_slice %arg12[%add3A_25, %dma_start3A_84] : memref<10240x128xf32, #tpu.memory_space<vmem_shared>> -> memref<64x128xf32, #tpu.memory_space<vmem_shared>>
      tpu.enqueue_dma source(%arg9 : memref<64x128xf32, #tpu.memory_space<vmem>>) target(%dma_start3A_85 : memref<64x128xf32, #tpu.memory_space<vmem_shared>>) target_semaphore(%run_scoped3A : memref<!tpu.dma_semaphore, #tpu.memory_space<semaphore_mem>>)
      %dma_wait3A_86 = arith.constant 0 : i32
      %dma_wait3A_87 = tpu.memref_slice %arg12[%add3A_25, %dma_wait3A_86] : memref<10240x128xf32, #tpu.memory_space<vmem_shared>> -> memref<64x128xf32, #tpu.memory_space<vmem_shared>>
      %dma_wait3A_88 = arith.constant 0 : i32
      %dma_wait3A_89 = tpu.memref_slice %arg12[%add3A_25, %dma_wait3A_88] : memref<10240x128xf32, #tpu.memory_space<vmem_shared>> -> memref<64x128xf32, #tpu.memory_space<vmem_shared>>
      tpu.wait_dma2 semaphore(%run_scoped3A : memref<!tpu.dma_semaphore, #tpu.memory_space<semaphore_mem>>) src(%arg9 : memref<64x128xf32, #tpu.memory_space<vmem>>) dst(%dma_wait3A_89 : memref<64x128xf32, #tpu.memory_space<vmem_shared>>)
      tpu.yield
    }) : () -> ()
    %mul3A_26 = arith.constant 640 : i32
    %mul3A_27 = arith.muli %arg1, %mul3A_26 : i32
    %add3A_28 = arith.constant 320 : i32
    %add3A_29 = arith.addi %mul3A_27, %add3A_28 : i32
    "tpu.region"() ({
      %run_scoped3A = tpu.sem_alloc : memref<!tpu.dma_semaphore, #tpu.memory_space<semaphore_mem>>
      %dma_start3A_82 = arith.constant 0 : i32
      %dma_start3A_83 = tpu.memref_slice %arg12[%add3A_29, %dma_start3A_82] : memref<10240x128xf32, #tpu.memory_space<vmem_shared>> -> memref<64x128xf32, #tpu.memory_space<vmem_shared>>
      %dma_start3A_84 = arith.constant 0 : i32
      %dma_start3A_85 = tpu.memref_slice %arg12[%add3A_29, %dma_start3A_84] : memref<10240x128xf32, #tpu.memory_space<vmem_shared>> -> memref<64x128xf32, #tpu.memory_space<vmem_shared>>
      tpu.enqueue_dma source(%arg9 : memref<64x128xf32, #tpu.memory_space<vmem>>) target(%dma_start3A_85 : memref<64x128xf32, #tpu.memory_space<vmem_shared>>) target_semaphore(%run_scoped3A : memref<!tpu.dma_semaphore, #tpu.memory_space<semaphore_mem>>)
      %dma_wait3A_86 = arith.constant 0 : i32
      %dma_wait3A_87 = tpu.memref_slice %arg12[%add3A_29, %dma_wait3A_86] : memref<10240x128xf32, #tpu.memory_space<vmem_shared>> -> memref<64x128xf32, #tpu.memory_space<vmem_shared>>
      %dma_wait3A_88 = arith.constant 0 : i32
      %dma_wait3A_89 = tpu.memref_slice %arg12[%add3A_29, %dma_wait3A_88] : memref<10240x128xf32, #tpu.memory_space<vmem_shared>> -> memref<64x128xf32, #tpu.memory_space<vmem_shared>>
      tpu.wait_dma2 semaphore(%run_scoped3A : memref<!tpu.dma_semaphore, #tpu.memory_space<semaphore_mem>>) src(%arg9 : memref<64x128xf32, #tpu.memory_space<vmem>>) dst(%dma_wait3A_89 : memref<64x128xf32, #tpu.memory_space<vmem_shared>>)
      tpu.yield
    }) : () -> ()
    %mul3A_30 = arith.constant 640 : i32
    %mul3A_31 = arith.muli %arg1, %mul3A_30 : i32
    %add3A_32 = arith.constant 384 : i32
    %add3A_33 = arith.addi %mul3A_31, %add3A_32 : i32
    "tpu.region"() ({
      %run_scoped3A = tpu.sem_alloc : memref<!tpu.dma_semaphore, #tpu.memory_space<semaphore_mem>>
      %dma_start3A_82 = arith.constant 0 : i32
      %dma_start3A_83 = tpu.memref_slice %arg12[%add3A_33, %dma_start3A_82] : memref<10240x128xf32, #tpu.memory_space<vmem_shared>> -> memref<64x128xf32, #tpu.memory_space<vmem_shared>>
      %dma_start3A_84 = arith.constant 0 : i32
      %dma_start3A_85 = tpu.memref_slice %arg12[%add3A_33, %dma_start3A_84] : memref<10240x128xf32, #tpu.memory_space<vmem_shared>> -> memref<64x128xf32, #tpu.memory_space<vmem_shared>>
      tpu.enqueue_dma source(%arg9 : memref<64x128xf32, #tpu.memory_space<vmem>>) target(%dma_start3A_85 : memref<64x128xf32, #tpu.memory_space<vmem_shared>>) target_semaphore(%run_scoped3A : memref<!tpu.dma_semaphore, #tpu.memory_space<semaphore_mem>>)
      %dma_wait3A_86 = arith.constant 0 : i32
      %dma_wait3A_87 = tpu.memref_slice %arg12[%add3A_33, %dma_wait3A_86] : memref<10240x128xf32, #tpu.memory_space<vmem_shared>> -> memref<64x128xf32, #tpu.memory_space<vmem_shared>>
      %dma_wait3A_88 = arith.constant 0 : i32
      %dma_wait3A_89 = tpu.memref_slice %arg12[%add3A_33, %dma_wait3A_88] : memref<10240x128xf32, #tpu.memory_space<vmem_shared>> -> memref<64x128xf32, #tpu.memory_space<vmem_shared>>
      tpu.wait_dma2 semaphore(%run_scoped3A : memref<!tpu.dma_semaphore, #tpu.memory_space<semaphore_mem>>) src(%arg9 : memref<64x128xf32, #tpu.memory_space<vmem>>) dst(%dma_wait3A_89 : memref<64x128xf32, #tpu.memory_space<vmem_shared>>)
      tpu.yield
    }) : () -> ()
    %mul3A_34 = arith.constant 640 : i32
    %mul3A_35 = arith.muli %arg1, %mul3A_34 : i32
    %add3A_36 = arith.constant 448 : i32
    %add3A_37 = arith.addi %mul3A_35, %add3A_36 : i32
    "tpu.region"() ({
      %run_scoped3A = tpu.sem_alloc : memref<!tpu.dma_semaphore, #tpu.memory_space<semaphore_mem>>
      %dma_start3A_82 = arith.constant 0 : i32
      %dma_start3A_83 = tpu.memref_slice %arg12[%add3A_37, %dma_start3A_82] : memref<10240x128xf32, #tpu.memory_space<vmem_shared>> -> memref<64x128xf32, #tpu.memory_space<vmem_shared>>
      %dma_start3A_84 = arith.constant 0 : i32
      %dma_start3A_85 = tpu.memref_slice %arg12[%add3A_37, %dma_start3A_84] : memref<10240x128xf32, #tpu.memory_space<vmem_shared>> -> memref<64x128xf32, #tpu.memory_space<vmem_shared>>
      tpu.enqueue_dma source(%arg9 : memref<64x128xf32, #tpu.memory_space<vmem>>) target(%dma_start3A_85 : memref<64x128xf32, #tpu.memory_space<vmem_shared>>) target_semaphore(%run_scoped3A : memref<!tpu.dma_semaphore, #tpu.memory_space<semaphore_mem>>)
      %dma_wait3A_86 = arith.constant 0 : i32
      %dma_wait3A_87 = tpu.memref_slice %arg12[%add3A_37, %dma_wait3A_86] : memref<10240x128xf32, #tpu.memory_space<vmem_shared>> -> memref<64x128xf32, #tpu.memory_space<vmem_shared>>
      %dma_wait3A_88 = arith.constant 0 : i32
      %dma_wait3A_89 = tpu.memref_slice %arg12[%add3A_37, %dma_wait3A_88] : memref<10240x128xf32, #tpu.memory_space<vmem_shared>> -> memref<64x128xf32, #tpu.memory_space<vmem_shared>>
      tpu.wait_dma2 semaphore(%run_scoped3A : memref<!tpu.dma_semaphore, #tpu.memory_space<semaphore_mem>>) src(%arg9 : memref<64x128xf32, #tpu.memory_space<vmem>>) dst(%dma_wait3A_89 : memref<64x128xf32, #tpu.memory_space<vmem_shared>>)
      tpu.yield
    }) : () -> ()
    %mul3A_38 = arith.constant 640 : i32
    %mul3A_39 = arith.muli %arg1, %mul3A_38 : i32
    %add3A_40 = arith.constant 512 : i32
    %add3A_41 = arith.addi %mul3A_39, %add3A_40 : i32
    "tpu.region"() ({
      %run_scoped3A = tpu.sem_alloc : memref<!tpu.dma_semaphore, #tpu.memory_space<semaphore_mem>>
      %dma_start3A_82 = arith.constant 0 : i32
      %dma_start3A_83 = tpu.memref_slice %arg12[%add3A_41, %dma_start3A_82] : memref<10240x128xf32, #tpu.memory_space<vmem_shared>> -> memref<64x128xf32, #tpu.memory_space<vmem_shared>>
      %dma_start3A_84 = arith.constant 0 : i32
      %dma_start3A_85 = tpu.memref_slice %arg12[%add3A_41, %dma_start3A_84] : memref<10240x128xf32, #tpu.memory_space<vmem_shared>> -> memref<64x128xf32, #tpu.memory_space<vmem_shared>>
      tpu.enqueue_dma source(%arg9 : memref<64x128xf32, #tpu.memory_space<vmem>>) target(%dma_start3A_85 : memref<64x128xf32, #tpu.memory_space<vmem_shared>>) target_semaphore(%run_scoped3A : memref<!tpu.dma_semaphore, #tpu.memory_space<semaphore_mem>>)
      %dma_wait3A_86 = arith.constant 0 : i32
      %dma_wait3A_87 = tpu.memref_slice %arg12[%add3A_41, %dma_wait3A_86] : memref<10240x128xf32, #tpu.memory_space<vmem_shared>> -> memref<64x128xf32, #tpu.memory_space<vmem_shared>>
      %dma_wait3A_88 = arith.constant 0 : i32
      %dma_wait3A_89 = tpu.memref_slice %arg12[%add3A_41, %dma_wait3A_88] : memref<10240x128xf32, #tpu.memory_space<vmem_shared>> -> memref<64x128xf32, #tpu.memory_space<vmem_shared>>
      tpu.wait_dma2 semaphore(%run_scoped3A : memref<!tpu.dma_semaphore, #tpu.memory_space<semaphore_mem>>) src(%arg9 : memref<64x128xf32, #tpu.memory_space<vmem>>) dst(%dma_wait3A_89 : memref<64x128xf32, #tpu.memory_space<vmem_shared>>)
      tpu.yield
    }) : () -> ()
    %mul3A_42 = arith.constant 640 : i32
    %mul3A_43 = arith.muli %arg1, %mul3A_42 : i32
    %add3A_44 = arith.constant 576 : i32
    %add3A_45 = arith.addi %mul3A_43, %add3A_44 : i32
    "tpu.region"() ({
      %run_scoped3A = tpu.sem_alloc : memref<!tpu.dma_semaphore, #tpu.memory_space<semaphore_mem>>
      %dma_start3A_82 = arith.constant 0 : i32
      %dma_start3A_83 = tpu.memref_slice %arg12[%add3A_45, %dma_start3A_82] : memref<10240x128xf32, #tpu.memory_space<vmem_shared>> -> memref<64x128xf32, #tpu.memory_space<vmem_shared>>
      %dma_start3A_84 = arith.constant 0 : i32
      %dma_start3A_85 = tpu.memref_slice %arg12[%add3A_45, %dma_start3A_84] : memref<10240x128xf32, #tpu.memory_space<vmem_shared>> -> memref<64x128xf32, #tpu.memory_space<vmem_shared>>
      tpu.enqueue_dma source(%arg9 : memref<64x128xf32, #tpu.memory_space<vmem>>) target(%dma_start3A_85 : memref<64x128xf32, #tpu.memory_space<vmem_shared>>) target_semaphore(%run_scoped3A : memref<!tpu.dma_semaphore, #tpu.memory_space<semaphore_mem>>)
      %dma_wait3A_86 = arith.constant 0 : i32
      %dma_wait3A_87 = tpu.memref_slice %arg12[%add3A_45, %dma_wait3A_86] : memref<10240x128xf32, #tpu.memory_space<vmem_shared>> -> memref<64x128xf32, #tpu.memory_space<vmem_shared>>
      %dma_wait3A_88 = arith.constant 0 : i32
      %dma_wait3A_89 = tpu.memref_slice %arg12[%add3A_45, %dma_wait3A_88] : memref<10240x128xf32, #tpu.memory_space<vmem_shared>> -> memref<64x128xf32, #tpu.memory_space<vmem_shared>>
      tpu.wait_dma2 semaphore(%run_scoped3A : memref<!tpu.dma_semaphore, #tpu.memory_space<semaphore_mem>>) src(%arg9 : memref<64x128xf32, #tpu.memory_space<vmem>>) dst(%dma_wait3A_89 : memref<64x128xf32, #tpu.memory_space<vmem_shared>>)
      tpu.yield
    }) : () -> ()
    %barrier3A = arith.constant 0 : index
    tpu.barrier barrier_id(%barrier3A)
    "tpu.region"() ({
      %run_scoped3A = tpu.sem_alloc : memref<!tpu.dma_semaphore, #tpu.memory_space<semaphore_mem>>
      %dma_start3A_82 = arith.constant 0 : i32
      %dma_start3A_83 = arith.constant 0 : i32
      %dma_start3A_84 = tpu.memref_slice %arg3[%add3A, %dma_start3A_82, %dma_start3A_83] : memref<32x161x64xi32, #tpu.memory_space<hbm>> -> memref<1x161x64xi32, #tpu.memory_space<hbm>>
      %dma_start3A_85 = tpu.memref_squeeze %dma_start3A_84 : memref<1x161x64xi32, #tpu.memory_space<hbm>> -> memref<161x64xi32, #tpu.memory_space<hbm>>
      %dma_start3A_86 = arith.constant 0 : i32
      %dma_start3A_87 = arith.constant 0 : i32
      %dma_start3A_88 = tpu.memref_slice %arg3[%add3A, %dma_start3A_86, %dma_start3A_87] : memref<32x161x64xi32, #tpu.memory_space<hbm>> -> memref<1x161x64xi32, #tpu.memory_space<hbm>>
      %dma_start3A_89 = tpu.memref_squeeze %dma_start3A_88 : memref<1x161x64xi32, #tpu.memory_space<hbm>> -> memref<161x64xi32, #tpu.memory_space<hbm>>
      tpu.enqueue_dma source(%dma_start3A_89 : memref<161x64xi32, #tpu.memory_space<hbm>>) target(%arg7 : memref<161x64xi32, #tpu.memory_space<vmem>>) target_semaphore(%run_scoped3A : memref<!tpu.dma_semaphore, #tpu.memory_space<semaphore_mem>>)
      %dma_wait3A_90 = arith.constant 0 : i32
      %dma_wait3A_91 = arith.constant 0 : i32
      %dma_wait3A_92 = tpu.memref_slice %arg3[%add3A, %dma_wait3A_90, %dma_wait3A_91] : memref<32x161x64xi32, #tpu.memory_space<hbm>> -> memref<1x161x64xi32, #tpu.memory_space<hbm>>
      %dma_wait3A_93 = tpu.memref_squeeze %dma_wait3A_92 : memref<1x161x64xi32, #tpu.memory_space<hbm>> -> memref<161x64xi32, #tpu.memory_space<hbm>>
      %dma_wait3A_94 = arith.constant 0 : i32
      %dma_wait3A_95 = arith.constant 0 : i32
      %dma_wait3A_96 = tpu.memref_slice %arg3[%add3A, %dma_wait3A_94, %dma_wait3A_95] : memref<32x161x64xi32, #tpu.memory_space<hbm>> -> memref<1x161x64xi32, #tpu.memory_space<hbm>>
      %dma_wait3A_97 = tpu.memref_squeeze %dma_wait3A_96 : memref<1x161x64xi32, #tpu.memory_space<hbm>> -> memref<161x64xi32, #tpu.memory_space<hbm>>
      tpu.wait_dma2 semaphore(%run_scoped3A : memref<!tpu.dma_semaphore, #tpu.memory_space<semaphore_mem>>) src(%dma_wait3A_97 : memref<161x64xi32, #tpu.memory_space<hbm>>) dst(%arg7 : memref<161x64xi32, #tpu.memory_space<vmem>>)
      tpu.yield
    }) : () -> ()
    "tpu.region"() ({
      %run_scoped3A = tpu.sem_alloc : memref<!tpu.dma_semaphore, #tpu.memory_space<semaphore_mem>>
      %dma_start3A_82 = arith.constant 0 : i32
      %dma_start3A_83 = arith.constant 0 : i32
      %dma_start3A_84 = tpu.memref_slice %arg4[%add3A, %dma_start3A_82, %dma_start3A_83] : memref<32x159x64xi32, #tpu.memory_space<hbm>> -> memref<1x159x64xi32, #tpu.memory_space<hbm>>
      %dma_start3A_85 = tpu.memref_squeeze %dma_start3A_84 : memref<1x159x64xi32, #tpu.memory_space<hbm>> -> memref<159x64xi32, #tpu.memory_space<hbm>>
      %dma_start3A_86 = arith.constant 0 : i32
      %dma_start3A_87 = arith.constant 0 : i32
      %dma_start3A_88 = tpu.memref_slice %arg4[%add3A, %dma_start3A_86, %dma_start3A_87] : memref<32x159x64xi32, #tpu.memory_space<hbm>> -> memref<1x159x64xi32, #tpu.memory_space<hbm>>
      %dma_start3A_89 = tpu.memref_squeeze %dma_start3A_88 : memref<1x159x64xi32, #tpu.memory_space<hbm>> -> memref<159x64xi32, #tpu.memory_space<hbm>>
      tpu.enqueue_dma source(%dma_start3A_89 : memref<159x64xi32, #tpu.memory_space<hbm>>) target(%arg8 : memref<159x64xi32, #tpu.memory_space<vmem>>) target_semaphore(%run_scoped3A : memref<!tpu.dma_semaphore, #tpu.memory_space<semaphore_mem>>)
      %dma_wait3A_90 = arith.constant 0 : i32
      %dma_wait3A_91 = arith.constant 0 : i32
      %dma_wait3A_92 = tpu.memref_slice %arg4[%add3A, %dma_wait3A_90, %dma_wait3A_91] : memref<32x159x64xi32, #tpu.memory_space<hbm>> -> memref<1x159x64xi32, #tpu.memory_space<hbm>>
      %dma_wait3A_93 = tpu.memref_squeeze %dma_wait3A_92 : memref<1x159x64xi32, #tpu.memory_space<hbm>> -> memref<159x64xi32, #tpu.memory_space<hbm>>
      %dma_wait3A_94 = arith.constant 0 : i32
      %dma_wait3A_95 = arith.constant 0 : i32
      %dma_wait3A_96 = tpu.memref_slice %arg4[%add3A, %dma_wait3A_94, %dma_wait3A_95] : memref<32x159x64xi32, #tpu.memory_space<hbm>> -> memref<1x159x64xi32, #tpu.memory_space<hbm>>
      %dma_wait3A_97 = tpu.memref_squeeze %dma_wait3A_96 : memref<1x159x64xi32, #tpu.memory_space<hbm>> -> memref<159x64xi32, #tpu.memory_space<hbm>>
      tpu.wait_dma2 semaphore(%run_scoped3A : memref<!tpu.dma_semaphore, #tpu.memory_space<semaphore_mem>>) src(%dma_wait3A_97 : memref<159x64xi32, #tpu.memory_space<hbm>>) dst(%arg8 : memref<159x64xi32, #tpu.memory_space<vmem>>)
      tpu.yield
    }) : () -> ()
    %dma_start3A = arith.constant 0 : i32
    %dma_start3A_46 = arith.constant 0 : i32
    %dma_start3A_47 = tpu.memref_slice %arg7[%dma_start3A, %dma_start3A_46] : memref<161x64xi32, #tpu.memory_space<vmem>> -> memref<1x64xi32, #tpu.memory_space<vmem>>
    %dma_start3A_48 = tpu.memref_squeeze %dma_start3A_47 : memref<1x64xi32, #tpu.memory_space<vmem>> -> memref<64xi32, #tpu.memory_space<vmem>>
    %dma_start3A_49 = arith.constant 0 : i32
    %dma_start3A_50 = arith.constant 0 : i32
    %dma_start3A_51 = tpu.memref_slice %arg2[%dma_start3A_49, %dma_start3A_50] : memref<10240x128xf32, #tpu.memory_space<hbm>> -> memref<10240x128xf32, #tpu.memory_space<hbm>>
    tpu.enqueue_indirect_dma source(%dma_start3A_51 : memref<10240x128xf32, #tpu.memory_space<hbm>>) target(%arg9 : memref<64x128xf32, #tpu.memory_space<vmem>>) offsets(%dma_start3A_48 : memref<64xi32, #tpu.memory_space<vmem>>) semaphore(%arg13 : memref<!tpu.dma_semaphore, #tpu.memory_space<semaphore_mem>>)
    %dma_start3A_52 = arith.constant 1 : i32
    %dma_start3A_53 = arith.constant 0 : i32
    %dma_start3A_54 = tpu.memref_slice %arg7[%dma_start3A_52, %dma_start3A_53] : memref<161x64xi32, #tpu.memory_space<vmem>> -> memref<1x64xi32, #tpu.memory_space<vmem>>
    %dma_start3A_55 = tpu.memref_squeeze %dma_start3A_54 : memref<1x64xi32, #tpu.memory_space<vmem>> -> memref<64xi32, #tpu.memory_space<vmem>>
    %dma_start3A_56 = arith.constant 0 : i32
    %dma_start3A_57 = arith.constant 0 : i32
    %dma_start3A_58 = tpu.memref_slice %arg2[%dma_start3A_56, %dma_start3A_57] : memref<10240x128xf32, #tpu.memory_space<hbm>> -> memref<10240x128xf32, #tpu.memory_space<hbm>>
    tpu.enqueue_indirect_dma source(%dma_start3A_58 : memref<10240x128xf32, #tpu.memory_space<hbm>>) target(%arg10 : memref<64x128xf32, #tpu.memory_space<vmem>>) offsets(%dma_start3A_55 : memref<64xi32, #tpu.memory_space<vmem>>) semaphore(%arg14 : memref<!tpu.dma_semaphore, #tpu.memory_space<semaphore_mem>>)
    %scan3A_59 = arith.constant 0 : i32
    %scan3A_60 = arith.constant 53 : i32
    %scan3A_61 = arith.addi %scan3A_59, %scan3A_60 : i32
    %scan3A_62 = arith.constant 1 : i32
    scf.for %scan3A_82 = %scan3A_59 to %scan3A_61 step %scan3A_62  : i32 {
      %mul3A_83 = arith.constant 3 : i32
      %mul3A_84 = arith.muli %scan3A_82, %mul3A_83 : i32
      %add3A_85 = arith.constant 0 : i32
      %add3A_86 = arith.addi %add3A_85, %mul3A_84 : i32
      %add3A_87 = arith.constant 0 : i32
      %add3A_88 = arith.addi %add3A_86, %add3A_87 : i32
      %add3A_89 = arith.constant 2 : i32
      %add3A_90 = arith.addi %add3A_88, %add3A_89 : i32
      %dma_start3A_91 = arith.constant 0 : i32
      %dma_start3A_92 = tpu.memref_slice %arg7[%add3A_90, %dma_start3A_91] : memref<161x64xi32, #tpu.memory_space<vmem>> -> memref<1x64xi32, #tpu.memory_space<vmem>>
      %dma_start3A_93 = tpu.memref_squeeze %dma_start3A_92 : memref<1x64xi32, #tpu.memory_space<vmem>> -> memref<64xi32, #tpu.memory_space<vmem>>
      %dma_start3A_94 = arith.constant 0 : i32
      %dma_start3A_95 = arith.constant 0 : i32
      %dma_start3A_96 = tpu.memref_slice %arg2[%dma_start3A_94, %dma_start3A_95] : memref<10240x128xf32, #tpu.memory_space<hbm>> -> memref<10240x128xf32, #tpu.memory_space<hbm>>
      tpu.enqueue_indirect_dma source(%dma_start3A_96 : memref<10240x128xf32, #tpu.memory_space<hbm>>) target(%arg11 : memref<64x128xf32, #tpu.memory_space<vmem>>) offsets(%dma_start3A_93 : memref<64xi32, #tpu.memory_space<vmem>>) semaphore(%arg15 : memref<!tpu.dma_semaphore, #tpu.memory_space<semaphore_mem>>)
      %dma_wait3A_97 = arith.constant 0 : i32
      %dma_wait3A_98 = tpu.memref_slice %arg7[%add3A_88, %dma_wait3A_97] : memref<161x64xi32, #tpu.memory_space<vmem>> -> memref<1x64xi32, #tpu.memory_space<vmem>>
      %dma_wait3A_99 = tpu.memref_squeeze %dma_wait3A_98 : memref<1x64xi32, #tpu.memory_space<vmem>> -> memref<64xi32, #tpu.memory_space<vmem>>
      %dma_wait3A_100 = arith.constant 0 : i32
      %dma_wait3A_101 = arith.constant 0 : i32
      %dma_wait3A_102 = tpu.memref_slice %arg2[%dma_wait3A_100, %dma_wait3A_101] : memref<10240x128xf32, #tpu.memory_space<hbm>> -> memref<10240x128xf32, #tpu.memory_space<hbm>>
      tpu.wait_indirect_dma semaphore(%arg13 : memref<!tpu.dma_semaphore, #tpu.memory_space<semaphore_mem>>) src(%dma_wait3A_102 : memref<10240x128xf32, #tpu.memory_space<hbm>>) dst(%arg9 : memref<64x128xf32, #tpu.memory_space<vmem>>)
      "tpu.region"() ({
        %run_scoped3A = tpu.sem_alloc : memref<!tpu.dma_semaphore, #tpu.memory_space<semaphore_mem>>
        %dma_start3A_135 = arith.constant 0 : i32
        %dma_start3A_136 = tpu.memref_slice %arg8[%add3A_88, %dma_start3A_135] : memref<159x64xi32, #tpu.memory_space<vmem>> -> memref<1x64xi32, #tpu.memory_space<vmem>>
        %dma_start3A_137 = tpu.memref_squeeze %dma_start3A_136 : memref<1x64xi32, #tpu.memory_space<vmem>> -> memref<64xi32, #tpu.memory_space<vmem>>
        %dma_start3A_138 = arith.constant 0 : i32
        %dma_start3A_139 = arith.constant 0 : i32
        %dma_start3A_140 = tpu.memref_slice %arg12[%dma_start3A_138, %dma_start3A_139] : memref<10240x128xf32, #tpu.memory_space<vmem_shared>> -> memref<10240x128xf32, #tpu.memory_space<vmem_shared>>
        tpu.enqueue_indirect_dma source(%arg9 : memref<64x128xf32, #tpu.memory_space<vmem>>) target(%dma_start3A_140 : memref<10240x128xf32, #tpu.memory_space<vmem_shared>>) offsets(%dma_start3A_137 : memref<64xi32, #tpu.memory_space<vmem>>) semaphore(%run_scoped3A : memref<!tpu.dma_semaphore, #tpu.memory_space<semaphore_mem>>) {add = true}
        %dma_wait3A_141 = arith.constant 0 : i32
        %dma_wait3A_142 = tpu.memref_slice %arg8[%add3A_88, %dma_wait3A_141] : memref<159x64xi32, #tpu.memory_space<vmem>> -> memref<1x64xi32, #tpu.memory_space<vmem>>
        %dma_wait3A_143 = tpu.memref_squeeze %dma_wait3A_142 : memref<1x64xi32, #tpu.memory_space<vmem>> -> memref<64xi32, #tpu.memory_space<vmem>>
        %dma_wait3A_144 = arith.constant 0 : i32
        %dma_wait3A_145 = arith.constant 0 : i32
        %dma_wait3A_146 = tpu.memref_slice %arg12[%dma_wait3A_144, %dma_wait3A_145] : memref<10240x128xf32, #tpu.memory_space<vmem_shared>> -> memref<10240x128xf32, #tpu.memory_space<vmem_shared>>
        tpu.wait_indirect_dma semaphore(%run_scoped3A : memref<!tpu.dma_semaphore, #tpu.memory_space<semaphore_mem>>) src(%arg9 : memref<64x128xf32, #tpu.memory_space<vmem>>) dst(%dma_wait3A_146 : memref<10240x128xf32, #tpu.memory_space<vmem_shared>>)
        tpu.yield
      }) : () -> ()
      %add3A_103 = arith.constant 1 : i32
      %add3A_104 = arith.addi %add3A_86, %add3A_103 : i32
      %add3A_105 = arith.constant 2 : i32
      %add3A_106 = arith.addi %add3A_104, %add3A_105 : i32
      %dma_start3A_107 = arith.constant 0 : i32
      %dma_start3A_108 = tpu.memref_slice %arg7[%add3A_106, %dma_start3A_107] : memref<161x64xi32, #tpu.memory_space<vmem>> -> memref<1x64xi32, #tpu.memory_space<vmem>>
      %dma_start3A_109 = tpu.memref_squeeze %dma_start3A_108 : memref<1x64xi32, #tpu.memory_space<vmem>> -> memref<64xi32, #tpu.memory_space<vmem>>
      %dma_start3A_110 = arith.constant 0 : i32
      %dma_start3A_111 = arith.constant 0 : i32
      %dma_start3A_112 = tpu.memref_slice %arg2[%dma_start3A_110, %dma_start3A_111] : memref<10240x128xf32, #tpu.memory_space<hbm>> -> memref<10240x128xf32, #tpu.memory_space<hbm>>
      tpu.enqueue_indirect_dma source(%dma_start3A_112 : memref<10240x128xf32, #tpu.memory_space<hbm>>) target(%arg9 : memref<64x128xf32, #tpu.memory_space<vmem>>) offsets(%dma_start3A_109 : memref<64xi32, #tpu.memory_space<vmem>>) semaphore(%arg13 : memref<!tpu.dma_semaphore, #tpu.memory_space<semaphore_mem>>)
      %dma_wait3A_113 = arith.constant 0 : i32
      %dma_wait3A_114 = tpu.memref_slice %arg7[%add3A_104, %dma_wait3A_113] : memref<161x64xi32, #tpu.memory_space<vmem>> -> memref<1x64xi32, #tpu.memory_space<vmem>>
      %dma_wait3A_115 = tpu.memref_squeeze %dma_wait3A_114 : memref<1x64xi32, #tpu.memory_space<vmem>> -> memref<64xi32, #tpu.memory_space<vmem>>
      %dma_wait3A_116 = arith.constant 0 : i32
      %dma_wait3A_117 = arith.constant 0 : i32
      %dma_wait3A_118 = tpu.memref_slice %arg2[%dma_wait3A_116, %dma_wait3A_117] : memref<10240x128xf32, #tpu.memory_space<hbm>> -> memref<10240x128xf32, #tpu.memory_space<hbm>>
      tpu.wait_indirect_dma semaphore(%arg14 : memref<!tpu.dma_semaphore, #tpu.memory_space<semaphore_mem>>) src(%dma_wait3A_118 : memref<10240x128xf32, #tpu.memory_space<hbm>>) dst(%arg10 : memref<64x128xf32, #tpu.memory_space<vmem>>)
      "tpu.region"() ({
        %run_scoped3A = tpu.sem_alloc : memref<!tpu.dma_semaphore, #tpu.memory_space<semaphore_mem>>
        %dma_start3A_135 = arith.constant 0 : i32
        %dma_start3A_136 = tpu.memref_slice %arg8[%add3A_104, %dma_start3A_135] : memref<159x64xi32, #tpu.memory_space<vmem>> -> memref<1x64xi32, #tpu.memory_space<vmem>>
        %dma_start3A_137 = tpu.memref_squeeze %dma_start3A_136 : memref<1x64xi32, #tpu.memory_space<vmem>> -> memref<64xi32, #tpu.memory_space<vmem>>
        %dma_start3A_138 = arith.constant 0 : i32
        %dma_start3A_139 = arith.constant 0 : i32
        %dma_start3A_140 = tpu.memref_slice %arg12[%dma_start3A_138, %dma_start3A_139] : memref<10240x128xf32, #tpu.memory_space<vmem_shared>> -> memref<10240x128xf32, #tpu.memory_space<vmem_shared>>
        tpu.enqueue_indirect_dma source(%arg10 : memref<64x128xf32, #tpu.memory_space<vmem>>) target(%dma_start3A_140 : memref<10240x128xf32, #tpu.memory_space<vmem_shared>>) offsets(%dma_start3A_137 : memref<64xi32, #tpu.memory_space<vmem>>) semaphore(%run_scoped3A : memref<!tpu.dma_semaphore, #tpu.memory_space<semaphore_mem>>) {add = true}
        %dma_wait3A_141 = arith.constant 0 : i32
        %dma_wait3A_142 = tpu.memref_slice %arg8[%add3A_104, %dma_wait3A_141] : memref<159x64xi32, #tpu.memory_space<vmem>> -> memref<1x64xi32, #tpu.memory_space<vmem>>
        %dma_wait3A_143 = tpu.memref_squeeze %dma_wait3A_142 : memref<1x64xi32, #tpu.memory_space<vmem>> -> memref<64xi32, #tpu.memory_space<vmem>>
        %dma_wait3A_144 = arith.constant 0 : i32
        %dma_wait3A_145 = arith.constant 0 : i32
        %dma_wait3A_146 = tpu.memref_slice %arg12[%dma_wait3A_144, %dma_wait3A_145] : memref<10240x128xf32, #tpu.memory_space<vmem_shared>> -> memref<10240x128xf32, #tpu.memory_space<vmem_shared>>
        tpu.wait_indirect_dma semaphore(%run_scoped3A : memref<!tpu.dma_semaphore, #tpu.memory_space<semaphore_mem>>) src(%arg10 : memref<64x128xf32, #tpu.memory_space<vmem>>) dst(%dma_wait3A_146 : memref<10240x128xf32, #tpu.memory_space<vmem_shared>>)
        tpu.yield
      }) : () -> ()
      %add3A_119 = arith.constant 2 : i32
      %add3A_120 = arith.addi %add3A_86, %add3A_119 : i32
      %add3A_121 = arith.constant 2 : i32
      %add3A_122 = arith.addi %add3A_120, %add3A_121 : i32
      %dma_start3A_123 = arith.constant 0 : i32
      %dma_start3A_124 = tpu.memref_slice %arg7[%add3A_122, %dma_start3A_123] : memref<161x64xi32, #tpu.memory_space<vmem>> -> memref<1x64xi32, #tpu.memory_space<vmem>>
      %dma_start3A_125 = tpu.memref_squeeze %dma_start3A_124 : memref<1x64xi32, #tpu.memory_space<vmem>> -> memref<64xi32, #tpu.memory_space<vmem>>
      %dma_start3A_126 = arith.constant 0 : i32
      %dma_start3A_127 = arith.constant 0 : i32
      %dma_start3A_128 = tpu.memref_slice %arg2[%dma_start3A_126, %dma_start3A_127] : memref<10240x128xf32, #tpu.memory_space<hbm>> -> memref<10240x128xf32, #tpu.memory_space<hbm>>
      tpu.enqueue_indirect_dma source(%dma_start3A_128 : memref<10240x128xf32, #tpu.memory_space<hbm>>) target(%arg10 : memref<64x128xf32, #tpu.memory_space<vmem>>) offsets(%dma_start3A_125 : memref<64xi32, #tpu.memory_space<vmem>>) semaphore(%arg14 : memref<!tpu.dma_semaphore, #tpu.memory_space<semaphore_mem>>)
      %dma_wait3A_129 = arith.constant 0 : i32
      %dma_wait3A_130 = tpu.memref_slice %arg7[%add3A_120, %dma_wait3A_129] : memref<161x64xi32, #tpu.memory_space<vmem>> -> memref<1x64xi32, #tpu.memory_space<vmem>>
      %dma_wait3A_131 = tpu.memref_squeeze %dma_wait3A_130 : memref<1x64xi32, #tpu.memory_space<vmem>> -> memref<64xi32, #tpu.memory_space<vmem>>
      %dma_wait3A_132 = arith.constant 0 : i32
      %dma_wait3A_133 = arith.constant 0 : i32
      %dma_wait3A_134 = tpu.memref_slice %arg2[%dma_wait3A_132, %dma_wait3A_133] : memref<10240x128xf32, #tpu.memory_space<hbm>> -> memref<10240x128xf32, #tpu.memory_space<hbm>>
      tpu.wait_indirect_dma semaphore(%arg15 : memref<!tpu.dma_semaphore, #tpu.memory_space<semaphore_mem>>) src(%dma_wait3A_134 : memref<10240x128xf32, #tpu.memory_space<hbm>>) dst(%arg11 : memref<64x128xf32, #tpu.memory_space<vmem>>)
      "tpu.region"() ({
        %run_scoped3A = tpu.sem_alloc : memref<!tpu.dma_semaphore, #tpu.memory_space<semaphore_mem>>
        %dma_start3A_135 = arith.constant 0 : i32
        %dma_start3A_136 = tpu.memref_slice %arg8[%add3A_120, %dma_start3A_135] : memref<159x64xi32, #tpu.memory_space<vmem>> -> memref<1x64xi32, #tpu.memory_space<vmem>>
        %dma_start3A_137 = tpu.memref_squeeze %dma_start3A_136 : memref<1x64xi32, #tpu.memory_space<vmem>> -> memref<64xi32, #tpu.memory_space<vmem>>
        %dma_start3A_138 = arith.constant 0 : i32
        %dma_start3A_139 = arith.constant 0 : i32
        %dma_start3A_140 = tpu.memref_slice %arg12[%dma_start3A_138, %dma_start3A_139] : memref<10240x128xf32, #tpu.memory_space<vmem_shared>> -> memref<10240x128xf32, #tpu.memory_space<vmem_shared>>
        tpu.enqueue_indirect_dma source(%arg11 : memref<64x128xf32, #tpu.memory_space<vmem>>) target(%dma_start3A_140 : memref<10240x128xf32, #tpu.memory_space<vmem_shared>>) offsets(%dma_start3A_137 : memref<64xi32, #tpu.memory_space<vmem>>) semaphore(%run_scoped3A : memref<!tpu.dma_semaphore, #tpu.memory_space<semaphore_mem>>) {add = true}
        %dma_wait3A_141 = arith.constant 0 : i32
        %dma_wait3A_142 = tpu.memref_slice %arg8[%add3A_120, %dma_wait3A_141] : memref<159x64xi32, #tpu.memory_space<vmem>> -> memref<1x64xi32, #tpu.memory_space<vmem>>
        %dma_wait3A_143 = tpu.memref_squeeze %dma_wait3A_142 : memref<1x64xi32, #tpu.memory_space<vmem>> -> memref<64xi32, #tpu.memory_space<vmem>>
        %dma_wait3A_144 = arith.constant 0 : i32
        %dma_wait3A_145 = arith.constant 0 : i32
        %dma_wait3A_146 = tpu.memref_slice %arg12[%dma_wait3A_144, %dma_wait3A_145] : memref<10240x128xf32, #tpu.memory_space<vmem_shared>> -> memref<10240x128xf32, #tpu.memory_space<vmem_shared>>
        tpu.wait_indirect_dma semaphore(%run_scoped3A : memref<!tpu.dma_semaphore, #tpu.memory_space<semaphore_mem>>) src(%arg11 : memref<64x128xf32, #tpu.memory_space<vmem>>) dst(%dma_wait3A_146 : memref<10240x128xf32, #tpu.memory_space<vmem_shared>>)
        tpu.yield
      }) : () -> ()
    }
    %scan3A_63 = arith.constant 53 : i32
    %dma_wait3A = arith.constant 0 : i32
    %dma_wait3A_64 = arith.constant 0 : i32
    %dma_wait3A_65 = tpu.memref_slice %arg7[%dma_wait3A, %dma_wait3A_64] : memref<161x64xi32, #tpu.memory_space<vmem>> -> memref<1x64xi32, #tpu.memory_space<vmem>>
    %dma_wait3A_66 = tpu.memref_squeeze %dma_wait3A_65 : memref<1x64xi32, #tpu.memory_space<vmem>> -> memref<64xi32, #tpu.memory_space<vmem>>
    %dma_wait3A_67 = arith.constant 0 : i32
    %dma_wait3A_68 = arith.constant 0 : i32
    %dma_wait3A_69 = tpu.memref_slice %arg2[%dma_wait3A_67, %dma_wait3A_68] : memref<10240x128xf32, #tpu.memory_space<hbm>> -> memref<10240x128xf32, #tpu.memory_space<hbm>>
    tpu.wait_indirect_dma semaphore(%arg13 : memref<!tpu.dma_semaphore, #tpu.memory_space<semaphore_mem>>) src(%dma_wait3A_69 : memref<10240x128xf32, #tpu.memory_space<hbm>>) dst(%arg9 : memref<64x128xf32, #tpu.memory_space<vmem>>)
    %dma_wait3A_70 = arith.constant 1 : i32
    %dma_wait3A_71 = arith.constant 0 : i32
    %dma_wait3A_72 = tpu.memref_slice %arg7[%dma_wait3A_70, %dma_wait3A_71] : memref<161x64xi32, #tpu.memory_space<vmem>> -> memref<1x64xi32, #tpu.memory_space<vmem>>
    %dma_wait3A_73 = tpu.memref_squeeze %dma_wait3A_72 : memref<1x64xi32, #tpu.memory_space<vmem>> -> memref<64xi32, #tpu.memory_space<vmem>>
    %dma_wait3A_74 = arith.constant 0 : i32
    %dma_wait3A_75 = arith.constant 0 : i32
    %dma_wait3A_76 = tpu.memref_slice %arg2[%dma_wait3A_74, %dma_wait3A_75] : memref<10240x128xf32, #tpu.memory_space<hbm>> -> memref<10240x128xf32, #tpu.memory_space<hbm>>
    tpu.wait_indirect_dma semaphore(%arg14 : memref<!tpu.dma_semaphore, #tpu.memory_space<semaphore_mem>>) src(%dma_wait3A_76 : memref<10240x128xf32, #tpu.memory_space<hbm>>) dst(%arg10 : memref<64x128xf32, #tpu.memory_space<vmem>>)
    %barrier3A_77 = arith.constant 0 : index
    tpu.barrier barrier_id(%barrier3A_77)
    %mul3A_78 = arith.constant 640 : i32
    %mul3A_79 = arith.muli %arg1, %mul3A_78 : i32
    %mul3A_80 = arith.constant 640 : i32
    %mul3A_81 = arith.muli %arg1, %mul3A_80 : i32
    "tpu.region"() ({
      %run_scoped3A = tpu.sem_alloc : memref<!tpu.dma_semaphore, #tpu.memory_space<semaphore_mem>>
      %dma_start3A_82 = arith.constant 0 : i32
      %dma_start3A_83 = tpu.memref_slice %arg6[%arg0, %mul3A_81, %dma_start3A_82] : memref<2x10240x128xf32, #tpu.memory_space<hbm>> -> memref<1x640x128xf32, #tpu.memory_space<hbm>>
      %dma_start3A_84 = tpu.memref_squeeze %dma_start3A_83 : memref<1x640x128xf32, #tpu.memory_space<hbm>> -> memref<640x128xf32, #tpu.memory_space<hbm>>
      %dma_start3A_85 = arith.constant 0 : i32
      %dma_start3A_86 = tpu.memref_slice %arg12[%mul3A_79, %dma_start3A_85] : memref<10240x128xf32, #tpu.memory_space<vmem_shared>> -> memref<640x128xf32, #tpu.memory_space<vmem_shared>>
      tpu.enqueue_dma source(%dma_start3A_86 : memref<640x128xf32, #tpu.memory_space<vmem_shared>>) target(%dma_start3A_84 : memref<640x128xf32, #tpu.memory_space<hbm>>) target_semaphore(%run_scoped3A : memref<!tpu.dma_semaphore, #tpu.memory_space<semaphore_mem>>)
      %dma_wait3A_87 = arith.constant 0 : i32
      %dma_wait3A_88 = tpu.memref_slice %arg6[%arg0, %mul3A_81, %dma_wait3A_87] : memref<2x10240x128xf32, #tpu.memory_space<hbm>> -> memref<1x640x128xf32, #tpu.memory_space<hbm>>
      %dma_wait3A_89 = tpu.memref_squeeze %dma_wait3A_88 : memref<1x640x128xf32, #tpu.memory_space<hbm>> -> memref<640x128xf32, #tpu.memory_space<hbm>>
      %dma_wait3A_90 = arith.constant 0 : i32
      %dma_wait3A_91 = tpu.memref_slice %arg12[%mul3A_79, %dma_wait3A_90] : memref<10240x128xf32, #tpu.memory_space<vmem_shared>> -> memref<640x128xf32, #tpu.memory_space<vmem_shared>>
      tpu.wait_dma2 semaphore(%run_scoped3A : memref<!tpu.dma_semaphore, #tpu.memory_space<semaphore_mem>>) src(%dma_wait3A_91 : memref<640x128xf32, #tpu.memory_space<vmem_shared>>) dst(%dma_wait3A_89 : memref<640x128xf32, #tpu.memory_space<hbm>>)
      tpu.yield
    }) : () -> ()
    return
  }
}

#map = affine_map<(d0, d1) -> (0, 0)>
#map1 = affine_map<(d0, d1) -> (0, 0, 0)>
module attributes {stable_mosaic.version = 14 : i64} {
  func.func @kern(%arg0: i32, %arg1: i32, %arg2: memref<10240x128xf32, #tpu.memory_space<hbm>>, %arg3: memref<32x161x64xi32, #tpu.memory_space<hbm>>, %arg4: memref<32x159x64xi32, #tpu.memory_space<hbm>>, %arg5: memref<2x10240x128xf32, #tpu.memory_space<hbm>>, %arg6: memref<2x10240x128xf32, #tpu.memory_space<hbm>>, %arg7: memref<161x64xi32, #tpu.memory_space<vmem>>, %arg8: memref<159x64xi32, #tpu.memory_space<vmem>>, %arg9: memref<64x128xf32, #tpu.memory_space<vmem>>, %arg10: memref<64x128xf32, #tpu.memory_space<vmem>>, %arg11: memref<64x128xf32, #tpu.memory_space<vmem>>, %arg12: memref<10240x128xf32, #tpu.memory_space<vmem_shared>>, %arg13: memref<!tpu.dma_semaphore, #tpu.memory_space<semaphore_mem>>, %arg14: memref<!tpu.dma_semaphore, #tpu.memory_space<semaphore_mem>>, %arg15: memref<!tpu.dma_semaphore, #tpu.memory_space<semaphore_mem>>) attributes {dimension_semantics = [#tpu.dimension_semantics<core_parallel>, #tpu.dimension_semantics<subcore_parallel>], iteration_bounds = array<i64: 2, 16>, scalar_prefetch = 0 : i64, scratch_operands = 9 : i64, tpu.core_type = #tpu.core_type<sc_vector_subcore>, window_params = [{transform_indices = #map}, {transform_indices = #map1}, {transform_indices = #map1}, {transform_indices = #map1}, {transform_indices = #map1}]} {
    %mul3A = arith.constant 16 : i32
    %mul3A_0 = arith.muli %arg0, %mul3A : i32
    %add3A = arith.addi %mul3A_0, %arg1 : i32
    %broadcast_in_dim3A = arith.constant 0.000000e+00 : f32
    %broadcast_in_dim3A_1 = vector.broadcast %broadcast_in_dim3A : f32 to vector<16xf32>
    %scan3A = arith.constant 0 : i32
    %scan3A_2 = arith.constant 64 : i32
    %scan3A_3 = arith.addi %scan3A, %scan3A_2 : i32
    %scan3A_4 = arith.constant 1 : i32
    scf.for %scan3A_82 = %scan3A to %scan3A_3 step %scan3A_4  : i32 {
      %mul3A_83 = arith.constant 1 : i32
      %mul3A_84 = arith.muli %scan3A_82, %mul3A_83 : i32
      %add3A_85 = arith.constant 0 : i32
      %add3A_86 = arith.addi %add3A_85, %mul3A_84 : i32
      %swap3A = arith.index_cast %add3A_86 : i32 to index
      %swap3A_87 = arith.constant 0 : index
      %swap3A_88 = tpu.vector_load %arg9[%swap3A, %swap3A_87] {strides = array<i32>} : memref<64x128xf32, #tpu.memory_space<vmem>>, vector<1x16xf32>,
      %swap3A_89 = vector.shape_cast %swap3A_88 : vector<1x16xf32> to vector<16xf32>
      %swap3A_90 = vector.shape_cast %broadcast_in_dim3A_1 : vector<16xf32> to vector<1x16xf32>
      tpu.vector_store %arg9[%swap3A, %swap3A_87], %swap3A_90 {strides = array<i32>} : memref<64x128xf32, #tpu.memory_space<vmem>>, vector<1x16xf32>,
      %swap3A_91 = arith.index_cast %add3A_86 : i32 to index
      %swap3A_92 = arith.constant 16 : index
      %swap3A_93 = tpu.vector_load %arg9[%swap3A_91, %swap3A_92] {strides = array<i32>} : memref<64x128xf32, #tpu.memory_space<vmem>>, vector<1x16xf32>,
      %swap3A_94 = vector.shape_cast %swap3A_93 : vector<1x16xf32> to vector<16xf32>
      %swap3A_95 = vector.shape_cast %broadcast_in_dim3A_1 : vector<16xf32> to vector<1x16xf32>
      tpu.vector_store %arg9[%swap3A_91, %swap3A_92], %swap3A_95 {strides = array<i32>} : memref<64x128xf32, #tpu.memory_space<vmem>>, vector<1x16xf32>,
      %swap3A_96 = arith.index_cast %add3A_86 : i32 to index
      %swap3A_97 = arith.constant 32 : index
      %swap3A_98 = tpu.vector_load %arg9[%swap3A_96, %swap3A_97] {strides = array<i32>} : memref<64x128xf32, #tpu.memory_space<vmem>>, vector<1x16xf32>,
      %swap3A_99 = vector.shape_cast %swap3A_98 : vector<1x16xf32> to vector<16xf32>
      %swap3A_100 = vector.shape_cast %broadcast_in_dim3A_1 : vector<16xf32> to vector<1x16xf32>
      tpu.vector_store %arg9[%swap3A_96, %swap3A_97], %swap3A_100 {strides = array<i32>} : memref<64x128xf32, #tpu.memory_space<vmem>>, vector<1x16xf32>,
      %swap3A_101 = arith.index_cast %add3A_86 : i32 to index
      %swap3A_102 = arith.constant 48 : index
      %swap3A_103 = tpu.vector_load %arg9[%swap3A_101, %swap3A_102] {strides = array<i32>} : memref<64x128xf32, #tpu.memory_space<vmem>>, vector<1x16xf32>,
      %swap3A_104 = vector.shape_cast %swap3A_103 : vector<1x16xf32> to vector<16xf32>
      %swap3A_105 = vector.shape_cast %broadcast_in_dim3A_1 : vector<16xf32> to vector<1x16xf32>
      tpu.vector_store %arg9[%swap3A_101, %swap3A_102], %swap3A_105 {strides = array<i32>} : memref<64x128xf32, #tpu.memory_space<vmem>>, vector<1x16xf32>,
      %swap3A_106 = arith.index_cast %add3A_86 : i32 to index
      %swap3A_107 = arith.constant 64 : index
      %swap3A_108 = tpu.vector_load %arg9[%swap3A_106, %swap3A_107] {strides = array<i32>} : memref<64x128xf32, #tpu.memory_space<vmem>>, vector<1x16xf32>,
      %swap3A_109 = vector.shape_cast %swap3A_108 : vector<1x16xf32> to vector<16xf32>
      %swap3A_110 = vector.shape_cast %broadcast_in_dim3A_1 : vector<16xf32> to vector<1x16xf32>
      tpu.vector_store %arg9[%swap3A_106, %swap3A_107], %swap3A_110 {strides = array<i32>} : memref<64x128xf32, #tpu.memory_space<vmem>>, vector<1x16xf32>,
      %swap3A_111 = arith.index_cast %add3A_86 : i32 to index
      %swap3A_112 = arith.constant 80 : index
      %swap3A_113 = tpu.vector_load %arg9[%swap3A_111, %swap3A_112] {strides = array<i32>} : memref<64x128xf32, #tpu.memory_space<vmem>>, vector<1x16xf32>,
      %swap3A_114 = vector.shape_cast %swap3A_113 : vector<1x16xf32> to vector<16xf32>
      %swap3A_115 = vector.shape_cast %broadcast_in_dim3A_1 : vector<16xf32> to vector<1x16xf32>
      tpu.vector_store %arg9[%swap3A_111, %swap3A_112], %swap3A_115 {strides = array<i32>} : memref<64x128xf32, #tpu.memory_space<vmem>>, vector<1x16xf32>,
      %swap3A_116 = arith.index_cast %add3A_86 : i32 to index
      %swap3A_117 = arith.constant 96 : index
      %swap3A_118 = tpu.vector_load %arg9[%swap3A_116, %swap3A_117] {strides = array<i32>} : memref<64x128xf32, #tpu.memory_space<vmem>>, vector<1x16xf32>,
      %swap3A_119 = vector.shape_cast %swap3A_118 : vector<1x16xf32> to vector<16xf32>
      %swap3A_120 = vector.shape_cast %broadcast_in_dim3A_1 : vector<16xf32> to vector<1x16xf32>
      tpu.vector_store %arg9[%swap3A_116, %swap3A_117], %swap3A_120 {strides = array<i32>} : memref<64x128xf32, #tpu.memory_space<vmem>>, vector<1x16xf32>,
      %swap3A_121 = arith.index_cast %add3A_86 : i32 to index
      %swap3A_122 = arith.constant 112 : index
      %swap3A_123 = tpu.vector_load %arg9[%swap3A_121, %swap3A_122] {strides = array<i32>} : memref<64x128xf32, #tpu.memory_space<vmem>>, vector<1x16xf32>,
      %swap3A_124 = vector.shape_cast %swap3A_123 : vector<1x16xf32> to vector<16xf32>
      %swap3A_125 = vector.shape_cast %broadcast_in_dim3A_1 : vector<16xf32> to vector<1x16xf32>
      tpu.vector_store %arg9[%swap3A_121, %swap3A_122], %swap3A_125 {strides = array<i32>} : memref<64x128xf32, #tpu.memory_space<vmem>>, vector<1x16xf32>,
    }
    %scan3A_5 = arith.constant 64 : i32
    %mul3A_6 = arith.constant 640 : i32
    %mul3A_7 = arith.muli %arg1, %mul3A_6 : i32
    %add3A_8 = arith.constant 0 : i32
    %add3A_9 = arith.addi %mul3A_7, %add3A_8 : i32
    "tpu.region"() ({
      %run_scoped3A = tpu.sem_alloc : memref<!tpu.dma_semaphore, #tpu.memory_space<semaphore_mem>>
      %dma_start3A_82 = arith.constant 0 : i32
      %dma_start3A_83 = tpu.memref_slice %arg12[%add3A_9, %dma_start3A_82] : memref<10240x128xf32, #tpu.memory_space<vmem_shared>> -> memref<64x128xf32, #tpu.memory_space<vmem_shared>>
      %dma_start3A_84 = arith.constant 0 : i32
      %dma_start3A_85 = tpu.memref_slice %arg12[%add3A_9, %dma_start3A_84] : memref<10240x128xf32, #tpu.memory_space<vmem_shared>> -> memref<64x128xf32, #tpu.memory_space<vmem_shared>>
      tpu.enqueue_dma source(%arg9 : memref<64x128xf32, #tpu.memory_space<vmem>>) target(%dma_start3A_85 : memref<64x128xf32, #tpu.memory_space<vmem_shared>>) target_semaphore(%run_scoped3A : memref<!tpu.dma_semaphore, #tpu.memory_space<semaphore_mem>>)
      %dma_wait3A_86 = arith.constant 0 : i32
      %dma_wait3A_87 = tpu.memref_slice %arg12[%add3A_9, %dma_wait3A_86] : memref<10240x128xf32, #tpu.memory_space<vmem_shared>> -> memref<64x128xf32, #tpu.memory_space<vmem_shared>>
      %dma_wait3A_88 = arith.constant 0 : i32
      %dma_wait3A_89 = tpu.memref_slice %arg12[%add3A_9, %dma_wait3A_88] : memref<10240x128xf32, #tpu.memory_space<vmem_shared>> -> memref<64x128xf32, #tpu.memory_space<vmem_shared>>
      tpu.wait_dma2 semaphore(%run_scoped3A : memref<!tpu.dma_semaphore, #tpu.memory_space<semaphore_mem>>) src(%arg9 : memref<64x128xf32, #tpu.memory_space<vmem>>) dst(%dma_wait3A_89 : memref<64x128xf32, #tpu.memory_space<vmem_shared>>)
      tpu.yield
    }) : () -> ()
    %mul3A_10 = arith.constant 640 : i32
    %mul3A_11 = arith.muli %arg1, %mul3A_10 : i32
    %add3A_12 = arith.constant 64 : i32
    %add3A_13 = arith.addi %mul3A_11, %add3A_12 : i32
    "tpu.region"() ({
      %run_scoped3A = tpu.sem_alloc : memref<!tpu.dma_semaphore, #tpu.memory_space<semaphore_mem>>
      %dma_start3A_82 = arith.constant 0 : i32
      %dma_start3A_83 = tpu.memref_slice %arg12[%add3A_13, %dma_start3A_82] : memref<10240x128xf32, #tpu.memory_space<vmem_shared>> -> memref<64x128xf32, #tpu.memory_space<vmem_shared>>
      %dma_start3A_84 = arith.constant 0 : i32
      %dma_start3A_85 = tpu.memref_slice %arg12[%add3A_13, %dma_start3A_84] : memref<10240x128xf32, #tpu.memory_space<vmem_shared>> -> memref<64x128xf32, #tpu.memory_space<vmem_shared>>
      tpu.enqueue_dma source(%arg9 : memref<64x128xf32, #tpu.memory_space<vmem>>) target(%dma_start3A_85 : memref<64x128xf32, #tpu.memory_space<vmem_shared>>) target_semaphore(%run_scoped3A : memref<!tpu.dma_semaphore, #tpu.memory_space<semaphore_mem>>)
      %dma_wait3A_86 = arith.constant 0 : i32
      %dma_wait3A_87 = tpu.memref_slice %arg12[%add3A_13, %dma_wait3A_86] : memref<10240x128xf32, #tpu.memory_space<vmem_shared>> -> memref<64x128xf32, #tpu.memory_space<vmem_shared>>
      %dma_wait3A_88 = arith.constant 0 : i32
      %dma_wait3A_89 = tpu.memref_slice %arg12[%add3A_13, %dma_wait3A_88] : memref<10240x128xf32, #tpu.memory_space<vmem_shared>> -> memref<64x128xf32, #tpu.memory_space<vmem_shared>>
      tpu.wait_dma2 semaphore(%run_scoped3A : memref<!tpu.dma_semaphore, #tpu.memory_space<semaphore_mem>>) src(%arg9 : memref<64x128xf32, #tpu.memory_space<vmem>>) dst(%dma_wait3A_89 : memref<64x128xf32, #tpu.memory_space<vmem_shared>>)
      tpu.yield
    }) : () -> ()
    %mul3A_14 = arith.constant 640 : i32
    %mul3A_15 = arith.muli %arg1, %mul3A_14 : i32
    %add3A_16 = arith.constant 128 : i32
    %add3A_17 = arith.addi %mul3A_15, %add3A_16 : i32
    "tpu.region"() ({
      %run_scoped3A = tpu.sem_alloc : memref<!tpu.dma_semaphore, #tpu.memory_space<semaphore_mem>>
      %dma_start3A_82 = arith.constant 0 : i32
      %dma_start3A_83 = tpu.memref_slice %arg12[%add3A_17, %dma_start3A_82] : memref<10240x128xf32, #tpu.memory_space<vmem_shared>> -> memref<64x128xf32, #tpu.memory_space<vmem_shared>>
      %dma_start3A_84 = arith.constant 0 : i32
      %dma_start3A_85 = tpu.memref_slice %arg12[%add3A_17, %dma_start3A_84] : memref<10240x128xf32, #tpu.memory_space<vmem_shared>> -> memref<64x128xf32, #tpu.memory_space<vmem_shared>>
      tpu.enqueue_dma source(%arg9 : memref<64x128xf32, #tpu.memory_space<vmem>>) target(%dma_start3A_85 : memref<64x128xf32, #tpu.memory_space<vmem_shared>>) target_semaphore(%run_scoped3A : memref<!tpu.dma_semaphore, #tpu.memory_space<semaphore_mem>>)
      %dma_wait3A_86 = arith.constant 0 : i32
      %dma_wait3A_87 = tpu.memref_slice %arg12[%add3A_17, %dma_wait3A_86] : memref<10240x128xf32, #tpu.memory_space<vmem_shared>> -> memref<64x128xf32, #tpu.memory_space<vmem_shared>>
      %dma_wait3A_88 = arith.constant 0 : i32
      %dma_wait3A_89 = tpu.memref_slice %arg12[%add3A_17, %dma_wait3A_88] : memref<10240x128xf32, #tpu.memory_space<vmem_shared>> -> memref<64x128xf32, #tpu.memory_space<vmem_shared>>
      tpu.wait_dma2 semaphore(%run_scoped3A : memref<!tpu.dma_semaphore, #tpu.memory_space<semaphore_mem>>) src(%arg9 : memref<64x128xf32, #tpu.memory_space<vmem>>) dst(%dma_wait3A_89 : memref<64x128xf32, #tpu.memory_space<vmem_shared>>)
      tpu.yield
    }) : () -> ()
    %mul3A_18 = arith.constant 640 : i32
    %mul3A_19 = arith.muli %arg1, %mul3A_18 : i32
    %add3A_20 = arith.constant 192 : i32
    %add3A_21 = arith.addi %mul3A_19, %add3A_20 : i32
    "tpu.region"() ({
      %run_scoped3A = tpu.sem_alloc : memref<!tpu.dma_semaphore, #tpu.memory_space<semaphore_mem>>
      %dma_start3A_82 = arith.constant 0 : i32
      %dma_start3A_83 = tpu.memref_slice %arg12[%add3A_21, %dma_start3A_82] : memref<10240x128xf32, #tpu.memory_space<vmem_shared>> -> memref<64x128xf32, #tpu.memory_space<vmem_shared>>
      %dma_start3A_84 = arith.constant 0 : i32
      %dma_start3A_85 = tpu.memref_slice %arg12[%add3A_21, %dma_start3A_84] : memref<10240x128xf32, #tpu.memory_space<vmem_shared>> -> memref<64x128xf32, #tpu.memory_space<vmem_shared>>
      tpu.enqueue_dma source(%arg9 : memref<64x128xf32, #tpu.memory_space<vmem>>) target(%dma_start3A_85 : memref<64x128xf32, #tpu.memory_space<vmem_shared>>) target_semaphore(%run_scoped3A : memref<!tpu.dma_semaphore, #tpu.memory_space<semaphore_mem>>)
      %dma_wait3A_86 = arith.constant 0 : i32
      %dma_wait3A_87 = tpu.memref_slice %arg12[%add3A_21, %dma_wait3A_86] : memref<10240x128xf32, #tpu.memory_space<vmem_shared>> -> memref<64x128xf32, #tpu.memory_space<vmem_shared>>
      %dma_wait3A_88 = arith.constant 0 : i32
      %dma_wait3A_89 = tpu.memref_slice %arg12[%add3A_21, %dma_wait3A_88] : memref<10240x128xf32, #tpu.memory_space<vmem_shared>> -> memref<64x128xf32, #tpu.memory_space<vmem_shared>>
      tpu.wait_dma2 semaphore(%run_scoped3A : memref<!tpu.dma_semaphore, #tpu.memory_space<semaphore_mem>>) src(%arg9 : memref<64x128xf32, #tpu.memory_space<vmem>>) dst(%dma_wait3A_89 : memref<64x128xf32, #tpu.memory_space<vmem_shared>>)
      tpu.yield
    }) : () -> ()
    %mul3A_22 = arith.constant 640 : i32
    %mul3A_23 = arith.muli %arg1, %mul3A_22 : i32
    %add3A_24 = arith.constant 256 : i32
    %add3A_25 = arith.addi %mul3A_23, %add3A_24 : i32
    "tpu.region"() ({
      %run_scoped3A = tpu.sem_alloc : memref<!tpu.dma_semaphore, #tpu.memory_space<semaphore_mem>>
      %dma_start3A_82 = arith.constant 0 : i32
      %dma_start3A_83 = tpu.memref_slice %arg12[%add3A_25, %dma_start3A_82] : memref<10240x128xf32, #tpu.memory_space<vmem_shared>> -> memref<64x128xf32, #tpu.memory_space<vmem_shared>>
      %dma_start3A_84 = arith.constant 0 : i32
      %dma_start3A_85 = tpu.memref_slice %arg12[%add3A_25, %dma_start3A_84] : memref<10240x128xf32, #tpu.memory_space<vmem_shared>> -> memref<64x128xf32, #tpu.memory_space<vmem_shared>>
      tpu.enqueue_dma source(%arg9 : memref<64x128xf32, #tpu.memory_space<vmem>>) target(%dma_start3A_85 : memref<64x128xf32, #tpu.memory_space<vmem_shared>>) target_semaphore(%run_scoped3A : memref<!tpu.dma_semaphore, #tpu.memory_space<semaphore_mem>>)
      %dma_wait3A_86 = arith.constant 0 : i32
      %dma_wait3A_87 = tpu.memref_slice %arg12[%add3A_25, %dma_wait3A_86] : memref<10240x128xf32, #tpu.memory_space<vmem_shared>> -> memref<64x128xf32, #tpu.memory_space<vmem_shared>>
      %dma_wait3A_88 = arith.constant 0 : i32
      %dma_wait3A_89 = tpu.memref_slice %arg12[%add3A_25, %dma_wait3A_88] : memref<10240x128xf32, #tpu.memory_space<vmem_shared>> -> memref<64x128xf32, #tpu.memory_space<vmem_shared>>
      tpu.wait_dma2 semaphore(%run_scoped3A : memref<!tpu.dma_semaphore, #tpu.memory_space<semaphore_mem>>) src(%arg9 : memref<64x128xf32, #tpu.memory_space<vmem>>) dst(%dma_wait3A_89 : memref<64x128xf32, #tpu.memory_space<vmem_shared>>)
      tpu.yield
    }) : () -> ()
    %mul3A_26 = arith.constant 640 : i32
    %mul3A_27 = arith.muli %arg1, %mul3A_26 : i32
    %add3A_28 = arith.constant 320 : i32
    %add3A_29 = arith.addi %mul3A_27, %add3A_28 : i32
    "tpu.region"() ({
      %run_scoped3A = tpu.sem_alloc : memref<!tpu.dma_semaphore, #tpu.memory_space<semaphore_mem>>
      %dma_start3A_82 = arith.constant 0 : i32
      %dma_start3A_83 = tpu.memref_slice %arg12[%add3A_29, %dma_start3A_82] : memref<10240x128xf32, #tpu.memory_space<vmem_shared>> -> memref<64x128xf32, #tpu.memory_space<vmem_shared>>
      %dma_start3A_84 = arith.constant 0 : i32
      %dma_start3A_85 = tpu.memref_slice %arg12[%add3A_29, %dma_start3A_84] : memref<10240x128xf32, #tpu.memory_space<vmem_shared>> -> memref<64x128xf32, #tpu.memory_space<vmem_shared>>
      tpu.enqueue_dma source(%arg9 : memref<64x128xf32, #tpu.memory_space<vmem>>) target(%dma_start3A_85 : memref<64x128xf32, #tpu.memory_space<vmem_shared>>) target_semaphore(%run_scoped3A : memref<!tpu.dma_semaphore, #tpu.memory_space<semaphore_mem>>)
      %dma_wait3A_86 = arith.constant 0 : i32
      %dma_wait3A_87 = tpu.memref_slice %arg12[%add3A_29, %dma_wait3A_86] : memref<10240x128xf32, #tpu.memory_space<vmem_shared>> -> memref<64x128xf32, #tpu.memory_space<vmem_shared>>
      %dma_wait3A_88 = arith.constant 0 : i32
      %dma_wait3A_89 = tpu.memref_slice %arg12[%add3A_29, %dma_wait3A_88] : memref<10240x128xf32, #tpu.memory_space<vmem_shared>> -> memref<64x128xf32, #tpu.memory_space<vmem_shared>>
      tpu.wait_dma2 semaphore(%run_scoped3A : memref<!tpu.dma_semaphore, #tpu.memory_space<semaphore_mem>>) src(%arg9 : memref<64x128xf32, #tpu.memory_space<vmem>>) dst(%dma_wait3A_89 : memref<64x128xf32, #tpu.memory_space<vmem_shared>>)
      tpu.yield
    }) : () -> ()
    %mul3A_30 = arith.constant 640 : i32
    %mul3A_31 = arith.muli %arg1, %mul3A_30 : i32
    %add3A_32 = arith.constant 384 : i32
    %add3A_33 = arith.addi %mul3A_31, %add3A_32 : i32
    "tpu.region"() ({
      %run_scoped3A = tpu.sem_alloc : memref<!tpu.dma_semaphore, #tpu.memory_space<semaphore_mem>>
      %dma_start3A_82 = arith.constant 0 : i32
      %dma_start3A_83 = tpu.memref_slice %arg12[%add3A_33, %dma_start3A_82] : memref<10240x128xf32, #tpu.memory_space<vmem_shared>> -> memref<64x128xf32, #tpu.memory_space<vmem_shared>>
      %dma_start3A_84 = arith.constant 0 : i32
      %dma_start3A_85 = tpu.memref_slice %arg12[%add3A_33, %dma_start3A_84] : memref<10240x128xf32, #tpu.memory_space<vmem_shared>> -> memref<64x128xf32, #tpu.memory_space<vmem_shared>>
      tpu.enqueue_dma source(%arg9 : memref<64x128xf32, #tpu.memory_space<vmem>>) target(%dma_start3A_85 : memref<64x128xf32, #tpu.memory_space<vmem_shared>>) target_semaphore(%run_scoped3A : memref<!tpu.dma_semaphore, #tpu.memory_space<semaphore_mem>>)
      %dma_wait3A_86 = arith.constant 0 : i32
      %dma_wait3A_87 = tpu.memref_slice %arg12[%add3A_33, %dma_wait3A_86] : memref<10240x128xf32, #tpu.memory_space<vmem_shared>> -> memref<64x128xf32, #tpu.memory_space<vmem_shared>>
      %dma_wait3A_88 = arith.constant 0 : i32
      %dma_wait3A_89 = tpu.memref_slice %arg12[%add3A_33, %dma_wait3A_88] : memref<10240x128xf32, #tpu.memory_space<vmem_shared>> -> memref<64x128xf32, #tpu.memory_space<vmem_shared>>
      tpu.wait_dma2 semaphore(%run_scoped3A : memref<!tpu.dma_semaphore, #tpu.memory_space<semaphore_mem>>) src(%arg9 : memref<64x128xf32, #tpu.memory_space<vmem>>) dst(%dma_wait3A_89 : memref<64x128xf32, #tpu.memory_space<vmem_shared>>)
      tpu.yield
    }) : () -> ()
    %mul3A_34 = arith.constant 640 : i32
    %mul3A_35 = arith.muli %arg1, %mul3A_34 : i32
    %add3A_36 = arith.constant 448 : i32
    %add3A_37 = arith.addi %mul3A_35, %add3A_36 : i32
    "tpu.region"() ({
      %run_scoped3A = tpu.sem_alloc : memref<!tpu.dma_semaphore, #tpu.memory_space<semaphore_mem>>
      %dma_start3A_82 = arith.constant 0 : i32
      %dma_start3A_83 = tpu.memref_slice %arg12[%add3A_37, %dma_start3A_82] : memref<10240x128xf32, #tpu.memory_space<vmem_shared>> -> memref<64x128xf32, #tpu.memory_space<vmem_shared>>
      %dma_start3A_84 = arith.constant 0 : i32
      %dma_start3A_85 = tpu.memref_slice %arg12[%add3A_37, %dma_start3A_84] : memref<10240x128xf32, #tpu.memory_space<vmem_shared>> -> memref<64x128xf32, #tpu.memory_space<vmem_shared>>
      tpu.enqueue_dma source(%arg9 : memref<64x128xf32, #tpu.memory_space<vmem>>) target(%dma_start3A_85 : memref<64x128xf32, #tpu.memory_space<vmem_shared>>) target_semaphore(%run_scoped3A : memref<!tpu.dma_semaphore, #tpu.memory_space<semaphore_mem>>)
      %dma_wait3A_86 = arith.constant 0 : i32
      %dma_wait3A_87 = tpu.memref_slice %arg12[%add3A_37, %dma_wait3A_86] : memref<10240x128xf32, #tpu.memory_space<vmem_shared>> -> memref<64x128xf32, #tpu.memory_space<vmem_shared>>
      %dma_wait3A_88 = arith.constant 0 : i32
      %dma_wait3A_89 = tpu.memref_slice %arg12[%add3A_37, %dma_wait3A_88] : memref<10240x128xf32, #tpu.memory_space<vmem_shared>> -> memref<64x128xf32, #tpu.memory_space<vmem_shared>>
      tpu.wait_dma2 semaphore(%run_scoped3A : memref<!tpu.dma_semaphore, #tpu.memory_space<semaphore_mem>>) src(%arg9 : memref<64x128xf32, #tpu.memory_space<vmem>>) dst(%dma_wait3A_89 : memref<64x128xf32, #tpu.memory_space<vmem_shared>>)
      tpu.yield
    }) : () -> ()
    %mul3A_38 = arith.constant 640 : i32
    %mul3A_39 = arith.muli %arg1, %mul3A_38 : i32
    %add3A_40 = arith.constant 512 : i32
    %add3A_41 = arith.addi %mul3A_39, %add3A_40 : i32
    "tpu.region"() ({
      %run_scoped3A = tpu.sem_alloc : memref<!tpu.dma_semaphore, #tpu.memory_space<semaphore_mem>>
      %dma_start3A_82 = arith.constant 0 : i32
      %dma_start3A_83 = tpu.memref_slice %arg12[%add3A_41, %dma_start3A_82] : memref<10240x128xf32, #tpu.memory_space<vmem_shared>> -> memref<64x128xf32, #tpu.memory_space<vmem_shared>>
      %dma_start3A_84 = arith.constant 0 : i32
      %dma_start3A_85 = tpu.memref_slice %arg12[%add3A_41, %dma_start3A_84] : memref<10240x128xf32, #tpu.memory_space<vmem_shared>> -> memref<64x128xf32, #tpu.memory_space<vmem_shared>>
      tpu.enqueue_dma source(%arg9 : memref<64x128xf32, #tpu.memory_space<vmem>>) target(%dma_start3A_85 : memref<64x128xf32, #tpu.memory_space<vmem_shared>>) target_semaphore(%run_scoped3A : memref<!tpu.dma_semaphore, #tpu.memory_space<semaphore_mem>>)
      %dma_wait3A_86 = arith.constant 0 : i32
      %dma_wait3A_87 = tpu.memref_slice %arg12[%add3A_41, %dma_wait3A_86] : memref<10240x128xf32, #tpu.memory_space<vmem_shared>> -> memref<64x128xf32, #tpu.memory_space<vmem_shared>>
      %dma_wait3A_88 = arith.constant 0 : i32
      %dma_wait3A_89 = tpu.memref_slice %arg12[%add3A_41, %dma_wait3A_88] : memref<10240x128xf32, #tpu.memory_space<vmem_shared>> -> memref<64x128xf32, #tpu.memory_space<vmem_shared>>
      tpu.wait_dma2 semaphore(%run_scoped3A : memref<!tpu.dma_semaphore, #tpu.memory_space<semaphore_mem>>) src(%arg9 : memref<64x128xf32, #tpu.memory_space<vmem>>) dst(%dma_wait3A_89 : memref<64x128xf32, #tpu.memory_space<vmem_shared>>)
      tpu.yield
    }) : () -> ()
    %mul3A_42 = arith.constant 640 : i32
    %mul3A_43 = arith.muli %arg1, %mul3A_42 : i32
    %add3A_44 = arith.constant 576 : i32
    %add3A_45 = arith.addi %mul3A_43, %add3A_44 : i32
    "tpu.region"() ({
      %run_scoped3A = tpu.sem_alloc : memref<!tpu.dma_semaphore, #tpu.memory_space<semaphore_mem>>
      %dma_start3A_82 = arith.constant 0 : i32
      %dma_start3A_83 = tpu.memref_slice %arg12[%add3A_45, %dma_start3A_82] : memref<10240x128xf32, #tpu.memory_space<vmem_shared>> -> memref<64x128xf32, #tpu.memory_space<vmem_shared>>
      %dma_start3A_84 = arith.constant 0 : i32
      %dma_start3A_85 = tpu.memref_slice %arg12[%add3A_45, %dma_start3A_84] : memref<10240x128xf32, #tpu.memory_space<vmem_shared>> -> memref<64x128xf32, #tpu.memory_space<vmem_shared>>
      tpu.enqueue_dma source(%arg9 : memref<64x128xf32, #tpu.memory_space<vmem>>) target(%dma_start3A_85 : memref<64x128xf32, #tpu.memory_space<vmem_shared>>) target_semaphore(%run_scoped3A : memref<!tpu.dma_semaphore, #tpu.memory_space<semaphore_mem>>)
      %dma_wait3A_86 = arith.constant 0 : i32
      %dma_wait3A_87 = tpu.memref_slice %arg12[%add3A_45, %dma_wait3A_86] : memref<10240x128xf32, #tpu.memory_space<vmem_shared>> -> memref<64x128xf32, #tpu.memory_space<vmem_shared>>
      %dma_wait3A_88 = arith.constant 0 : i32
      %dma_wait3A_89 = tpu.memref_slice %arg12[%add3A_45, %dma_wait3A_88] : memref<10240x128xf32, #tpu.memory_space<vmem_shared>> -> memref<64x128xf32, #tpu.memory_space<vmem_shared>>
      tpu.wait_dma2 semaphore(%run_scoped3A : memref<!tpu.dma_semaphore, #tpu.memory_space<semaphore_mem>>) src(%arg9 : memref<64x128xf32, #tpu.memory_space<vmem>>) dst(%dma_wait3A_89 : memref<64x128xf32, #tpu.memory_space<vmem_shared>>)
      tpu.yield
    }) : () -> ()
    %barrier3A = arith.constant 0 : index
    tpu.barrier barrier_id(%barrier3A)
    "tpu.region"() ({
      %run_scoped3A = tpu.sem_alloc : memref<!tpu.dma_semaphore, #tpu.memory_space<semaphore_mem>>
      %dma_start3A_82 = arith.constant 0 : i32
      %dma_start3A_83 = arith.constant 0 : i32
      %dma_start3A_84 = tpu.memref_slice %arg3[%add3A, %dma_start3A_82, %dma_start3A_83] : memref<32x161x64xi32, #tpu.memory_space<hbm>> -> memref<1x161x64xi32, #tpu.memory_space<hbm>>
      %dma_start3A_85 = tpu.memref_squeeze %dma_start3A_84 : memref<1x161x64xi32, #tpu.memory_space<hbm>> -> memref<161x64xi32, #tpu.memory_space<hbm>>
      %dma_start3A_86 = arith.constant 0 : i32
      %dma_start3A_87 = arith.constant 0 : i32
      %dma_start3A_88 = tpu.memref_slice %arg3[%add3A, %dma_start3A_86, %dma_start3A_87] : memref<32x161x64xi32, #tpu.memory_space<hbm>> -> memref<1x161x64xi32, #tpu.memory_space<hbm>>
      %dma_start3A_89 = tpu.memref_squeeze %dma_start3A_88 : memref<1x161x64xi32, #tpu.memory_space<hbm>> -> memref<161x64xi32, #tpu.memory_space<hbm>>
      tpu.enqueue_dma source(%dma_start3A_89 : memref<161x64xi32, #tpu.memory_space<hbm>>) target(%arg7 : memref<161x64xi32, #tpu.memory_space<vmem>>) target_semaphore(%run_scoped3A : memref<!tpu.dma_semaphore, #tpu.memory_space<semaphore_mem>>)
      %dma_wait3A_90 = arith.constant 0 : i32
      %dma_wait3A_91 = arith.constant 0 : i32
      %dma_wait3A_92 = tpu.memref_slice %arg3[%add3A, %dma_wait3A_90, %dma_wait3A_91] : memref<32x161x64xi32, #tpu.memory_space<hbm>> -> memref<1x161x64xi32, #tpu.memory_space<hbm>>
      %dma_wait3A_93 = tpu.memref_squeeze %dma_wait3A_92 : memref<1x161x64xi32, #tpu.memory_space<hbm>> -> memref<161x64xi32, #tpu.memory_space<hbm>>
      %dma_wait3A_94 = arith.constant 0 : i32
      %dma_wait3A_95 = arith.constant 0 : i32
      %dma_wait3A_96 = tpu.memref_slice %arg3[%add3A, %dma_wait3A_94, %dma_wait3A_95] : memref<32x161x64xi32, #tpu.memory_space<hbm>> -> memref<1x161x64xi32, #tpu.memory_space<hbm>>
      %dma_wait3A_97 = tpu.memref_squeeze %dma_wait3A_96 : memref<1x161x64xi32, #tpu.memory_space<hbm>> -> memref<161x64xi32, #tpu.memory_space<hbm>>
      tpu.wait_dma2 semaphore(%run_scoped3A : memref<!tpu.dma_semaphore, #tpu.memory_space<semaphore_mem>>) src(%dma_wait3A_97 : memref<161x64xi32, #tpu.memory_space<hbm>>) dst(%arg7 : memref<161x64xi32, #tpu.memory_space<vmem>>)
      tpu.yield
    }) : () -> ()
    "tpu.region"() ({
      %run_scoped3A = tpu.sem_alloc : memref<!tpu.dma_semaphore, #tpu.memory_space<semaphore_mem>>
      %dma_start3A_82 = arith.constant 0 : i32
      %dma_start3A_83 = arith.constant 0 : i32
      %dma_start3A_84 = tpu.memref_slice %arg4[%add3A, %dma_start3A_82, %dma_start3A_83] : memref<32x159x64xi32, #tpu.memory_space<hbm>> -> memref<1x159x64xi32, #tpu.memory_space<hbm>>
      %dma_start3A_85 = tpu.memref_squeeze %dma_start3A_84 : memref<1x159x64xi32, #tpu.memory_space<hbm>> -> memref<159x64xi32, #tpu.memory_space<hbm>>
      %dma_start3A_86 = arith.constant 0 : i32
      %dma_start3A_87 = arith.constant 0 : i32
      %dma_start3A_88 = tpu.memref_slice %arg4[%add3A, %dma_start3A_86, %dma_start3A_87] : memref<32x159x64xi32, #tpu.memory_space<hbm>> -> memref<1x159x64xi32, #tpu.memory_space<hbm>>
      %dma_start3A_89 = tpu.memref_squeeze %dma_start3A_88 : memref<1x159x64xi32, #tpu.memory_space<hbm>> -> memref<159x64xi32, #tpu.memory_space<hbm>>
      tpu.enqueue_dma source(%dma_start3A_89 : memref<159x64xi32, #tpu.memory_space<hbm>>) target(%arg8 : memref<159x64xi32, #tpu.memory_space<vmem>>) target_semaphore(%run_scoped3A : memref<!tpu.dma_semaphore, #tpu.memory_space<semaphore_mem>>)
      %dma_wait3A_90 = arith.constant 0 : i32
      %dma_wait3A_91 = arith.constant 0 : i32
      %dma_wait3A_92 = tpu.memref_slice %arg4[%add3A, %dma_wait3A_90, %dma_wait3A_91] : memref<32x159x64xi32, #tpu.memory_space<hbm>> -> memref<1x159x64xi32, #tpu.memory_space<hbm>>
      %dma_wait3A_93 = tpu.memref_squeeze %dma_wait3A_92 : memref<1x159x64xi32, #tpu.memory_space<hbm>> -> memref<159x64xi32, #tpu.memory_space<hbm>>
      %dma_wait3A_94 = arith.constant 0 : i32
      %dma_wait3A_95 = arith.constant 0 : i32
      %dma_wait3A_96 = tpu.memref_slice %arg4[%add3A, %dma_wait3A_94, %dma_wait3A_95] : memref<32x159x64xi32, #tpu.memory_space<hbm>> -> memref<1x159x64xi32, #tpu.memory_space<hbm>>
      %dma_wait3A_97 = tpu.memref_squeeze %dma_wait3A_96 : memref<1x159x64xi32, #tpu.memory_space<hbm>> -> memref<159x64xi32, #tpu.memory_space<hbm>>
      tpu.wait_dma2 semaphore(%run_scoped3A : memref<!tpu.dma_semaphore, #tpu.memory_space<semaphore_mem>>) src(%dma_wait3A_97 : memref<159x64xi32, #tpu.memory_space<hbm>>) dst(%arg8 : memref<159x64xi32, #tpu.memory_space<vmem>>)
      tpu.yield
    }) : () -> ()
    %dma_start3A = arith.constant 0 : i32
    %dma_start3A_46 = arith.constant 0 : i32
    %dma_start3A_47 = tpu.memref_slice %arg7[%dma_start3A, %dma_start3A_46] : memref<161x64xi32, #tpu.memory_space<vmem>> -> memref<1x64xi32, #tpu.memory_space<vmem>>
    %dma_start3A_48 = tpu.memref_squeeze %dma_start3A_47 : memref<1x64xi32, #tpu.memory_space<vmem>> -> memref<64xi32, #tpu.memory_space<vmem>>
    %dma_start3A_49 = arith.constant 0 : i32
    %dma_start3A_50 = arith.constant 0 : i32
    %dma_start3A_51 = tpu.memref_slice %arg2[%dma_start3A_49, %dma_start3A_50] : memref<10240x128xf32, #tpu.memory_space<hbm>> -> memref<10240x128xf32, #tpu.memory_space<hbm>>
    tpu.enqueue_indirect_dma source(%dma_start3A_51 : memref<10240x128xf32, #tpu.memory_space<hbm>>) target(%arg9 : memref<64x128xf32, #tpu.memory_space<vmem>>) offsets(%dma_start3A_48 : memref<64xi32, #tpu.memory_space<vmem>>) semaphore(%arg13 : memref<!tpu.dma_semaphore, #tpu.memory_space<semaphore_mem>>)
    %dma_start3A_52 = arith.constant 1 : i32
    %dma_start3A_53 = arith.constant 0 : i32
    %dma_start3A_54 = tpu.memref_slice %arg7[%dma_start3A_52, %dma_start3A_53] : memref<161x64xi32, #tpu.memory_space<vmem>> -> memref<1x64xi32, #tpu.memory_space<vmem>>
    %dma_start3A_55 = tpu.memref_squeeze %dma_start3A_54 : memref<1x64xi32, #tpu.memory_space<vmem>> -> memref<64xi32, #tpu.memory_space<vmem>>
    %dma_start3A_56 = arith.constant 0 : i32
    %dma_start3A_57 = arith.constant 0 : i32
    %dma_start3A_58 = tpu.memref_slice %arg2[%dma_start3A_56, %dma_start3A_57] : memref<10240x128xf32, #tpu.memory_space<hbm>> -> memref<10240x128xf32, #tpu.memory_space<hbm>>
    tpu.enqueue_indirect_dma source(%dma_start3A_58 : memref<10240x128xf32, #tpu.memory_space<hbm>>) target(%arg10 : memref<64x128xf32, #tpu.memory_space<vmem>>) offsets(%dma_start3A_55 : memref<64xi32, #tpu.memory_space<vmem>>) semaphore(%arg14 : memref<!tpu.dma_semaphore, #tpu.memory_space<semaphore_mem>>)
    %scan3A_59 = arith.constant 0 : i32
    %scan3A_60 = arith.constant 53 : i32
    %scan3A_61 = arith.addi %scan3A_59, %scan3A_60 : i32
    %scan3A_62 = arith.constant 1 : i32
    scf.for %scan3A_82 = %scan3A_59 to %scan3A_61 step %scan3A_62  : i32 {
      %mul3A_83 = arith.constant 3 : i32
      %mul3A_84 = arith.muli %scan3A_82, %mul3A_83 : i32
      %add3A_85 = arith.constant 0 : i32
      %add3A_86 = arith.addi %add3A_85, %mul3A_84 : i32
      %add3A_87 = arith.constant 0 : i32
      %add3A_88 = arith.addi %add3A_86, %add3A_87 : i32
      %add3A_89 = arith.constant 2 : i32
      %add3A_90 = arith.addi %add3A_88, %add3A_89 : i32
      %dma_start3A_91 = arith.constant 0 : i32
      %dma_start3A_92 = tpu.memref_slice %arg7[%add3A_90, %dma_start3A_91] : memref<161x64xi32, #tpu.memory_space<vmem>> -> memref<1x64xi32, #tpu.memory_space<vmem>>
      %dma_start3A_93 = tpu.memref_squeeze %dma_start3A_92 : memref<1x64xi32, #tpu.memory_space<vmem>> -> memref<64xi32, #tpu.memory_space<vmem>>
      %dma_start3A_94 = arith.constant 0 : i32
      %dma_start3A_95 = arith.constant 0 : i32
      %dma_start3A_96 = tpu.memref_slice %arg2[%dma_start3A_94, %dma_start3A_95] : memref<10240x128xf32, #tpu.memory_space<hbm>> -> memref<10240x128xf32, #tpu.memory_space<hbm>>
      tpu.enqueue_indirect_dma source(%dma_start3A_96 : memref<10240x128xf32, #tpu.memory_space<hbm>>) target(%arg11 : memref<64x128xf32, #tpu.memory_space<vmem>>) offsets(%dma_start3A_93 : memref<64xi32, #tpu.memory_space<vmem>>) semaphore(%arg15 : memref<!tpu.dma_semaphore, #tpu.memory_space<semaphore_mem>>)
      %dma_wait3A_97 = arith.constant 0 : i32
      %dma_wait3A_98 = tpu.memref_slice %arg7[%add3A_88, %dma_wait3A_97] : memref<161x64xi32, #tpu.memory_space<vmem>> -> memref<1x64xi32, #tpu.memory_space<vmem>>
      %dma_wait3A_99 = tpu.memref_squeeze %dma_wait3A_98 : memref<1x64xi32, #tpu.memory_space<vmem>> -> memref<64xi32, #tpu.memory_space<vmem>>
      %dma_wait3A_100 = arith.constant 0 : i32
      %dma_wait3A_101 = arith.constant 0 : i32
      %dma_wait3A_102 = tpu.memref_slice %arg2[%dma_wait3A_100, %dma_wait3A_101] : memref<10240x128xf32, #tpu.memory_space<hbm>> -> memref<10240x128xf32, #tpu.memory_space<hbm>>
      tpu.wait_indirect_dma semaphore(%arg13 : memref<!tpu.dma_semaphore, #tpu.memory_space<semaphore_mem>>) src(%dma_wait3A_102 : memref<10240x128xf32, #tpu.memory_space<hbm>>) dst(%arg9 : memref<64x128xf32, #tpu.memory_space<vmem>>)
      "tpu.region"() ({
        %run_scoped3A = tpu.sem_alloc : memref<!tpu.dma_semaphore, #tpu.memory_space<semaphore_mem>>
        %dma_start3A_135 = arith.constant 0 : i32
        %dma_start3A_136 = tpu.memref_slice %arg8[%add3A_88, %dma_start3A_135] : memref<159x64xi32, #tpu.memory_space<vmem>> -> memref<1x64xi32, #tpu.memory_space<vmem>>
        %dma_start3A_137 = tpu.memref_squeeze %dma_start3A_136 : memref<1x64xi32, #tpu.memory_space<vmem>> -> memref<64xi32, #tpu.memory_space<vmem>>
        %dma_start3A_138 = arith.constant 0 : i32
        %dma_start3A_139 = arith.constant 0 : i32
        %dma_start3A_140 = tpu.memref_slice %arg12[%dma_start3A_138, %dma_start3A_139] : memref<10240x128xf32, #tpu.memory_space<vmem_shared>> -> memref<10240x128xf32, #tpu.memory_space<vmem_shared>>
        tpu.enqueue_indirect_dma source(%arg9 : memref<64x128xf32, #tpu.memory_space<vmem>>) target(%dma_start3A_140 : memref<10240x128xf32, #tpu.memory_space<vmem_shared>>) offsets(%dma_start3A_137 : memref<64xi32, #tpu.memory_space<vmem>>) semaphore(%run_scoped3A : memref<!tpu.dma_semaphore, #tpu.memory_space<semaphore_mem>>) {add = true}
        %dma_wait3A_141 = arith.constant 0 : i32
        %dma_wait3A_142 = tpu.memref_slice %arg8[%add3A_88, %dma_wait3A_141] : memref<159x64xi32, #tpu.memory_space<vmem>> -> memref<1x64xi32, #tpu.memory_space<vmem>>
        %dma_wait3A_143 = tpu.memref_squeeze %dma_wait3A_142 : memref<1x64xi32, #tpu.memory_space<vmem>> -> memref<64xi32, #tpu.memory_space<vmem>>
        %dma_wait3A_144 = arith.constant 0 : i32
        %dma_wait3A_145 = arith.constant 0 : i32
        %dma_wait3A_146 = tpu.memref_slice %arg12[%dma_wait3A_144, %dma_wait3A_145] : memref<10240x128xf32, #tpu.memory_space<vmem_shared>> -> memref<10240x128xf32, #tpu.memory_space<vmem_shared>>
        tpu.wait_indirect_dma semaphore(%run_scoped3A : memref<!tpu.dma_semaphore, #tpu.memory_space<semaphore_mem>>) src(%arg9 : memref<64x128xf32, #tpu.memory_space<vmem>>) dst(%dma_wait3A_146 : memref<10240x128xf32, #tpu.memory_space<vmem_shared>>)
        tpu.yield
      }) : () -> ()
      %add3A_103 = arith.constant 1 : i32
      %add3A_104 = arith.addi %add3A_86, %add3A_103 : i32
      %add3A_105 = arith.constant 2 : i32
      %add3A_106 = arith.addi %add3A_104, %add3A_105 : i32
      %dma_start3A_107 = arith.constant 0 : i32
      %dma_start3A_108 = tpu.memref_slice %arg7[%add3A_106, %dma_start3A_107] : memref<161x64xi32, #tpu.memory_space<vmem>> -> memref<1x64xi32, #tpu.memory_space<vmem>>
      %dma_start3A_109 = tpu.memref_squeeze %dma_start3A_108 : memref<1x64xi32, #tpu.memory_space<vmem>> -> memref<64xi32, #tpu.memory_space<vmem>>
      %dma_start3A_110 = arith.constant 0 : i32
      %dma_start3A_111 = arith.constant 0 : i32
      %dma_start3A_112 = tpu.memref_slice %arg2[%dma_start3A_110, %dma_start3A_111] : memref<10240x128xf32, #tpu.memory_space<hbm>> -> memref<10240x128xf32, #tpu.memory_space<hbm>>
      tpu.enqueue_indirect_dma source(%dma_start3A_112 : memref<10240x128xf32, #tpu.memory_space<hbm>>) target(%arg9 : memref<64x128xf32, #tpu.memory_space<vmem>>) offsets(%dma_start3A_109 : memref<64xi32, #tpu.memory_space<vmem>>) semaphore(%arg13 : memref<!tpu.dma_semaphore, #tpu.memory_space<semaphore_mem>>)
      %dma_wait3A_113 = arith.constant 0 : i32
      %dma_wait3A_114 = tpu.memref_slice %arg7[%add3A_104, %dma_wait3A_113] : memref<161x64xi32, #tpu.memory_space<vmem>> -> memref<1x64xi32, #tpu.memory_space<vmem>>
      %dma_wait3A_115 = tpu.memref_squeeze %dma_wait3A_114 : memref<1x64xi32, #tpu.memory_space<vmem>> -> memref<64xi32, #tpu.memory_space<vmem>>
      %dma_wait3A_116 = arith.constant 0 : i32
      %dma_wait3A_117 = arith.constant 0 : i32
      %dma_wait3A_118 = tpu.memref_slice %arg2[%dma_wait3A_116, %dma_wait3A_117] : memref<10240x128xf32, #tpu.memory_space<hbm>> -> memref<10240x128xf32, #tpu.memory_space<hbm>>
      tpu.wait_indirect_dma semaphore(%arg14 : memref<!tpu.dma_semaphore, #tpu.memory_space<semaphore_mem>>) src(%dma_wait3A_118 : memref<10240x128xf32, #tpu.memory_space<hbm>>) dst(%arg10 : memref<64x128xf32, #tpu.memory_space<vmem>>)
      "tpu.region"() ({
        %run_scoped3A = tpu.sem_alloc : memref<!tpu.dma_semaphore, #tpu.memory_space<semaphore_mem>>
        %dma_start3A_135 = arith.constant 0 : i32
        %dma_start3A_136 = tpu.memref_slice %arg8[%add3A_104, %dma_start3A_135] : memref<159x64xi32, #tpu.memory_space<vmem>> -> memref<1x64xi32, #tpu.memory_space<vmem>>
        %dma_start3A_137 = tpu.memref_squeeze %dma_start3A_136 : memref<1x64xi32, #tpu.memory_space<vmem>> -> memref<64xi32, #tpu.memory_space<vmem>>
        %dma_start3A_138 = arith.constant 0 : i32
        %dma_start3A_139 = arith.constant 0 : i32
        %dma_start3A_140 = tpu.memref_slice %arg12[%dma_start3A_138, %dma_start3A_139] : memref<10240x128xf32, #tpu.memory_space<vmem_shared>> -> memref<10240x128xf32, #tpu.memory_space<vmem_shared>>
        tpu.enqueue_indirect_dma source(%arg10 : memref<64x128xf32, #tpu.memory_space<vmem>>) target(%dma_start3A_140 : memref<10240x128xf32, #tpu.memory_space<vmem_shared>>) offsets(%dma_start3A_137 : memref<64xi32, #tpu.memory_space<vmem>>) semaphore(%run_scoped3A : memref<!tpu.dma_semaphore, #tpu.memory_space<semaphore_mem>>) {add = true}
        %dma_wait3A_141 = arith.constant 0 : i32
        %dma_wait3A_142 = tpu.memref_slice %arg8[%add3A_104, %dma_wait3A_141] : memref<159x64xi32, #tpu.memory_space<vmem>> -> memref<1x64xi32, #tpu.memory_space<vmem>>
        %dma_wait3A_143 = tpu.memref_squeeze %dma_wait3A_142 : memref<1x64xi32, #tpu.memory_space<vmem>> -> memref<64xi32, #tpu.memory_space<vmem>>
        %dma_wait3A_144 = arith.constant 0 : i32
        %dma_wait3A_145 = arith.constant 0 : i32
        %dma_wait3A_146 = tpu.memref_slice %arg12[%dma_wait3A_144, %dma_wait3A_145] : memref<10240x128xf32, #tpu.memory_space<vmem_shared>> -> memref<10240x128xf32, #tpu.memory_space<vmem_shared>>
        tpu.wait_indirect_dma semaphore(%run_scoped3A : memref<!tpu.dma_semaphore, #tpu.memory_space<semaphore_mem>>) src(%arg10 : memref<64x128xf32, #tpu.memory_space<vmem>>) dst(%dma_wait3A_146 : memref<10240x128xf32, #tpu.memory_space<vmem_shared>>)
        tpu.yield
      }) : () -> ()
      %add3A_119 = arith.constant 2 : i32
      %add3A_120 = arith.addi %add3A_86, %add3A_119 : i32
      %add3A_121 = arith.constant 2 : i32
      %add3A_122 = arith.addi %add3A_120, %add3A_121 : i32
      %dma_start3A_123 = arith.constant 0 : i32
      %dma_start3A_124 = tpu.memref_slice %arg7[%add3A_122, %dma_start3A_123] : memref<161x64xi32, #tpu.memory_space<vmem>> -> memref<1x64xi32, #tpu.memory_space<vmem>>
      %dma_start3A_125 = tpu.memref_squeeze %dma_start3A_124 : memref<1x64xi32, #tpu.memory_space<vmem>> -> memref<64xi32, #tpu.memory_space<vmem>>
      %dma_start3A_126 = arith.constant 0 : i32
      %dma_start3A_127 = arith.constant 0 : i32
      %dma_start3A_128 = tpu.memref_slice %arg2[%dma_start3A_126, %dma_start3A_127] : memref<10240x128xf32, #tpu.memory_space<hbm>> -> memref<10240x128xf32, #tpu.memory_space<hbm>>
      tpu.enqueue_indirect_dma source(%dma_start3A_128 : memref<10240x128xf32, #tpu.memory_space<hbm>>) target(%arg10 : memref<64x128xf32, #tpu.memory_space<vmem>>) offsets(%dma_start3A_125 : memref<64xi32, #tpu.memory_space<vmem>>) semaphore(%arg14 : memref<!tpu.dma_semaphore, #tpu.memory_space<semaphore_mem>>)
      %dma_wait3A_129 = arith.constant 0 : i32
      %dma_wait3A_130 = tpu.memref_slice %arg7[%add3A_120, %dma_wait3A_129] : memref<161x64xi32, #tpu.memory_space<vmem>> -> memref<1x64xi32, #tpu.memory_space<vmem>>
      %dma_wait3A_131 = tpu.memref_squeeze %dma_wait3A_130 : memref<1x64xi32, #tpu.memory_space<vmem>> -> memref<64xi32, #tpu.memory_space<vmem>>
      %dma_wait3A_132 = arith.constant 0 : i32
      %dma_wait3A_133 = arith.constant 0 : i32
      %dma_wait3A_134 = tpu.memref_slice %arg2[%dma_wait3A_132, %dma_wait3A_133] : memref<10240x128xf32, #tpu.memory_space<hbm>> -> memref<10240x128xf32, #tpu.memory_space<hbm>>
      tpu.wait_indirect_dma semaphore(%arg15 : memref<!tpu.dma_semaphore, #tpu.memory_space<semaphore_mem>>) src(%dma_wait3A_134 : memref<10240x128xf32, #tpu.memory_space<hbm>>) dst(%arg11 : memref<64x128xf32, #tpu.memory_space<vmem>>)
      "tpu.region"() ({
        %run_scoped3A = tpu.sem_alloc : memref<!tpu.dma_semaphore, #tpu.memory_space<semaphore_mem>>
        %dma_start3A_135 = arith.constant 0 : i32
        %dma_start3A_136 = tpu.memref_slice %arg8[%add3A_120, %dma_start3A_135] : memref<159x64xi32, #tpu.memory_space<vmem>> -> memref<1x64xi32, #tpu.memory_space<vmem>>
        %dma_start3A_137 = tpu.memref_squeeze %dma_start3A_136 : memref<1x64xi32, #tpu.memory_space<vmem>> -> memref<64xi32, #tpu.memory_space<vmem>>
        %dma_start3A_138 = arith.constant 0 : i32
        %dma_start3A_139 = arith.constant 0 : i32
        %dma_start3A_140 = tpu.memref_slice %arg12[%dma_start3A_138, %dma_start3A_139] : memref<10240x128xf32, #tpu.memory_space<vmem_shared>> -> memref<10240x128xf32, #tpu.memory_space<vmem_shared>>
        tpu.enqueue_indirect_dma source(%arg11 : memref<64x128xf32, #tpu.memory_space<vmem>>) target(%dma_start3A_140 : memref<10240x128xf32, #tpu.memory_space<vmem_shared>>) offsets(%dma_start3A_137 : memref<64xi32, #tpu.memory_space<vmem>>) semaphore(%run_scoped3A : memref<!tpu.dma_semaphore, #tpu.memory_space<semaphore_mem>>) {add = true}
        %dma_wait3A_141 = arith.constant 0 : i32
        %dma_wait3A_142 = tpu.memref_slice %arg8[%add3A_120, %dma_wait3A_141] : memref<159x64xi32, #tpu.memory_space<vmem>> -> memref<1x64xi32, #tpu.memory_space<vmem>>
        %dma_wait3A_143 = tpu.memref_squeeze %dma_wait3A_142 : memref<1x64xi32, #tpu.memory_space<vmem>> -> memref<64xi32, #tpu.memory_space<vmem>>
        %dma_wait3A_144 = arith.constant 0 : i32
        %dma_wait3A_145 = arith.constant 0 : i32
        %dma_wait3A_146 = tpu.memref_slice %arg12[%dma_wait3A_144, %dma_wait3A_145] : memref<10240x128xf32, #tpu.memory_space<vmem_shared>> -> memref<10240x128xf32, #tpu.memory_space<vmem_shared>>
        tpu.wait_indirect_dma semaphore(%run_scoped3A : memref<!tpu.dma_semaphore, #tpu.memory_space<semaphore_mem>>) src(%arg11 : memref<64x128xf32, #tpu.memory_space<vmem>>) dst(%dma_wait3A_146 : memref<10240x128xf32, #tpu.memory_space<vmem_shared>>)
        tpu.yield
      }) : () -> ()
    }
    %scan3A_63 = arith.constant 53 : i32
    %dma_wait3A = arith.constant 0 : i32
    %dma_wait3A_64 = arith.constant 0 : i32
    %dma_wait3A_65 = tpu.memref_slice %arg7[%dma_wait3A, %dma_wait3A_64] : memref<161x64xi32, #tpu.memory_space<vmem>> -> memref<1x64xi32, #tpu.memory_space<vmem>>
    %dma_wait3A_66 = tpu.memref_squeeze %dma_wait3A_65 : memref<1x64xi32, #tpu.memory_space<vmem>> -> memref<64xi32, #tpu.memory_space<vmem>>
    %dma_wait3A_67 = arith.constant 0 : i32
    %dma_wait3A_68 = arith.constant 0 : i32
    %dma_wait3A_69 = tpu.memref_slice %arg2[%dma_wait3A_67, %dma_wait3A_68] : memref<10240x128xf32, #tpu.memory_space<hbm>> -> memref<10240x128xf32, #tpu.memory_space<hbm>>
    tpu.wait_indirect_dma semaphore(%arg13 : memref<!tpu.dma_semaphore, #tpu.memory_space<semaphore_mem>>) src(%dma_wait3A_69 : memref<10240x128xf32, #tpu.memory_space<hbm>>) dst(%arg9 : memref<64x128xf32, #tpu.memory_space<vmem>>)
    %dma_wait3A_70 = arith.constant 1 : i32
    %dma_wait3A_71 = arith.constant 0 : i32
    %dma_wait3A_72 = tpu.memref_slice %arg7[%dma_wait3A_70, %dma_wait3A_71] : memref<161x64xi32, #tpu.memory_space<vmem>> -> memref<1x64xi32, #tpu.memory_space<vmem>>
    %dma_wait3A_73 = tpu.memref_squeeze %dma_wait3A_72 : memref<1x64xi32, #tpu.memory_space<vmem>> -> memref<64xi32, #tpu.memory_space<vmem>>
    %dma_wait3A_74 = arith.constant 0 : i32
    %dma_wait3A_75 = arith.constant 0 : i32
    %dma_wait3A_76 = tpu.memref_slice %arg2[%dma_wait3A_74, %dma_wait3A_75] : memref<10240x128xf32, #tpu.memory_space<hbm>> -> memref<10240x128xf32, #tpu.memory_space<hbm>>
    tpu.wait_indirect_dma semaphore(%arg14 : memref<!tpu.dma_semaphore, #tpu.memory_space<semaphore_mem>>) src(%dma_wait3A_76 : memref<10240x128xf32, #tpu.memory_space<hbm>>) dst(%arg10 : memref<64x128xf32, #tpu.memory_space<vmem>>)
    %barrier3A_77 = arith.constant 0 : index
    tpu.barrier barrier_id(%barrier3A_77)
    %mul3A_78 = arith.constant 640 : i32
    %mul3A_79 = arith.muli %arg1, %mul3A_78 : i32
    %mul3A_80 = arith.constant 640 : i32
    %mul3A_81 = arith.muli %arg1, %mul3A_80 : i32
    "tpu.region"() ({
      %run_scoped3A = tpu.sem_alloc : memref<!tpu.dma_semaphore, #tpu.memory_space<semaphore_mem>>
      %dma_start3A_82 = arith.constant 0 : i32
      %dma_start3A_83 = tpu.memref_slice %arg6[%arg0, %mul3A_81, %dma_start3A_82] : memref<2x10240x128xf32, #tpu.memory_space<hbm>> -> memref<1x640x128xf32, #tpu.memory_space<hbm>>
      %dma_start3A_84 = tpu.memref_squeeze %dma_start3A_83 : memref<1x640x128xf32, #tpu.memory_space<hbm>> -> memref<640x128xf32, #tpu.memory_space<hbm>>
      %dma_start3A_85 = arith.constant 0 : i32
      %dma_start3A_86 = tpu.memref_slice %arg12[%mul3A_79, %dma_start3A_85] : memref<10240x128xf32, #tpu.memory_space<vmem_shared>> -> memref<640x128xf32, #tpu.memory_space<vmem_shared>>
      tpu.enqueue_dma source(%dma_start3A_86 : memref<640x128xf32, #tpu.memory_space<vmem_shared>>) target(%dma_start3A_84 : memref<640x128xf32, #tpu.memory_space<hbm>>) target_semaphore(%run_scoped3A : memref<!tpu.dma_semaphore, #tpu.memory_space<semaphore_mem>>)
      %dma_wait3A_87 = arith.constant 0 : i32
      %dma_wait3A_88 = tpu.memref_slice %arg6[%arg0, %mul3A_81, %dma_wait3A_87] : memref<2x10240x128xf32, #tpu.memory_space<hbm>> -> memref<1x640x128xf32, #tpu.memory_space<hbm>>
      %dma_wait3A_89 = tpu.memref_squeeze %dma_wait3A_88 : memref<1x640x128xf32, #tpu.memory_space<hbm>> -> memref<640x128xf32, #tpu.memory_space<hbm>>
      %dma_wait3A_90 = arith.constant 0 : i32
      %dma_wait3A_91 = tpu.memref_slice %arg12[%mul3A_79, %dma_wait3A_90] : memref<10240x128xf32, #tpu.memory_space<vmem_shared>> -> memref<640x128xf32, #tpu.memory_space<vmem_shared>>
      tpu.wait_dma2 semaphore(%run_scoped3A : memref<!tpu.dma_semaphore, #tpu.memory_space<semaphore_mem>>) src(%dma_wait3A_91 : memref<640x128xf32, #tpu.memory_space<vmem_shared>>) dst(%dma_wait3A_89 : memref<640x128xf32, #tpu.memory_space<hbm>>)
      tpu.yield
    }) : () -> ()
    return
  }
}

#map = affine_map<(d0, d1) -> (0, 0)>
#map1 = affine_map<(d0, d1) -> (0, 0, 0)>
module attributes {stable_mosaic.version = 14 : i64} {
  func.func @kern(%arg0: i32, %arg1: i32, %arg2: memref<10240x128xf32, #tpu.memory_space<hbm>>, %arg3: memref<32x161x64xi32, #tpu.memory_space<hbm>>, %arg4: memref<32x159x64xi32, #tpu.memory_space<hbm>>, %arg5: memref<2x10240x128xf32, #tpu.memory_space<hbm>>, %arg6: memref<2x10240x128xf32, #tpu.memory_space<hbm>>, %arg7: memref<161x64xi32, #tpu.memory_space<vmem>>, %arg8: memref<159x64xi32, #tpu.memory_space<vmem>>, %arg9: memref<64x128xf32, #tpu.memory_space<vmem>>, %arg10: memref<64x128xf32, #tpu.memory_space<vmem>>, %arg11: memref<64x128xf32, #tpu.memory_space<vmem>>, %arg12: memref<10240x128xf32, #tpu.memory_space<vmem_shared>>, %arg13: memref<!tpu.dma_semaphore, #tpu.memory_space<semaphore_mem>>, %arg14: memref<!tpu.dma_semaphore, #tpu.memory_space<semaphore_mem>>, %arg15: memref<!tpu.dma_semaphore, #tpu.memory_space<semaphore_mem>>) attributes {dimension_semantics = [#tpu.dimension_semantics<core_parallel>, #tpu.dimension_semantics<subcore_parallel>], iteration_bounds = array<i64: 2, 16>, scalar_prefetch = 0 : i64, scratch_operands = 9 : i64, tpu.core_type = #tpu.core_type<sc_vector_subcore>, window_params = [{transform_indices = #map}, {transform_indices = #map1}, {transform_indices = #map1}, {transform_indices = #map1}, {transform_indices = #map1}]} {
    %mul3A = arith.constant 16 : i32
    %mul3A_0 = arith.muli %arg0, %mul3A : i32
    %add3A = arith.addi %mul3A_0, %arg1 : i32
    %broadcast_in_dim3A = arith.constant 0.000000e+00 : f32
    %broadcast_in_dim3A_1 = vector.broadcast %broadcast_in_dim3A : f32 to vector<16xf32>
    %scan3A = arith.constant 0 : i32
    %scan3A_2 = arith.constant 64 : i32
    %scan3A_3 = arith.addi %scan3A, %scan3A_2 : i32
    %scan3A_4 = arith.constant 1 : i32
    scf.for %scan3A_82 = %scan3A to %scan3A_3 step %scan3A_4  : i32 {
      %mul3A_83 = arith.constant 1 : i32
      %mul3A_84 = arith.muli %scan3A_82, %mul3A_83 : i32
      %add3A_85 = arith.constant 0 : i32
      %add3A_86 = arith.addi %add3A_85, %mul3A_84 : i32
      %swap3A = arith.index_cast %add3A_86 : i32 to index
      %swap3A_87 = arith.constant 0 : index
      %swap3A_88 = tpu.vector_load %arg9[%swap3A, %swap3A_87] {strides = array<i32>} : memref<64x128xf32, #tpu.memory_space<vmem>>, vector<1x16xf32>,
      %swap3A_89 = vector.shape_cast %swap3A_88 : vector<1x16xf32> to vector<16xf32>
      %swap3A_90 = vector.shape_cast %broadcast_in_dim3A_1 : vector<16xf32> to vector<1x16xf32>
      tpu.vector_store %arg9[%swap3A, %swap3A_87], %swap3A_90 {strides = array<i32>} : memref<64x128xf32, #tpu.memory_space<vmem>>, vector<1x16xf32>,
      %swap3A_91 = arith.index_cast %add3A_86 : i32 to index
      %swap3A_92 = arith.constant 16 : index
      %swap3A_93 = tpu.vector_load %arg9[%swap3A_91, %swap3A_92] {strides = array<i32>} : memref<64x128xf32, #tpu.memory_space<vmem>>, vector<1x16xf32>,
      %swap3A_94 = vector.shape_cast %swap3A_93 : vector<1x16xf32> to vector<16xf32>
      %swap3A_95 = vector.shape_cast %broadcast_in_dim3A_1 : vector<16xf32> to vector<1x16xf32>
      tpu.vector_store %arg9[%swap3A_91, %swap3A_92], %swap3A_95 {strides = array<i32>} : memref<64x128xf32, #tpu.memory_space<vmem>>, vector<1x16xf32>,
      %swap3A_96 = arith.index_cast %add3A_86 : i32 to index
      %swap3A_97 = arith.constant 32 : index
      %swap3A_98 = tpu.vector_load %arg9[%swap3A_96, %swap3A_97] {strides = array<i32>} : memref<64x128xf32, #tpu.memory_space<vmem>>, vector<1x16xf32>,
      %swap3A_99 = vector.shape_cast %swap3A_98 : vector<1x16xf32> to vector<16xf32>
      %swap3A_100 = vector.shape_cast %broadcast_in_dim3A_1 : vector<16xf32> to vector<1x16xf32>
      tpu.vector_store %arg9[%swap3A_96, %swap3A_97], %swap3A_100 {strides = array<i32>} : memref<64x128xf32, #tpu.memory_space<vmem>>, vector<1x16xf32>,
      %swap3A_101 = arith.index_cast %add3A_86 : i32 to index
      %swap3A_102 = arith.constant 48 : index
      %swap3A_103 = tpu.vector_load %arg9[%swap3A_101, %swap3A_102] {strides = array<i32>} : memref<64x128xf32, #tpu.memory_space<vmem>>, vector<1x16xf32>,
      %swap3A_104 = vector.shape_cast %swap3A_103 : vector<1x16xf32> to vector<16xf32>
      %swap3A_105 = vector.shape_cast %broadcast_in_dim3A_1 : vector<16xf32> to vector<1x16xf32>
      tpu.vector_store %arg9[%swap3A_101, %swap3A_102], %swap3A_105 {strides = array<i32>} : memref<64x128xf32, #tpu.memory_space<vmem>>, vector<1x16xf32>,
      %swap3A_106 = arith.index_cast %add3A_86 : i32 to index
      %swap3A_107 = arith.constant 64 : index
      %swap3A_108 = tpu.vector_load %arg9[%swap3A_106, %swap3A_107] {strides = array<i32>} : memref<64x128xf32, #tpu.memory_space<vmem>>, vector<1x16xf32>,
      %swap3A_109 = vector.shape_cast %swap3A_108 : vector<1x16xf32> to vector<16xf32>
      %swap3A_110 = vector.shape_cast %broadcast_in_dim3A_1 : vector<16xf32> to vector<1x16xf32>
      tpu.vector_store %arg9[%swap3A_106, %swap3A_107], %swap3A_110 {strides = array<i32>} : memref<64x128xf32, #tpu.memory_space<vmem>>, vector<1x16xf32>,
      %swap3A_111 = arith.index_cast %add3A_86 : i32 to index
      %swap3A_112 = arith.constant 80 : index
      %swap3A_113 = tpu.vector_load %arg9[%swap3A_111, %swap3A_112] {strides = array<i32>} : memref<64x128xf32, #tpu.memory_space<vmem>>, vector<1x16xf32>,
      %swap3A_114 = vector.shape_cast %swap3A_113 : vector<1x16xf32> to vector<16xf32>
      %swap3A_115 = vector.shape_cast %broadcast_in_dim3A_1 : vector<16xf32> to vector<1x16xf32>
      tpu.vector_store %arg9[%swap3A_111, %swap3A_112], %swap3A_115 {strides = array<i32>} : memref<64x128xf32, #tpu.memory_space<vmem>>, vector<1x16xf32>,
      %swap3A_116 = arith.index_cast %add3A_86 : i32 to index
      %swap3A_117 = arith.constant 96 : index
      %swap3A_118 = tpu.vector_load %arg9[%swap3A_116, %swap3A_117] {strides = array<i32>} : memref<64x128xf32, #tpu.memory_space<vmem>>, vector<1x16xf32>,
      %swap3A_119 = vector.shape_cast %swap3A_118 : vector<1x16xf32> to vector<16xf32>
      %swap3A_120 = vector.shape_cast %broadcast_in_dim3A_1 : vector<16xf32> to vector<1x16xf32>
      tpu.vector_store %arg9[%swap3A_116, %swap3A_117], %swap3A_120 {strides = array<i32>} : memref<64x128xf32, #tpu.memory_space<vmem>>, vector<1x16xf32>,
      %swap3A_121 = arith.index_cast %add3A_86 : i32 to index
      %swap3A_122 = arith.constant 112 : index
      %swap3A_123 = tpu.vector_load %arg9[%swap3A_121, %swap3A_122] {strides = array<i32>} : memref<64x128xf32, #tpu.memory_space<vmem>>, vector<1x16xf32>,
      %swap3A_124 = vector.shape_cast %swap3A_123 : vector<1x16xf32> to vector<16xf32>
      %swap3A_125 = vector.shape_cast %broadcast_in_dim3A_1 : vector<16xf32> to vector<1x16xf32>
      tpu.vector_store %arg9[%swap3A_121, %swap3A_122], %swap3A_125 {strides = array<i32>} : memref<64x128xf32, #tpu.memory_space<vmem>>, vector<1x16xf32>,
    }
    %scan3A_5 = arith.constant 64 : i32
    %mul3A_6 = arith.constant 640 : i32
    %mul3A_7 = arith.muli %arg1, %mul3A_6 : i32
    %add3A_8 = arith.constant 0 : i32
    %add3A_9 = arith.addi %mul3A_7, %add3A_8 : i32
    "tpu.region"() ({
      %run_scoped3A = tpu.sem_alloc : memref<!tpu.dma_semaphore, #tpu.memory_space<semaphore_mem>>
      %dma_start3A_82 = arith.constant 0 : i32
      %dma_start3A_83 = tpu.memref_slice %arg12[%add3A_9, %dma_start3A_82] : memref<10240x128xf32, #tpu.memory_space<vmem_shared>> -> memref<64x128xf32, #tpu.memory_space<vmem_shared>>
      %dma_start3A_84 = arith.constant 0 : i32
      %dma_start3A_85 = tpu.memref_slice %arg12[%add3A_9, %dma_start3A_84] : memref<10240x128xf32, #tpu.memory_space<vmem_shared>> -> memref<64x128xf32, #tpu.memory_space<vmem_shared>>
      tpu.enqueue_dma source(%arg9 : memref<64x128xf32, #tpu.memory_space<vmem>>) target(%dma_start3A_85 : memref<64x128xf32, #tpu.memory_space<vmem_shared>>) target_semaphore(%run_scoped3A : memref<!tpu.dma_semaphore, #tpu.memory_space<semaphore_mem>>)
      %dma_wait3A_86 = arith.constant 0 : i32
      %dma_wait3A_87 = tpu.memref_slice %arg12[%add3A_9, %dma_wait3A_86] : memref<10240x128xf32, #tpu.memory_space<vmem_shared>> -> memref<64x128xf32, #tpu.memory_space<vmem_shared>>
      %dma_wait3A_88 = arith.constant 0 : i32
      %dma_wait3A_89 = tpu.memref_slice %arg12[%add3A_9, %dma_wait3A_88] : memref<10240x128xf32, #tpu.memory_space<vmem_shared>> -> memref<64x128xf32, #tpu.memory_space<vmem_shared>>
      tpu.wait_dma2 semaphore(%run_scoped3A : memref<!tpu.dma_semaphore, #tpu.memory_space<semaphore_mem>>) src(%arg9 : memref<64x128xf32, #tpu.memory_space<vmem>>) dst(%dma_wait3A_89 : memref<64x128xf32, #tpu.memory_space<vmem_shared>>)
      tpu.yield
    }) : () -> ()
    %mul3A_10 = arith.constant 640 : i32
    %mul3A_11 = arith.muli %arg1, %mul3A_10 : i32
    %add3A_12 = arith.constant 64 : i32
    %add3A_13 = arith.addi %mul3A_11, %add3A_12 : i32
    "tpu.region"() ({
      %run_scoped3A = tpu.sem_alloc : memref<!tpu.dma_semaphore, #tpu.memory_space<semaphore_mem>>
      %dma_start3A_82 = arith.constant 0 : i32
      %dma_start3A_83 = tpu.memref_slice %arg12[%add3A_13, %dma_start3A_82] : memref<10240x128xf32, #tpu.memory_space<vmem_shared>> -> memref<64x128xf32, #tpu.memory_space<vmem_shared>>
      %dma_start3A_84 = arith.constant 0 : i32
      %dma_start3A_85 = tpu.memref_slice %arg12[%add3A_13, %dma_start3A_84] : memref<10240x128xf32, #tpu.memory_space<vmem_shared>> -> memref<64x128xf32, #tpu.memory_space<vmem_shared>>
      tpu.enqueue_dma source(%arg9 : memref<64x128xf32, #tpu.memory_space<vmem>>) target(%dma_start3A_85 : memref<64x128xf32, #tpu.memory_space<vmem_shared>>) target_semaphore(%run_scoped3A : memref<!tpu.dma_semaphore, #tpu.memory_space<semaphore_mem>>)
      %dma_wait3A_86 = arith.constant 0 : i32
      %dma_wait3A_87 = tpu.memref_slice %arg12[%add3A_13, %dma_wait3A_86] : memref<10240x128xf32, #tpu.memory_space<vmem_shared>> -> memref<64x128xf32, #tpu.memory_space<vmem_shared>>
      %dma_wait3A_88 = arith.constant 0 : i32
      %dma_wait3A_89 = tpu.memref_slice %arg12[%add3A_13, %dma_wait3A_88] : memref<10240x128xf32, #tpu.memory_space<vmem_shared>> -> memref<64x128xf32, #tpu.memory_space<vmem_shared>>
      tpu.wait_dma2 semaphore(%run_scoped3A : memref<!tpu.dma_semaphore, #tpu.memory_space<semaphore_mem>>) src(%arg9 : memref<64x128xf32, #tpu.memory_space<vmem>>) dst(%dma_wait3A_89 : memref<64x128xf32, #tpu.memory_space<vmem_shared>>)
      tpu.yield
    }) : () -> ()
    %mul3A_14 = arith.constant 640 : i32
    %mul3A_15 = arith.muli %arg1, %mul3A_14 : i32
    %add3A_16 = arith.constant 128 : i32
    %add3A_17 = arith.addi %mul3A_15, %add3A_16 : i32
    "tpu.region"() ({
      %run_scoped3A = tpu.sem_alloc : memref<!tpu.dma_semaphore, #tpu.memory_space<semaphore_mem>>
      %dma_start3A_82 = arith.constant 0 : i32
      %dma_start3A_83 = tpu.memref_slice %arg12[%add3A_17, %dma_start3A_82] : memref<10240x128xf32, #tpu.memory_space<vmem_shared>> -> memref<64x128xf32, #tpu.memory_space<vmem_shared>>
      %dma_start3A_84 = arith.constant 0 : i32
      %dma_start3A_85 = tpu.memref_slice %arg12[%add3A_17, %dma_start3A_84] : memref<10240x128xf32, #tpu.memory_space<vmem_shared>> -> memref<64x128xf32, #tpu.memory_space<vmem_shared>>
      tpu.enqueue_dma source(%arg9 : memref<64x128xf32, #tpu.memory_space<vmem>>) target(%dma_start3A_85 : memref<64x128xf32, #tpu.memory_space<vmem_shared>>) target_semaphore(%run_scoped3A : memref<!tpu.dma_semaphore, #tpu.memory_space<semaphore_mem>>)
      %dma_wait3A_86 = arith.constant 0 : i32
      %dma_wait3A_87 = tpu.memref_slice %arg12[%add3A_17, %dma_wait3A_86] : memref<10240x128xf32, #tpu.memory_space<vmem_shared>> -> memref<64x128xf32, #tpu.memory_space<vmem_shared>>
      %dma_wait3A_88 = arith.constant 0 : i32
      %dma_wait3A_89 = tpu.memref_slice %arg12[%add3A_17, %dma_wait3A_88] : memref<10240x128xf32, #tpu.memory_space<vmem_shared>> -> memref<64x128xf32, #tpu.memory_space<vmem_shared>>
      tpu.wait_dma2 semaphore(%run_scoped3A : memref<!tpu.dma_semaphore, #tpu.memory_space<semaphore_mem>>) src(%arg9 : memref<64x128xf32, #tpu.memory_space<vmem>>) dst(%dma_wait3A_89 : memref<64x128xf32, #tpu.memory_space<vmem_shared>>)
      tpu.yield
    }) : () -> ()
    %mul3A_18 = arith.constant 640 : i32
    %mul3A_19 = arith.muli %arg1, %mul3A_18 : i32
    %add3A_20 = arith.constant 192 : i32
    %add3A_21 = arith.addi %mul3A_19, %add3A_20 : i32
    "tpu.region"() ({
      %run_scoped3A = tpu.sem_alloc : memref<!tpu.dma_semaphore, #tpu.memory_space<semaphore_mem>>
      %dma_start3A_82 = arith.constant 0 : i32
      %dma_start3A_83 = tpu.memref_slice %arg12[%add3A_21, %dma_start3A_82] : memref<10240x128xf32, #tpu.memory_space<vmem_shared>> -> memref<64x128xf32, #tpu.memory_space<vmem_shared>>
      %dma_start3A_84 = arith.constant 0 : i32
      %dma_start3A_85 = tpu.memref_slice %arg12[%add3A_21, %dma_start3A_84] : memref<10240x128xf32, #tpu.memory_space<vmem_shared>> -> memref<64x128xf32, #tpu.memory_space<vmem_shared>>
      tpu.enqueue_dma source(%arg9 : memref<64x128xf32, #tpu.memory_space<vmem>>) target(%dma_start3A_85 : memref<64x128xf32, #tpu.memory_space<vmem_shared>>) target_semaphore(%run_scoped3A : memref<!tpu.dma_semaphore, #tpu.memory_space<semaphore_mem>>)
      %dma_wait3A_86 = arith.constant 0 : i32
      %dma_wait3A_87 = tpu.memref_slice %arg12[%add3A_21, %dma_wait3A_86] : memref<10240x128xf32, #tpu.memory_space<vmem_shared>> -> memref<64x128xf32, #tpu.memory_space<vmem_shared>>
      %dma_wait3A_88 = arith.constant 0 : i32
      %dma_wait3A_89 = tpu.memref_slice %arg12[%add3A_21, %dma_wait3A_88] : memref<10240x128xf32, #tpu.memory_space<vmem_shared>> -> memref<64x128xf32, #tpu.memory_space<vmem_shared>>
      tpu.wait_dma2 semaphore(%run_scoped3A : memref<!tpu.dma_semaphore, #tpu.memory_space<semaphore_mem>>) src(%arg9 : memref<64x128xf32, #tpu.memory_space<vmem>>) dst(%dma_wait3A_89 : memref<64x128xf32, #tpu.memory_space<vmem_shared>>)
      tpu.yield
    }) : () -> ()
    %mul3A_22 = arith.constant 640 : i32
    %mul3A_23 = arith.muli %arg1, %mul3A_22 : i32
    %add3A_24 = arith.constant 256 : i32
    %add3A_25 = arith.addi %mul3A_23, %add3A_24 : i32
    "tpu.region"() ({
      %run_scoped3A = tpu.sem_alloc : memref<!tpu.dma_semaphore, #tpu.memory_space<semaphore_mem>>
      %dma_start3A_82 = arith.constant 0 : i32
      %dma_start3A_83 = tpu.memref_slice %arg12[%add3A_25, %dma_start3A_82] : memref<10240x128xf32, #tpu.memory_space<vmem_shared>> -> memref<64x128xf32, #tpu.memory_space<vmem_shared>>
      %dma_start3A_84 = arith.constant 0 : i32
      %dma_start3A_85 = tpu.memref_slice %arg12[%add3A_25, %dma_start3A_84] : memref<10240x128xf32, #tpu.memory_space<vmem_shared>> -> memref<64x128xf32, #tpu.memory_space<vmem_shared>>
      tpu.enqueue_dma source(%arg9 : memref<64x128xf32, #tpu.memory_space<vmem>>) target(%dma_start3A_85 : memref<64x128xf32, #tpu.memory_space<vmem_shared>>) target_semaphore(%run_scoped3A : memref<!tpu.dma_semaphore, #tpu.memory_space<semaphore_mem>>)
      %dma_wait3A_86 = arith.constant 0 : i32
      %dma_wait3A_87 = tpu.memref_slice %arg12[%add3A_25, %dma_wait3A_86] : memref<10240x128xf32, #tpu.memory_space<vmem_shared>> -> memref<64x128xf32, #tpu.memory_space<vmem_shared>>
      %dma_wait3A_88 = arith.constant 0 : i32
      %dma_wait3A_89 = tpu.memref_slice %arg12[%add3A_25, %dma_wait3A_88] : memref<10240x128xf32, #tpu.memory_space<vmem_shared>> -> memref<64x128xf32, #tpu.memory_space<vmem_shared>>
      tpu.wait_dma2 semaphore(%run_scoped3A : memref<!tpu.dma_semaphore, #tpu.memory_space<semaphore_mem>>) src(%arg9 : memref<64x128xf32, #tpu.memory_space<vmem>>) dst(%dma_wait3A_89 : memref<64x128xf32, #tpu.memory_space<vmem_shared>>)
      tpu.yield
    }) : () -> ()
    %mul3A_26 = arith.constant 640 : i32
    %mul3A_27 = arith.muli %arg1, %mul3A_26 : i32
    %add3A_28 = arith.constant 320 : i32
    %add3A_29 = arith.addi %mul3A_27, %add3A_28 : i32
    "tpu.region"() ({
      %run_scoped3A = tpu.sem_alloc : memref<!tpu.dma_semaphore, #tpu.memory_space<semaphore_mem>>
      %dma_start3A_82 = arith.constant 0 : i32
      %dma_start3A_83 = tpu.memref_slice %arg12[%add3A_29, %dma_start3A_82] : memref<10240x128xf32, #tpu.memory_space<vmem_shared>> -> memref<64x128xf32, #tpu.memory_space<vmem_shared>>
      %dma_start3A_84 = arith.constant 0 : i32
      %dma_start3A_85 = tpu.memref_slice %arg12[%add3A_29, %dma_start3A_84] : memref<10240x128xf32, #tpu.memory_space<vmem_shared>> -> memref<64x128xf32, #tpu.memory_space<vmem_shared>>
      tpu.enqueue_dma source(%arg9 : memref<64x128xf32, #tpu.memory_space<vmem>>) target(%dma_start3A_85 : memref<64x128xf32, #tpu.memory_space<vmem_shared>>) target_semaphore(%run_scoped3A : memref<!tpu.dma_semaphore, #tpu.memory_space<semaphore_mem>>)
      %dma_wait3A_86 = arith.constant 0 : i32
      %dma_wait3A_87 = tpu.memref_slice %arg12[%add3A_29, %dma_wait3A_86] : memref<10240x128xf32, #tpu.memory_space<vmem_shared>> -> memref<64x128xf32, #tpu.memory_space<vmem_shared>>
      %dma_wait3A_88 = arith.constant 0 : i32
      %dma_wait3A_89 = tpu.memref_slice %arg12[%add3A_29, %dma_wait3A_88] : memref<10240x128xf32, #tpu.memory_space<vmem_shared>> -> memref<64x128xf32, #tpu.memory_space<vmem_shared>>
      tpu.wait_dma2 semaphore(%run_scoped3A : memref<!tpu.dma_semaphore, #tpu.memory_space<semaphore_mem>>) src(%arg9 : memref<64x128xf32, #tpu.memory_space<vmem>>) dst(%dma_wait3A_89 : memref<64x128xf32, #tpu.memory_space<vmem_shared>>)
      tpu.yield
    }) : () -> ()
    %mul3A_30 = arith.constant 640 : i32
    %mul3A_31 = arith.muli %arg1, %mul3A_30 : i32
    %add3A_32 = arith.constant 384 : i32
    %add3A_33 = arith.addi %mul3A_31, %add3A_32 : i32
    "tpu.region"() ({
      %run_scoped3A = tpu.sem_alloc : memref<!tpu.dma_semaphore, #tpu.memory_space<semaphore_mem>>
      %dma_start3A_82 = arith.constant 0 : i32
      %dma_start3A_83 = tpu.memref_slice %arg12[%add3A_33, %dma_start3A_82] : memref<10240x128xf32, #tpu.memory_space<vmem_shared>> -> memref<64x128xf32, #tpu.memory_space<vmem_shared>>
      %dma_start3A_84 = arith.constant 0 : i32
      %dma_start3A_85 = tpu.memref_slice %arg12[%add3A_33, %dma_start3A_84] : memref<10240x128xf32, #tpu.memory_space<vmem_shared>> -> memref<64x128xf32, #tpu.memory_space<vmem_shared>>
      tpu.enqueue_dma source(%arg9 : memref<64x128xf32, #tpu.memory_space<vmem>>) target(%dma_start3A_85 : memref<64x128xf32, #tpu.memory_space<vmem_shared>>) target_semaphore(%run_scoped3A : memref<!tpu.dma_semaphore, #tpu.memory_space<semaphore_mem>>)
      %dma_wait3A_86 = arith.constant 0 : i32
      %dma_wait3A_87 = tpu.memref_slice %arg12[%add3A_33, %dma_wait3A_86] : memref<10240x128xf32, #tpu.memory_space<vmem_shared>> -> memref<64x128xf32, #tpu.memory_space<vmem_shared>>
      %dma_wait3A_88 = arith.constant 0 : i32
      %dma_wait3A_89 = tpu.memref_slice %arg12[%add3A_33, %dma_wait3A_88] : memref<10240x128xf32, #tpu.memory_space<vmem_shared>> -> memref<64x128xf32, #tpu.memory_space<vmem_shared>>
      tpu.wait_dma2 semaphore(%run_scoped3A : memref<!tpu.dma_semaphore, #tpu.memory_space<semaphore_mem>>) src(%arg9 : memref<64x128xf32, #tpu.memory_space<vmem>>) dst(%dma_wait3A_89 : memref<64x128xf32, #tpu.memory_space<vmem_shared>>)
      tpu.yield
    }) : () -> ()
    %mul3A_34 = arith.constant 640 : i32
    %mul3A_35 = arith.muli %arg1, %mul3A_34 : i32
    %add3A_36 = arith.constant 448 : i32
    %add3A_37 = arith.addi %mul3A_35, %add3A_36 : i32
    "tpu.region"() ({
      %run_scoped3A = tpu.sem_alloc : memref<!tpu.dma_semaphore, #tpu.memory_space<semaphore_mem>>
      %dma_start3A_82 = arith.constant 0 : i32
      %dma_start3A_83 = tpu.memref_slice %arg12[%add3A_37, %dma_start3A_82] : memref<10240x128xf32, #tpu.memory_space<vmem_shared>> -> memref<64x128xf32, #tpu.memory_space<vmem_shared>>
      %dma_start3A_84 = arith.constant 0 : i32
      %dma_start3A_85 = tpu.memref_slice %arg12[%add3A_37, %dma_start3A_84] : memref<10240x128xf32, #tpu.memory_space<vmem_shared>> -> memref<64x128xf32, #tpu.memory_space<vmem_shared>>
      tpu.enqueue_dma source(%arg9 : memref<64x128xf32, #tpu.memory_space<vmem>>) target(%dma_start3A_85 : memref<64x128xf32, #tpu.memory_space<vmem_shared>>) target_semaphore(%run_scoped3A : memref<!tpu.dma_semaphore, #tpu.memory_space<semaphore_mem>>)
      %dma_wait3A_86 = arith.constant 0 : i32
      %dma_wait3A_87 = tpu.memref_slice %arg12[%add3A_37, %dma_wait3A_86] : memref<10240x128xf32, #tpu.memory_space<vmem_shared>> -> memref<64x128xf32, #tpu.memory_space<vmem_shared>>
      %dma_wait3A_88 = arith.constant 0 : i32
      %dma_wait3A_89 = tpu.memref_slice %arg12[%add3A_37, %dma_wait3A_88] : memref<10240x128xf32, #tpu.memory_space<vmem_shared>> -> memref<64x128xf32, #tpu.memory_space<vmem_shared>>
      tpu.wait_dma2 semaphore(%run_scoped3A : memref<!tpu.dma_semaphore, #tpu.memory_space<semaphore_mem>>) src(%arg9 : memref<64x128xf32, #tpu.memory_space<vmem>>) dst(%dma_wait3A_89 : memref<64x128xf32, #tpu.memory_space<vmem_shared>>)
      tpu.yield
    }) : () -> ()
    %mul3A_38 = arith.constant 640 : i32
    %mul3A_39 = arith.muli %arg1, %mul3A_38 : i32
    %add3A_40 = arith.constant 512 : i32
    %add3A_41 = arith.addi %mul3A_39, %add3A_40 : i32
    "tpu.region"() ({
      %run_scoped3A = tpu.sem_alloc : memref<!tpu.dma_semaphore, #tpu.memory_space<semaphore_mem>>
      %dma_start3A_82 = arith.constant 0 : i32
      %dma_start3A_83 = tpu.memref_slice %arg12[%add3A_41, %dma_start3A_82] : memref<10240x128xf32, #tpu.memory_space<vmem_shared>> -> memref<64x128xf32, #tpu.memory_space<vmem_shared>>
      %dma_start3A_84 = arith.constant 0 : i32
      %dma_start3A_85 = tpu.memref_slice %arg12[%add3A_41, %dma_start3A_84] : memref<10240x128xf32, #tpu.memory_space<vmem_shared>> -> memref<64x128xf32, #tpu.memory_space<vmem_shared>>
      tpu.enqueue_dma source(%arg9 : memref<64x128xf32, #tpu.memory_space<vmem>>) target(%dma_start3A_85 : memref<64x128xf32, #tpu.memory_space<vmem_shared>>) target_semaphore(%run_scoped3A : memref<!tpu.dma_semaphore, #tpu.memory_space<semaphore_mem>>)
      %dma_wait3A_86 = arith.constant 0 : i32
      %dma_wait3A_87 = tpu.memref_slice %arg12[%add3A_41, %dma_wait3A_86] : memref<10240x128xf32, #tpu.memory_space<vmem_shared>> -> memref<64x128xf32, #tpu.memory_space<vmem_shared>>
      %dma_wait3A_88 = arith.constant 0 : i32
      %dma_wait3A_89 = tpu.memref_slice %arg12[%add3A_41, %dma_wait3A_88] : memref<10240x128xf32, #tpu.memory_space<vmem_shared>> -> memref<64x128xf32, #tpu.memory_space<vmem_shared>>
      tpu.wait_dma2 semaphore(%run_scoped3A : memref<!tpu.dma_semaphore, #tpu.memory_space<semaphore_mem>>) src(%arg9 : memref<64x128xf32, #tpu.memory_space<vmem>>) dst(%dma_wait3A_89 : memref<64x128xf32, #tpu.memory_space<vmem_shared>>)
      tpu.yield
    }) : () -> ()
    %mul3A_42 = arith.constant 640 : i32
    %mul3A_43 = arith.muli %arg1, %mul3A_42 : i32
    %add3A_44 = arith.constant 576 : i32
    %add3A_45 = arith.addi %mul3A_43, %add3A_44 : i32
    "tpu.region"() ({
      %run_scoped3A = tpu.sem_alloc : memref<!tpu.dma_semaphore, #tpu.memory_space<semaphore_mem>>
      %dma_start3A_82 = arith.constant 0 : i32
      %dma_start3A_83 = tpu.memref_slice %arg12[%add3A_45, %dma_start3A_82] : memref<10240x128xf32, #tpu.memory_space<vmem_shared>> -> memref<64x128xf32, #tpu.memory_space<vmem_shared>>
      %dma_start3A_84 = arith.constant 0 : i32
      %dma_start3A_85 = tpu.memref_slice %arg12[%add3A_45, %dma_start3A_84] : memref<10240x128xf32, #tpu.memory_space<vmem_shared>> -> memref<64x128xf32, #tpu.memory_space<vmem_shared>>
      tpu.enqueue_dma source(%arg9 : memref<64x128xf32, #tpu.memory_space<vmem>>) target(%dma_start3A_85 : memref<64x128xf32, #tpu.memory_space<vmem_shared>>) target_semaphore(%run_scoped3A : memref<!tpu.dma_semaphore, #tpu.memory_space<semaphore_mem>>)
      %dma_wait3A_86 = arith.constant 0 : i32
      %dma_wait3A_87 = tpu.memref_slice %arg12[%add3A_45, %dma_wait3A_86] : memref<10240x128xf32, #tpu.memory_space<vmem_shared>> -> memref<64x128xf32, #tpu.memory_space<vmem_shared>>
      %dma_wait3A_88 = arith.constant 0 : i32
      %dma_wait3A_89 = tpu.memref_slice %arg12[%add3A_45, %dma_wait3A_88] : memref<10240x128xf32, #tpu.memory_space<vmem_shared>> -> memref<64x128xf32, #tpu.memory_space<vmem_shared>>
      tpu.wait_dma2 semaphore(%run_scoped3A : memref<!tpu.dma_semaphore, #tpu.memory_space<semaphore_mem>>) src(%arg9 : memref<64x128xf32, #tpu.memory_space<vmem>>) dst(%dma_wait3A_89 : memref<64x128xf32, #tpu.memory_space<vmem_shared>>)
      tpu.yield
    }) : () -> ()
    %barrier3A = arith.constant 0 : index
    tpu.barrier barrier_id(%barrier3A)
    "tpu.region"() ({
      %run_scoped3A = tpu.sem_alloc : memref<!tpu.dma_semaphore, #tpu.memory_space<semaphore_mem>>
      %dma_start3A_82 = arith.constant 0 : i32
      %dma_start3A_83 = arith.constant 0 : i32
      %dma_start3A_84 = tpu.memref_slice %arg3[%add3A, %dma_start3A_82, %dma_start3A_83] : memref<32x161x64xi32, #tpu.memory_space<hbm>> -> memref<1x161x64xi32, #tpu.memory_space<hbm>>
      %dma_start3A_85 = tpu.memref_squeeze %dma_start3A_84 : memref<1x161x64xi32, #tpu.memory_space<hbm>> -> memref<161x64xi32, #tpu.memory_space<hbm>>
      %dma_start3A_86 = arith.constant 0 : i32
      %dma_start3A_87 = arith.constant 0 : i32
      %dma_start3A_88 = tpu.memref_slice %arg3[%add3A, %dma_start3A_86, %dma_start3A_87] : memref<32x161x64xi32, #tpu.memory_space<hbm>> -> memref<1x161x64xi32, #tpu.memory_space<hbm>>
      %dma_start3A_89 = tpu.memref_squeeze %dma_start3A_88 : memref<1x161x64xi32, #tpu.memory_space<hbm>> -> memref<161x64xi32, #tpu.memory_space<hbm>>
      tpu.enqueue_dma source(%dma_start3A_89 : memref<161x64xi32, #tpu.memory_space<hbm>>) target(%arg7 : memref<161x64xi32, #tpu.memory_space<vmem>>) target_semaphore(%run_scoped3A : memref<!tpu.dma_semaphore, #tpu.memory_space<semaphore_mem>>)
      %dma_wait3A_90 = arith.constant 0 : i32
      %dma_wait3A_91 = arith.constant 0 : i32
      %dma_wait3A_92 = tpu.memref_slice %arg3[%add3A, %dma_wait3A_90, %dma_wait3A_91] : memref<32x161x64xi32, #tpu.memory_space<hbm>> -> memref<1x161x64xi32, #tpu.memory_space<hbm>>
      %dma_wait3A_93 = tpu.memref_squeeze %dma_wait3A_92 : memref<1x161x64xi32, #tpu.memory_space<hbm>> -> memref<161x64xi32, #tpu.memory_space<hbm>>
      %dma_wait3A_94 = arith.constant 0 : i32
      %dma_wait3A_95 = arith.constant 0 : i32
      %dma_wait3A_96 = tpu.memref_slice %arg3[%add3A, %dma_wait3A_94, %dma_wait3A_95] : memref<32x161x64xi32, #tpu.memory_space<hbm>> -> memref<1x161x64xi32, #tpu.memory_space<hbm>>
      %dma_wait3A_97 = tpu.memref_squeeze %dma_wait3A_96 : memref<1x161x64xi32, #tpu.memory_space<hbm>> -> memref<161x64xi32, #tpu.memory_space<hbm>>
      tpu.wait_dma2 semaphore(%run_scoped3A : memref<!tpu.dma_semaphore, #tpu.memory_space<semaphore_mem>>) src(%dma_wait3A_97 : memref<161x64xi32, #tpu.memory_space<hbm>>) dst(%arg7 : memref<161x64xi32, #tpu.memory_space<vmem>>)
      tpu.yield
    }) : () -> ()
    "tpu.region"() ({
      %run_scoped3A = tpu.sem_alloc : memref<!tpu.dma_semaphore, #tpu.memory_space<semaphore_mem>>
      %dma_start3A_82 = arith.constant 0 : i32
      %dma_start3A_83 = arith.constant 0 : i32
      %dma_start3A_84 = tpu.memref_slice %arg4[%add3A, %dma_start3A_82, %dma_start3A_83] : memref<32x159x64xi32, #tpu.memory_space<hbm>> -> memref<1x159x64xi32, #tpu.memory_space<hbm>>
      %dma_start3A_85 = tpu.memref_squeeze %dma_start3A_84 : memref<1x159x64xi32, #tpu.memory_space<hbm>> -> memref<159x64xi32, #tpu.memory_space<hbm>>
      %dma_start3A_86 = arith.constant 0 : i32
      %dma_start3A_87 = arith.constant 0 : i32
      %dma_start3A_88 = tpu.memref_slice %arg4[%add3A, %dma_start3A_86, %dma_start3A_87] : memref<32x159x64xi32, #tpu.memory_space<hbm>> -> memref<1x159x64xi32, #tpu.memory_space<hbm>>
      %dma_start3A_89 = tpu.memref_squeeze %dma_start3A_88 : memref<1x159x64xi32, #tpu.memory_space<hbm>> -> memref<159x64xi32, #tpu.memory_space<hbm>>
      tpu.enqueue_dma source(%dma_start3A_89 : memref<159x64xi32, #tpu.memory_space<hbm>>) target(%arg8 : memref<159x64xi32, #tpu.memory_space<vmem>>) target_semaphore(%run_scoped3A : memref<!tpu.dma_semaphore, #tpu.memory_space<semaphore_mem>>)
      %dma_wait3A_90 = arith.constant 0 : i32
      %dma_wait3A_91 = arith.constant 0 : i32
      %dma_wait3A_92 = tpu.memref_slice %arg4[%add3A, %dma_wait3A_90, %dma_wait3A_91] : memref<32x159x64xi32, #tpu.memory_space<hbm>> -> memref<1x159x64xi32, #tpu.memory_space<hbm>>
      %dma_wait3A_93 = tpu.memref_squeeze %dma_wait3A_92 : memref<1x159x64xi32, #tpu.memory_space<hbm>> -> memref<159x64xi32, #tpu.memory_space<hbm>>
      %dma_wait3A_94 = arith.constant 0 : i32
      %dma_wait3A_95 = arith.constant 0 : i32
      %dma_wait3A_96 = tpu.memref_slice %arg4[%add3A, %dma_wait3A_94, %dma_wait3A_95] : memref<32x159x64xi32, #tpu.memory_space<hbm>> -> memref<1x159x64xi32, #tpu.memory_space<hbm>>
      %dma_wait3A_97 = tpu.memref_squeeze %dma_wait3A_96 : memref<1x159x64xi32, #tpu.memory_space<hbm>> -> memref<159x64xi32, #tpu.memory_space<hbm>>
      tpu.wait_dma2 semaphore(%run_scoped3A : memref<!tpu.dma_semaphore, #tpu.memory_space<semaphore_mem>>) src(%dma_wait3A_97 : memref<159x64xi32, #tpu.memory_space<hbm>>) dst(%arg8 : memref<159x64xi32, #tpu.memory_space<vmem>>)
      tpu.yield
    }) : () -> ()
    %dma_start3A = arith.constant 0 : i32
    %dma_start3A_46 = arith.constant 0 : i32
    %dma_start3A_47 = tpu.memref_slice %arg7[%dma_start3A, %dma_start3A_46] : memref<161x64xi32, #tpu.memory_space<vmem>> -> memref<1x64xi32, #tpu.memory_space<vmem>>
    %dma_start3A_48 = tpu.memref_squeeze %dma_start3A_47 : memref<1x64xi32, #tpu.memory_space<vmem>> -> memref<64xi32, #tpu.memory_space<vmem>>
    %dma_start3A_49 = arith.constant 0 : i32
    %dma_start3A_50 = arith.constant 0 : i32
    %dma_start3A_51 = tpu.memref_slice %arg2[%dma_start3A_49, %dma_start3A_50] : memref<10240x128xf32, #tpu.memory_space<hbm>> -> memref<10240x128xf32, #tpu.memory_space<hbm>>
    tpu.enqueue_indirect_dma source(%dma_start3A_51 : memref<10240x128xf32, #tpu.memory_space<hbm>>) target(%arg9 : memref<64x128xf32, #tpu.memory_space<vmem>>) offsets(%dma_start3A_48 : memref<64xi32, #tpu.memory_space<vmem>>) semaphore(%arg13 : memref<!tpu.dma_semaphore, #tpu.memory_space<semaphore_mem>>)
    %dma_start3A_52 = arith.constant 1 : i32
    %dma_start3A_53 = arith.constant 0 : i32
    %dma_start3A_54 = tpu.memref_slice %arg7[%dma_start3A_52, %dma_start3A_53] : memref<161x64xi32, #tpu.memory_space<vmem>> -> memref<1x64xi32, #tpu.memory_space<vmem>>
    %dma_start3A_55 = tpu.memref_squeeze %dma_start3A_54 : memref<1x64xi32, #tpu.memory_space<vmem>> -> memref<64xi32, #tpu.memory_space<vmem>>
    %dma_start3A_56 = arith.constant 0 : i32
    %dma_start3A_57 = arith.constant 0 : i32
    %dma_start3A_58 = tpu.memref_slice %arg2[%dma_start3A_56, %dma_start3A_57] : memref<10240x128xf32, #tpu.memory_space<hbm>> -> memref<10240x128xf32, #tpu.memory_space<hbm>>
    tpu.enqueue_indirect_dma source(%dma_start3A_58 : memref<10240x128xf32, #tpu.memory_space<hbm>>) target(%arg10 : memref<64x128xf32, #tpu.memory_space<vmem>>) offsets(%dma_start3A_55 : memref<64xi32, #tpu.memory_space<vmem>>) semaphore(%arg14 : memref<!tpu.dma_semaphore, #tpu.memory_space<semaphore_mem>>)
    %scan3A_59 = arith.constant 0 : i32
    %scan3A_60 = arith.constant 53 : i32
    %scan3A_61 = arith.addi %scan3A_59, %scan3A_60 : i32
    %scan3A_62 = arith.constant 1 : i32
    scf.for %scan3A_82 = %scan3A_59 to %scan3A_61 step %scan3A_62  : i32 {
      %mul3A_83 = arith.constant 3 : i32
      %mul3A_84 = arith.muli %scan3A_82, %mul3A_83 : i32
      %add3A_85 = arith.constant 0 : i32
      %add3A_86 = arith.addi %add3A_85, %mul3A_84 : i32
      %add3A_87 = arith.constant 0 : i32
      %add3A_88 = arith.addi %add3A_86, %add3A_87 : i32
      %add3A_89 = arith.constant 2 : i32
      %add3A_90 = arith.addi %add3A_88, %add3A_89 : i32
      %dma_start3A_91 = arith.constant 0 : i32
      %dma_start3A_92 = tpu.memref_slice %arg7[%add3A_90, %dma_start3A_91] : memref<161x64xi32, #tpu.memory_space<vmem>> -> memref<1x64xi32, #tpu.memory_space<vmem>>
      %dma_start3A_93 = tpu.memref_squeeze %dma_start3A_92 : memref<1x64xi32, #tpu.memory_space<vmem>> -> memref<64xi32, #tpu.memory_space<vmem>>
      %dma_start3A_94 = arith.constant 0 : i32
      %dma_start3A_95 = arith.constant 0 : i32
      %dma_start3A_96 = tpu.memref_slice %arg2[%dma_start3A_94, %dma_start3A_95] : memref<10240x128xf32, #tpu.memory_space<hbm>> -> memref<10240x128xf32, #tpu.memory_space<hbm>>
      tpu.enqueue_indirect_dma source(%dma_start3A_96 : memref<10240x128xf32, #tpu.memory_space<hbm>>) target(%arg11 : memref<64x128xf32, #tpu.memory_space<vmem>>) offsets(%dma_start3A_93 : memref<64xi32, #tpu.memory_space<vmem>>) semaphore(%arg15 : memref<!tpu.dma_semaphore, #tpu.memory_space<semaphore_mem>>)
      %dma_wait3A_97 = arith.constant 0 : i32
      %dma_wait3A_98 = tpu.memref_slice %arg7[%add3A_88, %dma_wait3A_97] : memref<161x64xi32, #tpu.memory_space<vmem>> -> memref<1x64xi32, #tpu.memory_space<vmem>>
      %dma_wait3A_99 = tpu.memref_squeeze %dma_wait3A_98 : memref<1x64xi32, #tpu.memory_space<vmem>> -> memref<64xi32, #tpu.memory_space<vmem>>
      %dma_wait3A_100 = arith.constant 0 : i32
      %dma_wait3A_101 = arith.constant 0 : i32
      %dma_wait3A_102 = tpu.memref_slice %arg2[%dma_wait3A_100, %dma_wait3A_101] : memref<10240x128xf32, #tpu.memory_space<hbm>> -> memref<10240x128xf32, #tpu.memory_space<hbm>>
      tpu.wait_indirect_dma semaphore(%arg13 : memref<!tpu.dma_semaphore, #tpu.memory_space<semaphore_mem>>) src(%dma_wait3A_102 : memref<10240x128xf32, #tpu.memory_space<hbm>>) dst(%arg9 : memref<64x128xf32, #tpu.memory_space<vmem>>)
      "tpu.region"() ({
        %run_scoped3A = tpu.sem_alloc : memref<!tpu.dma_semaphore, #tpu.memory_space<semaphore_mem>>
        %dma_start3A_135 = arith.constant 0 : i32
        %dma_start3A_136 = tpu.memref_slice %arg8[%add3A_88, %dma_start3A_135] : memref<159x64xi32, #tpu.memory_space<vmem>> -> memref<1x64xi32, #tpu.memory_space<vmem>>
        %dma_start3A_137 = tpu.memref_squeeze %dma_start3A_136 : memref<1x64xi32, #tpu.memory_space<vmem>> -> memref<64xi32, #tpu.memory_space<vmem>>
        %dma_start3A_138 = arith.constant 0 : i32
        %dma_start3A_139 = arith.constant 0 : i32
        %dma_start3A_140 = tpu.memref_slice %arg12[%dma_start3A_138, %dma_start3A_139] : memref<10240x128xf32, #tpu.memory_space<vmem_shared>> -> memref<10240x128xf32, #tpu.memory_space<vmem_shared>>
        tpu.enqueue_indirect_dma source(%arg9 : memref<64x128xf32, #tpu.memory_space<vmem>>) target(%dma_start3A_140 : memref<10240x128xf32, #tpu.memory_space<vmem_shared>>) offsets(%dma_start3A_137 : memref<64xi32, #tpu.memory_space<vmem>>) semaphore(%run_scoped3A : memref<!tpu.dma_semaphore, #tpu.memory_space<semaphore_mem>>) {add = true}
        %dma_wait3A_141 = arith.constant 0 : i32
        %dma_wait3A_142 = tpu.memref_slice %arg8[%add3A_88, %dma_wait3A_141] : memref<159x64xi32, #tpu.memory_space<vmem>> -> memref<1x64xi32, #tpu.memory_space<vmem>>
        %dma_wait3A_143 = tpu.memref_squeeze %dma_wait3A_142 : memref<1x64xi32, #tpu.memory_space<vmem>> -> memref<64xi32, #tpu.memory_space<vmem>>
        %dma_wait3A_144 = arith.constant 0 : i32
        %dma_wait3A_145 = arith.constant 0 : i32
        %dma_wait3A_146 = tpu.memref_slice %arg12[%dma_wait3A_144, %dma_wait3A_145] : memref<10240x128xf32, #tpu.memory_space<vmem_shared>> -> memref<10240x128xf32, #tpu.memory_space<vmem_shared>>
        tpu.wait_indirect_dma semaphore(%run_scoped3A : memref<!tpu.dma_semaphore, #tpu.memory_space<semaphore_mem>>) src(%arg9 : memref<64x128xf32, #tpu.memory_space<vmem>>) dst(%dma_wait3A_146 : memref<10240x128xf32, #tpu.memory_space<vmem_shared>>)
        tpu.yield
      }) : () -> ()
      %add3A_103 = arith.constant 1 : i32
      %add3A_104 = arith.addi %add3A_86, %add3A_103 : i32
      %add3A_105 = arith.constant 2 : i32
      %add3A_106 = arith.addi %add3A_104, %add3A_105 : i32
      %dma_start3A_107 = arith.constant 0 : i32
      %dma_start3A_108 = tpu.memref_slice %arg7[%add3A_106, %dma_start3A_107] : memref<161x64xi32, #tpu.memory_space<vmem>> -> memref<1x64xi32, #tpu.memory_space<vmem>>
      %dma_start3A_109 = tpu.memref_squeeze %dma_start3A_108 : memref<1x64xi32, #tpu.memory_space<vmem>> -> memref<64xi32, #tpu.memory_space<vmem>>
      %dma_start3A_110 = arith.constant 0 : i32
      %dma_start3A_111 = arith.constant 0 : i32
      %dma_start3A_112 = tpu.memref_slice %arg2[%dma_start3A_110, %dma_start3A_111] : memref<10240x128xf32, #tpu.memory_space<hbm>> -> memref<10240x128xf32, #tpu.memory_space<hbm>>
      tpu.enqueue_indirect_dma source(%dma_start3A_112 : memref<10240x128xf32, #tpu.memory_space<hbm>>) target(%arg9 : memref<64x128xf32, #tpu.memory_space<vmem>>) offsets(%dma_start3A_109 : memref<64xi32, #tpu.memory_space<vmem>>) semaphore(%arg13 : memref<!tpu.dma_semaphore, #tpu.memory_space<semaphore_mem>>)
      %dma_wait3A_113 = arith.constant 0 : i32
      %dma_wait3A_114 = tpu.memref_slice %arg7[%add3A_104, %dma_wait3A_113] : memref<161x64xi32, #tpu.memory_space<vmem>> -> memref<1x64xi32, #tpu.memory_space<vmem>>
      %dma_wait3A_115 = tpu.memref_squeeze %dma_wait3A_114 : memref<1x64xi32, #tpu.memory_space<vmem>> -> memref<64xi32, #tpu.memory_space<vmem>>
      %dma_wait3A_116 = arith.constant 0 : i32
      %dma_wait3A_117 = arith.constant 0 : i32
      %dma_wait3A_118 = tpu.memref_slice %arg2[%dma_wait3A_116, %dma_wait3A_117] : memref<10240x128xf32, #tpu.memory_space<hbm>> -> memref<10240x128xf32, #tpu.memory_space<hbm>>
      tpu.wait_indirect_dma semaphore(%arg14 : memref<!tpu.dma_semaphore, #tpu.memory_space<semaphore_mem>>) src(%dma_wait3A_118 : memref<10240x128xf32, #tpu.memory_space<hbm>>) dst(%arg10 : memref<64x128xf32, #tpu.memory_space<vmem>>)
      "tpu.region"() ({
        %run_scoped3A = tpu.sem_alloc : memref<!tpu.dma_semaphore, #tpu.memory_space<semaphore_mem>>
        %dma_start3A_135 = arith.constant 0 : i32
        %dma_start3A_136 = tpu.memref_slice %arg8[%add3A_104, %dma_start3A_135] : memref<159x64xi32, #tpu.memory_space<vmem>> -> memref<1x64xi32, #tpu.memory_space<vmem>>
        %dma_start3A_137 = tpu.memref_squeeze %dma_start3A_136 : memref<1x64xi32, #tpu.memory_space<vmem>> -> memref<64xi32, #tpu.memory_space<vmem>>
        %dma_start3A_138 = arith.constant 0 : i32
        %dma_start3A_139 = arith.constant 0 : i32
        %dma_start3A_140 = tpu.memref_slice %arg12[%dma_start3A_138, %dma_start3A_139] : memref<10240x128xf32, #tpu.memory_space<vmem_shared>> -> memref<10240x128xf32, #tpu.memory_space<vmem_shared>>
        tpu.enqueue_indirect_dma source(%arg10 : memref<64x128xf32, #tpu.memory_space<vmem>>) target(%dma_start3A_140 : memref<10240x128xf32, #tpu.memory_space<vmem_shared>>) offsets(%dma_start3A_137 : memref<64xi32, #tpu.memory_space<vmem>>) semaphore(%run_scoped3A : memref<!tpu.dma_semaphore, #tpu.memory_space<semaphore_mem>>) {add = true}
        %dma_wait3A_141 = arith.constant 0 : i32
        %dma_wait3A_142 = tpu.memref_slice %arg8[%add3A_104, %dma_wait3A_141] : memref<159x64xi32, #tpu.memory_space<vmem>> -> memref<1x64xi32, #tpu.memory_space<vmem>>
        %dma_wait3A_143 = tpu.memref_squeeze %dma_wait3A_142 : memref<1x64xi32, #tpu.memory_space<vmem>> -> memref<64xi32, #tpu.memory_space<vmem>>
        %dma_wait3A_144 = arith.constant 0 : i32
        %dma_wait3A_145 = arith.constant 0 : i32
        %dma_wait3A_146 = tpu.memref_slice %arg12[%dma_wait3A_144, %dma_wait3A_145] : memref<10240x128xf32, #tpu.memory_space<vmem_shared>> -> memref<10240x128xf32, #tpu.memory_space<vmem_shared>>
        tpu.wait_indirect_dma semaphore(%run_scoped3A : memref<!tpu.dma_semaphore, #tpu.memory_space<semaphore_mem>>) src(%arg10 : memref<64x128xf32, #tpu.memory_space<vmem>>) dst(%dma_wait3A_146 : memref<10240x128xf32, #tpu.memory_space<vmem_shared>>)
        tpu.yield
      }) : () -> ()
      %add3A_119 = arith.constant 2 : i32
      %add3A_120 = arith.addi %add3A_86, %add3A_119 : i32
      %add3A_121 = arith.constant 2 : i32
      %add3A_122 = arith.addi %add3A_120, %add3A_121 : i32
      %dma_start3A_123 = arith.constant 0 : i32
      %dma_start3A_124 = tpu.memref_slice %arg7[%add3A_122, %dma_start3A_123] : memref<161x64xi32, #tpu.memory_space<vmem>> -> memref<1x64xi32, #tpu.memory_space<vmem>>
      %dma_start3A_125 = tpu.memref_squeeze %dma_start3A_124 : memref<1x64xi32, #tpu.memory_space<vmem>> -> memref<64xi32, #tpu.memory_space<vmem>>
      %dma_start3A_126 = arith.constant 0 : i32
      %dma_start3A_127 = arith.constant 0 : i32
      %dma_start3A_128 = tpu.memref_slice %arg2[%dma_start3A_126, %dma_start3A_127] : memref<10240x128xf32, #tpu.memory_space<hbm>> -> memref<10240x128xf32, #tpu.memory_space<hbm>>
      tpu.enqueue_indirect_dma source(%dma_start3A_128 : memref<10240x128xf32, #tpu.memory_space<hbm>>) target(%arg10 : memref<64x128xf32, #tpu.memory_space<vmem>>) offsets(%dma_start3A_125 : memref<64xi32, #tpu.memory_space<vmem>>) semaphore(%arg14 : memref<!tpu.dma_semaphore, #tpu.memory_space<semaphore_mem>>)
      %dma_wait3A_129 = arith.constant 0 : i32
      %dma_wait3A_130 = tpu.memref_slice %arg7[%add3A_120, %dma_wait3A_129] : memref<161x64xi32, #tpu.memory_space<vmem>> -> memref<1x64xi32, #tpu.memory_space<vmem>>
      %dma_wait3A_131 = tpu.memref_squeeze %dma_wait3A_130 : memref<1x64xi32, #tpu.memory_space<vmem>> -> memref<64xi32, #tpu.memory_space<vmem>>
      %dma_wait3A_132 = arith.constant 0 : i32
      %dma_wait3A_133 = arith.constant 0 : i32
      %dma_wait3A_134 = tpu.memref_slice %arg2[%dma_wait3A_132, %dma_wait3A_133] : memref<10240x128xf32, #tpu.memory_space<hbm>> -> memref<10240x128xf32, #tpu.memory_space<hbm>>
      tpu.wait_indirect_dma semaphore(%arg15 : memref<!tpu.dma_semaphore, #tpu.memory_space<semaphore_mem>>) src(%dma_wait3A_134 : memref<10240x128xf32, #tpu.memory_space<hbm>>) dst(%arg11 : memref<64x128xf32, #tpu.memory_space<vmem>>)
      "tpu.region"() ({
        %run_scoped3A = tpu.sem_alloc : memref<!tpu.dma_semaphore, #tpu.memory_space<semaphore_mem>>
        %dma_start3A_135 = arith.constant 0 : i32
        %dma_start3A_136 = tpu.memref_slice %arg8[%add3A_120, %dma_start3A_135] : memref<159x64xi32, #tpu.memory_space<vmem>> -> memref<1x64xi32, #tpu.memory_space<vmem>>
        %dma_start3A_137 = tpu.memref_squeeze %dma_start3A_136 : memref<1x64xi32, #tpu.memory_space<vmem>> -> memref<64xi32, #tpu.memory_space<vmem>>
        %dma_start3A_138 = arith.constant 0 : i32
        %dma_start3A_139 = arith.constant 0 : i32
        %dma_start3A_140 = tpu.memref_slice %arg12[%dma_start3A_138, %dma_start3A_139] : memref<10240x128xf32, #tpu.memory_space<vmem_shared>> -> memref<10240x128xf32, #tpu.memory_space<vmem_shared>>
        tpu.enqueue_indirect_dma source(%arg11 : memref<64x128xf32, #tpu.memory_space<vmem>>) target(%dma_start3A_140 : memref<10240x128xf32, #tpu.memory_space<vmem_shared>>) offsets(%dma_start3A_137 : memref<64xi32, #tpu.memory_space<vmem>>) semaphore(%run_scoped3A : memref<!tpu.dma_semaphore, #tpu.memory_space<semaphore_mem>>) {add = true}
        %dma_wait3A_141 = arith.constant 0 : i32
        %dma_wait3A_142 = tpu.memref_slice %arg8[%add3A_120, %dma_wait3A_141] : memref<159x64xi32, #tpu.memory_space<vmem>> -> memref<1x64xi32, #tpu.memory_space<vmem>>
        %dma_wait3A_143 = tpu.memref_squeeze %dma_wait3A_142 : memref<1x64xi32, #tpu.memory_space<vmem>> -> memref<64xi32, #tpu.memory_space<vmem>>
        %dma_wait3A_144 = arith.constant 0 : i32
        %dma_wait3A_145 = arith.constant 0 : i32
        %dma_wait3A_146 = tpu.memref_slice %arg12[%dma_wait3A_144, %dma_wait3A_145] : memref<10240x128xf32, #tpu.memory_space<vmem_shared>> -> memref<10240x128xf32, #tpu.memory_space<vmem_shared>>
        tpu.wait_indirect_dma semaphore(%run_scoped3A : memref<!tpu.dma_semaphore, #tpu.memory_space<semaphore_mem>>) src(%arg11 : memref<64x128xf32, #tpu.memory_space<vmem>>) dst(%dma_wait3A_146 : memref<10240x128xf32, #tpu.memory_space<vmem_shared>>)
        tpu.yield
      }) : () -> ()
    }
    %scan3A_63 = arith.constant 53 : i32
    %dma_wait3A = arith.constant 0 : i32
    %dma_wait3A_64 = arith.constant 0 : i32
    %dma_wait3A_65 = tpu.memref_slice %arg7[%dma_wait3A, %dma_wait3A_64] : memref<161x64xi32, #tpu.memory_space<vmem>> -> memref<1x64xi32, #tpu.memory_space<vmem>>
    %dma_wait3A_66 = tpu.memref_squeeze %dma_wait3A_65 : memref<1x64xi32, #tpu.memory_space<vmem>> -> memref<64xi32, #tpu.memory_space<vmem>>
    %dma_wait3A_67 = arith.constant 0 : i32
    %dma_wait3A_68 = arith.constant 0 : i32
    %dma_wait3A_69 = tpu.memref_slice %arg2[%dma_wait3A_67, %dma_wait3A_68] : memref<10240x128xf32, #tpu.memory_space<hbm>> -> memref<10240x128xf32, #tpu.memory_space<hbm>>
    tpu.wait_indirect_dma semaphore(%arg13 : memref<!tpu.dma_semaphore, #tpu.memory_space<semaphore_mem>>) src(%dma_wait3A_69 : memref<10240x128xf32, #tpu.memory_space<hbm>>) dst(%arg9 : memref<64x128xf32, #tpu.memory_space<vmem>>)
    %dma_wait3A_70 = arith.constant 1 : i32
    %dma_wait3A_71 = arith.constant 0 : i32
    %dma_wait3A_72 = tpu.memref_slice %arg7[%dma_wait3A_70, %dma_wait3A_71] : memref<161x64xi32, #tpu.memory_space<vmem>> -> memref<1x64xi32, #tpu.memory_space<vmem>>
    %dma_wait3A_73 = tpu.memref_squeeze %dma_wait3A_72 : memref<1x64xi32, #tpu.memory_space<vmem>> -> memref<64xi32, #tpu.memory_space<vmem>>
    %dma_wait3A_74 = arith.constant 0 : i32
    %dma_wait3A_75 = arith.constant 0 : i32
    %dma_wait3A_76 = tpu.memref_slice %arg2[%dma_wait3A_74, %dma_wait3A_75] : memref<10240x128xf32, #tpu.memory_space<hbm>> -> memref<10240x128xf32, #tpu.memory_space<hbm>>
    tpu.wait_indirect_dma semaphore(%arg14 : memref<!tpu.dma_semaphore, #tpu.memory_space<semaphore_mem>>) src(%dma_wait3A_76 : memref<10240x128xf32, #tpu.memory_space<hbm>>) dst(%arg10 : memref<64x128xf32, #tpu.memory_space<vmem>>)
    %barrier3A_77 = arith.constant 0 : index
    tpu.barrier barrier_id(%barrier3A_77)
    %mul3A_78 = arith.constant 640 : i32
    %mul3A_79 = arith.muli %arg1, %mul3A_78 : i32
    %mul3A_80 = arith.constant 640 : i32
    %mul3A_81 = arith.muli %arg1, %mul3A_80 : i32
    "tpu.region"() ({
      %run_scoped3A = tpu.sem_alloc : memref<!tpu.dma_semaphore, #tpu.memory_space<semaphore_mem>>
      %dma_start3A_82 = arith.constant 0 : i32
      %dma_start3A_83 = tpu.memref_slice %arg6[%arg0, %mul3A_81, %dma_start3A_82] : memref<2x10240x128xf32, #tpu.memory_space<hbm>> -> memref<1x640x128xf32, #tpu.memory_space<hbm>>
      %dma_start3A_84 = tpu.memref_squeeze %dma_start3A_83 : memref<1x640x128xf32, #tpu.memory_space<hbm>> -> memref<640x128xf32, #tpu.memory_space<hbm>>
      %dma_start3A_85 = arith.constant 0 : i32
      %dma_start3A_86 = tpu.memref_slice %arg12[%mul3A_79, %dma_start3A_85] : memref<10240x128xf32, #tpu.memory_space<vmem_shared>> -> memref<640x128xf32, #tpu.memory_space<vmem_shared>>
      tpu.enqueue_dma source(%dma_start3A_86 : memref<640x128xf32, #tpu.memory_space<vmem_shared>>) target(%dma_start3A_84 : memref<640x128xf32, #tpu.memory_space<hbm>>) target_semaphore(%run_scoped3A : memref<!tpu.dma_semaphore, #tpu.memory_space<semaphore_mem>>)
      %dma_wait3A_87 = arith.constant 0 : i32
      %dma_wait3A_88 = tpu.memref_slice %arg6[%arg0, %mul3A_81, %dma_wait3A_87] : memref<2x10240x128xf32, #tpu.memory_space<hbm>> -> memref<1x640x128xf32, #tpu.memory_space<hbm>>
      %dma_wait3A_89 = tpu.memref_squeeze %dma_wait3A_88 : memref<1x640x128xf32, #tpu.memory_space<hbm>> -> memref<640x128xf32, #tpu.memory_space<hbm>>
      %dma_wait3A_90 = arith.constant 0 : i32
      %dma_wait3A_91 = tpu.memref_slice %arg12[%mul3A_79, %dma_wait3A_90] : memref<10240x128xf32, #tpu.memory_space<vmem_shared>> -> memref<640x128xf32, #tpu.memory_space<vmem_shared>>
      tpu.wait_dma2 semaphore(%run_scoped3A : memref<!tpu.dma_semaphore, #tpu.memory_space<semaphore_mem>>) src(%dma_wait3A_91 : memref<640x128xf32, #tpu.memory_space<vmem_shared>>) dst(%dma_wait3A_89 : memref<640x128xf32, #tpu.memory_space<hbm>>)
      tpu.yield
    }) : () -> ()
    return
  }
}

#map = affine_map<(d0, d1) -> (0, 0)>
#map1 = affine_map<(d0, d1) -> (0, 0, 0)>
module attributes {stable_mosaic.version = 14 : i64} {
  func.func @kern(%arg0: i32, %arg1: i32, %arg2: memref<10240x128xf32, #tpu.memory_space<hbm>>, %arg3: memref<32x161x64xi32, #tpu.memory_space<hbm>>, %arg4: memref<32x159x64xi32, #tpu.memory_space<hbm>>, %arg5: memref<2x10240x128xf32, #tpu.memory_space<hbm>>, %arg6: memref<2x10240x128xf32, #tpu.memory_space<hbm>>, %arg7: memref<161x64xi32, #tpu.memory_space<vmem>>, %arg8: memref<159x64xi32, #tpu.memory_space<vmem>>, %arg9: memref<64x128xf32, #tpu.memory_space<vmem>>, %arg10: memref<64x128xf32, #tpu.memory_space<vmem>>, %arg11: memref<64x128xf32, #tpu.memory_space<vmem>>, %arg12: memref<10240x128xf32, #tpu.memory_space<vmem_shared>>, %arg13: memref<!tpu.dma_semaphore, #tpu.memory_space<semaphore_mem>>, %arg14: memref<!tpu.dma_semaphore, #tpu.memory_space<semaphore_mem>>, %arg15: memref<!tpu.dma_semaphore, #tpu.memory_space<semaphore_mem>>) attributes {dimension_semantics = [#tpu.dimension_semantics<core_parallel>, #tpu.dimension_semantics<subcore_parallel>], iteration_bounds = array<i64: 2, 16>, scalar_prefetch = 0 : i64, scratch_operands = 9 : i64, tpu.core_type = #tpu.core_type<sc_vector_subcore>, window_params = [{transform_indices = #map}, {transform_indices = #map1}, {transform_indices = #map1}, {transform_indices = #map1}, {transform_indices = #map1}]} {
    %mul3A = arith.constant 16 : i32
    %mul3A_0 = arith.muli %arg0, %mul3A : i32
    %add3A = arith.addi %mul3A_0, %arg1 : i32
    %broadcast_in_dim3A = arith.constant 0.000000e+00 : f32
    %broadcast_in_dim3A_1 = vector.broadcast %broadcast_in_dim3A : f32 to vector<16xf32>
    %scan3A = arith.constant 0 : i32
    %scan3A_2 = arith.constant 64 : i32
    %scan3A_3 = arith.addi %scan3A, %scan3A_2 : i32
    %scan3A_4 = arith.constant 1 : i32
    scf.for %scan3A_82 = %scan3A to %scan3A_3 step %scan3A_4  : i32 {
      %mul3A_83 = arith.constant 1 : i32
      %mul3A_84 = arith.muli %scan3A_82, %mul3A_83 : i32
      %add3A_85 = arith.constant 0 : i32
      %add3A_86 = arith.addi %add3A_85, %mul3A_84 : i32
      %swap3A = arith.index_cast %add3A_86 : i32 to index
      %swap3A_87 = arith.constant 0 : index
      %swap3A_88 = tpu.vector_load %arg9[%swap3A, %swap3A_87] {strides = array<i32>} : memref<64x128xf32, #tpu.memory_space<vmem>>, vector<1x16xf32>,
      %swap3A_89 = vector.shape_cast %swap3A_88 : vector<1x16xf32> to vector<16xf32>
      %swap3A_90 = vector.shape_cast %broadcast_in_dim3A_1 : vector<16xf32> to vector<1x16xf32>
      tpu.vector_store %arg9[%swap3A, %swap3A_87], %swap3A_90 {strides = array<i32>} : memref<64x128xf32, #tpu.memory_space<vmem>>, vector<1x16xf32>,
      %swap3A_91 = arith.index_cast %add3A_86 : i32 to index
      %swap3A_92 = arith.constant 16 : index
      %swap3A_93 = tpu.vector_load %arg9[%swap3A_91, %swap3A_92] {strides = array<i32>} : memref<64x128xf32, #tpu.memory_space<vmem>>, vector<1x16xf32>,
      %swap3A_94 = vector.shape_cast %swap3A_93 : vector<1x16xf32> to vector<16xf32>
      %swap3A_95 = vector.shape_cast %broadcast_in_dim3A_1 : vector<16xf32> to vector<1x16xf32>
      tpu.vector_store %arg9[%swap3A_91, %swap3A_92], %swap3A_95 {strides = array<i32>} : memref<64x128xf32, #tpu.memory_space<vmem>>, vector<1x16xf32>,
      %swap3A_96 = arith.index_cast %add3A_86 : i32 to index
      %swap3A_97 = arith.constant 32 : index
      %swap3A_98 = tpu.vector_load %arg9[%swap3A_96, %swap3A_97] {strides = array<i32>} : memref<64x128xf32, #tpu.memory_space<vmem>>, vector<1x16xf32>,
      %swap3A_99 = vector.shape_cast %swap3A_98 : vector<1x16xf32> to vector<16xf32>
      %swap3A_100 = vector.shape_cast %broadcast_in_dim3A_1 : vector<16xf32> to vector<1x16xf32>
      tpu.vector_store %arg9[%swap3A_96, %swap3A_97], %swap3A_100 {strides = array<i32>} : memref<64x128xf32, #tpu.memory_space<vmem>>, vector<1x16xf32>,
      %swap3A_101 = arith.index_cast %add3A_86 : i32 to index
      %swap3A_102 = arith.constant 48 : index
      %swap3A_103 = tpu.vector_load %arg9[%swap3A_101, %swap3A_102] {strides = array<i32>} : memref<64x128xf32, #tpu.memory_space<vmem>>, vector<1x16xf32>,
      %swap3A_104 = vector.shape_cast %swap3A_103 : vector<1x16xf32> to vector<16xf32>
      %swap3A_105 = vector.shape_cast %broadcast_in_dim3A_1 : vector<16xf32> to vector<1x16xf32>
      tpu.vector_store %arg9[%swap3A_101, %swap3A_102], %swap3A_105 {strides = array<i32>} : memref<64x128xf32, #tpu.memory_space<vmem>>, vector<1x16xf32>,
      %swap3A_106 = arith.index_cast %add3A_86 : i32 to index
      %swap3A_107 = arith.constant 64 : index
      %swap3A_108 = tpu.vector_load %arg9[%swap3A_106, %swap3A_107] {strides = array<i32>} : memref<64x128xf32, #tpu.memory_space<vmem>>, vector<1x16xf32>,
      %swap3A_109 = vector.shape_cast %swap3A_108 : vector<1x16xf32> to vector<16xf32>
      %swap3A_110 = vector.shape_cast %broadcast_in_dim3A_1 : vector<16xf32> to vector<1x16xf32>
      tpu.vector_store %arg9[%swap3A_106, %swap3A_107], %swap3A_110 {strides = array<i32>} : memref<64x128xf32, #tpu.memory_space<vmem>>, vector<1x16xf32>,
      %swap3A_111 = arith.index_cast %add3A_86 : i32 to index
      %swap3A_112 = arith.constant 80 : index
      %swap3A_113 = tpu.vector_load %arg9[%swap3A_111, %swap3A_112] {strides = array<i32>} : memref<64x128xf32, #tpu.memory_space<vmem>>, vector<1x16xf32>,
      %swap3A_114 = vector.shape_cast %swap3A_113 : vector<1x16xf32> to vector<16xf32>
      %swap3A_115 = vector.shape_cast %broadcast_in_dim3A_1 : vector<16xf32> to vector<1x16xf32>
      tpu.vector_store %arg9[%swap3A_111, %swap3A_112], %swap3A_115 {strides = array<i32>} : memref<64x128xf32, #tpu.memory_space<vmem>>, vector<1x16xf32>,
      %swap3A_116 = arith.index_cast %add3A_86 : i32 to index
      %swap3A_117 = arith.constant 96 : index
      %swap3A_118 = tpu.vector_load %arg9[%swap3A_116, %swap3A_117] {strides = array<i32>} : memref<64x128xf32, #tpu.memory_space<vmem>>, vector<1x16xf32>,
      %swap3A_119 = vector.shape_cast %swap3A_118 : vector<1x16xf32> to vector<16xf32>
      %swap3A_120 = vector.shape_cast %broadcast_in_dim3A_1 : vector<16xf32> to vector<1x16xf32>
      tpu.vector_store %arg9[%swap3A_116, %swap3A_117], %swap3A_120 {strides = array<i32>} : memref<64x128xf32, #tpu.memory_space<vmem>>, vector<1x16xf32>,
      %swap3A_121 = arith.index_cast %add3A_86 : i32 to index
      %swap3A_122 = arith.constant 112 : index
      %swap3A_123 = tpu.vector_load %arg9[%swap3A_121, %swap3A_122] {strides = array<i32>} : memref<64x128xf32, #tpu.memory_space<vmem>>, vector<1x16xf32>,
      %swap3A_124 = vector.shape_cast %swap3A_123 : vector<1x16xf32> to vector<16xf32>
      %swap3A_125 = vector.shape_cast %broadcast_in_dim3A_1 : vector<16xf32> to vector<1x16xf32>
      tpu.vector_store %arg9[%swap3A_121, %swap3A_122], %swap3A_125 {strides = array<i32>} : memref<64x128xf32, #tpu.memory_space<vmem>>, vector<1x16xf32>,
    }
    %scan3A_5 = arith.constant 64 : i32
    %mul3A_6 = arith.constant 640 : i32
    %mul3A_7 = arith.muli %arg1, %mul3A_6 : i32
    %add3A_8 = arith.constant 0 : i32
    %add3A_9 = arith.addi %mul3A_7, %add3A_8 : i32
    "tpu.region"() ({
      %run_scoped3A = tpu.sem_alloc : memref<!tpu.dma_semaphore, #tpu.memory_space<semaphore_mem>>
      %dma_start3A_82 = arith.constant 0 : i32
      %dma_start3A_83 = tpu.memref_slice %arg12[%add3A_9, %dma_start3A_82] : memref<10240x128xf32, #tpu.memory_space<vmem_shared>> -> memref<64x128xf32, #tpu.memory_space<vmem_shared>>
      %dma_start3A_84 = arith.constant 0 : i32
      %dma_start3A_85 = tpu.memref_slice %arg12[%add3A_9, %dma_start3A_84] : memref<10240x128xf32, #tpu.memory_space<vmem_shared>> -> memref<64x128xf32, #tpu.memory_space<vmem_shared>>
      tpu.enqueue_dma source(%arg9 : memref<64x128xf32, #tpu.memory_space<vmem>>) target(%dma_start3A_85 : memref<64x128xf32, #tpu.memory_space<vmem_shared>>) target_semaphore(%run_scoped3A : memref<!tpu.dma_semaphore, #tpu.memory_space<semaphore_mem>>)
      %dma_wait3A_86 = arith.constant 0 : i32
      %dma_wait3A_87 = tpu.memref_slice %arg12[%add3A_9, %dma_wait3A_86] : memref<10240x128xf32, #tpu.memory_space<vmem_shared>> -> memref<64x128xf32, #tpu.memory_space<vmem_shared>>
      %dma_wait3A_88 = arith.constant 0 : i32
      %dma_wait3A_89 = tpu.memref_slice %arg12[%add3A_9, %dma_wait3A_88] : memref<10240x128xf32, #tpu.memory_space<vmem_shared>> -> memref<64x128xf32, #tpu.memory_space<vmem_shared>>
      tpu.wait_dma2 semaphore(%run_scoped3A : memref<!tpu.dma_semaphore, #tpu.memory_space<semaphore_mem>>) src(%arg9 : memref<64x128xf32, #tpu.memory_space<vmem>>) dst(%dma_wait3A_89 : memref<64x128xf32, #tpu.memory_space<vmem_shared>>)
      tpu.yield
    }) : () -> ()
    %mul3A_10 = arith.constant 640 : i32
    %mul3A_11 = arith.muli %arg1, %mul3A_10 : i32
    %add3A_12 = arith.constant 64 : i32
    %add3A_13 = arith.addi %mul3A_11, %add3A_12 : i32
    "tpu.region"() ({
      %run_scoped3A = tpu.sem_alloc : memref<!tpu.dma_semaphore, #tpu.memory_space<semaphore_mem>>
      %dma_start3A_82 = arith.constant 0 : i32
      %dma_start3A_83 = tpu.memref_slice %arg12[%add3A_13, %dma_start3A_82] : memref<10240x128xf32, #tpu.memory_space<vmem_shared>> -> memref<64x128xf32, #tpu.memory_space<vmem_shared>>
      %dma_start3A_84 = arith.constant 0 : i32
      %dma_start3A_85 = tpu.memref_slice %arg12[%add3A_13, %dma_start3A_84] : memref<10240x128xf32, #tpu.memory_space<vmem_shared>> -> memref<64x128xf32, #tpu.memory_space<vmem_shared>>
      tpu.enqueue_dma source(%arg9 : memref<64x128xf32, #tpu.memory_space<vmem>>) target(%dma_start3A_85 : memref<64x128xf32, #tpu.memory_space<vmem_shared>>) target_semaphore(%run_scoped3A : memref<!tpu.dma_semaphore, #tpu.memory_space<semaphore_mem>>)
      %dma_wait3A_86 = arith.constant 0 : i32
      %dma_wait3A_87 = tpu.memref_slice %arg12[%add3A_13, %dma_wait3A_86] : memref<10240x128xf32, #tpu.memory_space<vmem_shared>> -> memref<64x128xf32, #tpu.memory_space<vmem_shared>>
      %dma_wait3A_88 = arith.constant 0 : i32
      %dma_wait3A_89 = tpu.memref_slice %arg12[%add3A_13, %dma_wait3A_88] : memref<10240x128xf32, #tpu.memory_space<vmem_shared>> -> memref<64x128xf32, #tpu.memory_space<vmem_shared>>
      tpu.wait_dma2 semaphore(%run_scoped3A : memref<!tpu.dma_semaphore, #tpu.memory_space<semaphore_mem>>) src(%arg9 : memref<64x128xf32, #tpu.memory_space<vmem>>) dst(%dma_wait3A_89 : memref<64x128xf32, #tpu.memory_space<vmem_shared>>)
      tpu.yield
    }) : () -> ()
    %mul3A_14 = arith.constant 640 : i32
    %mul3A_15 = arith.muli %arg1, %mul3A_14 : i32
    %add3A_16 = arith.constant 128 : i32
    %add3A_17 = arith.addi %mul3A_15, %add3A_16 : i32
    "tpu.region"() ({
      %run_scoped3A = tpu.sem_alloc : memref<!tpu.dma_semaphore, #tpu.memory_space<semaphore_mem>>
      %dma_start3A_82 = arith.constant 0 : i32
      %dma_start3A_83 = tpu.memref_slice %arg12[%add3A_17, %dma_start3A_82] : memref<10240x128xf32, #tpu.memory_space<vmem_shared>> -> memref<64x128xf32, #tpu.memory_space<vmem_shared>>
      %dma_start3A_84 = arith.constant 0 : i32
      %dma_start3A_85 = tpu.memref_slice %arg12[%add3A_17, %dma_start3A_84] : memref<10240x128xf32, #tpu.memory_space<vmem_shared>> -> memref<64x128xf32, #tpu.memory_space<vmem_shared>>
      tpu.enqueue_dma source(%arg9 : memref<64x128xf32, #tpu.memory_space<vmem>>) target(%dma_start3A_85 : memref<64x128xf32, #tpu.memory_space<vmem_shared>>) target_semaphore(%run_scoped3A : memref<!tpu.dma_semaphore, #tpu.memory_space<semaphore_mem>>)
      %dma_wait3A_86 = arith.constant 0 : i32
      %dma_wait3A_87 = tpu.memref_slice %arg12[%add3A_17, %dma_wait3A_86] : memref<10240x128xf32, #tpu.memory_space<vmem_shared>> -> memref<64x128xf32, #tpu.memory_space<vmem_shared>>
      %dma_wait3A_88 = arith.constant 0 : i32
      %dma_wait3A_89 = tpu.memref_slice %arg12[%add3A_17, %dma_wait3A_88] : memref<10240x128xf32, #tpu.memory_space<vmem_shared>> -> memref<64x128xf32, #tpu.memory_space<vmem_shared>>
      tpu.wait_dma2 semaphore(%run_scoped3A : memref<!tpu.dma_semaphore, #tpu.memory_space<semaphore_mem>>) src(%arg9 : memref<64x128xf32, #tpu.memory_space<vmem>>) dst(%dma_wait3A_89 : memref<64x128xf32, #tpu.memory_space<vmem_shared>>)
      tpu.yield
    }) : () -> ()
    %mul3A_18 = arith.constant 640 : i32
    %mul3A_19 = arith.muli %arg1, %mul3A_18 : i32
    %add3A_20 = arith.constant 192 : i32
    %add3A_21 = arith.addi %mul3A_19, %add3A_20 : i32
    "tpu.region"() ({
      %run_scoped3A = tpu.sem_alloc : memref<!tpu.dma_semaphore, #tpu.memory_space<semaphore_mem>>
      %dma_start3A_82 = arith.constant 0 : i32
      %dma_start3A_83 = tpu.memref_slice %arg12[%add3A_21, %dma_start3A_82] : memref<10240x128xf32, #tpu.memory_space<vmem_shared>> -> memref<64x128xf32, #tpu.memory_space<vmem_shared>>
      %dma_start3A_84 = arith.constant 0 : i32
      %dma_start3A_85 = tpu.memref_slice %arg12[%add3A_21, %dma_start3A_84] : memref<10240x128xf32, #tpu.memory_space<vmem_shared>> -> memref<64x128xf32, #tpu.memory_space<vmem_shared>>
      tpu.enqueue_dma source(%arg9 : memref<64x128xf32, #tpu.memory_space<vmem>>) target(%dma_start3A_85 : memref<64x128xf32, #tpu.memory_space<vmem_shared>>) target_semaphore(%run_scoped3A : memref<!tpu.dma_semaphore, #tpu.memory_space<semaphore_mem>>)
      %dma_wait3A_86 = arith.constant 0 : i32
      %dma_wait3A_87 = tpu.memref_slice %arg12[%add3A_21, %dma_wait3A_86] : memref<10240x128xf32, #tpu.memory_space<vmem_shared>> -> memref<64x128xf32, #tpu.memory_space<vmem_shared>>
      %dma_wait3A_88 = arith.constant 0 : i32
      %dma_wait3A_89 = tpu.memref_slice %arg12[%add3A_21, %dma_wait3A_88] : memref<10240x128xf32, #tpu.memory_space<vmem_shared>> -> memref<64x128xf32, #tpu.memory_space<vmem_shared>>
      tpu.wait_dma2 semaphore(%run_scoped3A : memref<!tpu.dma_semaphore, #tpu.memory_space<semaphore_mem>>) src(%arg9 : memref<64x128xf32, #tpu.memory_space<vmem>>) dst(%dma_wait3A_89 : memref<64x128xf32, #tpu.memory_space<vmem_shared>>)
      tpu.yield
    }) : () -> ()
    %mul3A_22 = arith.constant 640 : i32
    %mul3A_23 = arith.muli %arg1, %mul3A_22 : i32
    %add3A_24 = arith.constant 256 : i32
    %add3A_25 = arith.addi %mul3A_23, %add3A_24 : i32
    "tpu.region"() ({
      %run_scoped3A = tpu.sem_alloc : memref<!tpu.dma_semaphore, #tpu.memory_space<semaphore_mem>>
      %dma_start3A_82 = arith.constant 0 : i32
      %dma_start3A_83 = tpu.memref_slice %arg12[%add3A_25, %dma_start3A_82] : memref<10240x128xf32, #tpu.memory_space<vmem_shared>> -> memref<64x128xf32, #tpu.memory_space<vmem_shared>>
      %dma_start3A_84 = arith.constant 0 : i32
      %dma_start3A_85 = tpu.memref_slice %arg12[%add3A_25, %dma_start3A_84] : memref<10240x128xf32, #tpu.memory_space<vmem_shared>> -> memref<64x128xf32, #tpu.memory_space<vmem_shared>>
      tpu.enqueue_dma source(%arg9 : memref<64x128xf32, #tpu.memory_space<vmem>>) target(%dma_start3A_85 : memref<64x128xf32, #tpu.memory_space<vmem_shared>>) target_semaphore(%run_scoped3A : memref<!tpu.dma_semaphore, #tpu.memory_space<semaphore_mem>>)
      %dma_wait3A_86 = arith.constant 0 : i32
      %dma_wait3A_87 = tpu.memref_slice %arg12[%add3A_25, %dma_wait3A_86] : memref<10240x128xf32, #tpu.memory_space<vmem_shared>> -> memref<64x128xf32, #tpu.memory_space<vmem_shared>>
      %dma_wait3A_88 = arith.constant 0 : i32
      %dma_wait3A_89 = tpu.memref_slice %arg12[%add3A_25, %dma_wait3A_88] : memref<10240x128xf32, #tpu.memory_space<vmem_shared>> -> memref<64x128xf32, #tpu.memory_space<vmem_shared>>
      tpu.wait_dma2 semaphore(%run_scoped3A : memref<!tpu.dma_semaphore, #tpu.memory_space<semaphore_mem>>) src(%arg9 : memref<64x128xf32, #tpu.memory_space<vmem>>) dst(%dma_wait3A_89 : memref<64x128xf32, #tpu.memory_space<vmem_shared>>)
      tpu.yield
    }) : () -> ()
    %mul3A_26 = arith.constant 640 : i32
    %mul3A_27 = arith.muli %arg1, %mul3A_26 : i32
    %add3A_28 = arith.constant 320 : i32
    %add3A_29 = arith.addi %mul3A_27, %add3A_28 : i32
    "tpu.region"() ({
      %run_scoped3A = tpu.sem_alloc : memref<!tpu.dma_semaphore, #tpu.memory_space<semaphore_mem>>
      %dma_start3A_82 = arith.constant 0 : i32
      %dma_start3A_83 = tpu.memref_slice %arg12[%add3A_29, %dma_start3A_82] : memref<10240x128xf32, #tpu.memory_space<vmem_shared>> -> memref<64x128xf32, #tpu.memory_space<vmem_shared>>
      %dma_start3A_84 = arith.constant 0 : i32
      %dma_start3A_85 = tpu.memref_slice %arg12[%add3A_29, %dma_start3A_84] : memref<10240x128xf32, #tpu.memory_space<vmem_shared>> -> memref<64x128xf32, #tpu.memory_space<vmem_shared>>
      tpu.enqueue_dma source(%arg9 : memref<64x128xf32, #tpu.memory_space<vmem>>) target(%dma_start3A_85 : memref<64x128xf32, #tpu.memory_space<vmem_shared>>) target_semaphore(%run_scoped3A : memref<!tpu.dma_semaphore, #tpu.memory_space<semaphore_mem>>)
      %dma_wait3A_86 = arith.constant 0 : i32
      %dma_wait3A_87 = tpu.memref_slice %arg12[%add3A_29, %dma_wait3A_86] : memref<10240x128xf32, #tpu.memory_space<vmem_shared>> -> memref<64x128xf32, #tpu.memory_space<vmem_shared>>
      %dma_wait3A_88 = arith.constant 0 : i32
      %dma_wait3A_89 = tpu.memref_slice %arg12[%add3A_29, %dma_wait3A_88] : memref<10240x128xf32, #tpu.memory_space<vmem_shared>> -> memref<64x128xf32, #tpu.memory_space<vmem_shared>>
      tpu.wait_dma2 semaphore(%run_scoped3A : memref<!tpu.dma_semaphore, #tpu.memory_space<semaphore_mem>>) src(%arg9 : memref<64x128xf32, #tpu.memory_space<vmem>>) dst(%dma_wait3A_89 : memref<64x128xf32, #tpu.memory_space<vmem_shared>>)
      tpu.yield
    }) : () -> ()
    %mul3A_30 = arith.constant 640 : i32
    %mul3A_31 = arith.muli %arg1, %mul3A_30 : i32
    %add3A_32 = arith.constant 384 : i32
    %add3A_33 = arith.addi %mul3A_31, %add3A_32 : i32
    "tpu.region"() ({
      %run_scoped3A = tpu.sem_alloc : memref<!tpu.dma_semaphore, #tpu.memory_space<semaphore_mem>>
      %dma_start3A_82 = arith.constant 0 : i32
      %dma_start3A_83 = tpu.memref_slice %arg12[%add3A_33, %dma_start3A_82] : memref<10240x128xf32, #tpu.memory_space<vmem_shared>> -> memref<64x128xf32, #tpu.memory_space<vmem_shared>>
      %dma_start3A_84 = arith.constant 0 : i32
      %dma_start3A_85 = tpu.memref_slice %arg12[%add3A_33, %dma_start3A_84] : memref<10240x128xf32, #tpu.memory_space<vmem_shared>> -> memref<64x128xf32, #tpu.memory_space<vmem_shared>>
      tpu.enqueue_dma source(%arg9 : memref<64x128xf32, #tpu.memory_space<vmem>>) target(%dma_start3A_85 : memref<64x128xf32, #tpu.memory_space<vmem_shared>>) target_semaphore(%run_scoped3A : memref<!tpu.dma_semaphore, #tpu.memory_space<semaphore_mem>>)
      %dma_wait3A_86 = arith.constant 0 : i32
      %dma_wait3A_87 = tpu.memref_slice %arg12[%add3A_33, %dma_wait3A_86] : memref<10240x128xf32, #tpu.memory_space<vmem_shared>> -> memref<64x128xf32, #tpu.memory_space<vmem_shared>>
      %dma_wait3A_88 = arith.constant 0 : i32
      %dma_wait3A_89 = tpu.memref_slice %arg12[%add3A_33, %dma_wait3A_88] : memref<10240x128xf32, #tpu.memory_space<vmem_shared>> -> memref<64x128xf32, #tpu.memory_space<vmem_shared>>
      tpu.wait_dma2 semaphore(%run_scoped3A : memref<!tpu.dma_semaphore, #tpu.memory_space<semaphore_mem>>) src(%arg9 : memref<64x128xf32, #tpu.memory_space<vmem>>) dst(%dma_wait3A_89 : memref<64x128xf32, #tpu.memory_space<vmem_shared>>)
      tpu.yield
    }) : () -> ()
    %mul3A_34 = arith.constant 640 : i32
    %mul3A_35 = arith.muli %arg1, %mul3A_34 : i32
    %add3A_36 = arith.constant 448 : i32
    %add3A_37 = arith.addi %mul3A_35, %add3A_36 : i32
    "tpu.region"() ({
      %run_scoped3A = tpu.sem_alloc : memref<!tpu.dma_semaphore, #tpu.memory_space<semaphore_mem>>
      %dma_start3A_82 = arith.constant 0 : i32
      %dma_start3A_83 = tpu.memref_slice %arg12[%add3A_37, %dma_start3A_82] : memref<10240x128xf32, #tpu.memory_space<vmem_shared>> -> memref<64x128xf32, #tpu.memory_space<vmem_shared>>
      %dma_start3A_84 = arith.constant 0 : i32
      %dma_start3A_85 = tpu.memref_slice %arg12[%add3A_37, %dma_start3A_84] : memref<10240x128xf32, #tpu.memory_space<vmem_shared>> -> memref<64x128xf32, #tpu.memory_space<vmem_shared>>
      tpu.enqueue_dma source(%arg9 : memref<64x128xf32, #tpu.memory_space<vmem>>) target(%dma_start3A_85 : memref<64x128xf32, #tpu.memory_space<vmem_shared>>) target_semaphore(%run_scoped3A : memref<!tpu.dma_semaphore, #tpu.memory_space<semaphore_mem>>)
      %dma_wait3A_86 = arith.constant 0 : i32
      %dma_wait3A_87 = tpu.memref_slice %arg12[%add3A_37, %dma_wait3A_86] : memref<10240x128xf32, #tpu.memory_space<vmem_shared>> -> memref<64x128xf32, #tpu.memory_space<vmem_shared>>
      %dma_wait3A_88 = arith.constant 0 : i32
      %dma_wait3A_89 = tpu.memref_slice %arg12[%add3A_37, %dma_wait3A_88] : memref<10240x128xf32, #tpu.memory_space<vmem_shared>> -> memref<64x128xf32, #tpu.memory_space<vmem_shared>>
      tpu.wait_dma2 semaphore(%run_scoped3A : memref<!tpu.dma_semaphore, #tpu.memory_space<semaphore_mem>>) src(%arg9 : memref<64x128xf32, #tpu.memory_space<vmem>>) dst(%dma_wait3A_89 : memref<64x128xf32, #tpu.memory_space<vmem_shared>>)
      tpu.yield
    }) : () -> ()
    %mul3A_38 = arith.constant 640 : i32
    %mul3A_39 = arith.muli %arg1, %mul3A_38 : i32
    %add3A_40 = arith.constant 512 : i32
    %add3A_41 = arith.addi %mul3A_39, %add3A_40 : i32
    "tpu.region"() ({
      %run_scoped3A = tpu.sem_alloc : memref<!tpu.dma_semaphore, #tpu.memory_space<semaphore_mem>>
      %dma_start3A_82 = arith.constant 0 : i32
      %dma_start3A_83 = tpu.memref_slice %arg12[%add3A_41, %dma_start3A_82] : memref<10240x128xf32, #tpu.memory_space<vmem_shared>> -> memref<64x128xf32, #tpu.memory_space<vmem_shared>>
      %dma_start3A_84 = arith.constant 0 : i32
      %dma_start3A_85 = tpu.memref_slice %arg12[%add3A_41, %dma_start3A_84] : memref<10240x128xf32, #tpu.memory_space<vmem_shared>> -> memref<64x128xf32, #tpu.memory_space<vmem_shared>>
      tpu.enqueue_dma source(%arg9 : memref<64x128xf32, #tpu.memory_space<vmem>>) target(%dma_start3A_85 : memref<64x128xf32, #tpu.memory_space<vmem_shared>>) target_semaphore(%run_scoped3A : memref<!tpu.dma_semaphore, #tpu.memory_space<semaphore_mem>>)
      %dma_wait3A_86 = arith.constant 0 : i32
      %dma_wait3A_87 = tpu.memref_slice %arg12[%add3A_41, %dma_wait3A_86] : memref<10240x128xf32, #tpu.memory_space<vmem_shared>> -> memref<64x128xf32, #tpu.memory_space<vmem_shared>>
      %dma_wait3A_88 = arith.constant 0 : i32
      %dma_wait3A_89 = tpu.memref_slice %arg12[%add3A_41, %dma_wait3A_88] : memref<10240x128xf32, #tpu.memory_space<vmem_shared>> -> memref<64x128xf32, #tpu.memory_space<vmem_shared>>
      tpu.wait_dma2 semaphore(%run_scoped3A : memref<!tpu.dma_semaphore, #tpu.memory_space<semaphore_mem>>) src(%arg9 : memref<64x128xf32, #tpu.memory_space<vmem>>) dst(%dma_wait3A_89 : memref<64x128xf32, #tpu.memory_space<vmem_shared>>)
      tpu.yield
    }) : () -> ()
    %mul3A_42 = arith.constant 640 : i32
    %mul3A_43 = arith.muli %arg1, %mul3A_42 : i32
    %add3A_44 = arith.constant 576 : i32
    %add3A_45 = arith.addi %mul3A_43, %add3A_44 : i32
    "tpu.region"() ({
      %run_scoped3A = tpu.sem_alloc : memref<!tpu.dma_semaphore, #tpu.memory_space<semaphore_mem>>
      %dma_start3A_82 = arith.constant 0 : i32
      %dma_start3A_83 = tpu.memref_slice %arg12[%add3A_45, %dma_start3A_82] : memref<10240x128xf32, #tpu.memory_space<vmem_shared>> -> memref<64x128xf32, #tpu.memory_space<vmem_shared>>
      %dma_start3A_84 = arith.constant 0 : i32
      %dma_start3A_85 = tpu.memref_slice %arg12[%add3A_45, %dma_start3A_84] : memref<10240x128xf32, #tpu.memory_space<vmem_shared>> -> memref<64x128xf32, #tpu.memory_space<vmem_shared>>
      tpu.enqueue_dma source(%arg9 : memref<64x128xf32, #tpu.memory_space<vmem>>) target(%dma_start3A_85 : memref<64x128xf32, #tpu.memory_space<vmem_shared>>) target_semaphore(%run_scoped3A : memref<!tpu.dma_semaphore, #tpu.memory_space<semaphore_mem>>)
      %dma_wait3A_86 = arith.constant 0 : i32
      %dma_wait3A_87 = tpu.memref_slice %arg12[%add3A_45, %dma_wait3A_86] : memref<10240x128xf32, #tpu.memory_space<vmem_shared>> -> memref<64x128xf32, #tpu.memory_space<vmem_shared>>
      %dma_wait3A_88 = arith.constant 0 : i32
      %dma_wait3A_89 = tpu.memref_slice %arg12[%add3A_45, %dma_wait3A_88] : memref<10240x128xf32, #tpu.memory_space<vmem_shared>> -> memref<64x128xf32, #tpu.memory_space<vmem_shared>>
      tpu.wait_dma2 semaphore(%run_scoped3A : memref<!tpu.dma_semaphore, #tpu.memory_space<semaphore_mem>>) src(%arg9 : memref<64x128xf32, #tpu.memory_space<vmem>>) dst(%dma_wait3A_89 : memref<64x128xf32, #tpu.memory_space<vmem_shared>>)
      tpu.yield
    }) : () -> ()
    %barrier3A = arith.constant 0 : index
    tpu.barrier barrier_id(%barrier3A)
    "tpu.region"() ({
      %run_scoped3A = tpu.sem_alloc : memref<!tpu.dma_semaphore, #tpu.memory_space<semaphore_mem>>
      %dma_start3A_82 = arith.constant 0 : i32
      %dma_start3A_83 = arith.constant 0 : i32
      %dma_start3A_84 = tpu.memref_slice %arg3[%add3A, %dma_start3A_82, %dma_start3A_83] : memref<32x161x64xi32, #tpu.memory_space<hbm>> -> memref<1x161x64xi32, #tpu.memory_space<hbm>>
      %dma_start3A_85 = tpu.memref_squeeze %dma_start3A_84 : memref<1x161x64xi32, #tpu.memory_space<hbm>> -> memref<161x64xi32, #tpu.memory_space<hbm>>
      %dma_start3A_86 = arith.constant 0 : i32
      %dma_start3A_87 = arith.constant 0 : i32
      %dma_start3A_88 = tpu.memref_slice %arg3[%add3A, %dma_start3A_86, %dma_start3A_87] : memref<32x161x64xi32, #tpu.memory_space<hbm>> -> memref<1x161x64xi32, #tpu.memory_space<hbm>>
      %dma_start3A_89 = tpu.memref_squeeze %dma_start3A_88 : memref<1x161x64xi32, #tpu.memory_space<hbm>> -> memref<161x64xi32, #tpu.memory_space<hbm>>
      tpu.enqueue_dma source(%dma_start3A_89 : memref<161x64xi32, #tpu.memory_space<hbm>>) target(%arg7 : memref<161x64xi32, #tpu.memory_space<vmem>>) target_semaphore(%run_scoped3A : memref<!tpu.dma_semaphore, #tpu.memory_space<semaphore_mem>>)
      %dma_wait3A_90 = arith.constant 0 : i32
      %dma_wait3A_91 = arith.constant 0 : i32
      %dma_wait3A_92 = tpu.memref_slice %arg3[%add3A, %dma_wait3A_90, %dma_wait3A_91] : memref<32x161x64xi32, #tpu.memory_space<hbm>> -> memref<1x161x64xi32, #tpu.memory_space<hbm>>
      %dma_wait3A_93 = tpu.memref_squeeze %dma_wait3A_92 : memref<1x161x64xi32, #tpu.memory_space<hbm>> -> memref<161x64xi32, #tpu.memory_space<hbm>>
      %dma_wait3A_94 = arith.constant 0 : i32
      %dma_wait3A_95 = arith.constant 0 : i32
      %dma_wait3A_96 = tpu.memref_slice %arg3[%add3A, %dma_wait3A_94, %dma_wait3A_95] : memref<32x161x64xi32, #tpu.memory_space<hbm>> -> memref<1x161x64xi32, #tpu.memory_space<hbm>>
      %dma_wait3A_97 = tpu.memref_squeeze %dma_wait3A_96 : memref<1x161x64xi32, #tpu.memory_space<hbm>> -> memref<161x64xi32, #tpu.memory_space<hbm>>
      tpu.wait_dma2 semaphore(%run_scoped3A : memref<!tpu.dma_semaphore, #tpu.memory_space<semaphore_mem>>) src(%dma_wait3A_97 : memref<161x64xi32, #tpu.memory_space<hbm>>) dst(%arg7 : memref<161x64xi32, #tpu.memory_space<vmem>>)
      tpu.yield
    }) : () -> ()
    "tpu.region"() ({
      %run_scoped3A = tpu.sem_alloc : memref<!tpu.dma_semaphore, #tpu.memory_space<semaphore_mem>>
      %dma_start3A_82 = arith.constant 0 : i32
      %dma_start3A_83 = arith.constant 0 : i32
      %dma_start3A_84 = tpu.memref_slice %arg4[%add3A, %dma_start3A_82, %dma_start3A_83] : memref<32x159x64xi32, #tpu.memory_space<hbm>> -> memref<1x159x64xi32, #tpu.memory_space<hbm>>
      %dma_start3A_85 = tpu.memref_squeeze %dma_start3A_84 : memref<1x159x64xi32, #tpu.memory_space<hbm>> -> memref<159x64xi32, #tpu.memory_space<hbm>>
      %dma_start3A_86 = arith.constant 0 : i32
      %dma_start3A_87 = arith.constant 0 : i32
      %dma_start3A_88 = tpu.memref_slice %arg4[%add3A, %dma_start3A_86, %dma_start3A_87] : memref<32x159x64xi32, #tpu.memory_space<hbm>> -> memref<1x159x64xi32, #tpu.memory_space<hbm>>
      %dma_start3A_89 = tpu.memref_squeeze %dma_start3A_88 : memref<1x159x64xi32, #tpu.memory_space<hbm>> -> memref<159x64xi32, #tpu.memory_space<hbm>>
      tpu.enqueue_dma source(%dma_start3A_89 : memref<159x64xi32, #tpu.memory_space<hbm>>) target(%arg8 : memref<159x64xi32, #tpu.memory_space<vmem>>) target_semaphore(%run_scoped3A : memref<!tpu.dma_semaphore, #tpu.memory_space<semaphore_mem>>)
      %dma_wait3A_90 = arith.constant 0 : i32
      %dma_wait3A_91 = arith.constant 0 : i32
      %dma_wait3A_92 = tpu.memref_slice %arg4[%add3A, %dma_wait3A_90, %dma_wait3A_91] : memref<32x159x64xi32, #tpu.memory_space<hbm>> -> memref<1x159x64xi32, #tpu.memory_space<hbm>>
      %dma_wait3A_93 = tpu.memref_squeeze %dma_wait3A_92 : memref<1x159x64xi32, #tpu.memory_space<hbm>> -> memref<159x64xi32, #tpu.memory_space<hbm>>
      %dma_wait3A_94 = arith.constant 0 : i32
      %dma_wait3A_95 = arith.constant 0 : i32
      %dma_wait3A_96 = tpu.memref_slice %arg4[%add3A, %dma_wait3A_94, %dma_wait3A_95] : memref<32x159x64xi32, #tpu.memory_space<hbm>> -> memref<1x159x64xi32, #tpu.memory_space<hbm>>
      %dma_wait3A_97 = tpu.memref_squeeze %dma_wait3A_96 : memref<1x159x64xi32, #tpu.memory_space<hbm>> -> memref<159x64xi32, #tpu.memory_space<hbm>>
      tpu.wait_dma2 semaphore(%run_scoped3A : memref<!tpu.dma_semaphore, #tpu.memory_space<semaphore_mem>>) src(%dma_wait3A_97 : memref<159x64xi32, #tpu.memory_space<hbm>>) dst(%arg8 : memref<159x64xi32, #tpu.memory_space<vmem>>)
      tpu.yield
    }) : () -> ()
    %dma_start3A = arith.constant 0 : i32
    %dma_start3A_46 = arith.constant 0 : i32
    %dma_start3A_47 = tpu.memref_slice %arg7[%dma_start3A, %dma_start3A_46] : memref<161x64xi32, #tpu.memory_space<vmem>> -> memref<1x64xi32, #tpu.memory_space<vmem>>
    %dma_start3A_48 = tpu.memref_squeeze %dma_start3A_47 : memref<1x64xi32, #tpu.memory_space<vmem>> -> memref<64xi32, #tpu.memory_space<vmem>>
    %dma_start3A_49 = arith.constant 0 : i32
    %dma_start3A_50 = arith.constant 0 : i32
    %dma_start3A_51 = tpu.memref_slice %arg2[%dma_start3A_49, %dma_start3A_50] : memref<10240x128xf32, #tpu.memory_space<hbm>> -> memref<10240x128xf32, #tpu.memory_space<hbm>>
    tpu.enqueue_indirect_dma source(%dma_start3A_51 : memref<10240x128xf32, #tpu.memory_space<hbm>>) target(%arg9 : memref<64x128xf32, #tpu.memory_space<vmem>>) offsets(%dma_start3A_48 : memref<64xi32, #tpu.memory_space<vmem>>) semaphore(%arg13 : memref<!tpu.dma_semaphore, #tpu.memory_space<semaphore_mem>>)
    %dma_start3A_52 = arith.constant 1 : i32
    %dma_start3A_53 = arith.constant 0 : i32
    %dma_start3A_54 = tpu.memref_slice %arg7[%dma_start3A_52, %dma_start3A_53] : memref<161x64xi32, #tpu.memory_space<vmem>> -> memref<1x64xi32, #tpu.memory_space<vmem>>
    %dma_start3A_55 = tpu.memref_squeeze %dma_start3A_54 : memref<1x64xi32, #tpu.memory_space<vmem>> -> memref<64xi32, #tpu.memory_space<vmem>>
    %dma_start3A_56 = arith.constant 0 : i32
    %dma_start3A_57 = arith.constant 0 : i32
    %dma_start3A_58 = tpu.memref_slice %arg2[%dma_start3A_56, %dma_start3A_57] : memref<10240x128xf32, #tpu.memory_space<hbm>> -> memref<10240x128xf32, #tpu.memory_space<hbm>>
    tpu.enqueue_indirect_dma source(%dma_start3A_58 : memref<10240x128xf32, #tpu.memory_space<hbm>>) target(%arg10 : memref<64x128xf32, #tpu.memory_space<vmem>>) offsets(%dma_start3A_55 : memref<64xi32, #tpu.memory_space<vmem>>) semaphore(%arg14 : memref<!tpu.dma_semaphore, #tpu.memory_space<semaphore_mem>>)
    %scan3A_59 = arith.constant 0 : i32
    %scan3A_60 = arith.constant 53 : i32
    %scan3A_61 = arith.addi %scan3A_59, %scan3A_60 : i32
    %scan3A_62 = arith.constant 1 : i32
    scf.for %scan3A_82 = %scan3A_59 to %scan3A_61 step %scan3A_62  : i32 {
      %mul3A_83 = arith.constant 3 : i32
      %mul3A_84 = arith.muli %scan3A_82, %mul3A_83 : i32
      %add3A_85 = arith.constant 0 : i32
      %add3A_86 = arith.addi %add3A_85, %mul3A_84 : i32
      %add3A_87 = arith.constant 0 : i32
      %add3A_88 = arith.addi %add3A_86, %add3A_87 : i32
      %add3A_89 = arith.constant 2 : i32
      %add3A_90 = arith.addi %add3A_88, %add3A_89 : i32
      %dma_start3A_91 = arith.constant 0 : i32
      %dma_start3A_92 = tpu.memref_slice %arg7[%add3A_90, %dma_start3A_91] : memref<161x64xi32, #tpu.memory_space<vmem>> -> memref<1x64xi32, #tpu.memory_space<vmem>>
      %dma_start3A_93 = tpu.memref_squeeze %dma_start3A_92 : memref<1x64xi32, #tpu.memory_space<vmem>> -> memref<64xi32, #tpu.memory_space<vmem>>
      %dma_start3A_94 = arith.constant 0 : i32
      %dma_start3A_95 = arith.constant 0 : i32
      %dma_start3A_96 = tpu.memref_slice %arg2[%dma_start3A_94, %dma_start3A_95] : memref<10240x128xf32, #tpu.memory_space<hbm>> -> memref<10240x128xf32, #tpu.memory_space<hbm>>
      tpu.enqueue_indirect_dma source(%dma_start3A_96 : memref<10240x128xf32, #tpu.memory_space<hbm>>) target(%arg11 : memref<64x128xf32, #tpu.memory_space<vmem>>) offsets(%dma_start3A_93 : memref<64xi32, #tpu.memory_space<vmem>>) semaphore(%arg15 : memref<!tpu.dma_semaphore, #tpu.memory_space<semaphore_mem>>)
      %dma_wait3A_97 = arith.constant 0 : i32
      %dma_wait3A_98 = tpu.memref_slice %arg7[%add3A_88, %dma_wait3A_97] : memref<161x64xi32, #tpu.memory_space<vmem>> -> memref<1x64xi32, #tpu.memory_space<vmem>>
      %dma_wait3A_99 = tpu.memref_squeeze %dma_wait3A_98 : memref<1x64xi32, #tpu.memory_space<vmem>> -> memref<64xi32, #tpu.memory_space<vmem>>
      %dma_wait3A_100 = arith.constant 0 : i32
      %dma_wait3A_101 = arith.constant 0 : i32
      %dma_wait3A_102 = tpu.memref_slice %arg2[%dma_wait3A_100, %dma_wait3A_101] : memref<10240x128xf32, #tpu.memory_space<hbm>> -> memref<10240x128xf32, #tpu.memory_space<hbm>>
      tpu.wait_indirect_dma semaphore(%arg13 : memref<!tpu.dma_semaphore, #tpu.memory_space<semaphore_mem>>) src(%dma_wait3A_102 : memref<10240x128xf32, #tpu.memory_space<hbm>>) dst(%arg9 : memref<64x128xf32, #tpu.memory_space<vmem>>)
      "tpu.region"() ({
        %run_scoped3A = tpu.sem_alloc : memref<!tpu.dma_semaphore, #tpu.memory_space<semaphore_mem>>
        %dma_start3A_135 = arith.constant 0 : i32
        %dma_start3A_136 = tpu.memref_slice %arg8[%add3A_88, %dma_start3A_135] : memref<159x64xi32, #tpu.memory_space<vmem>> -> memref<1x64xi32, #tpu.memory_space<vmem>>
        %dma_start3A_137 = tpu.memref_squeeze %dma_start3A_136 : memref<1x64xi32, #tpu.memory_space<vmem>> -> memref<64xi32, #tpu.memory_space<vmem>>
        %dma_start3A_138 = arith.constant 0 : i32
        %dma_start3A_139 = arith.constant 0 : i32
        %dma_start3A_140 = tpu.memref_slice %arg12[%dma_start3A_138, %dma_start3A_139] : memref<10240x128xf32, #tpu.memory_space<vmem_shared>> -> memref<10240x128xf32, #tpu.memory_space<vmem_shared>>
        tpu.enqueue_indirect_dma source(%arg9 : memref<64x128xf32, #tpu.memory_space<vmem>>) target(%dma_start3A_140 : memref<10240x128xf32, #tpu.memory_space<vmem_shared>>) offsets(%dma_start3A_137 : memref<64xi32, #tpu.memory_space<vmem>>) semaphore(%run_scoped3A : memref<!tpu.dma_semaphore, #tpu.memory_space<semaphore_mem>>) {add = true}
        %dma_wait3A_141 = arith.constant 0 : i32
        %dma_wait3A_142 = tpu.memref_slice %arg8[%add3A_88, %dma_wait3A_141] : memref<159x64xi32, #tpu.memory_space<vmem>> -> memref<1x64xi32, #tpu.memory_space<vmem>>
        %dma_wait3A_143 = tpu.memref_squeeze %dma_wait3A_142 : memref<1x64xi32, #tpu.memory_space<vmem>> -> memref<64xi32, #tpu.memory_space<vmem>>
        %dma_wait3A_144 = arith.constant 0 : i32
        %dma_wait3A_145 = arith.constant 0 : i32
        %dma_wait3A_146 = tpu.memref_slice %arg12[%dma_wait3A_144, %dma_wait3A_145] : memref<10240x128xf32, #tpu.memory_space<vmem_shared>> -> memref<10240x128xf32, #tpu.memory_space<vmem_shared>>
        tpu.wait_indirect_dma semaphore(%run_scoped3A : memref<!tpu.dma_semaphore, #tpu.memory_space<semaphore_mem>>) src(%arg9 : memref<64x128xf32, #tpu.memory_space<vmem>>) dst(%dma_wait3A_146 : memref<10240x128xf32, #tpu.memory_space<vmem_shared>>)
        tpu.yield
      }) : () -> ()
      %add3A_103 = arith.constant 1 : i32
      %add3A_104 = arith.addi %add3A_86, %add3A_103 : i32
      %add3A_105 = arith.constant 2 : i32
      %add3A_106 = arith.addi %add3A_104, %add3A_105 : i32
      %dma_start3A_107 = arith.constant 0 : i32
      %dma_start3A_108 = tpu.memref_slice %arg7[%add3A_106, %dma_start3A_107] : memref<161x64xi32, #tpu.memory_space<vmem>> -> memref<1x64xi32, #tpu.memory_space<vmem>>
      %dma_start3A_109 = tpu.memref_squeeze %dma_start3A_108 : memref<1x64xi32, #tpu.memory_space<vmem>> -> memref<64xi32, #tpu.memory_space<vmem>>
      %dma_start3A_110 = arith.constant 0 : i32
      %dma_start3A_111 = arith.constant 0 : i32
      %dma_start3A_112 = tpu.memref_slice %arg2[%dma_start3A_110, %dma_start3A_111] : memref<10240x128xf32, #tpu.memory_space<hbm>> -> memref<10240x128xf32, #tpu.memory_space<hbm>>
      tpu.enqueue_indirect_dma source(%dma_start3A_112 : memref<10240x128xf32, #tpu.memory_space<hbm>>) target(%arg9 : memref<64x128xf32, #tpu.memory_space<vmem>>) offsets(%dma_start3A_109 : memref<64xi32, #tpu.memory_space<vmem>>) semaphore(%arg13 : memref<!tpu.dma_semaphore, #tpu.memory_space<semaphore_mem>>)
      %dma_wait3A_113 = arith.constant 0 : i32
      %dma_wait3A_114 = tpu.memref_slice %arg7[%add3A_104, %dma_wait3A_113] : memref<161x64xi32, #tpu.memory_space<vmem>> -> memref<1x64xi32, #tpu.memory_space<vmem>>
      %dma_wait3A_115 = tpu.memref_squeeze %dma_wait3A_114 : memref<1x64xi32, #tpu.memory_space<vmem>> -> memref<64xi32, #tpu.memory_space<vmem>>
      %dma_wait3A_116 = arith.constant 0 : i32
      %dma_wait3A_117 = arith.constant 0 : i32
      %dma_wait3A_118 = tpu.memref_slice %arg2[%dma_wait3A_116, %dma_wait3A_117] : memref<10240x128xf32, #tpu.memory_space<hbm>> -> memref<10240x128xf32, #tpu.memory_space<hbm>>
      tpu.wait_indirect_dma semaphore(%arg14 : memref<!tpu.dma_semaphore, #tpu.memory_space<semaphore_mem>>) src(%dma_wait3A_118 : memref<10240x128xf32, #tpu.memory_space<hbm>>) dst(%arg10 : memref<64x128xf32, #tpu.memory_space<vmem>>)
      "tpu.region"() ({
        %run_scoped3A = tpu.sem_alloc : memref<!tpu.dma_semaphore, #tpu.memory_space<semaphore_mem>>
        %dma_start3A_135 = arith.constant 0 : i32
        %dma_start3A_136 = tpu.memref_slice %arg8[%add3A_104, %dma_start3A_135] : memref<159x64xi32, #tpu.memory_space<vmem>> -> memref<1x64xi32, #tpu.memory_space<vmem>>
        %dma_start3A_137 = tpu.memref_squeeze %dma_start3A_136 : memref<1x64xi32, #tpu.memory_space<vmem>> -> memref<64xi32, #tpu.memory_space<vmem>>
        %dma_start3A_138 = arith.constant 0 : i32
        %dma_start3A_139 = arith.constant 0 : i32
        %dma_start3A_140 = tpu.memref_slice %arg12[%dma_start3A_138, %dma_start3A_139] : memref<10240x128xf32, #tpu.memory_space<vmem_shared>> -> memref<10240x128xf32, #tpu.memory_space<vmem_shared>>
        tpu.enqueue_indirect_dma source(%arg10 : memref<64x128xf32, #tpu.memory_space<vmem>>) target(%dma_start3A_140 : memref<10240x128xf32, #tpu.memory_space<vmem_shared>>) offsets(%dma_start3A_137 : memref<64xi32, #tpu.memory_space<vmem>>) semaphore(%run_scoped3A : memref<!tpu.dma_semaphore, #tpu.memory_space<semaphore_mem>>) {add = true}
        %dma_wait3A_141 = arith.constant 0 : i32
        %dma_wait3A_142 = tpu.memref_slice %arg8[%add3A_104, %dma_wait3A_141] : memref<159x64xi32, #tpu.memory_space<vmem>> -> memref<1x64xi32, #tpu.memory_space<vmem>>
        %dma_wait3A_143 = tpu.memref_squeeze %dma_wait3A_142 : memref<1x64xi32, #tpu.memory_space<vmem>> -> memref<64xi32, #tpu.memory_space<vmem>>
        %dma_wait3A_144 = arith.constant 0 : i32
        %dma_wait3A_145 = arith.constant 0 : i32
        %dma_wait3A_146 = tpu.memref_slice %arg12[%dma_wait3A_144, %dma_wait3A_145] : memref<10240x128xf32, #tpu.memory_space<vmem_shared>> -> memref<10240x128xf32, #tpu.memory_space<vmem_shared>>
        tpu.wait_indirect_dma semaphore(%run_scoped3A : memref<!tpu.dma_semaphore, #tpu.memory_space<semaphore_mem>>) src(%arg10 : memref<64x128xf32, #tpu.memory_space<vmem>>) dst(%dma_wait3A_146 : memref<10240x128xf32, #tpu.memory_space<vmem_shared>>)
        tpu.yield
      }) : () -> ()
      %add3A_119 = arith.constant 2 : i32
      %add3A_120 = arith.addi %add3A_86, %add3A_119 : i32
      %add3A_121 = arith.constant 2 : i32
      %add3A_122 = arith.addi %add3A_120, %add3A_121 : i32
      %dma_start3A_123 = arith.constant 0 : i32
      %dma_start3A_124 = tpu.memref_slice %arg7[%add3A_122, %dma_start3A_123] : memref<161x64xi32, #tpu.memory_space<vmem>> -> memref<1x64xi32, #tpu.memory_space<vmem>>
      %dma_start3A_125 = tpu.memref_squeeze %dma_start3A_124 : memref<1x64xi32, #tpu.memory_space<vmem>> -> memref<64xi32, #tpu.memory_space<vmem>>
      %dma_start3A_126 = arith.constant 0 : i32
      %dma_start3A_127 = arith.constant 0 : i32
      %dma_start3A_128 = tpu.memref_slice %arg2[%dma_start3A_126, %dma_start3A_127] : memref<10240x128xf32, #tpu.memory_space<hbm>> -> memref<10240x128xf32, #tpu.memory_space<hbm>>
      tpu.enqueue_indirect_dma source(%dma_start3A_128 : memref<10240x128xf32, #tpu.memory_space<hbm>>) target(%arg10 : memref<64x128xf32, #tpu.memory_space<vmem>>) offsets(%dma_start3A_125 : memref<64xi32, #tpu.memory_space<vmem>>) semaphore(%arg14 : memref<!tpu.dma_semaphore, #tpu.memory_space<semaphore_mem>>)
      %dma_wait3A_129 = arith.constant 0 : i32
      %dma_wait3A_130 = tpu.memref_slice %arg7[%add3A_120, %dma_wait3A_129] : memref<161x64xi32, #tpu.memory_space<vmem>> -> memref<1x64xi32, #tpu.memory_space<vmem>>
      %dma_wait3A_131 = tpu.memref_squeeze %dma_wait3A_130 : memref<1x64xi32, #tpu.memory_space<vmem>> -> memref<64xi32, #tpu.memory_space<vmem>>
      %dma_wait3A_132 = arith.constant 0 : i32
      %dma_wait3A_133 = arith.constant 0 : i32
      %dma_wait3A_134 = tpu.memref_slice %arg2[%dma_wait3A_132, %dma_wait3A_133] : memref<10240x128xf32, #tpu.memory_space<hbm>> -> memref<10240x128xf32, #tpu.memory_space<hbm>>
      tpu.wait_indirect_dma semaphore(%arg15 : memref<!tpu.dma_semaphore, #tpu.memory_space<semaphore_mem>>) src(%dma_wait3A_134 : memref<10240x128xf32, #tpu.memory_space<hbm>>) dst(%arg11 : memref<64x128xf32, #tpu.memory_space<vmem>>)
      "tpu.region"() ({
        %run_scoped3A = tpu.sem_alloc : memref<!tpu.dma_semaphore, #tpu.memory_space<semaphore_mem>>
        %dma_start3A_135 = arith.constant 0 : i32
        %dma_start3A_136 = tpu.memref_slice %arg8[%add3A_120, %dma_start3A_135] : memref<159x64xi32, #tpu.memory_space<vmem>> -> memref<1x64xi32, #tpu.memory_space<vmem>>
        %dma_start3A_137 = tpu.memref_squeeze %dma_start3A_136 : memref<1x64xi32, #tpu.memory_space<vmem>> -> memref<64xi32, #tpu.memory_space<vmem>>
        %dma_start3A_138 = arith.constant 0 : i32
        %dma_start3A_139 = arith.constant 0 : i32
        %dma_start3A_140 = tpu.memref_slice %arg12[%dma_start3A_138, %dma_start3A_139] : memref<10240x128xf32, #tpu.memory_space<vmem_shared>> -> memref<10240x128xf32, #tpu.memory_space<vmem_shared>>
        tpu.enqueue_indirect_dma source(%arg11 : memref<64x128xf32, #tpu.memory_space<vmem>>) target(%dma_start3A_140 : memref<10240x128xf32, #tpu.memory_space<vmem_shared>>) offsets(%dma_start3A_137 : memref<64xi32, #tpu.memory_space<vmem>>) semaphore(%run_scoped3A : memref<!tpu.dma_semaphore, #tpu.memory_space<semaphore_mem>>) {add = true}
        %dma_wait3A_141 = arith.constant 0 : i32
        %dma_wait3A_142 = tpu.memref_slice %arg8[%add3A_120, %dma_wait3A_141] : memref<159x64xi32, #tpu.memory_space<vmem>> -> memref<1x64xi32, #tpu.memory_space<vmem>>
        %dma_wait3A_143 = tpu.memref_squeeze %dma_wait3A_142 : memref<1x64xi32, #tpu.memory_space<vmem>> -> memref<64xi32, #tpu.memory_space<vmem>>
        %dma_wait3A_144 = arith.constant 0 : i32
        %dma_wait3A_145 = arith.constant 0 : i32
        %dma_wait3A_146 = tpu.memref_slice %arg12[%dma_wait3A_144, %dma_wait3A_145] : memref<10240x128xf32, #tpu.memory_space<vmem_shared>> -> memref<10240x128xf32, #tpu.memory_space<vmem_shared>>
        tpu.wait_indirect_dma semaphore(%run_scoped3A : memref<!tpu.dma_semaphore, #tpu.memory_space<semaphore_mem>>) src(%arg11 : memref<64x128xf32, #tpu.memory_space<vmem>>) dst(%dma_wait3A_146 : memref<10240x128xf32, #tpu.memory_space<vmem_shared>>)
        tpu.yield
      }) : () -> ()
    }
    %scan3A_63 = arith.constant 53 : i32
    %dma_wait3A = arith.constant 0 : i32
    %dma_wait3A_64 = arith.constant 0 : i32
    %dma_wait3A_65 = tpu.memref_slice %arg7[%dma_wait3A, %dma_wait3A_64] : memref<161x64xi32, #tpu.memory_space<vmem>> -> memref<1x64xi32, #tpu.memory_space<vmem>>
    %dma_wait3A_66 = tpu.memref_squeeze %dma_wait3A_65 : memref<1x64xi32, #tpu.memory_space<vmem>> -> memref<64xi32, #tpu.memory_space<vmem>>
    %dma_wait3A_67 = arith.constant 0 : i32
    %dma_wait3A_68 = arith.constant 0 : i32
    %dma_wait3A_69 = tpu.memref_slice %arg2[%dma_wait3A_67, %dma_wait3A_68] : memref<10240x128xf32, #tpu.memory_space<hbm>> -> memref<10240x128xf32, #tpu.memory_space<hbm>>
    tpu.wait_indirect_dma semaphore(%arg13 : memref<!tpu.dma_semaphore, #tpu.memory_space<semaphore_mem>>) src(%dma_wait3A_69 : memref<10240x128xf32, #tpu.memory_space<hbm>>) dst(%arg9 : memref<64x128xf32, #tpu.memory_space<vmem>>)
    %dma_wait3A_70 = arith.constant 1 : i32
    %dma_wait3A_71 = arith.constant 0 : i32
    %dma_wait3A_72 = tpu.memref_slice %arg7[%dma_wait3A_70, %dma_wait3A_71] : memref<161x64xi32, #tpu.memory_space<vmem>> -> memref<1x64xi32, #tpu.memory_space<vmem>>
    %dma_wait3A_73 = tpu.memref_squeeze %dma_wait3A_72 : memref<1x64xi32, #tpu.memory_space<vmem>> -> memref<64xi32, #tpu.memory_space<vmem>>
    %dma_wait3A_74 = arith.constant 0 : i32
    %dma_wait3A_75 = arith.constant 0 : i32
    %dma_wait3A_76 = tpu.memref_slice %arg2[%dma_wait3A_74, %dma_wait3A_75] : memref<10240x128xf32, #tpu.memory_space<hbm>> -> memref<10240x128xf32, #tpu.memory_space<hbm>>
    tpu.wait_indirect_dma semaphore(%arg14 : memref<!tpu.dma_semaphore, #tpu.memory_space<semaphore_mem>>) src(%dma_wait3A_76 : memref<10240x128xf32, #tpu.memory_space<hbm>>) dst(%arg10 : memref<64x128xf32, #tpu.memory_space<vmem>>)
    %barrier3A_77 = arith.constant 0 : index
    tpu.barrier barrier_id(%barrier3A_77)
    %mul3A_78 = arith.constant 640 : i32
    %mul3A_79 = arith.muli %arg1, %mul3A_78 : i32
    %mul3A_80 = arith.constant 640 : i32
    %mul3A_81 = arith.muli %arg1, %mul3A_80 : i32
    "tpu.region"() ({
      %run_scoped3A = tpu.sem_alloc : memref<!tpu.dma_semaphore, #tpu.memory_space<semaphore_mem>>
      %dma_start3A_82 = arith.constant 0 : i32
      %dma_start3A_83 = tpu.memref_slice %arg6[%arg0, %mul3A_81, %dma_start3A_82] : memref<2x10240x128xf32, #tpu.memory_space<hbm>> -> memref<1x640x128xf32, #tpu.memory_space<hbm>>
      %dma_start3A_84 = tpu.memref_squeeze %dma_start3A_83 : memref<1x640x128xf32, #tpu.memory_space<hbm>> -> memref<640x128xf32, #tpu.memory_space<hbm>>
      %dma_start3A_85 = arith.constant 0 : i32
      %dma_start3A_86 = tpu.memref_slice %arg12[%mul3A_79, %dma_start3A_85] : memref<10240x128xf32, #tpu.memory_space<vmem_shared>> -> memref<640x128xf32, #tpu.memory_space<vmem_shared>>
      tpu.enqueue_dma source(%dma_start3A_86 : memref<640x128xf32, #tpu.memory_space<vmem_shared>>) target(%dma_start3A_84 : memref<640x128xf32, #tpu.memory_space<hbm>>) target_semaphore(%run_scoped3A : memref<!tpu.dma_semaphore, #tpu.memory_space<semaphore_mem>>)
      %dma_wait3A_87 = arith.constant 0 : i32
      %dma_wait3A_88 = tpu.memref_slice %arg6[%arg0, %mul3A_81, %dma_wait3A_87] : memref<2x10240x128xf32, #tpu.memory_space<hbm>> -> memref<1x640x128xf32, #tpu.memory_space<hbm>>
      %dma_wait3A_89 = tpu.memref_squeeze %dma_wait3A_88 : memref<1x640x128xf32, #tpu.memory_space<hbm>> -> memref<640x128xf32, #tpu.memory_space<hbm>>
      %dma_wait3A_90 = arith.constant 0 : i32
      %dma_wait3A_91 = tpu.memref_slice %arg12[%mul3A_79, %dma_wait3A_90] : memref<10240x128xf32, #tpu.memory_space<vmem_shared>> -> memref<640x128xf32, #tpu.memory_space<vmem_shared>>
      tpu.wait_dma2 semaphore(%run_scoped3A : memref<!tpu.dma_semaphore, #tpu.memory_space<semaphore_mem>>) src(%dma_wait3A_91 : memref<640x128xf32, #tpu.memory_space<vmem_shared>>) dst(%dma_wait3A_89 : memref<640x128xf32, #tpu.memory_space<hbm>>)
      tpu.yield
    }) : () -> ()
    return
  }
}

module attributes {stable_mosaic.version = 14 : i64} {
  func.func @_embed_body(%arg0: i32, %arg1: memref<1024x1xi32, #tpu.memory_space<vmem>>, %arg2: memref<1024x1xi32, #tpu.memory_space<vmem>>, %arg3: memref<128x128xf32, #tpu.memory_space<vmem>>, %arg4: memref<128x128xf32, #tpu.memory_space<vmem>>, %arg5: memref<1024x128xf32, #tpu.memory_space<vmem>>) attributes {dimension_semantics = [#tpu.dimension_semantics<arbitrary>], iteration_bounds = array<i64: 10>, scalar_prefetch = 0 : i64, scratch_operands = 0 : i64, tpu.core_type = #tpu.core_type<tc>, window_params = [{transform_indices = @transform_0, window_bounds = array<i64: 1024, 1>}, {transform_indices = @transform_1, window_bounds = array<i64: 1024, 1>}, {pipeline_mode = #tpu.pipeline_mode<synchronous>, transform_indices = @transform_2, window_bounds = array<i64: 128, 128>}, {pipeline_mode = #tpu.pipeline_mode<synchronous>, transform_indices = @transform_3, window_bounds = array<i64: 128, 128>}, {transform_indices = @transform_4, window_bounds = array<i64: 1024, 128>}]} {
    %iota3A = tpu.iota {dimensions = array<i32: 1>} : vector<1024x128xi32>
    %get3A = arith.constant 0 : index
    %get3A_0 = arith.constant 0 : index
    %get3A_1 = vector.load %arg1[%get3A, %get3A_0] : memref<1024x1xi32, #tpu.memory_space<vmem>>, vector<1024x1xi32>
    %broadcast_in_dim3A = vector.shape_cast %get3A_1 : vector<1024x1xi32> to vector<1024x1xi32>
    %broadcast_in_dim3A_2 = vector.broadcast %broadcast_in_dim3A : vector<1024x1xi32> to vector<1024x128xi32>
    %eq3A = arith.cmpi eq, %broadcast_in_dim3A_2, %iota3A : vector<1024x128xi32>
    %convert_element_type3A = arith.extui %eq3A : vector<1024x128xi1> to vector<1024x128xi32>
    %convert_element_type3A_3 = arith.sitofp %convert_element_type3A : vector<1024x128xi32> to vector<1024x128xf32>
    %get3A_4 = arith.constant 0 : index
    %get3A_5 = arith.constant 0 : index
    %get3A_6 = vector.load %arg2[%get3A_4, %get3A_5] : memref<1024x1xi32, #tpu.memory_space<vmem>>, vector<1024x1xi32>
    %broadcast_in_dim3A_7 = vector.shape_cast %get3A_6 : vector<1024x1xi32> to vector<1024x1xi32>
    %broadcast_in_dim3A_8 = vector.broadcast %broadcast_in_dim3A_7 : vector<1024x1xi32> to vector<1024x128xi32>
    %eq3A_9 = arith.cmpi eq, %broadcast_in_dim3A_8, %iota3A : vector<1024x128xi32>
    %convert_element_type3A_10 = arith.extui %eq3A_9 : vector<1024x128xi1> to vector<1024x128xi32>
    %convert_element_type3A_11 = arith.sitofp %convert_element_type3A_10 : vector<1024x128xi32> to vector<1024x128xf32>
    %get3A_12 = arith.constant 0 : index
    %get3A_13 = arith.constant 0 : index
    %get3A_14 = vector.load %arg3[%get3A_12, %get3A_13] : memref<128x128xf32, #tpu.memory_space<vmem>>, vector<128x128xf32>
    %dot_general3A = arith.constant dense<0.000000e+00> : vector<1024x128xf32>
    %dot_general3A_15 = tpu.matmul %convert_element_type3A_3, %get3A_14, %dot_general3A {dimension_numbers = #tpu.dot_dimension_numbers<[1], [0], [0], [1], [0, 0, 1, 1], [], []>, precision = #tpu.contract_precision<fp32>, transpose_lhs_hint = false} : vector<1024x128xf32>, vector<128x128xf32>, vector<1024x128xf32> -> vector<1024x128xf32>
    %get3A_16 = arith.constant 0 : index
    %get3A_17 = arith.constant 0 : index
    %get3A_18 = vector.load %arg4[%get3A_16, %get3A_17] : memref<128x128xf32, #tpu.memory_space<vmem>>, vector<128x128xf32>
    %dot_general3A_19 = arith.constant dense<0.000000e+00> : vector<1024x128xf32>
    %dot_general3A_20 = tpu.matmul %convert_element_type3A_11, %get3A_18, %dot_general3A_19 {dimension_numbers = #tpu.dot_dimension_numbers<[1], [0], [0], [1], [0, 0, 1, 1], [], []>, precision = #tpu.contract_precision<fp32>, transpose_lhs_hint = false} : vector<1024x128xf32>, vector<128x128xf32>, vector<1024x128xf32> -> vector<1024x128xf32>
    %add3A = arith.addf %dot_general3A_15, %dot_general3A_20 : vector<1024x128xf32>
    %swap3A = arith.constant 0 : index
    %swap3A_21 = arith.constant 0 : index
    %swap3A_22 = vector.load %arg5[%swap3A, %swap3A_21] : memref<1024x128xf32, #tpu.memory_space<vmem>>, vector<1024x128xf32>
    tpu.vector_store %arg5[%swap3A, %swap3A_21], %add3A {strides = array<i32>} : memref<1024x128xf32, #tpu.memory_space<vmem>>, vector<1024x128xf32>,
    return
  }
  func.func @transform_0(%arg0: i32) -> (i32, i32) {
    %c0_i32 = arith.constant 0 : i32
    %c0_i32_0 = arith.constant 0 : i32
    return %arg0, %c0_i32 : i32, i32
  }
  func.func @transform_1(%arg0: i32) -> (i32, i32) {
    %c0_i32 = arith.constant 0 : i32
    %c0_i32_0 = arith.constant 0 : i32
    return %arg0, %c0_i32 : i32, i32
  }
  func.func @transform_2(%arg0: i32) -> (i32, i32) {
    %c0_i32 = arith.constant 0 : i32
    %c0_i32_0 = arith.constant 0 : i32
    %c0_i32_1 = arith.constant 0 : i32
    return %c0_i32, %c0_i32_0 : i32, i32
  }
  func.func @transform_3(%arg0: i32) -> (i32, i32) {
    %c0_i32 = arith.constant 0 : i32
    %c0_i32_0 = arith.constant 0 : i32
    %c0_i32_1 = arith.constant 0 : i32
    return %c0_i32, %c0_i32_0 : i32, i32
  }
  func.func @transform_4(%arg0: i32) -> (i32, i32) {
    %c0_i32 = arith.constant 0 : i32
    %c0_i32_0 = arith.constant 0 : i32
    return %arg0, %c0_i32 : i32, i32
  }
}

module attributes {stable_mosaic.version = 14 : i64} {
  func.func @_mlp_stats_body(%arg0: i32, %arg1: memref<2x1024x128xf32, #tpu.memory_space<vmem>>, %arg2: memref<1024x128xf32, #tpu.memory_space<vmem>>, %arg3: memref<2x1024x128xf32, #tpu.memory_space<vmem>>, %arg4: memref<128x128xf32, #tpu.memory_space<vmem>>, %arg5: memref<1x128xf32, #tpu.memory_space<vmem>>, %arg6: memref<128x256xf32, #tpu.memory_space<vmem>>, %arg7: memref<1x256xf32, #tpu.memory_space<vmem>>, %arg8: memref<256x128xf32, #tpu.memory_space<vmem>>, %arg9: memref<1x128xf32, #tpu.memory_space<vmem>>, %arg10: memref<1024x128xf32, #tpu.memory_space<vmem>>, %arg11: memref<8x128xf32, #tpu.memory_space<vmem>>, %arg12: memref<8x128xf32, #tpu.memory_space<vmem>>, %arg13: memref<8x128xf32, #tpu.memory_space<vmem>>, %arg14: memref<8x128xf32, #tpu.memory_space<vmem>>) attributes {dimension_semantics = [#tpu.dimension_semantics<arbitrary>], iteration_bounds = array<i64: 10>, scalar_prefetch = 0 : i64, scratch_operands = 2 : i64, tpu.core_type = #tpu.core_type<tc>, window_params = [{transform_indices = @transform_0, window_bounds = array<i64: 2, 1024, 128>}, {transform_indices = @transform_1, window_bounds = array<i64: 1024, 128>}, {transform_indices = @transform_2, window_bounds = array<i64: 2, 1024, 128>}, {pipeline_mode = #tpu.pipeline_mode<synchronous>, transform_indices = @transform_3, window_bounds = array<i64: 128, 128>}, {pipeline_mode = #tpu.pipeline_mode<synchronous>, transform_indices = @transform_4, window_bounds = array<i64: 1, 128>}, {pipeline_mode = #tpu.pipeline_mode<synchronous>, transform_indices = @transform_5, window_bounds = array<i64: 128, 256>}, {pipeline_mode = #tpu.pipeline_mode<synchronous>, transform_indices = @transform_6, window_bounds = array<i64: 1, 256>}, {pipeline_mode = #tpu.pipeline_mode<synchronous>, transform_indices = @transform_7, window_bounds = array<i64: 256, 128>}, {pipeline_mode = #tpu.pipeline_mode<synchronous>, transform_indices = @transform_8, window_bounds = array<i64: 1, 128>}, {transform_indices = @transform_9, window_bounds = array<i64: 1024, 128>}, {pipeline_mode = #tpu.pipeline_mode<synchronous>, transform_indices = @transform_10, window_bounds = array<i64: 8, 128>}, {pipeline_mode = #tpu.pipeline_mode<synchronous>, transform_indices = @transform_11, window_bounds = array<i64: 8, 128>}]} {
    %get3A = arith.constant 0 : index
    %get3A_0 = arith.constant 0 : index
    %get3A_1 = arith.constant 0 : index
    %get3A_2 = vector.load %arg1[%get3A, %get3A_0, %get3A_1] : memref<2x1024x128xf32, #tpu.memory_space<vmem>>, vector<1x1024x128xf32>
    %get3A_3 = vector.shape_cast %get3A_2 : vector<1x1024x128xf32> to vector<1024x128xf32>
    %get3A_4 = arith.constant 1 : index
    %get3A_5 = arith.constant 0 : index
    %get3A_6 = arith.constant 0 : index
    %get3A_7 = vector.load %arg1[%get3A_4, %get3A_5, %get3A_6] : memref<2x1024x128xf32, #tpu.memory_space<vmem>>, vector<1x1024x128xf32>
    %get3A_8 = vector.shape_cast %get3A_7 : vector<1x1024x128xf32> to vector<1024x128xf32>
    %add3A = arith.addf %get3A_3, %get3A_8 : vector<1024x128xf32>
    %get3A_9 = arith.constant 0 : index
    %get3A_10 = arith.constant 0 : index
    %get3A_11 = vector.load %arg2[%get3A_9, %get3A_10] : memref<1024x128xf32, #tpu.memory_space<vmem>>, vector<1024x128xf32>
    %add3A_12 = arith.addf %add3A, %get3A_11 : vector<1024x128xf32>
    %get3A_13 = arith.constant 0 : index
    %get3A_14 = arith.constant 0 : index
    %get3A_15 = arith.constant 0 : index
    %get3A_16 = vector.load %arg3[%get3A_13, %get3A_14, %get3A_15] : memref<2x1024x128xf32, #tpu.memory_space<vmem>>, vector<1x1024x128xf32>
    %get3A_17 = vector.shape_cast %get3A_16 : vector<1x1024x128xf32> to vector<1024x128xf32>
    %get3A_18 = arith.constant 1 : index
    %get3A_19 = arith.constant 0 : index
    %get3A_20 = arith.constant 0 : index
    %get3A_21 = vector.load %arg3[%get3A_18, %get3A_19, %get3A_20] : memref<2x1024x128xf32, #tpu.memory_space<vmem>>, vector<1x1024x128xf32>
    %get3A_22 = vector.shape_cast %get3A_21 : vector<1x1024x128xf32> to vector<1024x128xf32>
    %add3A_23 = arith.addf %get3A_17, %get3A_22 : vector<1024x128xf32>
    %get3A_24 = arith.constant 0 : index
    %get3A_25 = arith.constant 0 : index
    %get3A_26 = vector.load %arg4[%get3A_24, %get3A_25] : memref<128x128xf32, #tpu.memory_space<vmem>>, vector<128x128xf32>
    %dot_general3A = arith.constant dense<0.000000e+00> : vector<1024x128xf32>
    %dot_general3A_27 = tpu.matmul %add3A_23, %get3A_26, %dot_general3A {dimension_numbers = #tpu.dot_dimension_numbers<[1], [0], [0], [1], [0, 0, 1, 1], [], []>, precision = #tpu.contract_precision<fp32>, transpose_lhs_hint = false} : vector<1024x128xf32>, vector<128x128xf32>, vector<1024x128xf32> -> vector<1024x128xf32>
    %add3A_28 = arith.addf %add3A_12, %dot_general3A_27 : vector<1024x128xf32>
    %get3A_29 = arith.constant 0 : index
    %get3A_30 = arith.constant 0 : index
    %get3A_31 = vector.load %arg5[%get3A_29, %get3A_30] : memref<1x128xf32, #tpu.memory_space<vmem>>, vector<1x128xf32>
    %add3A_32 = vector.broadcast %get3A_31 : vector<1x128xf32> to vector<1024x128xf32>
    %add3A_33 = arith.addf %add3A_28, %add3A_32 : vector<1024x128xf32>
    %get3A_34 = arith.constant 0 : index
    %get3A_35 = arith.constant 0 : index
    %get3A_36 = vector.load %arg6[%get3A_34, %get3A_35] : memref<128x256xf32, #tpu.memory_space<vmem>>, vector<128x256xf32>
    %dot_general3A_37 = arith.constant dense<0.000000e+00> : vector<1024x256xf32>
    %dot_general3A_38 = tpu.matmul %add3A_33, %get3A_36, %dot_general3A_37 {dimension_numbers = #tpu.dot_dimension_numbers<[1], [0], [0], [1], [0, 0, 1, 1], [], []>, precision = #tpu.contract_precision<fp32>, transpose_lhs_hint = false} : vector<1024x128xf32>, vector<128x256xf32>, vector<1024x256xf32> -> vector<1024x256xf32>
    %get3A_39 = arith.constant 0 : index
    %get3A_40 = arith.constant 0 : index
    %get3A_41 = vector.load %arg7[%get3A_39, %get3A_40] : memref<1x256xf32, #tpu.memory_space<vmem>>, vector<1x256xf32>
    %add3A_42 = vector.broadcast %get3A_41 : vector<1x256xf32> to vector<1024x256xf32>
    %add3A_43 = arith.addf %dot_general3A_38, %add3A_42 : vector<1024x256xf32>
    %max3A = arith.constant 0.000000e+00 : f32
    %max3A_44 = vector.broadcast %max3A : f32 to vector<1024x256xf32>
    %max3A_45 = arith.maximumf %add3A_43, %max3A_44 : vector<1024x256xf32>
    %get3A_46 = arith.constant 0 : index
    %get3A_47 = arith.constant 0 : index
    %get3A_48 = vector.load %arg8[%get3A_46, %get3A_47] : memref<256x128xf32, #tpu.memory_space<vmem>>, vector<256x128xf32>
    %dot_general3A_49 = arith.constant dense<0.000000e+00> : vector<1024x128xf32>
    %dot_general3A_50 = tpu.matmul %max3A_45, %get3A_48, %dot_general3A_49 {dimension_numbers = #tpu.dot_dimension_numbers<[1], [0], [0], [1], [0, 0, 1, 1], [], []>, precision = #tpu.contract_precision<fp32>, transpose_lhs_hint = false} : vector<1024x256xf32>, vector<256x128xf32>, vector<1024x128xf32> -> vector<1024x128xf32>
    %get3A_51 = arith.constant 0 : index
    %get3A_52 = arith.constant 0 : index
    %get3A_53 = vector.load %arg9[%get3A_51, %get3A_52] : memref<1x128xf32, #tpu.memory_space<vmem>>, vector<1x128xf32>
    %add3A_54 = vector.broadcast %get3A_53 : vector<1x128xf32> to vector<1024x128xf32>
    %add3A_55 = arith.addf %dot_general3A_50, %add3A_54 : vector<1024x128xf32>
    %swap3A = arith.constant 0 : index
    %swap3A_56 = arith.constant 0 : index
    %swap3A_57 = vector.load %arg10[%swap3A, %swap3A_56] : memref<1024x128xf32, #tpu.memory_space<vmem>>, vector<1024x128xf32>
    tpu.vector_store %arg10[%swap3A, %swap3A_56], %add3A_55 {strides = array<i32>} : memref<1024x128xf32, #tpu.memory_space<vmem>>, vector<1024x128xf32>,
    %iota3A = tpu.iota {dimensions = array<i32: 0>} : vector<1024x1xi32>
    %mul3A = arith.constant 1024 : i32
    %mul3A_58 = arith.muli %arg0, %mul3A : i32
    %add3A_59 = vector.broadcast %mul3A_58 : i32 to vector<1024x1xi32>
    %add3A_60 = arith.addi %iota3A, %add3A_59 : vector<1024x1xi32>
    %lt3A = arith.constant 10000 : i32
    %lt3A_61 = vector.broadcast %lt3A : i32 to vector<1024x1xi32>
    %lt3A_62 = arith.cmpi slt, %add3A_60, %lt3A_61 : vector<1024x1xi32>
    %convert_element_type3A = arith.extui %lt3A_62 : vector<1024x1xi1> to vector<1024x1xi32>
    %convert_element_type3A_63 = arith.sitofp %convert_element_type3A : vector<1024x1xi32> to vector<1024x1xf32>
    %mul3A_64 = vector.broadcast %convert_element_type3A_63 : vector<1024x1xf32> to vector<1024x128xf32>
    %mul3A_65 = arith.mulf %add3A_55, %mul3A_64 : vector<1024x128xf32>
    %reduce_sum3A = arith.constant dense<0.000000e+00> : vector<128xf32>
    %reduce_sum3A_66 = vector.multi_reduction <add>, %mul3A_65, %reduce_sum3A [0] : vector<1024x128xf32> to vector<128xf32>
    %broadcast_in_dim3A = vector.shape_cast %reduce_sum3A_66 : vector<128xf32> to vector<1x128xf32>
    %broadcast_in_dim3A_67 = vector.shape_cast %broadcast_in_dim3A : vector<1x128xf32> to vector<1x128xf32>
    %broadcast_in_dim3A_68 = vector.broadcast %broadcast_in_dim3A_67 : vector<1x128xf32> to vector<8x128xf32>
    %mul3A_69 = arith.mulf %mul3A_65, %mul3A_65 : vector<1024x128xf32>
    %reduce_sum3A_70 = arith.constant dense<0.000000e+00> : vector<128xf32>
    %reduce_sum3A_71 = vector.multi_reduction <add>, %mul3A_69, %reduce_sum3A_70 [0] : vector<1024x128xf32> to vector<128xf32>
    %broadcast_in_dim3A_72 = vector.shape_cast %reduce_sum3A_71 : vector<128xf32> to vector<1x128xf32>
    %broadcast_in_dim3A_73 = vector.shape_cast %broadcast_in_dim3A_72 : vector<1x128xf32> to vector<1x128xf32>
    %broadcast_in_dim3A_74 = vector.broadcast %broadcast_in_dim3A_73 : vector<1x128xf32> to vector<8x128xf32>
    %eq3A = arith.constant 0 : i32
    %eq3A_75 = arith.cmpi eq, %arg0, %eq3A : i32
    %convert_element_type3A_76 = arith.extui %eq3A_75 : i1 to i32
    %cond3A = arith.constant 0 : i32
    %cond3A_77 = arith.cmpi ne, %convert_element_type3A_76, %cond3A : i32
    scf.if %cond3A_77 {
      %broadcast_in_dim3A_97 = arith.constant 0.000000e+00 : f32
      %broadcast_in_dim3A_98 = vector.broadcast %broadcast_in_dim3A_97 : f32 to vector<8x128xf32>
      %swap3A_99 = arith.constant 0 : index
      %swap3A_100 = arith.constant 0 : index
      %swap3A_101 = vector.load %arg13[%swap3A_99, %swap3A_100] : memref<8x128xf32, #tpu.memory_space<vmem>>, vector<8x128xf32>
      tpu.vector_store %arg13[%swap3A_99, %swap3A_100], %broadcast_in_dim3A_98 {strides = array<i32>} : memref<8x128xf32, #tpu.memory_space<vmem>>, vector<8x128xf32>,
      %broadcast_in_dim3A_102 = arith.constant 0.000000e+00 : f32
      %broadcast_in_dim3A_103 = vector.broadcast %broadcast_in_dim3A_102 : f32 to vector<8x128xf32>
      %swap3A_104 = arith.constant 0 : index
      %swap3A_105 = arith.constant 0 : index
      %swap3A_106 = vector.load %arg14[%swap3A_104, %swap3A_105] : memref<8x128xf32, #tpu.memory_space<vmem>>, vector<8x128xf32>
      tpu.vector_store %arg14[%swap3A_104, %swap3A_105], %broadcast_in_dim3A_103 {strides = array<i32>} : memref<8x128xf32, #tpu.memory_space<vmem>>, vector<8x128xf32>,
    } else {
    }
    %get3A_78 = arith.constant 0 : index
    %get3A_79 = arith.constant 0 : index
    %get3A_80 = vector.load %arg13[%get3A_78, %get3A_79] : memref<8x128xf32, #tpu.memory_space<vmem>>, vector<8x128xf32>
    %add3A_81 = arith.addf %get3A_80, %broadcast_in_dim3A_68 : vector<8x128xf32>
    %swap3A_82 = arith.constant 0 : index
    %swap3A_83 = arith.constant 0 : index
    %swap3A_84 = vector.load %arg13[%swap3A_82, %swap3A_83] : memref<8x128xf32, #tpu.memory_space<vmem>>, vector<8x128xf32>
    tpu.vector_store %arg13[%swap3A_82, %swap3A_83], %add3A_81 {strides = array<i32>} : memref<8x128xf32, #tpu.memory_space<vmem>>, vector<8x128xf32>,
    %get3A_85 = arith.constant 0 : index
    %get3A_86 = arith.constant 0 : index
    %get3A_87 = vector.load %arg14[%get3A_85, %get3A_86] : memref<8x128xf32, #tpu.memory_space<vmem>>, vector<8x128xf32>
    %add3A_88 = arith.addf %get3A_87, %broadcast_in_dim3A_74 : vector<8x128xf32>
    %swap3A_89 = arith.constant 0 : index
    %swap3A_90 = arith.constant 0 : index
    %swap3A_91 = vector.load %arg14[%swap3A_89, %swap3A_90] : memref<8x128xf32, #tpu.memory_space<vmem>>, vector<8x128xf32>
    tpu.vector_store %arg14[%swap3A_89, %swap3A_90], %add3A_88 {strides = array<i32>} : memref<8x128xf32, #tpu.memory_space<vmem>>, vector<8x128xf32>,
    %eq3A_92 = arith.constant 9 : i32
    %eq3A_93 = arith.cmpi eq, %arg0, %eq3A_92 : i32
    %convert_element_type3A_94 = arith.extui %eq3A_93 : i1 to i32
    %cond3A_95 = arith.constant 0 : i32
    %cond3A_96 = arith.cmpi ne, %convert_element_type3A_94, %cond3A_95 : i32
    scf.if %cond3A_96 {
      %get3A_97 = arith.constant 0 : index
      %get3A_98 = arith.constant 0 : index
      %get3A_99 = vector.load %arg13[%get3A_97, %get3A_98] : memref<8x128xf32, #tpu.memory_space<vmem>>, vector<8x128xf32>
      %swap3A_100 = arith.constant 0 : index
      %swap3A_101 = arith.constant 0 : index
      %swap3A_102 = vector.load %arg11[%swap3A_100, %swap3A_101] : memref<8x128xf32, #tpu.memory_space<vmem>>, vector<8x128xf32>
      tpu.vector_store %arg11[%swap3A_100, %swap3A_101], %get3A_99 {strides = array<i32>} : memref<8x128xf32, #tpu.memory_space<vmem>>, vector<8x128xf32>,
      %get3A_103 = arith.constant 0 : index
      %get3A_104 = arith.constant 0 : index
      %get3A_105 = vector.load %arg14[%get3A_103, %get3A_104] : memref<8x128xf32, #tpu.memory_space<vmem>>, vector<8x128xf32>
      %swap3A_106 = arith.constant 0 : index
      %swap3A_107 = arith.constant 0 : index
      %swap3A_108 = vector.load %arg12[%swap3A_106, %swap3A_107] : memref<8x128xf32, #tpu.memory_space<vmem>>, vector<8x128xf32>
      tpu.vector_store %arg12[%swap3A_106, %swap3A_107], %get3A_105 {strides = array<i32>} : memref<8x128xf32, #tpu.memory_space<vmem>>, vector<8x128xf32>,
    } else {
    }
    return
  }
  func.func @transform_0(%arg0: i32) -> (i32, i32, i32) {
    %c0_i32 = arith.constant 0 : i32
    %c0_i32_0 = arith.constant 0 : i32
    %c0_i32_1 = arith.constant 0 : i32
    return %c0_i32, %arg0, %c0_i32_0 : i32, i32, i32
  }
  func.func @transform_1(%arg0: i32) -> (i32, i32) {
    %c0_i32 = arith.constant 0 : i32
    %c0_i32_0 = arith.constant 0 : i32
    return %arg0, %c0_i32 : i32, i32
  }
  func.func @transform_2(%arg0: i32) -> (i32, i32, i32) {
    %c0_i32 = arith.constant 0 : i32
    %c0_i32_0 = arith.constant 0 : i32
    %c0_i32_1 = arith.constant 0 : i32
    return %c0_i32, %arg0, %c0_i32_0 : i32, i32, i32
  }
  func.func @transform_3(%arg0: i32) -> (i32, i32) {
    %c0_i32 = arith.constant 0 : i32
    %c0_i32_0 = arith.constant 0 : i32
    %c0_i32_1 = arith.constant 0 : i32
    return %c0_i32, %c0_i32_0 : i32, i32
  }
  func.func @transform_4(%arg0: i32) -> (i32, i32) {
    %c0_i32 = arith.constant 0 : i32
    %c0_i32_0 = arith.constant 0 : i32
    %c0_i32_1 = arith.constant 0 : i32
    return %c0_i32, %c0_i32_0 : i32, i32
  }
  func.func @transform_5(%arg0: i32) -> (i32, i32) {
    %c0_i32 = arith.constant 0 : i32
    %c0_i32_0 = arith.constant 0 : i32
    %c0_i32_1 = arith.constant 0 : i32
    return %c0_i32, %c0_i32_0 : i32, i32
  }
  func.func @transform_6(%arg0: i32) -> (i32, i32) {
    %c0_i32 = arith.constant 0 : i32
    %c0_i32_0 = arith.constant 0 : i32
    %c0_i32_1 = arith.constant 0 : i32
    return %c0_i32, %c0_i32_0 : i32, i32
  }
  func.func @transform_7(%arg0: i32) -> (i32, i32) {
    %c0_i32 = arith.constant 0 : i32
    %c0_i32_0 = arith.constant 0 : i32
    %c0_i32_1 = arith.constant 0 : i32
    return %c0_i32, %c0_i32_0 : i32, i32
  }
  func.func @transform_8(%arg0: i32) -> (i32, i32) {
    %c0_i32 = arith.constant 0 : i32
    %c0_i32_0 = arith.constant 0 : i32
    %c0_i32_1 = arith.constant 0 : i32
    return %c0_i32, %c0_i32_0 : i32, i32
  }
  func.func @transform_9(%arg0: i32) -> (i32, i32) {
    %c0_i32 = arith.constant 0 : i32
    %c0_i32_0 = arith.constant 0 : i32
    return %arg0, %c0_i32 : i32, i32
  }
  func.func @transform_10(%arg0: i32) -> (i32, i32) {
    %c0_i32 = arith.constant 0 : i32
    %c0_i32_0 = arith.constant 0 : i32
    %c0_i32_1 = arith.constant 0 : i32
    return %c0_i32, %c0_i32_0 : i32, i32
  }
  func.func @transform_11(%arg0: i32) -> (i32, i32) {
    %c0_i32 = arith.constant 0 : i32
    %c0_i32_0 = arith.constant 0 : i32
    %c0_i32_1 = arith.constant 0 : i32
    return %c0_i32, %c0_i32_0 : i32, i32
  }
}

module attributes {stable_mosaic.version = 14 : i64} {
  func.func @_bn_body(%arg0: i32, %arg1: memref<1024x128xf32, #tpu.memory_space<vmem>>, %arg2: memref<8x128xf32, #tpu.memory_space<vmem>>, %arg3: memref<8x128xf32, #tpu.memory_space<vmem>>, %arg4: memref<1x128xf32, #tpu.memory_space<vmem>>, %arg5: memref<1x128xf32, #tpu.memory_space<vmem>>, %arg6: memref<1024x128xf32, #tpu.memory_space<vmem>>) attributes {dimension_semantics = [#tpu.dimension_semantics<arbitrary>], iteration_bounds = array<i64: 10>, scalar_prefetch = 0 : i64, scratch_operands = 0 : i64, tpu.core_type = #tpu.core_type<tc>, window_params = [{transform_indices = @transform_0, window_bounds = array<i64: 1024, 128>}, {pipeline_mode = #tpu.pipeline_mode<synchronous>, transform_indices = @transform_1, window_bounds = array<i64: 8, 128>}, {pipeline_mode = #tpu.pipeline_mode<synchronous>, transform_indices = @transform_2, window_bounds = array<i64: 8, 128>}, {pipeline_mode = #tpu.pipeline_mode<synchronous>, transform_indices = @transform_3, window_bounds = array<i64: 1, 128>}, {pipeline_mode = #tpu.pipeline_mode<synchronous>, transform_indices = @transform_4, window_bounds = array<i64: 1, 128>}, {transform_indices = @transform_5, window_bounds = array<i64: 1024, 128>}]} {
    %get3A = arith.constant 0 : index
    %get3A_0 = arith.constant 0 : index
    %get3A_1 = vector.load %arg2[%get3A, %get3A_0] : memref<8x128xf32, #tpu.memory_space<vmem>>, vector<1x128xf32>
    %mul3A = arith.constant 9.99999974E-5 : f32
    %mul3A_2 = vector.broadcast %mul3A : f32 to vector<1x128xf32>
    %mul3A_3 = arith.mulf %get3A_1, %mul3A_2 : vector<1x128xf32>
    %get3A_4 = arith.constant 0 : index
    %get3A_5 = arith.constant 0 : index
    %get3A_6 = vector.load %arg3[%get3A_4, %get3A_5] : memref<8x128xf32, #tpu.memory_space<vmem>>, vector<1x128xf32>
    %mul3A_7 = arith.constant 9.99999974E-5 : f32
    %mul3A_8 = vector.broadcast %mul3A_7 : f32 to vector<1x128xf32>
    %mul3A_9 = arith.mulf %get3A_6, %mul3A_8 : vector<1x128xf32>
    %mul3A_10 = arith.mulf %mul3A_3, %mul3A_3 : vector<1x128xf32>
    %sub3A = arith.subf %mul3A_9, %mul3A_10 : vector<1x128xf32>
    %add3A = arith.constant 9.99999974E-6 : f32
    %add3A_11 = vector.broadcast %add3A : f32 to vector<1x128xf32>
    %add3A_12 = arith.addf %sub3A, %add3A_11 : vector<1x128xf32>
    %rsqrt3A = math.rsqrt %add3A_12 : vector<1x128xf32>
    %get3A_13 = arith.constant 0 : index
    %get3A_14 = arith.constant 0 : index
    %get3A_15 = vector.load %arg1[%get3A_13, %get3A_14] : memref<1024x128xf32, #tpu.memory_space<vmem>>, vector<1024x128xf32>
    %sub3A_16 = vector.broadcast %mul3A_3 : vector<1x128xf32> to vector<1024x128xf32>
    %sub3A_17 = arith.subf %get3A_15, %sub3A_16 : vector<1024x128xf32>
    %get3A_18 = arith.constant 0 : index
    %get3A_19 = arith.constant 0 : index
    %get3A_20 = vector.load %arg4[%get3A_18, %get3A_19] : memref<1x128xf32, #tpu.memory_space<vmem>>, vector<1x128xf32>
    %mul3A_21 = arith.mulf %rsqrt3A, %get3A_20 : vector<1x128xf32>
    %mul3A_22 = vector.broadcast %mul3A_21 : vector<1x128xf32> to vector<1024x128xf32>
    %mul3A_23 = arith.mulf %sub3A_17, %mul3A_22 : vector<1024x128xf32>
    %get3A_24 = arith.constant 0 : index
    %get3A_25 = arith.constant 0 : index
    %get3A_26 = vector.load %arg5[%get3A_24, %get3A_25] : memref<1x128xf32, #tpu.memory_space<vmem>>, vector<1x128xf32>
    %add3A_27 = vector.broadcast %get3A_26 : vector<1x128xf32> to vector<1024x128xf32>
    %add3A_28 = arith.addf %mul3A_23, %add3A_27 : vector<1024x128xf32>
    %max3A = arith.constant 0.000000e+00 : f32
    %max3A_29 = vector.broadcast %max3A : f32 to vector<1024x128xf32>
    %max3A_30 = arith.maximumf %add3A_28, %max3A_29 : vector<1024x128xf32>
    %iota3A = tpu.iota {dimensions = array<i32: 0>} : vector<1024x1xi32>
    %mul3A_31 = arith.constant 1024 : i32
    %mul3A_32 = arith.muli %arg0, %mul3A_31 : i32
    %add3A_33 = vector.broadcast %mul3A_32 : i32 to vector<1024x1xi32>
    %add3A_34 = arith.addi %iota3A, %add3A_33 : vector<1024x1xi32>
    %lt3A = arith.constant 10000 : i32
    %lt3A_35 = vector.broadcast %lt3A : i32 to vector<1024x1xi32>
    %lt3A_36 = arith.cmpi slt, %add3A_34, %lt3A_35 : vector<1024x1xi32>
    %jit3A = arith.constant 0.000000e+00 : f32
    %broadcast_in_dim3A = vector.shape_cast %lt3A_36 : vector<1024x1xi1> to vector<1024x1xi1>
    %broadcast_in_dim3A_37 = vector.broadcast %broadcast_in_dim3A : vector<1024x1xi1> to vector<1024x128xi1>
    %broadcast_in_dim3A_38 = vector.broadcast %jit3A : f32 to vector<1024x128xf32>
    %select_n3A = arith.select %broadcast_in_dim3A_37, %max3A_30, %broadcast_in_dim3A_38 : vector<1024x128xi1>, vector<1024x128xf32>
    %swap3A = arith.constant 0 : index
    %swap3A_39 = arith.constant 0 : index
    %swap3A_40 = vector.load %arg6[%swap3A, %swap3A_39] : memref<1024x128xf32, #tpu.memory_space<vmem>>, vector<1024x128xf32>
    tpu.vector_store %arg6[%swap3A, %swap3A_39], %select_n3A {strides = array<i32>} : memref<1024x128xf32, #tpu.memory_space<vmem>>, vector<1024x128xf32>,
    return
  }
  func.func @transform_0(%arg0: i32) -> (i32, i32) {
    %c0_i32 = arith.constant 0 : i32
    %c0_i32_0 = arith.constant 0 : i32
    return %arg0, %c0_i32 : i32, i32
  }
  func.func @transform_1(%arg0: i32) -> (i32, i32) {
    %c0_i32 = arith.constant 0 : i32
    %c0_i32_0 = arith.constant 0 : i32
    %c0_i32_1 = arith.constant 0 : i32
    return %c0_i32, %c0_i32_0 : i32, i32
  }
  func.func @transform_2(%arg0: i32) -> (i32, i32) {
    %c0_i32 = arith.constant 0 : i32
    %c0_i32_0 = arith.constant 0 : i32
    %c0_i32_1 = arith.constant 0 : i32
    return %c0_i32, %c0_i32_0 : i32, i32
  }
  func.func @transform_3(%arg0: i32) -> (i32, i32) {
    %c0_i32 = arith.constant 0 : i32
    %c0_i32_0 = arith.constant 0 : i32
    %c0_i32_1 = arith.constant 0 : i32
    return %c0_i32, %c0_i32_0 : i32, i32
  }
  func.func @transform_4(%arg0: i32) -> (i32, i32) {
    %c0_i32 = arith.constant 0 : i32
    %c0_i32_0 = arith.constant 0 : i32
    %c0_i32_1 = arith.constant 0 : i32
    return %c0_i32, %c0_i32_0 : i32, i32
  }
  func.func @transform_5(%arg0: i32) -> (i32, i32) {
    %c0_i32 = arith.constant 0 : i32
    %c0_i32_0 = arith.constant 0 : i32
    return %arg0, %c0_i32 : i32, i32
  }
}

module attributes {stable_mosaic.version = 14 : i64} {
  func.func @_bn_body(%arg0: i32, %arg1: memref<1024x128xf32, #tpu.memory_space<vmem>>, %arg2: memref<8x128xf32, #tpu.memory_space<vmem>>, %arg3: memref<8x128xf32, #tpu.memory_space<vmem>>, %arg4: memref<1x128xf32, #tpu.memory_space<vmem>>, %arg5: memref<1x128xf32, #tpu.memory_space<vmem>>, %arg6: memref<1024x128xf32, #tpu.memory_space<vmem>>) attributes {dimension_semantics = [#tpu.dimension_semantics<arbitrary>], iteration_bounds = array<i64: 10>, scalar_prefetch = 0 : i64, scratch_operands = 0 : i64, tpu.core_type = #tpu.core_type<tc>, window_params = [{transform_indices = @transform_0, window_bounds = array<i64: 1024, 128>}, {pipeline_mode = #tpu.pipeline_mode<synchronous>, transform_indices = @transform_1, window_bounds = array<i64: 8, 128>}, {pipeline_mode = #tpu.pipeline_mode<synchronous>, transform_indices = @transform_2, window_bounds = array<i64: 8, 128>}, {pipeline_mode = #tpu.pipeline_mode<synchronous>, transform_indices = @transform_3, window_bounds = array<i64: 1, 128>}, {pipeline_mode = #tpu.pipeline_mode<synchronous>, transform_indices = @transform_4, window_bounds = array<i64: 1, 128>}, {transform_indices = @transform_5, window_bounds = array<i64: 1024, 128>}]} {
    %get3A = arith.constant 0 : index
    %get3A_0 = arith.constant 0 : index
    %get3A_1 = vector.load %arg2[%get3A, %get3A_0] : memref<8x128xf32, #tpu.memory_space<vmem>>, vector<1x128xf32>
    %mul3A = arith.constant 9.99999974E-5 : f32
    %mul3A_2 = vector.broadcast %mul3A : f32 to vector<1x128xf32>
    %mul3A_3 = arith.mulf %get3A_1, %mul3A_2 : vector<1x128xf32>
    %get3A_4 = arith.constant 0 : index
    %get3A_5 = arith.constant 0 : index
    %get3A_6 = vector.load %arg3[%get3A_4, %get3A_5] : memref<8x128xf32, #tpu.memory_space<vmem>>, vector<1x128xf32>
    %mul3A_7 = arith.constant 9.99999974E-5 : f32
    %mul3A_8 = vector.broadcast %mul3A_7 : f32 to vector<1x128xf32>
    %mul3A_9 = arith.mulf %get3A_6, %mul3A_8 : vector<1x128xf32>
    %mul3A_10 = arith.mulf %mul3A_3, %mul3A_3 : vector<1x128xf32>
    %sub3A = arith.subf %mul3A_9, %mul3A_10 : vector<1x128xf32>
    %add3A = arith.constant 9.99999974E-6 : f32
    %add3A_11 = vector.broadcast %add3A : f32 to vector<1x128xf32>
    %add3A_12 = arith.addf %sub3A, %add3A_11 : vector<1x128xf32>
    %rsqrt3A = math.rsqrt %add3A_12 : vector<1x128xf32>
    %get3A_13 = arith.constant 0 : index
    %get3A_14 = arith.constant 0 : index
    %get3A_15 = vector.load %arg1[%get3A_13, %get3A_14] : memref<1024x128xf32, #tpu.memory_space<vmem>>, vector<1024x128xf32>
    %sub3A_16 = vector.broadcast %mul3A_3 : vector<1x128xf32> to vector<1024x128xf32>
    %sub3A_17 = arith.subf %get3A_15, %sub3A_16 : vector<1024x128xf32>
    %get3A_18 = arith.constant 0 : index
    %get3A_19 = arith.constant 0 : index
    %get3A_20 = vector.load %arg4[%get3A_18, %get3A_19] : memref<1x128xf32, #tpu.memory_space<vmem>>, vector<1x128xf32>
    %mul3A_21 = arith.mulf %rsqrt3A, %get3A_20 : vector<1x128xf32>
    %mul3A_22 = vector.broadcast %mul3A_21 : vector<1x128xf32> to vector<1024x128xf32>
    %mul3A_23 = arith.mulf %sub3A_17, %mul3A_22 : vector<1024x128xf32>
    %get3A_24 = arith.constant 0 : index
    %get3A_25 = arith.constant 0 : index
    %get3A_26 = vector.load %arg5[%get3A_24, %get3A_25] : memref<1x128xf32, #tpu.memory_space<vmem>>, vector<1x128xf32>
    %add3A_27 = vector.broadcast %get3A_26 : vector<1x128xf32> to vector<1024x128xf32>
    %add3A_28 = arith.addf %mul3A_23, %add3A_27 : vector<1024x128xf32>
    %iota3A = tpu.iota {dimensions = array<i32: 0>} : vector<1024x1xi32>
    %mul3A_29 = arith.constant 1024 : i32
    %mul3A_30 = arith.muli %arg0, %mul3A_29 : i32
    %add3A_31 = vector.broadcast %mul3A_30 : i32 to vector<1024x1xi32>
    %add3A_32 = arith.addi %iota3A, %add3A_31 : vector<1024x1xi32>
    %lt3A = arith.constant 10000 : i32
    %lt3A_33 = vector.broadcast %lt3A : i32 to vector<1024x1xi32>
    %lt3A_34 = arith.cmpi slt, %add3A_32, %lt3A_33 : vector<1024x1xi32>
    %jit3A = arith.constant 0.000000e+00 : f32
    %broadcast_in_dim3A = vector.shape_cast %lt3A_34 : vector<1024x1xi1> to vector<1024x1xi1>
    %broadcast_in_dim3A_35 = vector.broadcast %broadcast_in_dim3A : vector<1024x1xi1> to vector<1024x128xi1>
    %broadcast_in_dim3A_36 = vector.broadcast %jit3A : f32 to vector<1024x128xf32>
    %select_n3A = arith.select %broadcast_in_dim3A_35, %add3A_28, %broadcast_in_dim3A_36 : vector<1024x128xi1>, vector<1024x128xf32>
    %swap3A = arith.constant 0 : index
    %swap3A_37 = arith.constant 0 : index
    %swap3A_38 = vector.load %arg6[%swap3A, %swap3A_37] : memref<1024x128xf32, #tpu.memory_space<vmem>>, vector<1024x128xf32>
    tpu.vector_store %arg6[%swap3A, %swap3A_37], %select_n3A {strides = array<i32>} : memref<1024x128xf32, #tpu.memory_space<vmem>>, vector<1024x128xf32>,
    return
  }
  func.func @transform_0(%arg0: i32) -> (i32, i32) {
    %c0_i32 = arith.constant 0 : i32
    %c0_i32_0 = arith.constant 0 : i32
    return %arg0, %c0_i32 : i32, i32
  }
  func.func @transform_1(%arg0: i32) -> (i32, i32) {
    %c0_i32 = arith.constant 0 : i32
    %c0_i32_0 = arith.constant 0 : i32
    %c0_i32_1 = arith.constant 0 : i32
    return %c0_i32, %c0_i32_0 : i32, i32
  }
  func.func @transform_2(%arg0: i32) -> (i32, i32) {
    %c0_i32 = arith.constant 0 : i32
    %c0_i32_0 = arith.constant 0 : i32
    %c0_i32_1 = arith.constant 0 : i32
    return %c0_i32, %c0_i32_0 : i32, i32
  }
  func.func @transform_3(%arg0: i32) -> (i32, i32) {
    %c0_i32 = arith.constant 0 : i32
    %c0_i32_0 = arith.constant 0 : i32
    %c0_i32_1 = arith.constant 0 : i32
    return %c0_i32, %c0_i32_0 : i32, i32
  }
  func.func @transform_4(%arg0: i32) -> (i32, i32) {
    %c0_i32 = arith.constant 0 : i32
    %c0_i32_0 = arith.constant 0 : i32
    %c0_i32_1 = arith.constant 0 : i32
    return %c0_i32, %c0_i32_0 : i32, i32
  }
  func.func @transform_5(%arg0: i32) -> (i32, i32) {
    %c0_i32 = arith.constant 0 : i32
    %c0_i32_0 = arith.constant 0 : i32
    return %arg0, %c0_i32 : i32, i32
  }
}

</mosaic_0001>

<sc_bundles>
// kernel: kernel.19.cloned.1.call-start
scs
__scs_entry_jumppad:
0x0: {  	(pc) =	sbr.rel $0x88, $3  }
0x1: {  	(tag) =	ssettag $0x0;
	lr =	simm.s32 $0x1  }
0x2: {  	[smem:$0x3F94] =	sst lr;
	_ =	strace $0xD0000000  }
0x3: {  	_ = 	snop  }
0x4: {  	_ = 	snop  }
0x5: {  	_ = 	snop  }
0x6: {  	_ = 	snop  }
0x7: {  	_ = 	snop  }
__scs_overlays_trampoline_lowered:
0x8: {  	[smem:$0x3FA3] =	sst s0  }
0x9: {  	[smem:$0x3FA4] =	sst s1  }
0xa: {  	[smem:$0x3FA5] =	sst s2  }
0xb: {  	[smem:$0x3FA6] =	sst s3  }
0xc: {  	[smem:$0x3FA7] =	sst s4  }
0xd: {  	[smem:$0x3FA8] =	sst s5  }
0xe: {  	[smem:$0x3FA9] =	sst s6  }
0xf: {  	[smem:$0x3FAA] =	sst s7  }
0x10: {  	[smem:$0x3FAB] =	sst s8  }
0x11: {  	[smem:$0x3FAC] =	sst s9;
	s0 =	simm.s32 @!p0 $0x0  }
0x12: {  	s1 =	sld [smem:$0x3F92];
	s0 =	simm.s32 @p0 $0x1  }
0x13: {  	[smem:$0x3FAD] =	sst s0;
	s0 =	simm.s32 @!p1 $0x0  }
0x14: {  	s2 =	sld [smem:$0x3F91];
	s0 =	simm.s32 @p1 $0x1  }
0x15: {  	[smem:$0x3FAE] =	sst s0;
	s0 =	simm.s32 @!p2 $0x0  }
0x16: {  	s3 =	sld [smem:$0x3FDB];
	s0 =	simm.s32 @p2 $0x1  }
0x17: {  	s4 =	simm.s32 $0x1BF5;
	[smem:$0x3FB0] =	sst s0  }
0x18: {  	s0 =	sld [smem:$0x3F93];
	_ =	swait.ge [sflag:s4], $0x0  }
0x19: {  	s7 =	sld [smem:$0x3F94]  }
0x1a: {  	s8 =	sadd.s32 $0xFFFFE003, lr  }
0x1b: {  	s9 =	sadd.s32 $0xFFFFFEF7, lr;
	s5 =	simm.s32 $0xFFFFFFFF;
	p2 =	slt.u32 s8, $0xFFFFF086  }
0x1c: {  	p1 =	slt.u32 s9, $0xF7A;
	s5 =	simm.s32 @!p2 $0x0  }
0x1d: {  	s5 =	simm.s32 @p1 $0x1;
	p0 =	seq.s32 s7, s2  }
0x1e: {  	s7 =	smul.u32 @!p0 $0xF7A, s2;
	p2 =	seq.s32 @!p0 s5, $0x0  }
0x1f: {  	s9 =	smul.u32 $0xF7A, s1;
	s8 =	simm.s32 @!p0 $0x1BF5;
	p2 =	por !p2, p0  }
0x20: {  	[sflag:s8] =	ssyncset.s32 @!p0 $0xFFFFF086;
	s6 =	sadd.s32 @!p0 s3, s7;
	s7 =	simm.s32 @!p0 $0x108  }
0x21: {  	s3 =	sadd.s32 s3, s9;
	s6 =	sadd.s32 @!p0 $0x88, s6;
	s7 =	simm.s32 @p2 $0x1082  }
0x22: {  	[simem:s7], [sflag:s8] =	dma.local @!p0 [hbm:s6], $0xF7A  }
0x23: {  	s9 =	sor.u32 $0xD0000000, s2;
	s6 =	simm.s32 $0x108;
	_ =	swait.ge @!p0 [sflag:s8], $0x0  }
0x24: {  	s3 =	sadd.s32 $0x88, s3;
	s6 =	simm.s32 @!p1 $0x1082;
	[sflag:s4] =	ssyncset.s32 $0xFFFFF086  }
0x25: {  	[simem:s6], [sflag:s4] =	dma.local [hbm:s3], $0xF7A  }
0x26: {  	[smem:$0x3F94] =	sst s1;
	(tag) =	ssettag s2;
	_ =	strace s9  }
0x27: {  	s1 =	sld [smem:$0x3FA4]  }
0x28: {  	s2 =	sld [smem:$0x3FA5]  }
0x29: {  	s4 =	sld [smem:$0x3FA7]  }
0x2a: {  	p0 =	seq.s32 s5, $0x0;
	s5 =	sld [smem:$0x3FA8]  }
0x2b: {  	s6 =	sld [smem:$0x3FA9]  }
0x2c: {  	s7 =	sld [smem:$0x3FAA]  }
0x2d: {  	s3 =	simm.s32 $0x108;
	s8 =	sld [smem:$0x3FAB]  }
0x2e: {  	s3 =	simm.s32 @!p0 $0x1082;
	s9 =	sld [smem:$0x3FAC]  }
0x2f: {  	lr =	sadd.s32 s0, s3;
	s0 =	sld [smem:$0x3FA3]  }
0x30: {  	s3 =	sld [smem:$0x3FA6]  }
0x31: {  	[smem:$0x3FAF] =	sst s10  }
0x32: {  	s10 =	sld [smem:$0x3FAD];
	_ =	sdelay $0x3  }
0x33: {  	p0 =	seq.s32 s10, $0x1;
	s10 =	sld [smem:$0x3FAF];
	_ =	sdelay $0x3  }
0x34: {  	[smem:$0x3FAF] =	sst s10  }
0x35: {  	s10 =	sld [smem:$0x3FAE];
	_ =	sdelay $0x3  }
0x36: {  	p1 =	seq.s32 s10, $0x1;
	s10 =	sld [smem:$0x3FAF];
	_ =	sdelay $0x3  }
0x37: {  	[smem:$0x3FAF] =	sst s10  }
0x38: {  	s10 =	sld [smem:$0x3FB0]  }
0x39: {  	_ = 	snop;
	(pc) =	sbr.ind lr, $3  }
0x3a: {  	_ = 	snop  }
0x3b: {  	_ = 	snop  }
0x3c: {  	p2 =	seq.s32 s10, $0x1;
	s10 =	sld [smem:$0x3FAF]  }
0x3d: {  	_ =	shalt  }
0x3e: {  	_ =	shalt  }
0x3f: {  	_ =	shalt  }
0x40: {  	_ =	shalt  }
0x41: {  	_ =	shalt  }
0x42: {  	_ =	shalt  }
0x43: {  	_ =	shalt  }
0x44: {  	_ =	shalt  }
0x45: {  	_ =	shalt  }
0x46: {  	_ =	shalt  }
0x47: {  	_ =	shalt  }
0x48: {  	_ =	shalt  }
0x49: {  	_ =	shalt  }
0x4a: {  	_ =	shalt  }
0x4b: {  	_ =	shalt  }
0x4c: {  	_ =	shalt  }
0x4d: {  	_ =	shalt  }
0x4e: {  	_ =	shalt  }
0x4f: {  	_ =	shalt  }
0x50: {  	_ =	shalt  }
0x51: {  	_ =	shalt  }
0x52: {  	_ =	shalt  }
0x53: {  	_ =	shalt  }
0x54: {  	_ =	shalt  }
0x55: {  	_ =	shalt  }
0x56: {  	_ =	shalt  }
0x57: {  	_ =	shalt  }
0x58: {  	_ =	shalt  }
0x59: {  	_ =	shalt  }
0x5a: {  	_ =	shalt  }
0x5b: {  	_ =	shalt  }
0x5c: {  	_ =	shalt  }
0x5d: {  	_ =	shalt  }
0x5e: {  	_ =	shalt  }
0x5f: {  	_ =	shalt  }
0x60: {  	_ =	shalt  }
0x61: {  	_ =	shalt  }
0x62: {  	_ =	shalt  }
0x63: {  	_ =	shalt  }
0x64: {  	_ =	shalt  }
0x65: {  	_ =	shalt  }
0x66: {  	_ =	shalt  }
0x67: {  	_ =	shalt  }
0x68: {  	_ =	shalt  }
0x69: {  	_ =	shalt  }
0x6a: {  	_ =	shalt  }
0x6b: {  	_ =	shalt  }
0x6c: {  	_ =	shalt  }
0x6d: {  	_ =	shalt  }
0x6e: {  	_ =	shalt  }
0x6f: {  	_ =	shalt  }
0x70: {  	_ =	shalt  }
0x71: {  	_ =	shalt  }
0x72: {  	_ =	shalt  }
0x73: {  	_ =	shalt  }
0x74: {  	_ =	shalt  }
0x75: {  	_ =	shalt  }
0x76: {  	_ =	shalt  }
0x77: {  	_ =	shalt  }
0x78: {  	_ =	shalt  }
0x79: {  	_ =	shalt  }
0x7a: {  	_ =	shalt  }
0x7b: {  	_ =	shalt  }
0x7c: {  	_ =	shalt  }
0x7d: {  	_ =	shalt  }
0x7e: {  	_ =	shalt  }
0x7f: {  	_ =	shalt  }
0x80: {  	_ =	shalt  }
0x81: {  	_ =	shalt  }
0x82: {  	_ =	shalt  }
0x83: {  	_ =	shalt  }
0x84: {  	_ =	shalt  }
0x85: {  	_ =	shalt  }
0x86: {  	_ =	shalt  }
0x87: {  	_ =	shalt  }
.Lfunc_end0:
.L_simem_size_0:
called_computation_lowered:
.L_overlay_start_0:
0x88: {  	s2 =	sld [smem:$0x3FD9]  }
0x89: {  	s3 =	sld [smem:$0x3FFE];
	_ =	sdelay $0x1  }
0x8a: {  	s1 =	srdreg.scid  }
0x8b: {  	s0 =	sand.u32 $0x1, s1  }
0x8c: {  	s16 =	sshll.u32 s0, $0xA;
	s2 =	sadd.s32 s3, s2  }
0x8d: {  	s2 =	sadd.s32 s2, s16  }
0x8e: {  	[smem:$0x3FBB] =	sst s2  }
0x8f: {  	_ = 	snop  }
0x90: {  	(tm) =	ssettm $0x1  }
0x91: {  	s17 =	sld [smem:$0x3FFB];
	_ =	sdelay $0x3  }
0x92: {  	_ =	strace s17  }
0x93: {  	s2 =	sld [smem:$0x3FFC];
	_ =	sdelay $0x3  }
0x94: {  	_ =	strace s2  }
0x95: {  	s2 =	sld [smem:$0x3FFD];
	_ =	sdelay $0x3  }
0x96: {  	_ =	strace s2  }
0x97: {  	_ =	strace $0x8FFFFFFF  }
0x98: {  	s18 =	sld [smem:$0x3FDB];
	_ =	sdelay $0x1  }
0x99: {  	s19 =	simm.s32 $_scs_section_size  }
0x9a: {  	s4 =	simm.s32 $_size__tile_overlayer_lowered;
	s5 =	simm.s32 $_tile_overlayer_lowered  }
0x9b: {  	s22 =	simm.s32 $0x1BFF;
	s21 =	sshll.u32 s5, $0x1;
	s2 =	sadd.s32 s19, s18  }
0x9c: {  	s6 =	simm.s32 $0x0;
	s20 =	sshll.u32 s4, $0x1;
	s4 =	sadd.s32 s21, s2  }
0x9d: {  	[timem:s6], [sflag:s22] =	dma.local [hbm:s4], s20  }
0x9e: {  	_ =	swait.ge [sflag:s22], s20  }
0x9f: {  	s3 =	ssub.s32 $0x0, s20;
	[sflag:s22] =	ssyncset.done $0x0  }
0xa0: {  	[sflag:s22] =	ssyncadd.s32 s3;
	_ =	sdelay $0x1  }
0xa1: {  	s23 =	simm.s32 $0x1B8B  }
0xa2: {  	_ =	swait.ge [sflag:s23], $0x1  }
0xa3: {  	[sflag:s23] =	ssyncset.done $0x0  }
0xa4: {  	s25 =	simm.s32 $0x1B8E;
	s24 =	sld [smem:$0x3FFE];
	[sflag:s23] =	ssyncadd.s32 $0xFFFFFFFF  }
0xa5: {  	s26 =	simm.s32 $execute0_lowered;
	[smem:$0x3FD2] =	sst s25  }
0xa6: {  	s4 =	sshll.u32 s26, $0x1;
	_ =	strace $0x80000046;
	[dreg:$0x1] =	wrdreg $0xFFFFFFFF  }
0xa7: {  	s28 =	simm.s32 $_size_execute0_lowered;
	s2 =	sadd.s32 s2, s4;
	[dreg:$0x0] =	wrdreg $0x0  }
0xa8: {  	s4 =	sshll.u32 s28, $0x1;
	[dreg:$0x2] =	wrdreg s2  }
0xa9: {  	[dreg:$0x3] =	wrdreg s4  }
0xaa: {  	[dreg:$0x4] =	wrdreg $0xC0  }
0xab: {  	_ =	task [dreg:s6], $0x5FFFF  }
0xac: {  	[dreg:$0x1] =	wrdreg $0xFFFFFFFF  }
0xad: {  	[dreg:$0x0] =	wrdreg $0x60  }
0xae: {  	[dreg:$0x2] =	wrdreg s24  }
0xaf: {  	[dreg:$0x3] =	wrdreg $0xB0000  }
0xb0: {  	[dreg:$0x4] =	wrdreg $0x9  }
0xb1: {  	_ =	task.clear_ibuf [dreg:s6], $0x5FFFF;
	_ =	strace $0x90000046  }
0xb2: {  	s29 =	simm.s32 $0x9;
	_ =	strace $0x80000048  }
0xb3: {  	_ =	swait.ge [sflag:s29], $0x1  }
0xb4: {  	[sflag:s29] =	ssyncadd.s32 $0xFFFFFFFF  }
0xb5: {  	_ =	strace $0x90000048  }
0xb6: {  	_ =	sfence  }
0xb7: {  	s30 =	sld [smem:$0x0];
	_ =	sdelay $0x2  }
0xb8: {  	s31 =	sshll.u32 s1, $0xD;
	s1 =	sshrl.u32 s1, $0x2  }
0xb9: {  	s3 =	sand.u32 $0x4000, s31;
	s1 =	sadd.s32 s1, s30  }
0xba: {  	s0 =	sor.u32 s3, s0;
	s1 =	sshll.u32 s1, $0x11  }
0xbb: {  	s0 =	sor.u32 s1, s0  }
0xbc: {  	s0 =	sadd.s32 $0x8F2B, s0  }
0xbd: {  	[sflag:s0] =	ssyncadd.remote.s32 $0x1  }
0xbe: {  	_ =	sfence.sel $0xFFFF  }
0xbf: {  	[dreg:$0x0] =	wrdreg $0xFFFFFFFF;
	(pc) =	sbr.abs _section_cstart, $3  }
0xc0: {  	[dreg:$0x1] =	wrdreg $0xFFFFFFFF  }
0xc1: {  	_ =	task.clear_ibuf [dreg:s6], $0x2FFFF;
	_ =	strace $0x9FFFFFFF  }
0xc2: {  	(tm) =	ssettm $0x7FFFFFFF  }
0xc3: {  	_ =	shalt  }
tec
execute0_lowered:
.L_overlay_start_1:
0x0: {  	(tag) =	ssettag $0x1  }
0x1: {  	s0 =	srdreg.scid;
	s6 =	rddreg [dreg:$0x0]  }
0x2: {  	s26 =	stileid.u32;
	s2 =	rddreg [dreg:$0x1]  }
0x3: {  	s3 =	simm.s32 $0x0;
	s19 =	simm.s32 $0x5000;
	s20 =	simm.s32 $0x4  }
0x4: {  	s21 =	simm.s32 $0x2840;
	s22 =	simm.s32 $0x40;
	s23 =	simm.s32 $0x7000  }
0x5: {  	s24 =	simm.s32 $0x9000;
	s25 =	simm.s32 $0x1;
	s28 =	simm.s32 $0x3  }
0x6: {  	s5 =	sand.u32 $0x1, s0;
	s9 =	smul.u32 $0x14000, s26;
	[smem:$0x7FF] =	sst s3  }
0x7: {  	s4 =	sadd.s32 $0x1E600, s6;
	s11 =	smul.u32 $0x50000, s26;
	s1 =	sshll.u32 s5, $0x4  }
0x8: {  	s10 =	smul.u32 $0x140000, s5;
	_ =	strace $0x80000047;
	s1 =	sor.u32 s26, s1  }
0x9: {  	s5 =	ssub.s32 $0x2, s5;
	s30 =	sshrl.u32 s11, $0x2;
	s7 =	smul.u32 $0x508, s1  }
0xa: {  	s31 =	sshrl.u32 s5, $0x1;
	s26 =	simm.s32 $0x2;
	s8 =	smul.u32 $0x4F8, s1  }
0xb: {  	s29 =	sadd.s32 s9, s10;
	s14 =	sadd.s32 s30, s2;
	s18 =	ssub.s32 s5, s31  }
0xc: {  	s5 =	sadd.s32 s9, s2;
	s9 =	sadd.s32 $0x8000, s14;
	s10 =	sadd.s32 $0xA000, s14  }
0xd: {  	s11 =	sadd.s32 $0xC000, s14;
	s12 =	sadd.s32 $0xE000, s14;
	s13 =	sadd.s32 $0x10000, s14  }
0xe: {  	s18 =	smax.u32 s18, $0x1;
	s15 =	sadd.s32 s7, s6;
	s7 =	sshrl.u32 s29, $0x3  }
0xf: {  	s16 =	sadd.s32 s8, s6;
	s8 =	sadd.s32 $0x6000, s14;
	s17 =	sadd.s32 s7, s6  }
0x10: {  	s6 =	sadd.s32 $0x2000, s14;
	s7 =	sadd.s32 $0x4000, s14;
	s14 =	sadd.s32 $0x12000, s14  }
0x11: {  	v0 =	vimm.f32 $0.0e+00;
	s15 =	sadd.s32 $0x7C00, s15;
	s16 =	sadd.s32 $0x14600, s16;
	s17 =	sadd.s32 $0x4E600, s17  }
.LBB2_1:
0x12: {  	s29 =	simm.s32 $0x0;
	s30 =	simm.s32 $0x200  }
.LBB2_2:
0x13: {  	p0 =	sne.s32 s30, $0x7E00;
	[tilespmem:s29+$0x5070] =	vst v0  }
0x14: {  	[tilespmem:s29+$0x5000] =	vst v0  }
0x15: {  	[tilespmem:s29+$0x5010] =	vst v0  }
.Ltmp0:
0x16: {  	[tilespmem:s29+$0x5020] =	vst v0;
	(pc) =	sbr.rel @p0 .LBB2_2-.Ltmp0, $4  }
0x17: {  	[tilespmem:s29+$0x5030] =	vst v0  }
0x18: {  	[tilespmem:s29+$0x5040] =	vst v0  }
0x19: {  	[tilespmem:s29+$0x5050] =	vst v0  }
0x1a: {  	[tilespmem:s29+$0x5060] =	vst v0;
	s29 =	sshra.s32 s30, $0x2;
	s30 =	sadd.s32 $0x200, s30  }
0x1b: {  	[tilespmem:s29+$0x5070] =	vst v0  }
0x1c: {  	[tilespmem:s29+$0x5000] =	vst v0  }
0x1d: {  	[tilespmem:s29+$0x5010] =	vst v0  }
0x1e: {  	[tilespmem:s29+$0x5020] =	vst v0  }
0x1f: {  	[tilespmem:s29+$0x5030] =	vst v0  }
0x20: {  	[tilespmem:s29+$0x5040] =	vst v0  }
0x21: {  	[tilespmem:s29+$0x5050] =	vst v0  }
0x22: {  	[tilespmem:s29+$0x5060] =	vst v0  }
0x23: {  	[spmem:s5] =	stream.linear.scatter [tilespmem:s19], [sflag:$0x4], $0x2000, $0x38;
	[tilespmem:$0x1F000] =	vst v63  }
0x24: {  	_ =	swait.ge [sflag:s20], $0x2000  }
0x25: {  	[sflag:s20] =	ssyncset.done $0x0  }
0x26: {  	[sflag:s20] =	ssyncadd.s32 $0xFFFFE000  }
0x27: {  	[spmem:s6] =	stream.linear.scatter [tilespmem:s19], [sflag:$0x4], $0x2000, $0x38;
	[tilespmem:$0x1F000] =	vst v63  }
0x28: {  	_ =	swait.ge [sflag:s20], $0x2000  }
0x29: {  	[sflag:s20] =	ssyncset.done $0x0  }
0x2a: {  	[sflag:s20] =	ssyncadd.s32 $0xFFFFE000  }
0x2b: {  	[spmem:s7] =	stream.linear.scatter [tilespmem:s19], [sflag:$0x4], $0x2000, $0x38;
	[tilespmem:$0x1F000] =	vst v63  }
0x2c: {  	_ =	swait.ge [sflag:s20], $0x2000  }
0x2d: {  	[sflag:s20] =	ssyncset.done $0x0  }
0x2e: {  	[sflag:s20] =	ssyncadd.s32 $0xFFFFE000  }
0x2f: {  	[spmem:s8] =	stream.linear.scatter [tilespmem:s19], [sflag:$0x4], $0x2000, $0x38;
	[tilespmem:$0x1F000] =	vst v63  }
0x30: {  	_ =	swait.ge [sflag:s20], $0x2000  }
0x31: {  	[sflag:s20] =	ssyncset.done $0x0  }
0x32: {  	[sflag:s20] =	ssyncadd.s32 $0xFFFFE000  }
0x33: {  	[spmem:s9] =	stream.linear.scatter [tilespmem:s19], [sflag:$0x4], $0x2000, $0x38;
	[tilespmem:$0x1F000] =	vst v63  }
0x34: {  	_ =	swait.ge [sflag:s20], $0x2000  }
0x35: {  	[sflag:s20] =	ssyncset.done $0x0  }
0x36: {  	[sflag:s20] =	ssyncadd.s32 $0xFFFFE000  }
0x37: {  	[spmem:s10] =	stream.linear.scatter [tilespmem:s19], [sflag:$0x4], $0x2000, $0x38;
	[tilespmem:$0x1F000] =	vst v63  }
0x38: {  	_ =	swait.ge [sflag:s20], $0x2000  }
0x39: {  	[sflag:s20] =	ssyncset.done $0x0  }
0x3a: {  	[sflag:s20] =	ssyncadd.s32 $0xFFFFE000  }
0x3b: {  	[spmem:s11] =	stream.linear.scatter [tilespmem:s19], [sflag:$0x4], $0x2000, $0x38;
	[tilespmem:$0x1F000] =	vst v63  }
0x3c: {  	_ =	swait.ge [sflag:s20], $0x2000  }
0x3d: {  	[sflag:s20] =	ssyncset.done $0x0  }
0x3e: {  	[sflag:s20] =	ssyncadd.s32 $0xFFFFE000  }
0x3f: {  	[spmem:s12] =	stream.linear.scatter [tilespmem:s19], [sflag:$0x4], $0x2000, $0x38;
	[tilespmem:$0x1F000] =	vst v63  }
0x40: {  	_ =	swait.ge [sflag:s20], $0x2000  }
0x41: {  	[sflag:s20] =	ssyncset.done $0x0  }
0x42: {  	[sflag:s20] =	ssyncadd.s32 $0xFFFFE000  }
0x43: {  	[spmem:s13] =	stream.linear.scatter [tilespmem:s19], [sflag:$0x4], $0x2000, $0x38;
	[tilespmem:$0x1F000] =	vst v63  }
0x44: {  	_ =	swait.ge [sflag:s20], $0x2000  }
0x45: {  	[sflag:s20] =	ssyncset.done $0x0  }
0x46: {  	[sflag:s20] =	ssyncadd.s32 $0xFFFFE000  }
0x47: {  	[spmem:s14] =	stream.linear.scatter [tilespmem:s19], [sflag:$0x4], $0x2000, $0x38;
	[tilespmem:$0x1F000] =	vst v63  }
0x48: {  	_ =	swait.ge [sflag:s20], $0x2000  }
0x49: {  	[sflag:s20] =	ssyncset.done $0x0  }
0x4a: {  	[sflag:s20] =	ssyncadd.s32 $0xFFFFE000  }
0x4b: {  	s29 =	simm.s32 $0x0;
	[bflag:$0x0] =	sbarrier.arrive $0xFFFF  }
0x4c: {  	[tilespmem:s29], [sflag:$0x4] =	stream.linear.gather [hbm4b:s15+s29], $0x2840, $0x38;
	[tilespmem:$0x1F000] =	vst v63  }
0x4d: {  	_ =	swait.ge [sflag:s20], $0x2840  }
0x4e: {  	[sflag:s20] =	ssyncset.done $0x0  }
0x4f: {  	[sflag:s20] =	ssyncadd.s32 $0xFFFFD7C0  }
0x50: {  	[tilespmem:s21], [sflag:$0x4] =	stream.linear.gather [hbm4b:s16+s29], $0x27C0, $0x38;
	[tilespmem:$0x1F000] =	vst v63  }
0x51: {  	_ =	swait.ge [sflag:s20], $0x27C0  }
0x52: {  	[sflag:s20] =	ssyncset.done $0x0  }
0x53: {  	[sflag:s20] =	ssyncadd.s32 $0xFFFFD840  }
0x54: {  	[tilespmem:s19], [sflag:$0x1] =	stream.indirect.gather [hbm4b:s4+s22], $0x80, s29, s22, $0xb8;
	[tilespmem:$0x1F000] =	vst v63  }
0x55: {  	_ = 	snop  }
0x56: {  	[tilespmem:s23], [sflag:$0x2] =	stream.indirect.gather [hbm4b:s4+s22], $0x80, s22, s22, $0xb8;
	[tilespmem:$0x1F000] =	vst v63  }
0x57: {  	s29 =	simm.s32 $0x80  }
0x58: {  	[tilespmem:s24], [sflag:$0x3] =	stream.indirect.gather [hbm4b:s4+s22], $0x80, s29, s22, $0xb8;
	[tilespmem:$0x1F000] =	vst v63  }
0x59: {  	_ =	swait.ge [sflag:s25], $0x2000  }
0x5a: {  	[sflag:s25] =	ssyncset.done $0x0  }
0x5b: {  	s29 =	simm.s32 $0x2840;
	[sflag:s25] =	ssyncadd.s32 $0xFFFFE000  }
0x5c: {  	[spmem:s2] =	stream.indirect.scatter.add.f32 [tilespmem:s19], [sflag:$0x4], $0x80, s29, s22, $0xb8;
	[tilespmem:$0x1F000] =	vst v63  }
0x5d: {  	_ =	swait.ge [sflag:s20], $0x2000  }
0x5e: {  	[sflag:s20] =	ssyncset.done $0x0  }
0x5f: {  	s29 =	simm.s32 $0xC0;
	[sflag:s20] =	ssyncadd.s32 $0xFFFFE000  }
0x60: {  	[tilespmem:s19], [sflag:$0x1] =	stream.indirect.gather [hbm4b:s4+s22], $0x80, s29, s22, $0xb8;
	[tilespmem:$0x1F000] =	vst v63  }
0x61: {  	_ =	swait.ge [sflag:s26], $0x2000  }
0x62: {  	[sflag:s26] =	ssyncset.done $0x0  }
0x63: {  	s29 =	simm.s32 $0x2880;
	[sflag:s26] =	ssyncadd.s32 $0xFFFFE000  }
0x64: {  	[spmem:s2] =	stream.indirect.scatter.add.f32 [tilespmem:s23], [sflag:$0x4], $0x80, s29, s22, $0xb8;
	[tilespmem:$0x1F000] =	vst v63  }
0x65: {  	_ =	swait.ge [sflag:s20], $0x2000  }
0x66: {  	[sflag:s20] =	ssyncset.done $0x0  }
0x67: {  	s29 =	simm.s32 $0x100;
	[sflag:s20] =	ssyncadd.s32 $0xFFFFE000  }
0x68: {  	[tilespmem:s23], [sflag:$0x2] =	stream.indirect.gather [hbm4b:s4+s22], $0x80, s29, s22, $0xb8;
	[tilespmem:$0x1F000] =	vst v63  }
0x69: {  	_ =	swait.ge [sflag:s28], $0x2000  }
0x6a: {  	[sflag:s28] =	ssyncset.done $0x0  }
0x6b: {  	s29 =	simm.s32 $0x28C0;
	[sflag:s28] =	ssyncadd.s32 $0xFFFFE000  }
0x6c: {  	[spmem:s2] =	stream.indirect.scatter.add.f32 [tilespmem:s24], [sflag:$0x4], $0x80, s29, s22, $0xb8;
	[tilespmem:$0x1F000] =	vst v63  }
0x6d: {  	_ =	swait.ge [sflag:s20], $0x2000  }
0x6e: {  	s30 =	simm.s32 $0x600;
	s29 =	simm.s32 $0xC0;
	[sflag:s20] =	ssyncset.done $0x0  }
.LBB2_4:
0x6f: {  	s31 =	sadd.s32 $0x80, s29  }
0x70: {  	[sflag:s20] =	ssyncadd.s32 $0xFFFFE000;
	s1 =	smov.u32 s30;
	s0 =	sadd.s32 $0x300, s30  }
0x71: {  	[tilespmem:s24], [sflag:$0x3] =	stream.indirect.gather [hbm4b:s4+s22], $0x80, s31, s22, $0xb8;
	[tilespmem:$0x1F000] =	vst v63  }
0x72: {  	p0 =	sne.s32 s30, $0x9C00;
	_ =	swait.ge [sflag:s25], $0x2000  }
0x73: {  	[sflag:s25] =	ssyncset.done $0x0  }
0x74: {  	s30 =	sadd.s32 $0x2840, s29;
	[sflag:s25] =	ssyncadd.s32 $0xFFFFE000  }
0x75: {  	[spmem:s2] =	stream.indirect.scatter.add.f32 [tilespmem:s19], [sflag:$0x4], $0x80, s30, s22, $0xb8;
	[tilespmem:$0x1F000] =	vst v63  }
0x76: {  	_ =	swait.ge [sflag:s20], $0x2000  }
0x77: {  	[sflag:s20] =	ssyncset.done $0x0  }
0x78: {  	s30 =	sadd.s32 $0xC0, s29;
	[sflag:s20] =	ssyncadd.s32 $0xFFFFE000  }
0x79: {  	[tilespmem:s19], [sflag:$0x1] =	stream.indirect.gather [hbm4b:s4+s22], $0x80, s30, s22, $0xb8;
	[tilespmem:$0x1F000] =	vst v63  }
0x7a: {  	_ =	swait.ge [sflag:s26], $0x2000  }
0x7b: {  	[sflag:s26] =	ssyncset.done $0x0  }
0x7c: {  	s30 =	sadd.s32 $0x2880, s29;
	[sflag:s26] =	ssyncadd.s32 $0xFFFFE000  }
0x7d: {  	[spmem:s2] =	stream.indirect.scatter.add.f32 [tilespmem:s23], [sflag:$0x4], $0x80, s30, s22, $0xb8;
	[tilespmem:$0x1F000] =	vst v63  }
0x7e: {  	_ =	swait.ge [sflag:s20], $0x2000  }
0x7f: {  	[sflag:s20] =	ssyncset.done $0x0  }
0x80: {  	s30 =	sadd.s32 $0x100, s29;
	[sflag:s20] =	ssyncadd.s32 $0xFFFFE000  }
0x81: {  	[tilespmem:s23], [sflag:$0x2] =	stream.indirect.gather [hbm4b:s4+s22], $0x80, s30, s22, $0xb8;
	[tilespmem:$0x1F000] =	vst v63  }
0x82: {  	_ =	swait.ge [sflag:s28], $0x2000  }
.Ltmp1:
0x83: {  	[sflag:s28] =	ssyncset.done $0x0;
	(pc) =	sbr.rel @p0 .LBB2_4-.Ltmp1, $4  }
0x84: {  	s29 =	sadd.s32 $0x28C0, s29;
	[sflag:s28] =	ssyncadd.s32 $0xFFFFE000  }
0x85: {  	[spmem:s2] =	stream.indirect.scatter.add.f32 [tilespmem:s24], [sflag:$0x4], $0x80, s29, s22, $0xb8;
	[tilespmem:$0x1F000] =	vst v63  }
0x86: {  	_ =	swait.ge [sflag:s20], $0x2000  }
0x87: {  	s30 =	smov.u32 s0;
	s29 =	sshra.s32 s1, $0x2;
	[sflag:s20] =	ssyncset.done $0x0  }
0x88: {  	s0 =	sadd.s32 $0x80, s29;
	[sflag:s20] =	ssyncadd.s32 $0xFFFFE000  }
0x89: {  	[tilespmem:s24], [sflag:$0x3] =	stream.indirect.gather [hbm4b:s4+s22], $0x80, s0, s22, $0xb8;
	[tilespmem:$0x1F000] =	vst v63  }
0x8a: {  	_ =	swait.ge [sflag:s25], $0x2000  }
0x8b: {  	[sflag:s25] =	ssyncset.done $0x0  }
0x8c: {  	s1 =	sadd.s32 $0x2840, s29;
	[sflag:s25] =	ssyncadd.s32 $0xFFFFE000  }
0x8d: {  	[spmem:s2] =	stream.indirect.scatter.add.f32 [tilespmem:s19], [sflag:$0x4], $0x80, s1, s22, $0xb8;
	[tilespmem:$0x1F000] =	vst v63  }
0x8e: {  	_ =	swait.ge [sflag:s20], $0x2000  }
0x8f: {  	[sflag:s20] =	ssyncset.done $0x0  }
0x90: {  	s30 =	sadd.s32 $0xC0, s29;
	[sflag:s20] =	ssyncadd.s32 $0xFFFFE000  }
0x91: {  	[tilespmem:s19], [sflag:$0x1] =	stream.indirect.gather [hbm4b:s4+s22], $0x80, s30, s22, $0xb8;
	[tilespmem:$0x1F000] =	vst v63  }
0x92: {  	_ =	swait.ge [sflag:s26], $0x2000  }
0x93: {  	[sflag:s26] =	ssyncset.done $0x0  }
0x94: {  	s31 =	sadd.s32 $0x2880, s29;
	[sflag:s26] =	ssyncadd.s32 $0xFFFFE000  }
0x95: {  	[spmem:s2] =	stream.indirect.scatter.add.f32 [tilespmem:s23], [sflag:$0x4], $0x80, s31, s22, $0xb8;
	[tilespmem:$0x1F000] =	vst v63  }
0x96: {  	_ =	swait.ge [sflag:s20], $0x2000  }
0x97: {  	[sflag:s20] =	ssyncset.done $0x0  }
0x98: {  	s1 =	sadd.s32 $0x100, s29;
	[sflag:s20] =	ssyncadd.s32 $0xFFFFE000  }
0x99: {  	[tilespmem:s23], [sflag:$0x2] =	stream.indirect.gather [hbm4b:s4+s22], $0x80, s1, s22, $0xb8;
	[tilespmem:$0x1F000] =	vst v63  }
0x9a: {  	_ =	swait.ge [sflag:s28], $0x2000  }
0x9b: {  	[sflag:s28] =	ssyncset.done $0x0  }
0x9c: {  	s30 =	sadd.s32 $0x28C0, s29;
	[sflag:s28] =	ssyncadd.s32 $0xFFFFE000  }
0x9d: {  	[spmem:s2] =	stream.indirect.scatter.add.f32 [tilespmem:s24], [sflag:$0x4], $0x80, s30, s22, $0xb8;
	[tilespmem:$0x1F000] =	vst v63  }
0x9e: {  	_ =	swait.ge [sflag:s20], $0x2000  }
0x9f: {  	[sflag:s20] =	ssyncset.done $0x0  }
0xa0: {  	[sflag:s20] =	ssyncadd.s32 $0xFFFFE000  }
0xa1: {  	_ =	swait.ge [sflag:s25], $0x2000  }
0xa2: {  	[sflag:s25] =	ssyncset.done $0x0  }
0xa3: {  	[sflag:s25] =	ssyncadd.s32 $0xFFFFE000  }
0xa4: {  	s31 =	stileid.u32;
	_ =	swait.ge [sflag:s26], $0x2000  }
0xa5: {  	s3 =	sadd.s32 $0x1, s3;
	s0 =	sshll.u32 s31, $0x6;
	[sflag:s26] =	ssyncset.done $0x0  }
0xa6: {  	p0 =	sne.s32 s3, s18;
	s0 =	sor.u32 $0x1C04, s0;
	[sflag:s26] =	ssyncadd.s32 $0xFFFFE000  }
.Ltmp2:
0xa7: {  	s1 =	sshrl.u32 s5, $0x3;
	[bflag:$0x0] =	sbarrier.arrive $0xFFFF;
	(pc) =	sbr.rel @p0 .LBB2_1-.Ltmp2, $4  }
0xa8: {  	[hbm:s17], [sflag:s0] =	dma.local [spmem:s1], $0x2800  }
0xa9: {  	_ =	swait.ge [sflag:s20], $0x2800  }
0xaa: {  	[sflag:s20] =	ssyncset.done $0x0  }
0xab: {  	[sflag:s20] =	ssyncadd.s32 $0xFFFFD800  }
0xac: {  	_ =	sfence.sel $0x180000  }
0xad: {  	[bflag:$0x0] =	sbarrier.arrive $0xFFFF  }
0xae: {  	_ =	strace $0x90000047  }
0xaf: {  	s0 =	stileid.u32;
	[bflag:$0x2] =	sbarrier.arrive $0xFFFF  }
0xb0: {  	p0 =	sne.s32 s0, $0x0;
	s0 =	rddreg [dreg:$0x2]  }
0xb1: {  	s0 =	sadd.s32 @!p0 $0x100000, s0  }
0xb2: {  	[sflag:s0] =	ssyncadd.tile.s32 @!p0 $0x1;
	_ =	shalt  }
.Lfunc_end2:
_tile_overlayer_lowered:
.L_overlay_start_2:
0xb3: {  	(tag) =	ssettag $0x2  }
0xb4: {  	s0 =	rddreg [dreg:$0x0];
	s2 =	stileid.u32  }
0xb5: {  	s1 =	rddreg [dreg:$0x1];
	p0 =	sne.s32 s2, $0x0  }
0xb6: {  	s3 =	rddreg [dreg:$0x2];
	[bflag:$0x3] =	sbarrier.arrive $0xFFFF;
	s2 =	simm.s32 @!p0 $0x1C04  }
0xb7: {  	[timem:s3], [sflag:s2] =	dma.local @!p0 [hbm:s0], s1  }
0xb8: {  	s0 =	simm.s32 @!p0 $0x4  }
0xb9: {  	_ =	swait.ge @!p0 [sflag:s0], s1  }
0xba: {  	s1 =	ssub.s32 @!p0 $0x0, s1;
	[sflag:s0] =	ssyncset.done @!p0 $0x0  }
0xbb: {  	[sflag:s0] =	ssyncadd.s32 @!p0 s1  }
0xbc: {  	[bflag:$0x3] =	sbarrier.arrive $0xFFFF  }
0xbd: {  	_ =	shalt  }

// kernel: kernel.22.cloned.1.call-start
scs
__scs_entry_jumppad:
0x0: {  	(pc) =	sbr.rel $0x88, $3  }
0x1: {  	(tag) =	ssettag $0x0;
	lr =	simm.s32 $0x1  }
0x2: {  	[smem:$0x3F94] =	sst lr;
	_ =	strace $0xD0000000  }
0x3: {  	_ = 	snop  }
0x4: {  	_ = 	snop  }
0x5: {  	_ = 	snop  }
0x6: {  	_ = 	snop  }
0x7: {  	_ = 	snop  }
__scs_overlays_trampoline_lowered:
0x8: {  	[smem:$0x3FA3] =	sst s0  }
0x9: {  	[smem:$0x3FA4] =	sst s1  }
0xa: {  	[smem:$0x3FA5] =	sst s2  }
0xb: {  	[smem:$0x3FA6] =	sst s3  }
0xc: {  	[smem:$0x3FA7] =	sst s4  }
0xd: {  	[smem:$0x3FA8] =	sst s5  }
0xe: {  	[smem:$0x3FA9] =	sst s6  }
0xf: {  	[smem:$0x3FAA] =	sst s7  }
0x10: {  	[smem:$0x3FAB] =	sst s8  }
0x11: {  	[smem:$0x3FAC] =	sst s9;
	s0 =	simm.s32 @!p0 $0x0  }
0x12: {  	s1 =	sld [smem:$0x3F92];
	s0 =	simm.s32 @p0 $0x1  }
0x13: {  	[smem:$0x3FAD] =	sst s0;
	s0 =	simm.s32 @!p1 $0x0  }
0x14: {  	s2 =	sld [smem:$0x3F91];
	s0 =	simm.s32 @p1 $0x1  }
0x15: {  	[smem:$0x3FAE] =	sst s0;
	s0 =	simm.s32 @!p2 $0x0  }
0x16: {  	s3 =	sld [smem:$0x3FDB];
	s0 =	simm.s32 @p2 $0x1  }
0x17: {  	s4 =	simm.s32 $0x1BF5;
	[smem:$0x3FB0] =	sst s0  }
0x18: {  	s0 =	sld [smem:$0x3F93];
	_ =	swait.ge [sflag:s4], $0x0  }
0x19: {  	s7 =	sld [smem:$0x3F94]  }
0x1a: {  	s8 =	sadd.s32 $0xFFFFE003, lr  }
0x1b: {  	s9 =	sadd.s32 $0xFFFFFEF7, lr;
	s5 =	simm.s32 $0xFFFFFFFF;
	p2 =	slt.u32 s8, $0xFFFFF086  }
0x1c: {  	p1 =	slt.u32 s9, $0xF7A;
	s5 =	simm.s32 @!p2 $0x0  }
0x1d: {  	s5 =	simm.s32 @p1 $0x1;
	p0 =	seq.s32 s7, s2  }
0x1e: {  	s7 =	smul.u32 @!p0 $0xF7A, s2;
	p2 =	seq.s32 @!p0 s5, $0x0  }
0x1f: {  	s9 =	smul.u32 $0xF7A, s1;
	s8 =	simm.s32 @!p0 $0x1BF5;
	p2 =	por !p2, p0  }
0x20: {  	[sflag:s8] =	ssyncset.s32 @!p0 $0xFFFFF086;
	s6 =	sadd.s32 @!p0 s3, s7;
	s7 =	simm.s32 @!p0 $0x108  }
0x21: {  	s3 =	sadd.s32 s3, s9;
	s6 =	sadd.s32 @!p0 $0x88, s6;
	s7 =	simm.s32 @p2 $0x1082  }
0x22: {  	[simem:s7], [sflag:s8] =	dma.local @!p0 [hbm:s6], $0xF7A  }
0x23: {  	s9 =	sor.u32 $0xD0000000, s2;
	s6 =	simm.s32 $0x108;
	_ =	swait.ge @!p0 [sflag:s8], $0x0  }
0x24: {  	s3 =	sadd.s32 $0x88, s3;
	s6 =	simm.s32 @!p1 $0x1082;
	[sflag:s4] =	ssyncset.s32 $0xFFFFF086  }
0x25: {  	[simem:s6], [sflag:s4] =	dma.local [hbm:s3], $0xF7A  }
0x26: {  	[smem:$0x3F94] =	sst s1;
	(tag) =	ssettag s2;
	_ =	strace s9  }
0x27: {  	s1 =	sld [smem:$0x3FA4]  }
0x28: {  	s2 =	sld [smem:$0x3FA5]  }
0x29: {  	s4 =	sld [smem:$0x3FA7]  }
0x2a: {  	p0 =	seq.s32 s5, $0x0;
	s5 =	sld [smem:$0x3FA8]  }
0x2b: {  	s6 =	sld [smem:$0x3FA9]  }
0x2c: {  	s7 =	sld [smem:$0x3FAA]  }
0x2d: {  	s3 =	simm.s32 $0x108;
	s8 =	sld [smem:$0x3FAB]  }
0x2e: {  	s3 =	simm.s32 @!p0 $0x1082;
	s9 =	sld [smem:$0x3FAC]  }
0x2f: {  	lr =	sadd.s32 s0, s3;
	s0 =	sld [smem:$0x3FA3]  }
0x30: {  	s3 =	sld [smem:$0x3FA6]  }
0x31: {  	[smem:$0x3FAF] =	sst s10  }
0x32: {  	s10 =	sld [smem:$0x3FAD];
	_ =	sdelay $0x3  }
0x33: {  	p0 =	seq.s32 s10, $0x1;
	s10 =	sld [smem:$0x3FAF];
	_ =	sdelay $0x3  }
0x34: {  	[smem:$0x3FAF] =	sst s10  }
0x35: {  	s10 =	sld [smem:$0x3FAE];
	_ =	sdelay $0x3  }
0x36: {  	p1 =	seq.s32 s10, $0x1;
	s10 =	sld [smem:$0x3FAF];
	_ =	sdelay $0x3  }
0x37: {  	[smem:$0x3FAF] =	sst s10  }
0x38: {  	s10 =	sld [smem:$0x3FB0]  }
0x39: {  	_ = 	snop;
	(pc) =	sbr.ind lr, $3  }
0x3a: {  	_ = 	snop  }
0x3b: {  	_ = 	snop  }
0x3c: {  	p2 =	seq.s32 s10, $0x1;
	s10 =	sld [smem:$0x3FAF]  }
0x3d: {  	_ =	shalt  }
0x3e: {  	_ =	shalt  }
0x3f: {  	_ =	shalt  }
0x40: {  	_ =	shalt  }
0x41: {  	_ =	shalt  }
0x42: {  	_ =	shalt  }
0x43: {  	_ =	shalt  }
0x44: {  	_ =	shalt  }
0x45: {  	_ =	shalt  }
0x46: {  	_ =	shalt  }
0x47: {  	_ =	shalt  }
0x48: {  	_ =	shalt  }
0x49: {  	_ =	shalt  }
0x4a: {  	_ =	shalt  }
0x4b: {  	_ =	shalt  }
0x4c: {  	_ =	shalt  }
0x4d: {  	_ =	shalt  }
0x4e: {  	_ =	shalt  }
0x4f: {  	_ =	shalt  }
0x50: {  	_ =	shalt  }
0x51: {  	_ =	shalt  }
0x52: {  	_ =	shalt  }
0x53: {  	_ =	shalt  }
0x54: {  	_ =	shalt  }
0x55: {  	_ =	shalt  }
0x56: {  	_ =	shalt  }
0x57: {  	_ =	shalt  }
0x58: {  	_ =	shalt  }
0x59: {  	_ =	shalt  }
0x5a: {  	_ =	shalt  }
0x5b: {  	_ =	shalt  }
0x5c: {  	_ =	shalt  }
0x5d: {  	_ =	shalt  }
0x5e: {  	_ =	shalt  }
0x5f: {  	_ =	shalt  }
0x60: {  	_ =	shalt  }
0x61: {  	_ =	shalt  }
0x62: {  	_ =	shalt  }
0x63: {  	_ =	shalt  }
0x64: {  	_ =	shalt  }
0x65: {  	_ =	shalt  }
0x66: {  	_ =	shalt  }
0x67: {  	_ =	shalt  }
0x68: {  	_ =	shalt  }
0x69: {  	_ =	shalt  }
0x6a: {  	_ =	shalt  }
0x6b: {  	_ =	shalt  }
0x6c: {  	_ =	shalt  }
0x6d: {  	_ =	shalt  }
0x6e: {  	_ =	shalt  }
0x6f: {  	_ =	shalt  }
0x70: {  	_ =	shalt  }
0x71: {  	_ =	shalt  }
0x72: {  	_ =	shalt  }
0x73: {  	_ =	shalt  }
0x74: {  	_ =	shalt  }
0x75: {  	_ =	shalt  }
0x76: {  	_ =	shalt  }
0x77: {  	_ =	shalt  }
0x78: {  	_ =	shalt  }
0x79: {  	_ =	shalt  }
0x7a: {  	_ =	shalt  }
0x7b: {  	_ =	shalt  }
0x7c: {  	_ =	shalt  }
0x7d: {  	_ =	shalt  }
0x7e: {  	_ =	shalt  }
0x7f: {  	_ =	shalt  }
0x80: {  	_ =	shalt  }
0x81: {  	_ =	shalt  }
0x82: {  	_ =	shalt  }
0x83: {  	_ =	shalt  }
0x84: {  	_ =	shalt  }
0x85: {  	_ =	shalt  }
0x86: {  	_ =	shalt  }
0x87: {  	_ =	shalt  }
.Lfunc_end0:
.L_simem_size_0:
called_computation.1_lowered:
.L_overlay_start_0:
0x88: {  	s2 =	sld [smem:$0x3FD9]  }
0x89: {  	s3 =	sld [smem:$0x3FFE];
	_ =	sdelay $0x1  }
0x8a: {  	s1 =	srdreg.scid  }
0x8b: {  	s0 =	sand.u32 $0x1, s1  }
0x8c: {  	s17 =	sshll.u32 s0, $0xA;
	s2 =	sadd.s32 s3, s2  }
0x8d: {  	s2 =	sadd.s32 s2, s17  }
0x8e: {  	[smem:$0x3FBB] =	sst s2  }
0x8f: {  	_ = 	snop  }
0x90: {  	s2 =	sld [smem:$0x3FD0];
	(tm) =	ssettm $0x1  }
0x91: {  	s18 =	sld [smem:$0x3FFB];
	_ =	sdelay $0x3  }
0x92: {  	_ =	strace s18  }
0x93: {  	s3 =	sld [smem:$0x3FFC];
	_ =	sdelay $0x3  }
0x94: {  	_ =	strace s3  }
0x95: {  	s3 =	sld [smem:$0x3FFD];
	_ =	sdelay $0x3  }
0x96: {  	_ =	strace s3  }
0x97: {  	_ =	strace $0x8FFFFFFF  }
0x98: {  	s19 =	sld [smem:$0x3FDB];
	_ =	sdelay $0x1  }
0x99: {  	s4 =	simm.s32 $_scs_section_size  }
0x9a: {  	s5 =	simm.s32 $_size__tile_overlayer_lowered;
	s6 =	simm.s32 $_tile_overlayer_lowered  }
0x9b: {  	s22 =	simm.s32 $0x1BFF;
	s21 =	sshll.u32 s6, $0x1;
	s3 =	sadd.s32 s4, s19  }
0x9c: {  	s7 =	simm.s32 $0x0;
	s20 =	sshll.u32 s5, $0x1;
	s5 =	sadd.s32 s21, s3  }
0x9d: {  	[timem:s7], [sflag:s22] =	dma.local [hbm:s5], s20  }
0x9e: {  	_ =	swait.ge [sflag:s22], s20  }
0x9f: {  	s4 =	ssub.s32 $0x0, s20;
	[sflag:s22] =	ssyncset.done $0x0  }
0xa0: {  	[sflag:s22] =	ssyncadd.s32 s4;
	_ =	sdelay $0x1  }
0xa1: {  	s23 =	simm.s32 $0x1B8B  }
0xa2: {  	_ =	swait.ge [sflag:s23], $0x1  }
0xa3: {  	[sflag:s23] =	ssyncset.done $0x0  }
0xa4: {  	s25 =	simm.s32 $0x1B8E;
	s24 =	sld [smem:$0x3FFE];
	[sflag:s23] =	ssyncadd.s32 $0xFFFFFFFF  }
0xa5: {  	s26 =	simm.s32 $execute0_lowered;
	[smem:$0x3FD2] =	sst s25  }
0xa6: {  	s5 =	sshll.u32 s26, $0x1;
	_ =	strace $0x80000049;
	[dreg:$0x1] =	wrdreg $0xFFFFFFFF  }
0xa7: {  	s28 =	simm.s32 $_size_execute0_lowered;
	s3 =	sadd.s32 s3, s5;
	[dreg:$0x0] =	wrdreg $0x0  }
0xa8: {  	s5 =	sshll.u32 s28, $0x1;
	[dreg:$0x2] =	wrdreg s3  }
0xa9: {  	[dreg:$0x3] =	wrdreg s5  }
0xaa: {  	[dreg:$0x4] =	wrdreg $0xC0  }
0xab: {  	_ =	task [dreg:s7], $0x5FFFF  }
0xac: {  	[dreg:$0x1] =	wrdreg $0xFFFFFFFF  }
0xad: {  	[dreg:$0x0] =	wrdreg $0x60  }
0xae: {  	[dreg:$0x2] =	wrdreg s24  }
0xaf: {  	[dreg:$0x3] =	wrdreg s2  }
0xb0: {  	[dreg:$0x4] =	wrdreg $0xB0000  }
0xb1: {  	[dreg:$0x5] =	wrdreg $0x9  }
0xb2: {  	_ =	task.clear_ibuf [dreg:s7], $0x6FFFF;
	_ =	strace $0x90000049  }
0xb3: {  	s29 =	simm.s32 $0x9;
	_ =	strace $0x8000004B  }
0xb4: {  	_ =	swait.ge [sflag:s29], $0x1  }
0xb5: {  	[sflag:s29] =	ssyncadd.s32 $0xFFFFFFFF  }
0xb6: {  	_ =	strace $0x9000004B  }
0xb7: {  	_ =	sfence  }
0xb8: {  	s30 =	sld [smem:$0x0];
	_ =	sdelay $0x2  }
0xb9: {  	s31 =	sshll.u32 s1, $0xD;
	s1 =	sshrl.u32 s1, $0x2  }
0xba: {  	s3 =	sand.u32 $0x4000, s31;
	s1 =	sadd.s32 s1, s30  }
0xbb: {  	s0 =	sor.u32 s3, s0;
	s1 =	sshll.u32 s1, $0x11  }
0xbc: {  	s0 =	sor.u32 s1, s0  }
0xbd: {  	s0 =	sadd.s32 $0x8F2B, s0  }
0xbe: {  	[sflag:s0] =	ssyncadd.remote.s32 $0x1  }
0xbf: {  	_ =	sfence.sel $0xFFFF  }
0xc0: {  	[dreg:$0x0] =	wrdreg $0xFFFFFFFF;
	(pc) =	sbr.abs _section_cstart, $3  }
0xc1: {  	[dreg:$0x1] =	wrdreg $0xFFFFFFFF  }
0xc2: {  	_ =	task.clear_ibuf [dreg:s7], $0x2FFFF;
	_ =	strace $0x9FFFFFFF  }
0xc3: {  	(tm) =	ssettm $0x7FFFFFFF  }
tec
execute0_lowered:
.L_overlay_start_1:
0x0: {  	(tag) =	ssettag $0x1  }
0x1: {  	s0 =	srdreg.scid;
	s6 =	rddreg [dreg:$0x0]  }
0x2: {  	s29 =	stileid.u32;
	s15 =	rddreg [dreg:$0x1]  }
0x3: {  	s2 =	rddreg [dreg:$0x2];
	s3 =	simm.s32 $0x0;
	s20 =	simm.s32 $0x4  }
0x4: {  	s21 =	simm.s32 $0x2840;
	s22 =	simm.s32 $0x40;
	s23 =	simm.s32 $0x7000  }
0x5: {  	s24 =	simm.s32 $0x9000;
	s25 =	simm.s32 $0x1;
	s26 =	simm.s32 $0x2  }
0x6: {  	s28 =	simm.s32 $0x3;
	s5 =	sand.u32 $0x1, s0;
	s8 =	smul.u32 $0x14000, s29  }
0x7: {  	[smem:$0x7FF] =	sst s3;
	s4 =	sadd.s32 $0x9E600, s6;
	s11 =	smul.u32 $0x50000, s29  }
0x8: {  	s1 =	sshll.u32 s5, $0x4;
	s9 =	smul.u32 $0x140000, s5;
	s5 =	ssub.s32 $0x2, s5  }
0x9: {  	_ =	strace $0x8000004A;
	s10 =	sor.u32 s29, s1;
	s31 =	sshrl.u32 s5, $0x1  }
0xa: {  	s11 =	sshrl.u32 s11, $0x2;
	s7 =	smul.u32 $0x4F8, s10;
	s30 =	sadd.s32 s8, s9  }
0xb: {  	s18 =	ssub.s32 s5, s31;
	s14 =	sadd.s32 s11, s2;
	s5 =	sadd.s32 s8, s2  }
0xc: {  	s19 =	smul.u32 $0x508, s10;
	s8 =	sadd.s32 $0x6000, s14;
	s9 =	sadd.s32 $0x8000, s14  }
0xd: {  	s10 =	sadd.s32 $0xA000, s14;
	s11 =	sadd.s32 $0xC000, s14;
	s12 =	sadd.s32 $0xE000, s14  }
0xe: {  	s13 =	sadd.s32 $0x10000, s14;
	s18 =	smax.u32 s18, $0x1;
	s16 =	sadd.s32 s7, s6  }
0xf: {  	s7 =	sshrl.u32 s30, $0x3;
	s15 =	sadd.s32 s15, s19;
	s19 =	simm.s32 $0x5000  }
0x10: {  	s17 =	sadd.s32 s7, s6;
	s6 =	sadd.s32 $0x2000, s14;
	s7 =	sadd.s32 $0x4000, s14  }
0x11: {  	v0 =	vimm.f32 $0.0e+00;
	s14 =	sadd.s32 $0x12000, s14;
	s16 =	sadd.s32 $0x14600, s16;
	s17 =	sadd.s32 $0xC6600, s17  }
.LBB2_1:
0x12: {  	s29 =	simm.s32 $0x0;
	s30 =	simm.s32 $0x200  }
.LBB2_2:
0x13: {  	p0 =	sne.s32 s30, $0x7E00;
	[tilespmem:s29+$0x5070] =	vst v0  }
0x14: {  	[tilespmem:s29+$0x5000] =	vst v0  }
0x15: {  	[tilespmem:s29+$0x5010] =	vst v0  }
.Ltmp0:
0x16: {  	[tilespmem:s29+$0x5020] =	vst v0;
	(pc) =	sbr.rel @p0 .LBB2_2-.Ltmp0, $4  }
0x17: {  	[tilespmem:s29+$0x5030] =	vst v0  }
0x18: {  	[tilespmem:s29+$0x5040] =	vst v0  }
0x19: {  	[tilespmem:s29+$0x5050] =	vst v0  }
0x1a: {  	[tilespmem:s29+$0x5060] =	vst v0;
	s29 =	sshra.s32 s30, $0x2;
	s30 =	sadd.s32 $0x200, s30  }
0x1b: {  	[tilespmem:s29+$0x5070] =	vst v0  }
0x1c: {  	[tilespmem:s29+$0x5000] =	vst v0  }
0x1d: {  	[tilespmem:s29+$0x5010] =	vst v0  }
0x1e: {  	[tilespmem:s29+$0x5020] =	vst v0  }
0x1f: {  	[tilespmem:s29+$0x5030] =	vst v0  }
0x20: {  	[tilespmem:s29+$0x5040] =	vst v0  }
0x21: {  	[tilespmem:s29+$0x5050] =	vst v0  }
0x22: {  	[tilespmem:s29+$0x5060] =	vst v0  }
0x23: {  	[spmem:s5] =	stream.linear.scatter [tilespmem:s19], [sflag:$0x4], $0x2000, $0x38;
	[tilespmem:$0x1F000] =	vst v63  }
0x24: {  	_ =	swait.ge [sflag:s20], $0x2000  }
0x25: {  	[sflag:s20] =	ssyncset.done $0x0  }
0x26: {  	[sflag:s20] =	ssyncadd.s32 $0xFFFFE000  }
0x27: {  	[spmem:s6] =	stream.linear.scatter [tilespmem:s19], [sflag:$0x4], $0x2000, $0x38;
	[tilespmem:$0x1F000] =	vst v63  }
0x28: {  	_ =	swait.ge [sflag:s20], $0x2000  }
0x29: {  	[sflag:s20] =	ssyncset.done $0x0  }
0x2a: {  	[sflag:s20] =	ssyncadd.s32 $0xFFFFE000  }
0x2b: {  	[spmem:s7] =	stream.linear.scatter [tilespmem:s19], [sflag:$0x4], $0x2000, $0x38;
	[tilespmem:$0x1F000] =	vst v63  }
0x2c: {  	_ =	swait.ge [sflag:s20], $0x2000  }
0x2d: {  	[sflag:s20] =	ssyncset.done $0x0  }
0x2e: {  	[sflag:s20] =	ssyncadd.s32 $0xFFFFE000  }
0x2f: {  	[spmem:s8] =	stream.linear.scatter [tilespmem:s19], [sflag:$0x4], $0x2000, $0x38;
	[tilespmem:$0x1F000] =	vst v63  }
0x30: {  	_ =	swait.ge [sflag:s20], $0x2000  }
0x31: {  	[sflag:s20] =	ssyncset.done $0x0  }
0x32: {  	[sflag:s20] =	ssyncadd.s32 $0xFFFFE000  }
0x33: {  	[spmem:s9] =	stream.linear.scatter [tilespmem:s19], [sflag:$0x4], $0x2000, $0x38;
	[tilespmem:$0x1F000] =	vst v63  }
0x34: {  	_ =	swait.ge [sflag:s20], $0x2000  }
0x35: {  	[sflag:s20] =	ssyncset.done $0x0  }
0x36: {  	[sflag:s20] =	ssyncadd.s32 $0xFFFFE000  }
0x37: {  	[spmem:s10] =	stream.linear.scatter [tilespmem:s19], [sflag:$0x4], $0x2000, $0x38;
	[tilespmem:$0x1F000] =	vst v63  }
0x38: {  	_ =	swait.ge [sflag:s20], $0x2000  }
0x39: {  	[sflag:s20] =	ssyncset.done $0x0  }
0x3a: {  	[sflag:s20] =	ssyncadd.s32 $0xFFFFE000  }
0x3b: {  	[spmem:s11] =	stream.linear.scatter [tilespmem:s19], [sflag:$0x4], $0x2000, $0x38;
	[tilespmem:$0x1F000] =	vst v63  }
0x3c: {  	_ =	swait.ge [sflag:s20], $0x2000  }
0x3d: {  	[sflag:s20] =	ssyncset.done $0x0  }
0x3e: {  	[sflag:s20] =	ssyncadd.s32 $0xFFFFE000  }
0x3f: {  	[spmem:s12] =	stream.linear.scatter [tilespmem:s19], [sflag:$0x4], $0x2000, $0x38;
	[tilespmem:$0x1F000] =	vst v63  }
0x40: {  	_ =	swait.ge [sflag:s20], $0x2000  }
0x41: {  	[sflag:s20] =	ssyncset.done $0x0  }
0x42: {  	[sflag:s20] =	ssyncadd.s32 $0xFFFFE000  }
0x43: {  	[spmem:s13] =	stream.linear.scatter [tilespmem:s19], [sflag:$0x4], $0x2000, $0x38;
	[tilespmem:$0x1F000] =	vst v63  }
0x44: {  	_ =	swait.ge [sflag:s20], $0x2000  }
0x45: {  	[sflag:s20] =	ssyncset.done $0x0  }
0x46: {  	[sflag:s20] =	ssyncadd.s32 $0xFFFFE000  }
0x47: {  	[spmem:s14] =	stream.linear.scatter [tilespmem:s19], [sflag:$0x4], $0x2000, $0x38;
	[tilespmem:$0x1F000] =	vst v63  }
0x48: {  	_ =	swait.ge [sflag:s20], $0x2000  }
0x49: {  	[sflag:s20] =	ssyncset.done $0x0  }
0x4a: {  	[sflag:s20] =	ssyncadd.s32 $0xFFFFE000  }
0x4b: {  	s29 =	simm.s32 $0x0;
	[bflag:$0x0] =	sbarrier.arrive $0xFFFF  }
0x4c: {  	[tilespmem:s29], [sflag:$0x4] =	stream.linear.gather [hbm4b:s15+s29], $0x2840, $0x38;
	[tilespmem:$0x1F000] =	vst v63  }
0x4d: {  	_ =	swait.ge [sflag:s20], $0x2840  }
0x4e: {  	[sflag:s20] =	ssyncset.done $0x0  }
0x4f: {  	[sflag:s20] =	ssyncadd.s32 $0xFFFFD7C0  }
0x50: {  	[tilespmem:s21], [sflag:$0x4] =	stream.linear.gather [hbm4b:s16+s29], $0x27C0, $0x38;
	[tilespmem:$0x1F000] =	vst v63  }
0x51: {  	_ =	swait.ge [sflag:s20], $0x27C0  }
0x52: {  	[sflag:s20] =	ssyncset.done $0x0  }
0x53: {  	[sflag:s20] =	ssyncadd.s32 $0xFFFFD840  }
0x54: {  	[tilespmem:s19], [sflag:$0x1] =	stream.indirect.gather [hbm4b:s4+s22], $0x80, s29, s22, $0xb8;
	[tilespmem:$0x1F000] =	vst v63  }
0x55: {  	_ = 	snop  }
0x56: {  	[tilespmem:s23], [sflag:$0x2] =	stream.indirect.gather [hbm4b:s4+s22], $0x80, s22, s22, $0xb8;
	[tilespmem:$0x1F000] =	vst v63  }
0x57: {  	s29 =	simm.s32 $0x80  }
0x58: {  	[tilespmem:s24], [sflag:$0x3] =	stream.indirect.gather [hbm4b:s4+s22], $0x80, s29, s22, $0xb8;
	[tilespmem:$0x1F000] =	vst v63  }
0x59: {  	_ =	swait.ge [sflag:s25], $0x2000  }
0x5a: {  	[sflag:s25] =	ssyncset.done $0x0  }
0x5b: {  	s29 =	simm.s32 $0x2840;
	[sflag:s25] =	ssyncadd.s32 $0xFFFFE000  }
0x5c: {  	[spmem:s2] =	stream.indirect.scatter.add.f32 [tilespmem:s19], [sflag:$0x4], $0x80, s29, s22, $0xb8;
	[tilespmem:$0x1F000] =	vst v63  }
0x5d: {  	_ =	swait.ge [sflag:s20], $0x2000  }
0x5e: {  	[sflag:s20] =	ssyncset.done $0x0  }
0x5f: {  	s29 =	simm.s32 $0xC0;
	[sflag:s20] =	ssyncadd.s32 $0xFFFFE000  }
0x60: {  	[tilespmem:s19], [sflag:$0x1] =	stream.indirect.gather [hbm4b:s4+s22], $0x80, s29, s22, $0xb8;
	[tilespmem:$0x1F000] =	vst v63  }
0x61: {  	_ =	swait.ge [sflag:s26], $0x2000  }
0x62: {  	[sflag:s26] =	ssyncset.done $0x0  }
0x63: {  	s29 =	simm.s32 $0x2880;
	[sflag:s26] =	ssyncadd.s32 $0xFFFFE000  }
0x64: {  	[spmem:s2] =	stream.indirect.scatter.add.f32 [tilespmem:s23], [sflag:$0x4], $0x80, s29, s22, $0xb8;
	[tilespmem:$0x1F000] =	vst v63  }
0x65: {  	_ =	swait.ge [sflag:s20], $0x2000  }
0x66: {  	[sflag:s20] =	ssyncset.done $0x0  }
0x67: {  	s29 =	simm.s32 $0x100;
	[sflag:s20] =	ssyncadd.s32 $0xFFFFE000  }
0x68: {  	[tilespmem:s23], [sflag:$0x2] =	stream.indirect.gather [hbm4b:s4+s22], $0x80, s29, s22, $0xb8;
	[tilespmem:$0x1F000] =	vst v63  }
0x69: {  	_ =	swait.ge [sflag:s28], $0x2000  }
0x6a: {  	[sflag:s28] =	ssyncset.done $0x0  }
0x6b: {  	s29 =	simm.s32 $0x28C0;
	[sflag:s28] =	ssyncadd.s32 $0xFFFFE000  }
0x6c: {  	[spmem:s2] =	stream.indirect.scatter.add.f32 [tilespmem:s24], [sflag:$0x4], $0x80, s29, s22, $0xb8;
	[tilespmem:$0x1F000] =	vst v63  }
0x6d: {  	_ =	swait.ge [sflag:s20], $0x2000  }
0x6e: {  	s30 =	simm.s32 $0x600;
	s29 =	simm.s32 $0xC0;
	[sflag:s20] =	ssyncset.done $0x0  }
.LBB2_4:
0x6f: {  	s31 =	sadd.s32 $0x80, s29  }
0x70: {  	[sflag:s20] =	ssyncadd.s32 $0xFFFFE000;
	s1 =	smov.u32 s30;
	s0 =	sadd.s32 $0x300, s30  }
0x71: {  	[tilespmem:s24], [sflag:$0x3] =	stream.indirect.gather [hbm4b:s4+s22], $0x80, s31, s22, $0xb8;
	[tilespmem:$0x1F000] =	vst v63  }
0x72: {  	p0 =	sne.s32 s30, $0x9C00;
	_ =	swait.ge [sflag:s25], $0x2000  }
0x73: {  	[sflag:s25] =	ssyncset.done $0x0  }
0x74: {  	s30 =	sadd.s32 $0x2840, s29;
	[sflag:s25] =	ssyncadd.s32 $0xFFFFE000  }
0x75: {  	[spmem:s2] =	stream.indirect.scatter.add.f32 [tilespmem:s19], [sflag:$0x4], $0x80, s30, s22, $0xb8;
	[tilespmem:$0x1F000] =	vst v63  }
0x76: {  	_ =	swait.ge [sflag:s20], $0x2000  }
0x77: {  	[sflag:s20] =	ssyncset.done $0x0  }
0x78: {  	s30 =	sadd.s32 $0xC0, s29;
	[sflag:s20] =	ssyncadd.s32 $0xFFFFE000  }
0x79: {  	[tilespmem:s19], [sflag:$0x1] =	stream.indirect.gather [hbm4b:s4+s22], $0x80, s30, s22, $0xb8;
	[tilespmem:$0x1F000] =	vst v63  }
0x7a: {  	_ =	swait.ge [sflag:s26], $0x2000  }
0x7b: {  	[sflag:s26] =	ssyncset.done $0x0  }
0x7c: {  	s30 =	sadd.s32 $0x2880, s29;
	[sflag:s26] =	ssyncadd.s32 $0xFFFFE000  }
0x7d: {  	[spmem:s2] =	stream.indirect.scatter.add.f32 [tilespmem:s23], [sflag:$0x4], $0x80, s30, s22, $0xb8;
	[tilespmem:$0x1F000] =	vst v63  }
0x7e: {  	_ =	swait.ge [sflag:s20], $0x2000  }
0x7f: {  	[sflag:s20] =	ssyncset.done $0x0  }
0x80: {  	s30 =	sadd.s32 $0x100, s29;
	[sflag:s20] =	ssyncadd.s32 $0xFFFFE000  }
0x81: {  	[tilespmem:s23], [sflag:$0x2] =	stream.indirect.gather [hbm4b:s4+s22], $0x80, s30, s22, $0xb8;
	[tilespmem:$0x1F000] =	vst v63  }
0x82: {  	_ =	swait.ge [sflag:s28], $0x2000  }
.Ltmp1:
0x83: {  	[sflag:s28] =	ssyncset.done $0x0;
	(pc) =	sbr.rel @p0 .LBB2_4-.Ltmp1, $4  }
0x84: {  	s29 =	sadd.s32 $0x28C0, s29;
	[sflag:s28] =	ssyncadd.s32 $0xFFFFE000  }
0x85: {  	[spmem:s2] =	stream.indirect.scatter.add.f32 [tilespmem:s24], [sflag:$0x4], $0x80, s29, s22, $0xb8;
	[tilespmem:$0x1F000] =	vst v63  }
0x86: {  	_ =	swait.ge [sflag:s20], $0x2000  }
0x87: {  	s30 =	smov.u32 s0;
	s29 =	sshra.s32 s1, $0x2;
	[sflag:s20] =	ssyncset.done $0x0  }
0x88: {  	s0 =	sadd.s32 $0x80, s29;
	[sflag:s20] =	ssyncadd.s32 $0xFFFFE000  }
0x89: {  	[tilespmem:s24], [sflag:$0x3] =	stream.indirect.gather [hbm4b:s4+s22], $0x80, s0, s22, $0xb8;
	[tilespmem:$0x1F000] =	vst v63  }
0x8a: {  	_ =	swait.ge [sflag:s25], $0x2000  }
0x8b: {  	[sflag:s25] =	ssyncset.done $0x0  }
0x8c: {  	s1 =	sadd.s32 $0x2840, s29;
	[sflag:s25] =	ssyncadd.s32 $0xFFFFE000  }
0x8d: {  	[spmem:s2] =	stream.indirect.scatter.add.f32 [tilespmem:s19], [sflag:$0x4], $0x80, s1, s22, $0xb8;
	[tilespmem:$0x1F000] =	vst v63  }
0x8e: {  	_ =	swait.ge [sflag:s20], $0x2000  }
0x8f: {  	[sflag:s20] =	ssyncset.done $0x0  }
0x90: {  	s30 =	sadd.s32 $0xC0, s29;
	[sflag:s20] =	ssyncadd.s32 $0xFFFFE000  }
0x91: {  	[tilespmem:s19], [sflag:$0x1] =	stream.indirect.gather [hbm4b:s4+s22], $0x80, s30, s22, $0xb8;
	[tilespmem:$0x1F000] =	vst v63  }
0x92: {  	_ =	swait.ge [sflag:s26], $0x2000  }
0x93: {  	[sflag:s26] =	ssyncset.done $0x0  }
0x94: {  	s31 =	sadd.s32 $0x2880, s29;
	[sflag:s26] =	ssyncadd.s32 $0xFFFFE000  }
0x95: {  	[spmem:s2] =	stream.indirect.scatter.add.f32 [tilespmem:s23], [sflag:$0x4], $0x80, s31, s22, $0xb8;
	[tilespmem:$0x1F000] =	vst v63  }
0x96: {  	_ =	swait.ge [sflag:s20], $0x2000  }
0x97: {  	[sflag:s20] =	ssyncset.done $0x0  }
0x98: {  	s1 =	sadd.s32 $0x100, s29;
	[sflag:s20] =	ssyncadd.s32 $0xFFFFE000  }
0x99: {  	[tilespmem:s23], [sflag:$0x2] =	stream.indirect.gather [hbm4b:s4+s22], $0x80, s1, s22, $0xb8;
	[tilespmem:$0x1F000] =	vst v63  }
0x9a: {  	_ =	swait.ge [sflag:s28], $0x2000  }
0x9b: {  	[sflag:s28] =	ssyncset.done $0x0  }
0x9c: {  	s30 =	sadd.s32 $0x28C0, s29;
	[sflag:s28] =	ssyncadd.s32 $0xFFFFE000  }
0x9d: {  	[spmem:s2] =	stream.indirect.scatter.add.f32 [tilespmem:s24], [sflag:$0x4], $0x80, s30, s22, $0xb8;
	[tilespmem:$0x1F000] =	vst v63  }
0x9e: {  	_ =	swait.ge [sflag:s20], $0x2000  }
0x9f: {  	[sflag:s20] =	ssyncset.done $0x0  }
0xa0: {  	[sflag:s20] =	ssyncadd.s32 $0xFFFFE000  }
0xa1: {  	_ =	swait.ge [sflag:s25], $0x2000  }
0xa2: {  	[sflag:s25] =	ssyncset.done $0x0  }
0xa3: {  	[sflag:s25] =	ssyncadd.s32 $0xFFFFE000  }
0xa4: {  	s31 =	stileid.u32;
	_ =	swait.ge [sflag:s26], $0x2000  }
0xa5: {  	s3 =	sadd.s32 $0x1, s3;
	s0 =	sshll.u32 s31, $0x6;
	[sflag:s26] =	ssyncset.done $0x0  }
0xa6: {  	p0 =	sne.s32 s3, s18;
	s0 =	sor.u32 $0x1C04, s0;
	[sflag:s26] =	ssyncadd.s32 $0xFFFFE000  }
.Ltmp2:
0xa7: {  	s1 =	sshrl.u32 s5, $0x3;
	[bflag:$0x0] =	sbarrier.arrive $0xFFFF;
	(pc) =	sbr.rel @p0 .LBB2_1-.Ltmp2, $4  }
0xa8: {  	[hbm:s17], [sflag:s0] =	dma.local [spmem:s1], $0x2800  }
0xa9: {  	_ =	swait.ge [sflag:s20], $0x2800  }
0xaa: {  	[sflag:s20] =	ssyncset.done $0x0  }
0xab: {  	[sflag:s20] =	ssyncadd.s32 $0xFFFFD800  }
0xac: {  	_ =	sfence.sel $0x180000  }
0xad: {  	[bflag:$0x0] =	sbarrier.arrive $0xFFFF  }
0xae: {  	_ =	strace $0x9000004A  }
0xaf: {  	s0 =	stileid.u32;
	[bflag:$0x2] =	sbarrier.arrive $0xFFFF  }
0xb0: {  	p0 =	sne.s32 s0, $0x0;
	s0 =	rddreg [dreg:$0x3]  }
0xb1: {  	s0 =	sadd.s32 @!p0 $0x100000, s0  }
0xb2: {  	[sflag:s0] =	ssyncadd.tile.s32 @!p0 $0x1;
	_ =	shalt  }
.Lfunc_end2:
_tile_overlayer_lowered:
.L_overlay_start_2:
0xb3: {  	(tag) =	ssettag $0x2  }
0xb4: {  	s0 =	rddreg [dreg:$0x0];
	s2 =	stileid.u32  }
0xb5: {  	s1 =	rddreg [dreg:$0x1];
	p0 =	sne.s32 s2, $0x0  }
0xb6: {  	s3 =	rddreg [dreg:$0x2];
	[bflag:$0x3] =	sbarrier.arrive $0xFFFF;
	s2 =	simm.s32 @!p0 $0x1C04  }
0xb7: {  	[timem:s3], [sflag:s2] =	dma.local @!p0 [hbm:s0], s1  }
0xb8: {  	s0 =	simm.s32 @!p0 $0x4  }
0xb9: {  	_ =	swait.ge @!p0 [sflag:s0], s1  }
0xba: {  	s1 =	ssub.s32 @!p0 $0x0, s1;
	[sflag:s0] =	ssyncset.done @!p0 $0x0  }
0xbb: {  	[sflag:s0] =	ssyncadd.s32 @!p0 s1  }
0xbc: {  	[bflag:$0x3] =	sbarrier.arrive $0xFFFF  }
0xbd: {  	_ =	shalt  }

// kernel: kernel.25.cloned.1.call-start
scs
__scs_entry_jumppad:
0x0: {  	(pc) =	sbr.rel $0x88, $3  }
0x1: {  	(tag) =	ssettag $0x0;
	lr =	simm.s32 $0x1  }
0x2: {  	[smem:$0x3F94] =	sst lr;
	_ =	strace $0xD0000000  }
0x3: {  	_ = 	snop  }
0x4: {  	_ = 	snop  }
0x5: {  	_ = 	snop  }
0x6: {  	_ = 	snop  }
0x7: {  	_ = 	snop  }
__scs_overlays_trampoline_lowered:
0x8: {  	[smem:$0x3FA3] =	sst s0  }
0x9: {  	[smem:$0x3FA4] =	sst s1  }
0xa: {  	[smem:$0x3FA5] =	sst s2  }
0xb: {  	[smem:$0x3FA6] =	sst s3  }
0xc: {  	[smem:$0x3FA7] =	sst s4  }
0xd: {  	[smem:$0x3FA8] =	sst s5  }
0xe: {  	[smem:$0x3FA9] =	sst s6  }
0xf: {  	[smem:$0x3FAA] =	sst s7  }
0x10: {  	[smem:$0x3FAB] =	sst s8  }
0x11: {  	[smem:$0x3FAC] =	sst s9;
	s0 =	simm.s32 @!p0 $0x0  }
0x12: {  	s1 =	sld [smem:$0x3F92];
	s0 =	simm.s32 @p0 $0x1  }
0x13: {  	[smem:$0x3FAD] =	sst s0;
	s0 =	simm.s32 @!p1 $0x0  }
0x14: {  	s2 =	sld [smem:$0x3F91];
	s0 =	simm.s32 @p1 $0x1  }
0x15: {  	[smem:$0x3FAE] =	sst s0;
	s0 =	simm.s32 @!p2 $0x0  }
0x16: {  	s3 =	sld [smem:$0x3FDB];
	s0 =	simm.s32 @p2 $0x1  }
0x17: {  	s4 =	simm.s32 $0x1BF5;
	[smem:$0x3FB0] =	sst s0  }
0x18: {  	s0 =	sld [smem:$0x3F93];
	_ =	swait.ge [sflag:s4], $0x0  }
0x19: {  	s7 =	sld [smem:$0x3F94]  }
0x1a: {  	s8 =	sadd.s32 $0xFFFFE003, lr  }
0x1b: {  	s9 =	sadd.s32 $0xFFFFFEF7, lr;
	s5 =	simm.s32 $0xFFFFFFFF;
	p2 =	slt.u32 s8, $0xFFFFF086  }
0x1c: {  	p1 =	slt.u32 s9, $0xF7A;
	s5 =	simm.s32 @!p2 $0x0  }
0x1d: {  	s5 =	simm.s32 @p1 $0x1;
	p0 =	seq.s32 s7, s2  }
0x1e: {  	s7 =	smul.u32 @!p0 $0xF7A, s2;
	p2 =	seq.s32 @!p0 s5, $0x0  }
0x1f: {  	s9 =	smul.u32 $0xF7A, s1;
	s8 =	simm.s32 @!p0 $0x1BF5;
	p2 =	por !p2, p0  }
0x20: {  	[sflag:s8] =	ssyncset.s32 @!p0 $0xFFFFF086;
	s6 =	sadd.s32 @!p0 s3, s7;
	s7 =	simm.s32 @!p0 $0x108  }
0x21: {  	s3 =	sadd.s32 s3, s9;
	s6 =	sadd.s32 @!p0 $0x88, s6;
	s7 =	simm.s32 @p2 $0x1082  }
0x22: {  	[simem:s7], [sflag:s8] =	dma.local @!p0 [hbm:s6], $0xF7A  }
0x23: {  	s9 =	sor.u32 $0xD0000000, s2;
	s6 =	simm.s32 $0x108;
	_ =	swait.ge @!p0 [sflag:s8], $0x0  }
0x24: {  	s3 =	sadd.s32 $0x88, s3;
	s6 =	simm.s32 @!p1 $0x1082;
	[sflag:s4] =	ssyncset.s32 $0xFFFFF086  }
0x25: {  	[simem:s6], [sflag:s4] =	dma.local [hbm:s3], $0xF7A  }
0x26: {  	[smem:$0x3F94] =	sst s1;
	(tag) =	ssettag s2;
	_ =	strace s9  }
0x27: {  	s1 =	sld [smem:$0x3FA4]  }
0x28: {  	s2 =	sld [smem:$0x3FA5]  }
0x29: {  	s4 =	sld [smem:$0x3FA7]  }
0x2a: {  	p0 =	seq.s32 s5, $0x0;
	s5 =	sld [smem:$0x3FA8]  }
0x2b: {  	s6 =	sld [smem:$0x3FA9]  }
0x2c: {  	s7 =	sld [smem:$0x3FAA]  }
0x2d: {  	s3 =	simm.s32 $0x108;
	s8 =	sld [smem:$0x3FAB]  }
0x2e: {  	s3 =	simm.s32 @!p0 $0x1082;
	s9 =	sld [smem:$0x3FAC]  }
0x2f: {  	lr =	sadd.s32 s0, s3;
	s0 =	sld [smem:$0x3FA3]  }
0x30: {  	s3 =	sld [smem:$0x3FA6]  }
0x31: {  	[smem:$0x3FAF] =	sst s10  }
0x32: {  	s10 =	sld [smem:$0x3FAD];
	_ =	sdelay $0x3  }
0x33: {  	p0 =	seq.s32 s10, $0x1;
	s10 =	sld [smem:$0x3FAF];
	_ =	sdelay $0x3  }
0x34: {  	[smem:$0x3FAF] =	sst s10  }
0x35: {  	s10 =	sld [smem:$0x3FAE];
	_ =	sdelay $0x3  }
0x36: {  	p1 =	seq.s32 s10, $0x1;
	s10 =	sld [smem:$0x3FAF];
	_ =	sdelay $0x3  }
0x37: {  	[smem:$0x3FAF] =	sst s10  }
0x38: {  	s10 =	sld [smem:$0x3FB0]  }
0x39: {  	_ = 	snop;
	(pc) =	sbr.ind lr, $3  }
0x3a: {  	_ = 	snop  }
0x3b: {  	_ = 	snop  }
0x3c: {  	p2 =	seq.s32 s10, $0x1;
	s10 =	sld [smem:$0x3FAF]  }
0x3d: {  	_ =	shalt  }
0x3e: {  	_ =	shalt  }
0x3f: {  	_ =	shalt  }
0x40: {  	_ =	shalt  }
0x41: {  	_ =	shalt  }
0x42: {  	_ =	shalt  }
0x43: {  	_ =	shalt  }
0x44: {  	_ =	shalt  }
0x45: {  	_ =	shalt  }
0x46: {  	_ =	shalt  }
0x47: {  	_ =	shalt  }
0x48: {  	_ =	shalt  }
0x49: {  	_ =	shalt  }
0x4a: {  	_ =	shalt  }
0x4b: {  	_ =	shalt  }
0x4c: {  	_ =	shalt  }
0x4d: {  	_ =	shalt  }
0x4e: {  	_ =	shalt  }
0x4f: {  	_ =	shalt  }
0x50: {  	_ =	shalt  }
0x51: {  	_ =	shalt  }
0x52: {  	_ =	shalt  }
0x53: {  	_ =	shalt  }
0x54: {  	_ =	shalt  }
0x55: {  	_ =	shalt  }
0x56: {  	_ =	shalt  }
0x57: {  	_ =	shalt  }
0x58: {  	_ =	shalt  }
0x59: {  	_ =	shalt  }
0x5a: {  	_ =	shalt  }
0x5b: {  	_ =	shalt  }
0x5c: {  	_ =	shalt  }
0x5d: {  	_ =	shalt  }
0x5e: {  	_ =	shalt  }
0x5f: {  	_ =	shalt  }
0x60: {  	_ =	shalt  }
0x61: {  	_ =	shalt  }
0x62: {  	_ =	shalt  }
0x63: {  	_ =	shalt  }
0x64: {  	_ =	shalt  }
0x65: {  	_ =	shalt  }
0x66: {  	_ =	shalt  }
0x67: {  	_ =	shalt  }
0x68: {  	_ =	shalt  }
0x69: {  	_ =	shalt  }
0x6a: {  	_ =	shalt  }
0x6b: {  	_ =	shalt  }
0x6c: {  	_ =	shalt  }
0x6d: {  	_ =	shalt  }
0x6e: {  	_ =	shalt  }
0x6f: {  	_ =	shalt  }
0x70: {  	_ =	shalt  }
0x71: {  	_ =	shalt  }
0x72: {  	_ =	shalt  }
0x73: {  	_ =	shalt  }
0x74: {  	_ =	shalt  }
0x75: {  	_ =	shalt  }
0x76: {  	_ =	shalt  }
0x77: {  	_ =	shalt  }
0x78: {  	_ =	shalt  }
0x79: {  	_ =	shalt  }
0x7a: {  	_ =	shalt  }
0x7b: {  	_ =	shalt  }
0x7c: {  	_ =	shalt  }
0x7d: {  	_ =	shalt  }
0x7e: {  	_ =	shalt  }
0x7f: {  	_ =	shalt  }
0x80: {  	_ =	shalt  }
0x81: {  	_ =	shalt  }
0x82: {  	_ =	shalt  }
0x83: {  	_ =	shalt  }
0x84: {  	_ =	shalt  }
0x85: {  	_ =	shalt  }
0x86: {  	_ =	shalt  }
0x87: {  	_ =	shalt  }
.Lfunc_end0:
.L_simem_size_0:
called_computation.2_lowered:
.L_overlay_start_0:
0x88: {  	s2 =	sld [smem:$0x3FD9]  }
0x89: {  	s3 =	sld [smem:$0x3FFE];
	_ =	sdelay $0x1  }
0x8a: {  	s1 =	srdreg.scid  }
0x8b: {  	s0 =	sand.u32 $0x1, s1  }
0x8c: {  	s17 =	sshll.u32 s0, $0xA;
	s2 =	sadd.s32 s3, s2  }
0x8d: {  	s2 =	sadd.s32 s2, s17  }
0x8e: {  	[smem:$0x3FBB] =	sst s2  }
0x8f: {  	_ = 	snop  }
0x90: {  	s2 =	sld [smem:$0x3FD0];
	(tm) =	ssettm $0x1  }
0x91: {  	s18 =	sld [smem:$0x3FFB];
	_ =	sdelay $0x3  }
0x92: {  	_ =	strace s18  }
0x93: {  	s3 =	sld [smem:$0x3FFC];
	_ =	sdelay $0x3  }
0x94: {  	_ =	strace s3  }
0x95: {  	s3 =	sld [smem:$0x3FFD];
	_ =	sdelay $0x3  }
0x96: {  	_ =	strace s3  }
0x97: {  	_ =	strace $0x8FFFFFFF  }
0x98: {  	s19 =	sld [smem:$0x3FDB];
	_ =	sdelay $0x1  }
0x99: {  	s4 =	simm.s32 $_scs_section_size  }
0x9a: {  	s5 =	simm.s32 $_size__tile_overlayer_lowered;
	s6 =	simm.s32 $_tile_overlayer_lowered  }
0x9b: {  	s22 =	simm.s32 $0x1BFF;
	s21 =	sshll.u32 s6, $0x1;
	s3 =	sadd.s32 s4, s19  }
0x9c: {  	s7 =	simm.s32 $0x0;
	s20 =	sshll.u32 s5, $0x1;
	s5 =	sadd.s32 s21, s3  }
0x9d: {  	[timem:s7], [sflag:s22] =	dma.local [hbm:s5], s20  }
0x9e: {  	_ =	swait.ge [sflag:s22], s20  }
0x9f: {  	s4 =	ssub.s32 $0x0, s20;
	[sflag:s22] =	ssyncset.done $0x0  }
0xa0: {  	[sflag:s22] =	ssyncadd.s32 s4;
	_ =	sdelay $0x1  }
0xa1: {  	s23 =	simm.s32 $0x1B8B  }
0xa2: {  	_ =	swait.ge [sflag:s23], $0x1  }
0xa3: {  	[sflag:s23] =	ssyncset.done $0x0  }
0xa4: {  	s25 =	simm.s32 $0x1B8E;
	s24 =	sld [smem:$0x3FFE];
	[sflag:s23] =	ssyncadd.s32 $0xFFFFFFFF  }
0xa5: {  	s26 =	simm.s32 $execute0_lowered;
	[smem:$0x3FD2] =	sst s25  }
0xa6: {  	s5 =	sshll.u32 s26, $0x1;
	_ =	strace $0x8000004C;
	[dreg:$0x1] =	wrdreg $0xFFFFFFFF  }
0xa7: {  	s28 =	simm.s32 $_size_execute0_lowered;
	s3 =	sadd.s32 s3, s5;
	[dreg:$0x0] =	wrdreg $0x0  }
0xa8: {  	s5 =	sshll.u32 s28, $0x1;
	[dreg:$0x2] =	wrdreg s3  }
0xa9: {  	[dreg:$0x3] =	wrdreg s5  }
0xaa: {  	[dreg:$0x4] =	wrdreg $0xC0  }
0xab: {  	_ =	task [dreg:s7], $0x5FFFF  }
0xac: {  	[dreg:$0x1] =	wrdreg $0xFFFFFFFF  }
0xad: {  	[dreg:$0x0] =	wrdreg $0x60  }
0xae: {  	[dreg:$0x2] =	wrdreg s24  }
0xaf: {  	[dreg:$0x3] =	wrdreg s2  }
0xb0: {  	[dreg:$0x4] =	wrdreg $0xB0000  }
0xb1: {  	[dreg:$0x5] =	wrdreg $0x9  }
0xb2: {  	_ =	task.clear_ibuf [dreg:s7], $0x6FFFF;
	_ =	strace $0x9000004C  }
0xb3: {  	s29 =	simm.s32 $0x9;
	_ =	strace $0x8000004E  }
0xb4: {  	_ =	swait.ge [sflag:s29], $0x1  }
0xb5: {  	[sflag:s29] =	ssyncadd.s32 $0xFFFFFFFF  }
0xb6: {  	_ =	strace $0x9000004E  }
0xb7: {  	_ =	sfence  }
0xb8: {  	s30 =	sld [smem:$0x0];
	_ =	sdelay $0x2  }
0xb9: {  	s31 =	sshll.u32 s1, $0xD;
	s1 =	sshrl.u32 s1, $0x2  }
0xba: {  	s3 =	sand.u32 $0x4000, s31;
	s1 =	sadd.s32 s1, s30  }
0xbb: {  	s0 =	sor.u32 s3, s0;
	s1 =	sshll.u32 s1, $0x11  }
0xbc: {  	s0 =	sor.u32 s1, s0  }
0xbd: {  	s0 =	sadd.s32 $0x8F2B, s0  }
0xbe: {  	[sflag:s0] =	ssyncadd.remote.s32 $0x1  }
0xbf: {  	_ =	sfence.sel $0xFFFF  }
0xc0: {  	[dreg:$0x0] =	wrdreg $0xFFFFFFFF;
	(pc) =	sbr.abs _section_cstart, $3  }
0xc1: {  	[dreg:$0x1] =	wrdreg $0xFFFFFFFF  }
0xc2: {  	_ =	task.clear_ibuf [dreg:s7], $0x2FFFF;
	_ =	strace $0x9FFFFFFF  }
0xc3: {  	(tm) =	ssettm $0x7FFFFFFF  }
tec
execute0_lowered:
.L_overlay_start_1:
0x0: {  	(tag) =	ssettag $0x1  }
0x1: {  	s0 =	srdreg.scid;
	s6 =	rddreg [dreg:$0x0]  }
0x2: {  	s29 =	stileid.u32;
	s15 =	rddreg [dreg:$0x1]  }
0x3: {  	s2 =	rddreg [dreg:$0x2];
	s3 =	simm.s32 $0x0;
	s20 =	simm.s32 $0x4  }
0x4: {  	s21 =	simm.s32 $0x2840;
	s22 =	simm.s32 $0x40;
	s23 =	simm.s32 $0x7000  }
0x5: {  	s24 =	simm.s32 $0x9000;
	s25 =	simm.s32 $0x1;
	s26 =	simm.s32 $0x2  }
0x6: {  	s28 =	simm.s32 $0x3;
	s5 =	sand.u32 $0x1, s0;
	s8 =	smul.u32 $0x14000, s29  }
0x7: {  	[smem:$0x7FF] =	sst s3;
	s4 =	sadd.s32 $0x1E600, s6;
	s11 =	smul.u32 $0x50000, s29  }
0x8: {  	s1 =	sshll.u32 s5, $0x4;
	s9 =	smul.u32 $0x140000, s5;
	s5 =	ssub.s32 $0x2, s5  }
0x9: {  	_ =	strace $0x8000004D;
	s10 =	sor.u32 s29, s1;
	s31 =	sshrl.u32 s5, $0x1  }
0xa: {  	s11 =	sshrl.u32 s11, $0x2;
	s7 =	smul.u32 $0x4F8, s10;
	s30 =	sadd.s32 s8, s9  }
0xb: {  	s18 =	ssub.s32 s5, s31;
	s14 =	sadd.s32 s11, s2;
	s5 =	sadd.s32 s8, s2  }
0xc: {  	s19 =	smul.u32 $0x508, s10;
	s8 =	sadd.s32 $0x6000, s14;
	s9 =	sadd.s32 $0x8000, s14  }
0xd: {  	s10 =	sadd.s32 $0xA000, s14;
	s11 =	sadd.s32 $0xC000, s14;
	s12 =	sadd.s32 $0xE000, s14  }
0xe: {  	s13 =	sadd.s32 $0x10000, s14;
	s18 =	smax.u32 s18, $0x1;
	s16 =	sadd.s32 s7, s6  }
0xf: {  	s7 =	sshrl.u32 s30, $0x3;
	s15 =	sadd.s32 s15, s19;
	s19 =	simm.s32 $0x5000  }
0x10: {  	s17 =	sadd.s32 s7, s6;
	s6 =	sadd.s32 $0x2000, s14;
	s7 =	sadd.s32 $0x4000, s14  }
0x11: {  	v0 =	vimm.f32 $0.0e+00;
	s14 =	sadd.s32 $0x12000, s14;
	s16 =	sadd.s32 $0x14600, s16;
	s17 =	sadd.s32 $0x9E600, s17  }
.LBB2_1:
0x12: {  	s29 =	simm.s32 $0x0;
	s30 =	simm.s32 $0x200  }
.LBB2_2:
0x13: {  	p0 =	sne.s32 s30, $0x7E00;
	[tilespmem:s29+$0x5070] =	vst v0  }
0x14: {  	[tilespmem:s29+$0x5000] =	vst v0  }
0x15: {  	[tilespmem:s29+$0x5010] =	vst v0  }
.Ltmp0:
0x16: {  	[tilespmem:s29+$0x5020] =	vst v0;
	(pc) =	sbr.rel @p0 .LBB2_2-.Ltmp0, $4  }
0x17: {  	[tilespmem:s29+$0x5030] =	vst v0  }
0x18: {  	[tilespmem:s29+$0x5040] =	vst v0  }
0x19: {  	[tilespmem:s29+$0x5050] =	vst v0  }
0x1a: {  	[tilespmem:s29+$0x5060] =	vst v0;
	s29 =	sshra.s32 s30, $0x2;
	s30 =	sadd.s32 $0x200, s30  }
0x1b: {  	[tilespmem:s29+$0x5070] =	vst v0  }
0x1c: {  	[tilespmem:s29+$0x5000] =	vst v0  }
0x1d: {  	[tilespmem:s29+$0x5010] =	vst v0  }
0x1e: {  	[tilespmem:s29+$0x5020] =	vst v0  }
0x1f: {  	[tilespmem:s29+$0x5030] =	vst v0  }
0x20: {  	[tilespmem:s29+$0x5040] =	vst v0  }
0x21: {  	[tilespmem:s29+$0x5050] =	vst v0  }
0x22: {  	[tilespmem:s29+$0x5060] =	vst v0  }
0x23: {  	[spmem:s5] =	stream.linear.scatter [tilespmem:s19], [sflag:$0x4], $0x2000, $0x38;
	[tilespmem:$0x1F000] =	vst v63  }
0x24: {  	_ =	swait.ge [sflag:s20], $0x2000  }
0x25: {  	[sflag:s20] =	ssyncset.done $0x0  }
0x26: {  	[sflag:s20] =	ssyncadd.s32 $0xFFFFE000  }
0x27: {  	[spmem:s6] =	stream.linear.scatter [tilespmem:s19], [sflag:$0x4], $0x2000, $0x38;
	[tilespmem:$0x1F000] =	vst v63  }
0x28: {  	_ =	swait.ge [sflag:s20], $0x2000  }
0x29: {  	[sflag:s20] =	ssyncset.done $0x0  }
0x2a: {  	[sflag:s20] =	ssyncadd.s32 $0xFFFFE000  }
0x2b: {  	[spmem:s7] =	stream.linear.scatter [tilespmem:s19], [sflag:$0x4], $0x2000, $0x38;
	[tilespmem:$0x1F000] =	vst v63  }
0x2c: {  	_ =	swait.ge [sflag:s20], $0x2000  }
0x2d: {  	[sflag:s20] =	ssyncset.done $0x0  }
0x2e: {  	[sflag:s20] =	ssyncadd.s32 $0xFFFFE000  }
0x2f: {  	[spmem:s8] =	stream.linear.scatter [tilespmem:s19], [sflag:$0x4], $0x2000, $0x38;
	[tilespmem:$0x1F000] =	vst v63  }
0x30: {  	_ =	swait.ge [sflag:s20], $0x2000  }
0x31: {  	[sflag:s20] =	ssyncset.done $0x0  }
0x32: {  	[sflag:s20] =	ssyncadd.s32 $0xFFFFE000  }
0x33: {  	[spmem:s9] =	stream.linear.scatter [tilespmem:s19], [sflag:$0x4], $0x2000, $0x38;
	[tilespmem:$0x1F000] =	vst v63  }
0x34: {  	_ =	swait.ge [sflag:s20], $0x2000  }
0x35: {  	[sflag:s20] =	ssyncset.done $0x0  }
0x36: {  	[sflag:s20] =	ssyncadd.s32 $0xFFFFE000  }
0x37: {  	[spmem:s10] =	stream.linear.scatter [tilespmem:s19], [sflag:$0x4], $0x2000, $0x38;
	[tilespmem:$0x1F000] =	vst v63  }
0x38: {  	_ =	swait.ge [sflag:s20], $0x2000  }
0x39: {  	[sflag:s20] =	ssyncset.done $0x0  }
0x3a: {  	[sflag:s20] =	ssyncadd.s32 $0xFFFFE000  }
0x3b: {  	[spmem:s11] =	stream.linear.scatter [tilespmem:s19], [sflag:$0x4], $0x2000, $0x38;
	[tilespmem:$0x1F000] =	vst v63  }
0x3c: {  	_ =	swait.ge [sflag:s20], $0x2000  }
0x3d: {  	[sflag:s20] =	ssyncset.done $0x0  }
0x3e: {  	[sflag:s20] =	ssyncadd.s32 $0xFFFFE000  }
0x3f: {  	[spmem:s12] =	stream.linear.scatter [tilespmem:s19], [sflag:$0x4], $0x2000, $0x38;
	[tilespmem:$0x1F000] =	vst v63  }
0x40: {  	_ =	swait.ge [sflag:s20], $0x2000  }
0x41: {  	[sflag:s20] =	ssyncset.done $0x0  }
0x42: {  	[sflag:s20] =	ssyncadd.s32 $0xFFFFE000  }
0x43: {  	[spmem:s13] =	stream.linear.scatter [tilespmem:s19], [sflag:$0x4], $0x2000, $0x38;
	[tilespmem:$0x1F000] =	vst v63  }
0x44: {  	_ =	swait.ge [sflag:s20], $0x2000  }
0x45: {  	[sflag:s20] =	ssyncset.done $0x0  }
0x46: {  	[sflag:s20] =	ssyncadd.s32 $0xFFFFE000  }
0x47: {  	[spmem:s14] =	stream.linear.scatter [tilespmem:s19], [sflag:$0x4], $0x2000, $0x38;
	[tilespmem:$0x1F000] =	vst v63  }
0x48: {  	_ =	swait.ge [sflag:s20], $0x2000  }
0x49: {  	[sflag:s20] =	ssyncset.done $0x0  }
0x4a: {  	[sflag:s20] =	ssyncadd.s32 $0xFFFFE000  }
0x4b: {  	s29 =	simm.s32 $0x0;
	[bflag:$0x0] =	sbarrier.arrive $0xFFFF  }
0x4c: {  	[tilespmem:s29], [sflag:$0x4] =	stream.linear.gather [hbm4b:s15+s29], $0x2840, $0x38;
	[tilespmem:$0x1F000] =	vst v63  }
0x4d: {  	_ =	swait.ge [sflag:s20], $0x2840  }
0x4e: {  	[sflag:s20] =	ssyncset.done $0x0  }
0x4f: {  	[sflag:s20] =	ssyncadd.s32 $0xFFFFD7C0  }
0x50: {  	[tilespmem:s21], [sflag:$0x4] =	stream.linear.gather [hbm4b:s16+s29], $0x27C0, $0x38;
	[tilespmem:$0x1F000] =	vst v63  }
0x51: {  	_ =	swait.ge [sflag:s20], $0x27C0  }
0x52: {  	[sflag:s20] =	ssyncset.done $0x0  }
0x53: {  	[sflag:s20] =	ssyncadd.s32 $0xFFFFD840  }
0x54: {  	[tilespmem:s19], [sflag:$0x1] =	stream.indirect.gather [hbm4b:s4+s22], $0x80, s29, s22, $0xb8;
	[tilespmem:$0x1F000] =	vst v63  }
0x55: {  	_ = 	snop  }
0x56: {  	[tilespmem:s23], [sflag:$0x2] =	stream.indirect.gather [hbm4b:s4+s22], $0x80, s22, s22, $0xb8;
	[tilespmem:$0x1F000] =	vst v63  }
0x57: {  	s29 =	simm.s32 $0x80  }
0x58: {  	[tilespmem:s24], [sflag:$0x3] =	stream.indirect.gather [hbm4b:s4+s22], $0x80, s29, s22, $0xb8;
	[tilespmem:$0x1F000] =	vst v63  }
0x59: {  	_ =	swait.ge [sflag:s25], $0x2000  }
0x5a: {  	[sflag:s25] =	ssyncset.done $0x0  }
0x5b: {  	s29 =	simm.s32 $0x2840;
	[sflag:s25] =	ssyncadd.s32 $0xFFFFE000  }
0x5c: {  	[spmem:s2] =	stream.indirect.scatter.add.f32 [tilespmem:s19], [sflag:$0x4], $0x80, s29, s22, $0xb8;
	[tilespmem:$0x1F000] =	vst v63  }
0x5d: {  	_ =	swait.ge [sflag:s20], $0x2000  }
0x5e: {  	[sflag:s20] =	ssyncset.done $0x0  }
0x5f: {  	s29 =	simm.s32 $0xC0;
	[sflag:s20] =	ssyncadd.s32 $0xFFFFE000  }
0x60: {  	[tilespmem:s19], [sflag:$0x1] =	stream.indirect.gather [hbm4b:s4+s22], $0x80, s29, s22, $0xb8;
	[tilespmem:$0x1F000] =	vst v63  }
0x61: {  	_ =	swait.ge [sflag:s26], $0x2000  }
0x62: {  	[sflag:s26] =	ssyncset.done $0x0  }
0x63: {  	s29 =	simm.s32 $0x2880;
	[sflag:s26] =	ssyncadd.s32 $0xFFFFE000  }
0x64: {  	[spmem:s2] =	stream.indirect.scatter.add.f32 [tilespmem:s23], [sflag:$0x4], $0x80, s29, s22, $0xb8;
	[tilespmem:$0x1F000] =	vst v63  }
0x65: {  	_ =	swait.ge [sflag:s20], $0x2000  }
0x66: {  	[sflag:s20] =	ssyncset.done $0x0  }
0x67: {  	s29 =	simm.s32 $0x100;
	[sflag:s20] =	ssyncadd.s32 $0xFFFFE000  }
0x68: {  	[tilespmem:s23], [sflag:$0x2] =	stream.indirect.gather [hbm4b:s4+s22], $0x80, s29, s22, $0xb8;
	[tilespmem:$0x1F000] =	vst v63  }
0x69: {  	_ =	swait.ge [sflag:s28], $0x2000  }
0x6a: {  	[sflag:s28] =	ssyncset.done $0x0  }
0x6b: {  	s29 =	simm.s32 $0x28C0;
	[sflag:s28] =	ssyncadd.s32 $0xFFFFE000  }
0x6c: {  	[spmem:s2] =	stream.indirect.scatter.add.f32 [tilespmem:s24], [sflag:$0x4], $0x80, s29, s22, $0xb8;
	[tilespmem:$0x1F000] =	vst v63  }
0x6d: {  	_ =	swait.ge [sflag:s20], $0x2000  }
0x6e: {  	s30 =	simm.s32 $0x600;
	s29 =	simm.s32 $0xC0;
	[sflag:s20] =	ssyncset.done $0x0  }
.LBB2_4:
0x6f: {  	s31 =	sadd.s32 $0x80, s29  }
0x70: {  	[sflag:s20] =	ssyncadd.s32 $0xFFFFE000;
	s1 =	smov.u32 s30;
	s0 =	sadd.s32 $0x300, s30  }
0x71: {  	[tilespmem:s24], [sflag:$0x3] =	stream.indirect.gather [hbm4b:s4+s22], $0x80, s31, s22, $0xb8;
	[tilespmem:$0x1F000] =	vst v63  }
0x72: {  	p0 =	sne.s32 s30, $0x9C00;
	_ =	swait.ge [sflag:s25], $0x2000  }
0x73: {  	[sflag:s25] =	ssyncset.done $0x0  }
0x74: {  	s30 =	sadd.s32 $0x2840, s29;
	[sflag:s25] =	ssyncadd.s32 $0xFFFFE000  }
0x75: {  	[spmem:s2] =	stream.indirect.scatter.add.f32 [tilespmem:s19], [sflag:$0x4], $0x80, s30, s22, $0xb8;
	[tilespmem:$0x1F000] =	vst v63  }
0x76: {  	_ =	swait.ge [sflag:s20], $0x2000  }
0x77: {  	[sflag:s20] =	ssyncset.done $0x0  }
0x78: {  	s30 =	sadd.s32 $0xC0, s29;
	[sflag:s20] =	ssyncadd.s32 $0xFFFFE000  }
0x79: {  	[tilespmem:s19], [sflag:$0x1] =	stream.indirect.gather [hbm4b:s4+s22], $0x80, s30, s22, $0xb8;
	[tilespmem:$0x1F000] =	vst v63  }
0x7a: {  	_ =	swait.ge [sflag:s26], $0x2000  }
0x7b: {  	[sflag:s26] =	ssyncset.done $0x0  }
0x7c: {  	s30 =	sadd.s32 $0x2880, s29;
	[sflag:s26] =	ssyncadd.s32 $0xFFFFE000  }
0x7d: {  	[spmem:s2] =	stream.indirect.scatter.add.f32 [tilespmem:s23], [sflag:$0x4], $0x80, s30, s22, $0xb8;
	[tilespmem:$0x1F000] =	vst v63  }
0x7e: {  	_ =	swait.ge [sflag:s20], $0x2000  }
0x7f: {  	[sflag:s20] =	ssyncset.done $0x0  }
0x80: {  	s30 =	sadd.s32 $0x100, s29;
	[sflag:s20] =	ssyncadd.s32 $0xFFFFE000  }
0x81: {  	[tilespmem:s23], [sflag:$0x2] =	stream.indirect.gather [hbm4b:s4+s22], $0x80, s30, s22, $0xb8;
	[tilespmem:$0x1F000] =	vst v63  }
0x82: {  	_ =	swait.ge [sflag:s28], $0x2000  }
.Ltmp1:
0x83: {  	[sflag:s28] =	ssyncset.done $0x0;
	(pc) =	sbr.rel @p0 .LBB2_4-.Ltmp1, $4  }
0x84: {  	s29 =	sadd.s32 $0x28C0, s29;
	[sflag:s28] =	ssyncadd.s32 $0xFFFFE000  }
0x85: {  	[spmem:s2] =	stream.indirect.scatter.add.f32 [tilespmem:s24], [sflag:$0x4], $0x80, s29, s22, $0xb8;
	[tilespmem:$0x1F000] =	vst v63  }
0x86: {  	_ =	swait.ge [sflag:s20], $0x2000  }
0x87: {  	s30 =	smov.u32 s0;
	s29 =	sshra.s32 s1, $0x2;
	[sflag:s20] =	ssyncset.done $0x0  }
0x88: {  	s0 =	sadd.s32 $0x80, s29;
	[sflag:s20] =	ssyncadd.s32 $0xFFFFE000  }
0x89: {  	[tilespmem:s24], [sflag:$0x3] =	stream.indirect.gather [hbm4b:s4+s22], $0x80, s0, s22, $0xb8;
	[tilespmem:$0x1F000] =	vst v63  }
0x8a: {  	_ =	swait.ge [sflag:s25], $0x2000  }
0x8b: {  	[sflag:s25] =	ssyncset.done $0x0  }
0x8c: {  	s1 =	sadd.s32 $0x2840, s29;
	[sflag:s25] =	ssyncadd.s32 $0xFFFFE000  }
0x8d: {  	[spmem:s2] =	stream.indirect.scatter.add.f32 [tilespmem:s19], [sflag:$0x4], $0x80, s1, s22, $0xb8;
	[tilespmem:$0x1F000] =	vst v63  }
0x8e: {  	_ =	swait.ge [sflag:s20], $0x2000  }
0x8f: {  	[sflag:s20] =	ssyncset.done $0x0  }
0x90: {  	s30 =	sadd.s32 $0xC0, s29;
	[sflag:s20] =	ssyncadd.s32 $0xFFFFE000  }
0x91: {  	[tilespmem:s19], [sflag:$0x1] =	stream.indirect.gather [hbm4b:s4+s22], $0x80, s30, s22, $0xb8;
	[tilespmem:$0x1F000] =	vst v63  }
0x92: {  	_ =	swait.ge [sflag:s26], $0x2000  }
0x93: {  	[sflag:s26] =	ssyncset.done $0x0  }
0x94: {  	s31 =	sadd.s32 $0x2880, s29;
	[sflag:s26] =	ssyncadd.s32 $0xFFFFE000  }
0x95: {  	[spmem:s2] =	stream.indirect.scatter.add.f32 [tilespmem:s23], [sflag:$0x4], $0x80, s31, s22, $0xb8;
	[tilespmem:$0x1F000] =	vst v63  }
0x96: {  	_ =	swait.ge [sflag:s20], $0x2000  }
0x97: {  	[sflag:s20] =	ssyncset.done $0x0  }
0x98: {  	s1 =	sadd.s32 $0x100, s29;
	[sflag:s20] =	ssyncadd.s32 $0xFFFFE000  }
0x99: {  	[tilespmem:s23], [sflag:$0x2] =	stream.indirect.gather [hbm4b:s4+s22], $0x80, s1, s22, $0xb8;
	[tilespmem:$0x1F000] =	vst v63  }
0x9a: {  	_ =	swait.ge [sflag:s28], $0x2000  }
0x9b: {  	[sflag:s28] =	ssyncset.done $0x0  }
0x9c: {  	s30 =	sadd.s32 $0x28C0, s29;
	[sflag:s28] =	ssyncadd.s32 $0xFFFFE000  }
0x9d: {  	[spmem:s2] =	stream.indirect.scatter.add.f32 [tilespmem:s24], [sflag:$0x4], $0x80, s30, s22, $0xb8;
	[tilespmem:$0x1F000] =	vst v63  }
0x9e: {  	_ =	swait.ge [sflag:s20], $0x2000  }
0x9f: {  	[sflag:s20] =	ssyncset.done $0x0  }
0xa0: {  	[sflag:s20] =	ssyncadd.s32 $0xFFFFE000  }
0xa1: {  	_ =	swait.ge [sflag:s25], $0x2000  }
0xa2: {  	[sflag:s25] =	ssyncset.done $0x0  }
0xa3: {  	[sflag:s25] =	ssyncadd.s32 $0xFFFFE000  }
0xa4: {  	s31 =	stileid.u32;
	_ =	swait.ge [sflag:s26], $0x2000  }
0xa5: {  	s3 =	sadd.s32 $0x1, s3;
	s0 =	sshll.u32 s31, $0x6;
	[sflag:s26] =	ssyncset.done $0x0  }
0xa6: {  	p0 =	sne.s32 s3, s18;
	s0 =	sor.u32 $0x1C04, s0;
	[sflag:s26] =	ssyncadd.s32 $0xFFFFE000  }
.Ltmp2:
0xa7: {  	s1 =	sshrl.u32 s5, $0x3;
	[bflag:$0x0] =	sbarrier.arrive $0xFFFF;
	(pc) =	sbr.rel @p0 .LBB2_1-.Ltmp2, $4  }
0xa8: {  	[hbm:s17], [sflag:s0] =	dma.local [spmem:s1], $0x2800  }
0xa9: {  	_ =	swait.ge [sflag:s20], $0x2800  }
0xaa: {  	[sflag:s20] =	ssyncset.done $0x0  }
0xab: {  	[sflag:s20] =	ssyncadd.s32 $0xFFFFD800  }
0xac: {  	_ =	sfence.sel $0x180000  }
0xad: {  	[bflag:$0x0] =	sbarrier.arrive $0xFFFF  }
0xae: {  	_ =	strace $0x9000004D  }
0xaf: {  	s0 =	stileid.u32;
	[bflag:$0x2] =	sbarrier.arrive $0xFFFF  }
0xb0: {  	p0 =	sne.s32 s0, $0x0;
	s0 =	rddreg [dreg:$0x3]  }
0xb1: {  	s0 =	sadd.s32 @!p0 $0x100000, s0  }
0xb2: {  	[sflag:s0] =	ssyncadd.tile.s32 @!p0 $0x1;
	_ =	shalt  }
.Lfunc_end2:
_tile_overlayer_lowered:
.L_overlay_start_2:
0xb3: {  	(tag) =	ssettag $0x2  }
0xb4: {  	s0 =	rddreg [dreg:$0x0];
	s2 =	stileid.u32  }
0xb5: {  	s1 =	rddreg [dreg:$0x1];
	p0 =	sne.s32 s2, $0x0  }
0xb6: {  	s3 =	rddreg [dreg:$0x2];
	[bflag:$0x3] =	sbarrier.arrive $0xFFFF;
	s2 =	simm.s32 @!p0 $0x1C04  }
0xb7: {  	[timem:s3], [sflag:s2] =	dma.local @!p0 [hbm:s0], s1  }
0xb8: {  	s0 =	simm.s32 @!p0 $0x4  }
0xb9: {  	_ =	swait.ge @!p0 [sflag:s0], s1  }
0xba: {  	s1 =	ssub.s32 @!p0 $0x0, s1;
	[sflag:s0] =	ssyncset.done @!p0 $0x0  }
0xbb: {  	[sflag:s0] =	ssyncadd.s32 @!p0 s1  }
0xbc: {  	[bflag:$0x3] =	sbarrier.arrive $0xFFFF  }
0xbd: {  	_ =	shalt  }

// kernel: kernel.28.cloned.1.call-start
scs
__scs_entry_jumppad:
0x0: {  	(pc) =	sbr.rel $0x88, $3  }
0x1: {  	(tag) =	ssettag $0x0;
	lr =	simm.s32 $0x1  }
0x2: {  	[smem:$0x3F94] =	sst lr;
	_ =	strace $0xD0000000  }
0x3: {  	_ = 	snop  }
0x4: {  	_ = 	snop  }
0x5: {  	_ = 	snop  }
0x6: {  	_ = 	snop  }
0x7: {  	_ = 	snop  }
__scs_overlays_trampoline_lowered:
0x8: {  	[smem:$0x3FA3] =	sst s0  }
0x9: {  	[smem:$0x3FA4] =	sst s1  }
0xa: {  	[smem:$0x3FA5] =	sst s2  }
0xb: {  	[smem:$0x3FA6] =	sst s3  }
0xc: {  	[smem:$0x3FA7] =	sst s4  }
0xd: {  	[smem:$0x3FA8] =	sst s5  }
0xe: {  	[smem:$0x3FA9] =	sst s6  }
0xf: {  	[smem:$0x3FAA] =	sst s7  }
0x10: {  	[smem:$0x3FAB] =	sst s8  }
0x11: {  	[smem:$0x3FAC] =	sst s9;
	s0 =	simm.s32 @!p0 $0x0  }
0x12: {  	s1 =	sld [smem:$0x3F92];
	s0 =	simm.s32 @p0 $0x1  }
0x13: {  	[smem:$0x3FAD] =	sst s0;
	s0 =	simm.s32 @!p1 $0x0  }
0x14: {  	s2 =	sld [smem:$0x3F91];
	s0 =	simm.s32 @p1 $0x1  }
0x15: {  	[smem:$0x3FAE] =	sst s0;
	s0 =	simm.s32 @!p2 $0x0  }
0x16: {  	s3 =	sld [smem:$0x3FDB];
	s0 =	simm.s32 @p2 $0x1  }
0x17: {  	s4 =	simm.s32 $0x1BF5;
	[smem:$0x3FB0] =	sst s0  }
0x18: {  	s0 =	sld [smem:$0x3F93];
	_ =	swait.ge [sflag:s4], $0x0  }
0x19: {  	s7 =	sld [smem:$0x3F94]  }
0x1a: {  	s8 =	sadd.s32 $0xFFFFE003, lr  }
0x1b: {  	s9 =	sadd.s32 $0xFFFFFEF7, lr;
	s5 =	simm.s32 $0xFFFFFFFF;
	p2 =	slt.u32 s8, $0xFFFFF086  }
0x1c: {  	p1 =	slt.u32 s9, $0xF7A;
	s5 =	simm.s32 @!p2 $0x0  }
0x1d: {  	s5 =	simm.s32 @p1 $0x1;
	p0 =	seq.s32 s7, s2  }
0x1e: {  	s7 =	smul.u32 @!p0 $0xF7A, s2;
	p2 =	seq.s32 @!p0 s5, $0x0  }
0x1f: {  	s9 =	smul.u32 $0xF7A, s1;
	s8 =	simm.s32 @!p0 $0x1BF5;
	p2 =	por !p2, p0  }
0x20: {  	[sflag:s8] =	ssyncset.s32 @!p0 $0xFFFFF086;
	s6 =	sadd.s32 @!p0 s3, s7;
	s7 =	simm.s32 @!p0 $0x108  }
0x21: {  	s3 =	sadd.s32 s3, s9;
	s6 =	sadd.s32 @!p0 $0x88, s6;
	s7 =	simm.s32 @p2 $0x1082  }
0x22: {  	[simem:s7], [sflag:s8] =	dma.local @!p0 [hbm:s6], $0xF7A  }
0x23: {  	s9 =	sor.u32 $0xD0000000, s2;
	s6 =	simm.s32 $0x108;
	_ =	swait.ge @!p0 [sflag:s8], $0x0  }
0x24: {  	s3 =	sadd.s32 $0x88, s3;
	s6 =	simm.s32 @!p1 $0x1082;
	[sflag:s4] =	ssyncset.s32 $0xFFFFF086  }
0x25: {  	[simem:s6], [sflag:s4] =	dma.local [hbm:s3], $0xF7A  }
0x26: {  	[smem:$0x3F94] =	sst s1;
	(tag) =	ssettag s2;
	_ =	strace s9  }
0x27: {  	s1 =	sld [smem:$0x3FA4]  }
0x28: {  	s2 =	sld [smem:$0x3FA5]  }
0x29: {  	s4 =	sld [smem:$0x3FA7]  }
0x2a: {  	p0 =	seq.s32 s5, $0x0;
	s5 =	sld [smem:$0x3FA8]  }
0x2b: {  	s6 =	sld [smem:$0x3FA9]  }
0x2c: {  	s7 =	sld [smem:$0x3FAA]  }
0x2d: {  	s3 =	simm.s32 $0x108;
	s8 =	sld [smem:$0x3FAB]  }
0x2e: {  	s3 =	simm.s32 @!p0 $0x1082;
	s9 =	sld [smem:$0x3FAC]  }
0x2f: {  	lr =	sadd.s32 s0, s3;
	s0 =	sld [smem:$0x3FA3]  }
0x30: {  	s3 =	sld [smem:$0x3FA6]  }
0x31: {  	[smem:$0x3FAF] =	sst s10  }
0x32: {  	s10 =	sld [smem:$0x3FAD];
	_ =	sdelay $0x3  }
0x33: {  	p0 =	seq.s32 s10, $0x1;
	s10 =	sld [smem:$0x3FAF];
	_ =	sdelay $0x3  }
0x34: {  	[smem:$0x3FAF] =	sst s10  }
0x35: {  	s10 =	sld [smem:$0x3FAE];
	_ =	sdelay $0x3  }
0x36: {  	p1 =	seq.s32 s10, $0x1;
	s10 =	sld [smem:$0x3FAF];
	_ =	sdelay $0x3  }
0x37: {  	[smem:$0x3FAF] =	sst s10  }
0x38: {  	s10 =	sld [smem:$0x3FB0]  }
0x39: {  	_ = 	snop;
	(pc) =	sbr.ind lr, $3  }
0x3a: {  	_ = 	snop  }
0x3b: {  	_ = 	snop  }
0x3c: {  	p2 =	seq.s32 s10, $0x1;
	s10 =	sld [smem:$0x3FAF]  }
0x3d: {  	_ =	shalt  }
0x3e: {  	_ =	shalt  }
0x3f: {  	_ =	shalt  }
0x40: {  	_ =	shalt  }
0x41: {  	_ =	shalt  }
0x42: {  	_ =	shalt  }
0x43: {  	_ =	shalt  }
0x44: {  	_ =	shalt  }
0x45: {  	_ =	shalt  }
0x46: {  	_ =	shalt  }
0x47: {  	_ =	shalt  }
0x48: {  	_ =	shalt  }
0x49: {  	_ =	shalt  }
0x4a: {  	_ =	shalt  }
0x4b: {  	_ =	shalt  }
0x4c: {  	_ =	shalt  }
0x4d: {  	_ =	shalt  }
0x4e: {  	_ =	shalt  }
0x4f: {  	_ =	shalt  }
0x50: {  	_ =	shalt  }
0x51: {  	_ =	shalt  }
0x52: {  	_ =	shalt  }
0x53: {  	_ =	shalt  }
0x54: {  	_ =	shalt  }
0x55: {  	_ =	shalt  }
0x56: {  	_ =	shalt  }
0x57: {  	_ =	shalt  }
0x58: {  	_ =	shalt  }
0x59: {  	_ =	shalt  }
0x5a: {  	_ =	shalt  }
0x5b: {  	_ =	shalt  }
0x5c: {  	_ =	shalt  }
0x5d: {  	_ =	shalt  }
0x5e: {  	_ =	shalt  }
0x5f: {  	_ =	shalt  }
0x60: {  	_ =	shalt  }
0x61: {  	_ =	shalt  }
0x62: {  	_ =	shalt  }
0x63: {  	_ =	shalt  }
0x64: {  	_ =	shalt  }
0x65: {  	_ =	shalt  }
0x66: {  	_ =	shalt  }
0x67: {  	_ =	shalt  }
0x68: {  	_ =	shalt  }
0x69: {  	_ =	shalt  }
0x6a: {  	_ =	shalt  }
0x6b: {  	_ =	shalt  }
0x6c: {  	_ =	shalt  }
0x6d: {  	_ =	shalt  }
0x6e: {  	_ =	shalt  }
0x6f: {  	_ =	shalt  }
0x70: {  	_ =	shalt  }
0x71: {  	_ =	shalt  }
0x72: {  	_ =	shalt  }
0x73: {  	_ =	shalt  }
0x74: {  	_ =	shalt  }
0x75: {  	_ =	shalt  }
0x76: {  	_ =	shalt  }
0x77: {  	_ =	shalt  }
0x78: {  	_ =	shalt  }
0x79: {  	_ =	shalt  }
0x7a: {  	_ =	shalt  }
0x7b: {  	_ =	shalt  }
0x7c: {  	_ =	shalt  }
0x7d: {  	_ =	shalt  }
0x7e: {  	_ =	shalt  }
0x7f: {  	_ =	shalt  }
0x80: {  	_ =	shalt  }
0x81: {  	_ =	shalt  }
0x82: {  	_ =	shalt  }
0x83: {  	_ =	shalt  }
0x84: {  	_ =	shalt  }
0x85: {  	_ =	shalt  }
0x86: {  	_ =	shalt  }
0x87: {  	_ =	shalt  }
.Lfunc_end0:
.L_simem_size_0:
called_computation.3_lowered:
.L_overlay_start_0:
0x88: {  	s2 =	sld [smem:$0x3FD9]  }
0x89: {  	s3 =	sld [smem:$0x3FFE];
	_ =	sdelay $0x1  }
0x8a: {  	s1 =	srdreg.scid  }
0x8b: {  	s0 =	sand.u32 $0x1, s1  }
0x8c: {  	s17 =	sshll.u32 s0, $0xA;
	s2 =	sadd.s32 s3, s2  }
0x8d: {  	s2 =	sadd.s32 s2, s17  }
0x8e: {  	[smem:$0x3FBB] =	sst s2  }
0x8f: {  	_ = 	snop  }
0x90: {  	s2 =	sld [smem:$0x3FD0];
	(tm) =	ssettm $0x1  }
0x91: {  	s18 =	sld [smem:$0x3FFB];
	_ =	sdelay $0x3  }
0x92: {  	_ =	strace s18  }
0x93: {  	s3 =	sld [smem:$0x3FFC];
	_ =	sdelay $0x3  }
0x94: {  	_ =	strace s3  }
0x95: {  	s3 =	sld [smem:$0x3FFD];
	_ =	sdelay $0x3  }
0x96: {  	_ =	strace s3  }
0x97: {  	_ =	strace $0x8FFFFFFF  }
0x98: {  	s19 =	sld [smem:$0x3FDB];
	_ =	sdelay $0x1  }
0x99: {  	s4 =	simm.s32 $_scs_section_size  }
0x9a: {  	s5 =	simm.s32 $_size__tile_overlayer_lowered;
	s6 =	simm.s32 $_tile_overlayer_lowered  }
0x9b: {  	s22 =	simm.s32 $0x1BFF;
	s21 =	sshll.u32 s6, $0x1;
	s3 =	sadd.s32 s4, s19  }
0x9c: {  	s7 =	simm.s32 $0x0;
	s20 =	sshll.u32 s5, $0x1;
	s5 =	sadd.s32 s21, s3  }
0x9d: {  	[timem:s7], [sflag:s22] =	dma.local [hbm:s5], s20  }
0x9e: {  	_ =	swait.ge [sflag:s22], s20  }
0x9f: {  	s4 =	ssub.s32 $0x0, s20;
	[sflag:s22] =	ssyncset.done $0x0  }
0xa0: {  	[sflag:s22] =	ssyncadd.s32 s4;
	_ =	sdelay $0x1  }
0xa1: {  	s23 =	simm.s32 $0x1B8B  }
0xa2: {  	_ =	swait.ge [sflag:s23], $0x1  }
0xa3: {  	[sflag:s23] =	ssyncset.done $0x0  }
0xa4: {  	s25 =	simm.s32 $0x1B8E;
	s24 =	sld [smem:$0x3FFE];
	[sflag:s23] =	ssyncadd.s32 $0xFFFFFFFF  }
0xa5: {  	s26 =	simm.s32 $execute0_lowered;
	[smem:$0x3FD2] =	sst s25  }
0xa6: {  	s5 =	sshll.u32 s26, $0x1;
	_ =	strace $0x8000004F;
	[dreg:$0x1] =	wrdreg $0xFFFFFFFF  }
0xa7: {  	s28 =	simm.s32 $_size_execute0_lowered;
	s3 =	sadd.s32 s3, s5;
	[dreg:$0x0] =	wrdreg $0x0  }
0xa8: {  	s5 =	sshll.u32 s28, $0x1;
	[dreg:$0x2] =	wrdreg s3  }
0xa9: {  	[dreg:$0x3] =	wrdreg s5  }
0xaa: {  	[dreg:$0x4] =	wrdreg $0xC0  }
0xab: {  	_ =	task [dreg:s7], $0x5FFFF  }
0xac: {  	[dreg:$0x1] =	wrdreg $0xFFFFFFFF  }
0xad: {  	[dreg:$0x0] =	wrdreg $0x60  }
0xae: {  	[dreg:$0x2] =	wrdreg s24  }
0xaf: {  	[dreg:$0x3] =	wrdreg s2  }
0xb0: {  	[dreg:$0x4] =	wrdreg $0xB0000  }
0xb1: {  	[dreg:$0x5] =	wrdreg $0x9  }
0xb2: {  	_ =	task.clear_ibuf [dreg:s7], $0x6FFFF;
	_ =	strace $0x9000004F  }
0xb3: {  	s29 =	simm.s32 $0x9;
	_ =	strace $0x80000051  }
0xb4: {  	_ =	swait.ge [sflag:s29], $0x1  }
0xb5: {  	[sflag:s29] =	ssyncadd.s32 $0xFFFFFFFF  }
0xb6: {  	_ =	strace $0x90000051  }
0xb7: {  	_ =	sfence  }
0xb8: {  	s30 =	sld [smem:$0x0];
	_ =	sdelay $0x2  }
0xb9: {  	s31 =	sshll.u32 s1, $0xD;
	s1 =	sshrl.u32 s1, $0x2  }
0xba: {  	s3 =	sand.u32 $0x4000, s31;
	s1 =	sadd.s32 s1, s30  }
0xbb: {  	s0 =	sor.u32 s3, s0;
	s1 =	sshll.u32 s1, $0x11  }
0xbc: {  	s0 =	sor.u32 s1, s0  }
0xbd: {  	s0 =	sadd.s32 $0x8F2B, s0  }
0xbe: {  	[sflag:s0] =	ssyncadd.remote.s32 $0x1  }
0xbf: {  	_ =	sfence.sel $0xFFFF  }
0xc0: {  	[dreg:$0x0] =	wrdreg $0xFFFFFFFF;
	(pc) =	sbr.abs _section_cstart, $3  }
0xc1: {  	[dreg:$0x1] =	wrdreg $0xFFFFFFFF  }
0xc2: {  	_ =	task.clear_ibuf [dreg:s7], $0x2FFFF;
	_ =	strace $0x9FFFFFFF  }
0xc3: {  	(tm) =	ssettm $0x7FFFFFFF  }
tec
execute0_lowered:
.L_overlay_start_1:
0x0: {  	(tag) =	ssettag $0x1  }
0x1: {  	s0 =	srdreg.scid;
	s6 =	rddreg [dreg:$0x0]  }
0x2: {  	s29 =	stileid.u32;
	s15 =	rddreg [dreg:$0x1]  }
0x3: {  	s2 =	rddreg [dreg:$0x2];
	s3 =	simm.s32 $0x0;
	s20 =	simm.s32 $0x4  }
0x4: {  	s21 =	simm.s32 $0x2840;
	s22 =	simm.s32 $0x40;
	s23 =	simm.s32 $0x7000  }
0x5: {  	s24 =	simm.s32 $0x9000;
	s25 =	simm.s32 $0x1;
	s26 =	simm.s32 $0x2  }
0x6: {  	s28 =	simm.s32 $0x3;
	s5 =	sand.u32 $0x1, s0;
	s8 =	smul.u32 $0x14000, s29  }
0x7: {  	[smem:$0x7FF] =	sst s3;
	s4 =	sadd.s32 $0x1E600, s6;
	s11 =	smul.u32 $0x50000, s29  }
0x8: {  	s1 =	sshll.u32 s5, $0x4;
	s9 =	smul.u32 $0x140000, s5;
	s5 =	ssub.s32 $0x2, s5  }
0x9: {  	_ =	strace $0x80000050;
	s10 =	sor.u32 s29, s1;
	s31 =	sshrl.u32 s5, $0x1  }
0xa: {  	s11 =	sshrl.u32 s11, $0x2;
	s7 =	smul.u32 $0x4F8, s10;
	s30 =	sadd.s32 s8, s9  }
0xb: {  	s18 =	ssub.s32 s5, s31;
	s14 =	sadd.s32 s11, s2;
	s5 =	sadd.s32 s8, s2  }
0xc: {  	s19 =	smul.u32 $0x508, s10;
	s8 =	sadd.s32 $0x6000, s14;
	s9 =	sadd.s32 $0x8000, s14  }
0xd: {  	s10 =	sadd.s32 $0xA000, s14;
	s11 =	sadd.s32 $0xC000, s14;
	s12 =	sadd.s32 $0xE000, s14  }
0xe: {  	s13 =	sadd.s32 $0x10000, s14;
	s18 =	smax.u32 s18, $0x1;
	s16 =	sadd.s32 s7, s6  }
0xf: {  	s7 =	sshrl.u32 s30, $0x3;
	s15 =	sadd.s32 s15, s19;
	s19 =	simm.s32 $0x5000  }
0x10: {  	s17 =	sadd.s32 s7, s6;
	s6 =	sadd.s32 $0x2000, s14;
	s7 =	sadd.s32 $0x4000, s14  }
0x11: {  	v0 =	vimm.f32 $0.0e+00;
	s14 =	sadd.s32 $0x12000, s14;
	s16 =	sadd.s32 $0x14600, s16;
	s17 =	sadd.s32 $0x9E600, s17  }
.LBB2_1:
0x12: {  	s29 =	simm.s32 $0x0;
	s30 =	simm.s32 $0x200  }
.LBB2_2:
0x13: {  	p0 =	sne.s32 s30, $0x7E00;
	[tilespmem:s29+$0x5070] =	vst v0  }
0x14: {  	[tilespmem:s29+$0x5000] =	vst v0  }
0x15: {  	[tilespmem:s29+$0x5010] =	vst v0  }
.Ltmp0:
0x16: {  	[tilespmem:s29+$0x5020] =	vst v0;
	(pc) =	sbr.rel @p0 .LBB2_2-.Ltmp0, $4  }
0x17: {  	[tilespmem:s29+$0x5030] =	vst v0  }
0x18: {  	[tilespmem:s29+$0x5040] =	vst v0  }
0x19: {  	[tilespmem:s29+$0x5050] =	vst v0  }
0x1a: {  	[tilespmem:s29+$0x5060] =	vst v0;
	s29 =	sshra.s32 s30, $0x2;
	s30 =	sadd.s32 $0x200, s30  }
0x1b: {  	[tilespmem:s29+$0x5070] =	vst v0  }
0x1c: {  	[tilespmem:s29+$0x5000] =	vst v0  }
0x1d: {  	[tilespmem:s29+$0x5010] =	vst v0  }
0x1e: {  	[tilespmem:s29+$0x5020] =	vst v0  }
0x1f: {  	[tilespmem:s29+$0x5030] =	vst v0  }
0x20: {  	[tilespmem:s29+$0x5040] =	vst v0  }
0x21: {  	[tilespmem:s29+$0x5050] =	vst v0  }
0x22: {  	[tilespmem:s29+$0x5060] =	vst v0  }
0x23: {  	[spmem:s5] =	stream.linear.scatter [tilespmem:s19], [sflag:$0x4], $0x2000, $0x38;
	[tilespmem:$0x1F000] =	vst v63  }
0x24: {  	_ =	swait.ge [sflag:s20], $0x2000  }
0x25: {  	[sflag:s20] =	ssyncset.done $0x0  }
0x26: {  	[sflag:s20] =	ssyncadd.s32 $0xFFFFE000  }
0x27: {  	[spmem:s6] =	stream.linear.scatter [tilespmem:s19], [sflag:$0x4], $0x2000, $0x38;
	[tilespmem:$0x1F000] =	vst v63  }
0x28: {  	_ =	swait.ge [sflag:s20], $0x2000  }
0x29: {  	[sflag:s20] =	ssyncset.done $0x0  }
0x2a: {  	[sflag:s20] =	ssyncadd.s32 $0xFFFFE000  }
0x2b: {  	[spmem:s7] =	stream.linear.scatter [tilespmem:s19], [sflag:$0x4], $0x2000, $0x38;
	[tilespmem:$0x1F000] =	vst v63  }
0x2c: {  	_ =	swait.ge [sflag:s20], $0x2000  }
0x2d: {  	[sflag:s20] =	ssyncset.done $0x0  }
0x2e: {  	[sflag:s20] =	ssyncadd.s32 $0xFFFFE000  }
0x2f: {  	[spmem:s8] =	stream.linear.scatter [tilespmem:s19], [sflag:$0x4], $0x2000, $0x38;
	[tilespmem:$0x1F000] =	vst v63  }
0x30: {  	_ =	swait.ge [sflag:s20], $0x2000  }
0x31: {  	[sflag:s20] =	ssyncset.done $0x0  }
0x32: {  	[sflag:s20] =	ssyncadd.s32 $0xFFFFE000  }
0x33: {  	[spmem:s9] =	stream.linear.scatter [tilespmem:s19], [sflag:$0x4], $0x2000, $0x38;
	[tilespmem:$0x1F000] =	vst v63  }
0x34: {  	_ =	swait.ge [sflag:s20], $0x2000  }
0x35: {  	[sflag:s20] =	ssyncset.done $0x0  }
0x36: {  	[sflag:s20] =	ssyncadd.s32 $0xFFFFE000  }
0x37: {  	[spmem:s10] =	stream.linear.scatter [tilespmem:s19], [sflag:$0x4], $0x2000, $0x38;
	[tilespmem:$0x1F000] =	vst v63  }
0x38: {  	_ =	swait.ge [sflag:s20], $0x2000  }
0x39: {  	[sflag:s20] =	ssyncset.done $0x0  }
0x3a: {  	[sflag:s20] =	ssyncadd.s32 $0xFFFFE000  }
0x3b: {  	[spmem:s11] =	stream.linear.scatter [tilespmem:s19], [sflag:$0x4], $0x2000, $0x38;
	[tilespmem:$0x1F000] =	vst v63  }
0x3c: {  	_ =	swait.ge [sflag:s20], $0x2000  }
0x3d: {  	[sflag:s20] =	ssyncset.done $0x0  }
0x3e: {  	[sflag:s20] =	ssyncadd.s32 $0xFFFFE000  }
0x3f: {  	[spmem:s12] =	stream.linear.scatter [tilespmem:s19], [sflag:$0x4], $0x2000, $0x38;
	[tilespmem:$0x1F000] =	vst v63  }
0x40: {  	_ =	swait.ge [sflag:s20], $0x2000  }
0x41: {  	[sflag:s20] =	ssyncset.done $0x0  }
0x42: {  	[sflag:s20] =	ssyncadd.s32 $0xFFFFE000  }
0x43: {  	[spmem:s13] =	stream.linear.scatter [tilespmem:s19], [sflag:$0x4], $0x2000, $0x38;
	[tilespmem:$0x1F000] =	vst v63  }
0x44: {  	_ =	swait.ge [sflag:s20], $0x2000  }
0x45: {  	[sflag:s20] =	ssyncset.done $0x0  }
0x46: {  	[sflag:s20] =	ssyncadd.s32 $0xFFFFE000  }
0x47: {  	[spmem:s14] =	stream.linear.scatter [tilespmem:s19], [sflag:$0x4], $0x2000, $0x38;
	[tilespmem:$0x1F000] =	vst v63  }
0x48: {  	_ =	swait.ge [sflag:s20], $0x2000  }
0x49: {  	[sflag:s20] =	ssyncset.done $0x0  }
0x4a: {  	[sflag:s20] =	ssyncadd.s32 $0xFFFFE000  }
0x4b: {  	s29 =	simm.s32 $0x0;
	[bflag:$0x0] =	sbarrier.arrive $0xFFFF  }
0x4c: {  	[tilespmem:s29], [sflag:$0x4] =	stream.linear.gather [hbm4b:s15+s29], $0x2840, $0x38;
	[tilespmem:$0x1F000] =	vst v63  }
0x4d: {  	_ =	swait.ge [sflag:s20], $0x2840  }
0x4e: {  	[sflag:s20] =	ssyncset.done $0x0  }
0x4f: {  	[sflag:s20] =	ssyncadd.s32 $0xFFFFD7C0  }
0x50: {  	[tilespmem:s21], [sflag:$0x4] =	stream.linear.gather [hbm4b:s16+s29], $0x27C0, $0x38;
	[tilespmem:$0x1F000] =	vst v63  }
0x51: {  	_ =	swait.ge [sflag:s20], $0x27C0  }
0x52: {  	[sflag:s20] =	ssyncset.done $0x0  }
0x53: {  	[sflag:s20] =	ssyncadd.s32 $0xFFFFD840  }
0x54: {  	[tilespmem:s19], [sflag:$0x1] =	stream.indirect.gather [hbm4b:s4+s22], $0x80, s29, s22, $0xb8;
	[tilespmem:$0x1F000] =	vst v63  }
0x55: {  	_ = 	snop  }
0x56: {  	[tilespmem:s23], [sflag:$0x2] =	stream.indirect.gather [hbm4b:s4+s22], $0x80, s22, s22, $0xb8;
	[tilespmem:$0x1F000] =	vst v63  }
0x57: {  	s29 =	simm.s32 $0x80  }
0x58: {  	[tilespmem:s24], [sflag:$0x3] =	stream.indirect.gather [hbm4b:s4+s22], $0x80, s29, s22, $0xb8;
	[tilespmem:$0x1F000] =	vst v63  }
0x59: {  	_ =	swait.ge [sflag:s25], $0x2000  }
0x5a: {  	[sflag:s25] =	ssyncset.done $0x0  }
0x5b: {  	s29 =	simm.s32 $0x2840;
	[sflag:s25] =	ssyncadd.s32 $0xFFFFE000  }
0x5c: {  	[spmem:s2] =	stream.indirect.scatter.add.f32 [tilespmem:s19], [sflag:$0x4], $0x80, s29, s22, $0xb8;
	[tilespmem:$0x1F000] =	vst v63  }
0x5d: {  	_ =	swait.ge [sflag:s20], $0x2000  }
0x5e: {  	[sflag:s20] =	ssyncset.done $0x0  }
0x5f: {  	s29 =	simm.s32 $0xC0;
	[sflag:s20] =	ssyncadd.s32 $0xFFFFE000  }
0x60: {  	[tilespmem:s19], [sflag:$0x1] =	stream.indirect.gather [hbm4b:s4+s22], $0x80, s29, s22, $0xb8;
	[tilespmem:$0x1F000] =	vst v63  }
0x61: {  	_ =	swait.ge [sflag:s26], $0x2000  }
0x62: {  	[sflag:s26] =	ssyncset.done $0x0  }
0x63: {  	s29 =	simm.s32 $0x2880;
	[sflag:s26] =	ssyncadd.s32 $0xFFFFE000  }
0x64: {  	[spmem:s2] =	stream.indirect.scatter.add.f32 [tilespmem:s23], [sflag:$0x4], $0x80, s29, s22, $0xb8;
	[tilespmem:$0x1F000] =	vst v63  }
0x65: {  	_ =	swait.ge [sflag:s20], $0x2000  }
0x66: {  	[sflag:s20] =	ssyncset.done $0x0  }
0x67: {  	s29 =	simm.s32 $0x100;
	[sflag:s20] =	ssyncadd.s32 $0xFFFFE000  }
0x68: {  	[tilespmem:s23], [sflag:$0x2] =	stream.indirect.gather [hbm4b:s4+s22], $0x80, s29, s22, $0xb8;
	[tilespmem:$0x1F000] =	vst v63  }
0x69: {  	_ =	swait.ge [sflag:s28], $0x2000  }
0x6a: {  	[sflag:s28] =	ssyncset.done $0x0  }
0x6b: {  	s29 =	simm.s32 $0x28C0;
	[sflag:s28] =	ssyncadd.s32 $0xFFFFE000  }
0x6c: {  	[spmem:s2] =	stream.indirect.scatter.add.f32 [tilespmem:s24], [sflag:$0x4], $0x80, s29, s22, $0xb8;
	[tilespmem:$0x1F000] =	vst v63  }
0x6d: {  	_ =	swait.ge [sflag:s20], $0x2000  }
0x6e: {  	s30 =	simm.s32 $0x600;
	s29 =	simm.s32 $0xC0;
	[sflag:s20] =	ssyncset.done $0x0  }
.LBB2_4:
0x6f: {  	s31 =	sadd.s32 $0x80, s29  }
0x70: {  	[sflag:s20] =	ssyncadd.s32 $0xFFFFE000;
	s1 =	smov.u32 s30;
	s0 =	sadd.s32 $0x300, s30  }
0x71: {  	[tilespmem:s24], [sflag:$0x3] =	stream.indirect.gather [hbm4b:s4+s22], $0x80, s31, s22, $0xb8;
	[tilespmem:$0x1F000] =	vst v63  }
0x72: {  	p0 =	sne.s32 s30, $0x9C00;
	_ =	swait.ge [sflag:s25], $0x2000  }
0x73: {  	[sflag:s25] =	ssyncset.done $0x0  }
0x74: {  	s30 =	sadd.s32 $0x2840, s29;
	[sflag:s25] =	ssyncadd.s32 $0xFFFFE000  }
0x75: {  	[spmem:s2] =	stream.indirect.scatter.add.f32 [tilespmem:s19], [sflag:$0x4], $0x80, s30, s22, $0xb8;
	[tilespmem:$0x1F000] =	vst v63  }
0x76: {  	_ =	swait.ge [sflag:s20], $0x2000  }
0x77: {  	[sflag:s20] =	ssyncset.done $0x0  }
0x78: {  	s30 =	sadd.s32 $0xC0, s29;
	[sflag:s20] =	ssyncadd.s32 $0xFFFFE000  }
0x79: {  	[tilespmem:s19], [sflag:$0x1] =	stream.indirect.gather [hbm4b:s4+s22], $0x80, s30, s22, $0xb8;
	[tilespmem:$0x1F000] =	vst v63  }
0x7a: {  	_ =	swait.ge [sflag:s26], $0x2000  }
0x7b: {  	[sflag:s26] =	ssyncset.done $0x0  }
0x7c: {  	s30 =	sadd.s32 $0x2880, s29;
	[sflag:s26] =	ssyncadd.s32 $0xFFFFE000  }
0x7d: {  	[spmem:s2] =	stream.indirect.scatter.add.f32 [tilespmem:s23], [sflag:$0x4], $0x80, s30, s22, $0xb8;
	[tilespmem:$0x1F000] =	vst v63  }
0x7e: {  	_ =	swait.ge [sflag:s20], $0x2000  }
0x7f: {  	[sflag:s20] =	ssyncset.done $0x0  }
0x80: {  	s30 =	sadd.s32 $0x100, s29;
	[sflag:s20] =	ssyncadd.s32 $0xFFFFE000  }
0x81: {  	[tilespmem:s23], [sflag:$0x2] =	stream.indirect.gather [hbm4b:s4+s22], $0x80, s30, s22, $0xb8;
	[tilespmem:$0x1F000] =	vst v63  }
0x82: {  	_ =	swait.ge [sflag:s28], $0x2000  }
.Ltmp1:
0x83: {  	[sflag:s28] =	ssyncset.done $0x0;
	(pc) =	sbr.rel @p0 .LBB2_4-.Ltmp1, $4  }
0x84: {  	s29 =	sadd.s32 $0x28C0, s29;
	[sflag:s28] =	ssyncadd.s32 $0xFFFFE000  }
0x85: {  	[spmem:s2] =	stream.indirect.scatter.add.f32 [tilespmem:s24], [sflag:$0x4], $0x80, s29, s22, $0xb8;
	[tilespmem:$0x1F000] =	vst v63  }
0x86: {  	_ =	swait.ge [sflag:s20], $0x2000  }
0x87: {  	s30 =	smov.u32 s0;
	s29 =	sshra.s32 s1, $0x2;
	[sflag:s20] =	ssyncset.done $0x0  }
0x88: {  	s0 =	sadd.s32 $0x80, s29;
	[sflag:s20] =	ssyncadd.s32 $0xFFFFE000  }
0x89: {  	[tilespmem:s24], [sflag:$0x3] =	stream.indirect.gather [hbm4b:s4+s22], $0x80, s0, s22, $0xb8;
	[tilespmem:$0x1F000] =	vst v63  }
0x8a: {  	_ =	swait.ge [sflag:s25], $0x2000  }
0x8b: {  	[sflag:s25] =	ssyncset.done $0x0  }
0x8c: {  	s1 =	sadd.s32 $0x2840, s29;
	[sflag:s25] =	ssyncadd.s32 $0xFFFFE000  }
0x8d: {  	[spmem:s2] =	stream.indirect.scatter.add.f32 [tilespmem:s19], [sflag:$0x4], $0x80, s1, s22, $0xb8;
	[tilespmem:$0x1F000] =	vst v63  }
0x8e: {  	_ =	swait.ge [sflag:s20], $0x2000  }
0x8f: {  	[sflag:s20] =	ssyncset.done $0x0  }
0x90: {  	s30 =	sadd.s32 $0xC0, s29;
	[sflag:s20] =	ssyncadd.s32 $0xFFFFE000  }
0x91: {  	[tilespmem:s19], [sflag:$0x1] =	stream.indirect.gather [hbm4b:s4+s22], $0x80, s30, s22, $0xb8;
	[tilespmem:$0x1F000] =	vst v63  }
0x92: {  	_ =	swait.ge [sflag:s26], $0x2000  }
0x93: {  	[sflag:s26] =	ssyncset.done $0x0  }
0x94: {  	s31 =	sadd.s32 $0x2880, s29;
	[sflag:s26] =	ssyncadd.s32 $0xFFFFE000  }
0x95: {  	[spmem:s2] =	stream.indirect.scatter.add.f32 [tilespmem:s23], [sflag:$0x4], $0x80, s31, s22, $0xb8;
	[tilespmem:$0x1F000] =	vst v63  }
0x96: {  	_ =	swait.ge [sflag:s20], $0x2000  }
0x97: {  	[sflag:s20] =	ssyncset.done $0x0  }
0x98: {  	s1 =	sadd.s32 $0x100, s29;
	[sflag:s20] =	ssyncadd.s32 $0xFFFFE000  }
0x99: {  	[tilespmem:s23], [sflag:$0x2] =	stream.indirect.gather [hbm4b:s4+s22], $0x80, s1, s22, $0xb8;
	[tilespmem:$0x1F000] =	vst v63  }
0x9a: {  	_ =	swait.ge [sflag:s28], $0x2000  }
0x9b: {  	[sflag:s28] =	ssyncset.done $0x0  }
0x9c: {  	s30 =	sadd.s32 $0x28C0, s29;
	[sflag:s28] =	ssyncadd.s32 $0xFFFFE000  }
0x9d: {  	[spmem:s2] =	stream.indirect.scatter.add.f32 [tilespmem:s24], [sflag:$0x4], $0x80, s30, s22, $0xb8;
	[tilespmem:$0x1F000] =	vst v63  }
0x9e: {  	_ =	swait.ge [sflag:s20], $0x2000  }
0x9f: {  	[sflag:s20] =	ssyncset.done $0x0  }
0xa0: {  	[sflag:s20] =	ssyncadd.s32 $0xFFFFE000  }
0xa1: {  	_ =	swait.ge [sflag:s25], $0x2000  }
0xa2: {  	[sflag:s25] =	ssyncset.done $0x0  }
0xa3: {  	[sflag:s25] =	ssyncadd.s32 $0xFFFFE000  }
0xa4: {  	s31 =	stileid.u32;
	_ =	swait.ge [sflag:s26], $0x2000  }
0xa5: {  	s3 =	sadd.s32 $0x1, s3;
	s0 =	sshll.u32 s31, $0x6;
	[sflag:s26] =	ssyncset.done $0x0  }
0xa6: {  	p0 =	sne.s32 s3, s18;
	s0 =	sor.u32 $0x1C04, s0;
	[sflag:s26] =	ssyncadd.s32 $0xFFFFE000  }
.Ltmp2:
0xa7: {  	s1 =	sshrl.u32 s5, $0x3;
	[bflag:$0x0] =	sbarrier.arrive $0xFFFF;
	(pc) =	sbr.rel @p0 .LBB2_1-.Ltmp2, $4  }
0xa8: {  	[hbm:s17], [sflag:s0] =	dma.local [spmem:s1], $0x2800  }
0xa9: {  	_ =	swait.ge [sflag:s20], $0x2800  }
0xaa: {  	[sflag:s20] =	ssyncset.done $0x0  }
0xab: {  	[sflag:s20] =	ssyncadd.s32 $0xFFFFD800  }
0xac: {  	_ =	sfence.sel $0x180000  }
0xad: {  	[bflag:$0x0] =	sbarrier.arrive $0xFFFF  }
0xae: {  	_ =	strace $0x90000050  }
0xaf: {  	s0 =	stileid.u32;
	[bflag:$0x2] =	sbarrier.arrive $0xFFFF  }
0xb0: {  	p0 =	sne.s32 s0, $0x0;
	s0 =	rddreg [dreg:$0x3]  }
0xb1: {  	s0 =	sadd.s32 @!p0 $0x100000, s0  }
0xb2: {  	[sflag:s0] =	ssyncadd.tile.s32 @!p0 $0x1;
	_ =	shalt  }
.Lfunc_end2:
_tile_overlayer_lowered:
.L_overlay_start_2:
0xb3: {  	(tag) =	ssettag $0x2  }
0xb4: {  	s0 =	rddreg [dreg:$0x0];
	s2 =	stileid.u32  }
0xb5: {  	s1 =	rddreg [dreg:$0x1];
	p0 =	sne.s32 s2, $0x0  }
0xb6: {  	s3 =	rddreg [dreg:$0x2];
	[bflag:$0x3] =	sbarrier.arrive $0xFFFF;
	s2 =	simm.s32 @!p0 $0x1C04  }
0xb7: {  	[timem:s3], [sflag:s2] =	dma.local @!p0 [hbm:s0], s1  }
0xb8: {  	s0 =	simm.s32 @!p0 $0x4  }
0xb9: {  	_ =	swait.ge @!p0 [sflag:s0], s1  }
0xba: {  	s1 =	ssub.s32 @!p0 $0x0, s1;
	[sflag:s0] =	ssyncset.done @!p0 $0x0  }
0xbb: {  	[sflag:s0] =	ssyncadd.s32 @!p0 s1  }
0xbc: {  	[bflag:$0x3] =	sbarrier.arrive $0xFFFF  }
0xbd: {  	_ =	shalt  }

// kernel: kernel.31.cloned.1.call-start
scs
__scs_entry_jumppad:
0x0: {  	(pc) =	sbr.rel $0x88, $3  }
0x1: {  	(tag) =	ssettag $0x0;
	lr =	simm.s32 $0x1  }
0x2: {  	[smem:$0x3F94] =	sst lr;
	_ =	strace $0xD0000000  }
0x3: {  	_ = 	snop  }
0x4: {  	_ = 	snop  }
0x5: {  	_ = 	snop  }
0x6: {  	_ = 	snop  }
0x7: {  	_ = 	snop  }
__scs_overlays_trampoline_lowered:
0x8: {  	[smem:$0x3FA3] =	sst s0  }
0x9: {  	[smem:$0x3FA4] =	sst s1  }
0xa: {  	[smem:$0x3FA5] =	sst s2  }
0xb: {  	[smem:$0x3FA6] =	sst s3  }
0xc: {  	[smem:$0x3FA7] =	sst s4  }
0xd: {  	[smem:$0x3FA8] =	sst s5  }
0xe: {  	[smem:$0x3FA9] =	sst s6  }
0xf: {  	[smem:$0x3FAA] =	sst s7  }
0x10: {  	[smem:$0x3FAB] =	sst s8  }
0x11: {  	[smem:$0x3FAC] =	sst s9;
	s0 =	simm.s32 @!p0 $0x0  }
0x12: {  	s1 =	sld [smem:$0x3F92];
	s0 =	simm.s32 @p0 $0x1  }
0x13: {  	[smem:$0x3FAD] =	sst s0;
	s0 =	simm.s32 @!p1 $0x0  }
0x14: {  	s2 =	sld [smem:$0x3F91];
	s0 =	simm.s32 @p1 $0x1  }
0x15: {  	[smem:$0x3FAE] =	sst s0;
	s0 =	simm.s32 @!p2 $0x0  }
0x16: {  	s3 =	sld [smem:$0x3FDB];
	s0 =	simm.s32 @p2 $0x1  }
0x17: {  	s4 =	simm.s32 $0x1BF5;
	[smem:$0x3FB0] =	sst s0  }
0x18: {  	s0 =	sld [smem:$0x3F93];
	_ =	swait.ge [sflag:s4], $0x0  }
0x19: {  	s7 =	sld [smem:$0x3F94]  }
0x1a: {  	s8 =	sadd.s32 $0xFFFFE003, lr  }
0x1b: {  	s9 =	sadd.s32 $0xFFFFFEF7, lr;
	s5 =	simm.s32 $0xFFFFFFFF;
	p2 =	slt.u32 s8, $0xFFFFF086  }
0x1c: {  	p1 =	slt.u32 s9, $0xF7A;
	s5 =	simm.s32 @!p2 $0x0  }
0x1d: {  	s5 =	simm.s32 @p1 $0x1;
	p0 =	seq.s32 s7, s2  }
0x1e: {  	s7 =	smul.u32 @!p0 $0xF7A, s2;
	p2 =	seq.s32 @!p0 s5, $0x0  }
0x1f: {  	s9 =	smul.u32 $0xF7A, s1;
	s8 =	simm.s32 @!p0 $0x1BF5;
	p2 =	por !p2, p0  }
0x20: {  	[sflag:s8] =	ssyncset.s32 @!p0 $0xFFFFF086;
	s6 =	sadd.s32 @!p0 s3, s7;
	s7 =	simm.s32 @!p0 $0x108  }
0x21: {  	s3 =	sadd.s32 s3, s9;
	s6 =	sadd.s32 @!p0 $0x88, s6;
	s7 =	simm.s32 @p2 $0x1082  }
0x22: {  	[simem:s7], [sflag:s8] =	dma.local @!p0 [hbm:s6], $0xF7A  }
0x23: {  	s9 =	sor.u32 $0xD0000000, s2;
	s6 =	simm.s32 $0x108;
	_ =	swait.ge @!p0 [sflag:s8], $0x0  }
0x24: {  	s3 =	sadd.s32 $0x88, s3;
	s6 =	simm.s32 @!p1 $0x1082;
	[sflag:s4] =	ssyncset.s32 $0xFFFFF086  }
0x25: {  	[simem:s6], [sflag:s4] =	dma.local [hbm:s3], $0xF7A  }
0x26: {  	[smem:$0x3F94] =	sst s1;
	(tag) =	ssettag s2;
	_ =	strace s9  }
0x27: {  	s1 =	sld [smem:$0x3FA4]  }
0x28: {  	s2 =	sld [smem:$0x3FA5]  }
0x29: {  	s4 =	sld [smem:$0x3FA7]  }
0x2a: {  	p0 =	seq.s32 s5, $0x0;
	s5 =	sld [smem:$0x3FA8]  }
0x2b: {  	s6 =	sld [smem:$0x3FA9]  }
0x2c: {  	s7 =	sld [smem:$0x3FAA]  }
0x2d: {  	s3 =	simm.s32 $0x108;
	s8 =	sld [smem:$0x3FAB]  }
0x2e: {  	s3 =	simm.s32 @!p0 $0x1082;
	s9 =	sld [smem:$0x3FAC]  }
0x2f: {  	lr =	sadd.s32 s0, s3;
	s0 =	sld [smem:$0x3FA3]  }
0x30: {  	s3 =	sld [smem:$0x3FA6]  }
0x31: {  	[smem:$0x3FAF] =	sst s10  }
0x32: {  	s10 =	sld [smem:$0x3FAD];
	_ =	sdelay $0x3  }
0x33: {  	p0 =	seq.s32 s10, $0x1;
	s10 =	sld [smem:$0x3FAF];
	_ =	sdelay $0x3  }
0x34: {  	[smem:$0x3FAF] =	sst s10  }
0x35: {  	s10 =	sld [smem:$0x3FAE];
	_ =	sdelay $0x3  }
0x36: {  	p1 =	seq.s32 s10, $0x1;
	s10 =	sld [smem:$0x3FAF];
	_ =	sdelay $0x3  }
0x37: {  	[smem:$0x3FAF] =	sst s10  }
0x38: {  	s10 =	sld [smem:$0x3FB0]  }
0x39: {  	_ = 	snop;
	(pc) =	sbr.ind lr, $3  }
0x3a: {  	_ = 	snop  }
0x3b: {  	_ = 	snop  }
0x3c: {  	p2 =	seq.s32 s10, $0x1;
	s10 =	sld [smem:$0x3FAF]  }
0x3d: {  	_ =	shalt  }
0x3e: {  	_ =	shalt  }
0x3f: {  	_ =	shalt  }
0x40: {  	_ =	shalt  }
0x41: {  	_ =	shalt  }
0x42: {  	_ =	shalt  }
0x43: {  	_ =	shalt  }
0x44: {  	_ =	shalt  }
0x45: {  	_ =	shalt  }
0x46: {  	_ =	shalt  }
0x47: {  	_ =	shalt  }
0x48: {  	_ =	shalt  }
0x49: {  	_ =	shalt  }
0x4a: {  	_ =	shalt  }
0x4b: {  	_ =	shalt  }
0x4c: {  	_ =	shalt  }
0x4d: {  	_ =	shalt  }
0x4e: {  	_ =	shalt  }
0x4f: {  	_ =	shalt  }
0x50: {  	_ =	shalt  }
0x51: {  	_ =	shalt  }
0x52: {  	_ =	shalt  }
0x53: {  	_ =	shalt  }
0x54: {  	_ =	shalt  }
0x55: {  	_ =	shalt  }
0x56: {  	_ =	shalt  }
0x57: {  	_ =	shalt  }
0x58: {  	_ =	shalt  }
0x59: {  	_ =	shalt  }
0x5a: {  	_ =	shalt  }
0x5b: {  	_ =	shalt  }
0x5c: {  	_ =	shalt  }
0x5d: {  	_ =	shalt  }
0x5e: {  	_ =	shalt  }
0x5f: {  	_ =	shalt  }
0x60: {  	_ =	shalt  }
0x61: {  	_ =	shalt  }
0x62: {  	_ =	shalt  }
0x63: {  	_ =	shalt  }
0x64: {  	_ =	shalt  }
0x65: {  	_ =	shalt  }
0x66: {  	_ =	shalt  }
0x67: {  	_ =	shalt  }
0x68: {  	_ =	shalt  }
0x69: {  	_ =	shalt  }
0x6a: {  	_ =	shalt  }
0x6b: {  	_ =	shalt  }
0x6c: {  	_ =	shalt  }
0x6d: {  	_ =	shalt  }
0x6e: {  	_ =	shalt  }
0x6f: {  	_ =	shalt  }
0x70: {  	_ =	shalt  }
0x71: {  	_ =	shalt  }
0x72: {  	_ =	shalt  }
0x73: {  	_ =	shalt  }
0x74: {  	_ =	shalt  }
0x75: {  	_ =	shalt  }
0x76: {  	_ =	shalt  }
0x77: {  	_ =	shalt  }
0x78: {  	_ =	shalt  }
0x79: {  	_ =	shalt  }
0x7a: {  	_ =	shalt  }
0x7b: {  	_ =	shalt  }
0x7c: {  	_ =	shalt  }
0x7d: {  	_ =	shalt  }
0x7e: {  	_ =	shalt  }
0x7f: {  	_ =	shalt  }
0x80: {  	_ =	shalt  }
0x81: {  	_ =	shalt  }
0x82: {  	_ =	shalt  }
0x83: {  	_ =	shalt  }
0x84: {  	_ =	shalt  }
0x85: {  	_ =	shalt  }
0x86: {  	_ =	shalt  }
0x87: {  	_ =	shalt  }
.Lfunc_end0:
.L_simem_size_0:
called_computation.4_lowered:
.L_overlay_start_0:
0x88: {  	s2 =	sld [smem:$0x3FD9]  }
0x89: {  	s3 =	sld [smem:$0x3FFE];
	_ =	sdelay $0x1  }
0x8a: {  	s1 =	srdreg.scid  }
0x8b: {  	s0 =	sand.u32 $0x1, s1  }
0x8c: {  	s17 =	sshll.u32 s0, $0xA;
	s2 =	sadd.s32 s3, s2  }
0x8d: {  	s2 =	sadd.s32 s2, s17  }
0x8e: {  	[smem:$0x3FBB] =	sst s2  }
0x8f: {  	_ = 	snop  }
0x90: {  	s2 =	sld [smem:$0x3FD0];
	(tm) =	ssettm $0x1  }
0x91: {  	s18 =	sld [smem:$0x3FFB];
	_ =	sdelay $0x3  }
0x92: {  	_ =	strace s18  }
0x93: {  	s3 =	sld [smem:$0x3FFC];
	_ =	sdelay $0x3  }
0x94: {  	_ =	strace s3  }
0x95: {  	s3 =	sld [smem:$0x3FFD];
	_ =	sdelay $0x3  }
0x96: {  	_ =	strace s3  }
0x97: {  	_ =	strace $0x8FFFFFFF  }
0x98: {  	s19 =	sld [smem:$0x3FDB];
	_ =	sdelay $0x1  }
0x99: {  	s4 =	simm.s32 $_scs_section_size  }
0x9a: {  	s5 =	simm.s32 $_size__tile_overlayer_lowered;
	s6 =	simm.s32 $_tile_overlayer_lowered  }
0x9b: {  	s22 =	simm.s32 $0x1BFF;
	s21 =	sshll.u32 s6, $0x1;
	s3 =	sadd.s32 s4, s19  }
0x9c: {  	s7 =	simm.s32 $0x0;
	s20 =	sshll.u32 s5, $0x1;
	s5 =	sadd.s32 s21, s3  }
0x9d: {  	[timem:s7], [sflag:s22] =	dma.local [hbm:s5], s20  }
0x9e: {  	_ =	swait.ge [sflag:s22], s20  }
0x9f: {  	s4 =	ssub.s32 $0x0, s20;
	[sflag:s22] =	ssyncset.done $0x0  }
0xa0: {  	[sflag:s22] =	ssyncadd.s32 s4;
	_ =	sdelay $0x1  }
0xa1: {  	s23 =	simm.s32 $0x1B8B  }
0xa2: {  	_ =	swait.ge [sflag:s23], $0x1  }
0xa3: {  	[sflag:s23] =	ssyncset.done $0x0  }
0xa4: {  	s25 =	simm.s32 $0x1B8E;
	s24 =	sld [smem:$0x3FFE];
	[sflag:s23] =	ssyncadd.s32 $0xFFFFFFFF  }
0xa5: {  	s26 =	simm.s32 $execute0_lowered;
	[smem:$0x3FD2] =	sst s25  }
0xa6: {  	s5 =	sshll.u32 s26, $0x1;
	_ =	strace $0x80000052;
	[dreg:$0x1] =	wrdreg $0xFFFFFFFF  }
0xa7: {  	s28 =	simm.s32 $_size_execute0_lowered;
	s3 =	sadd.s32 s3, s5;
	[dreg:$0x0] =	wrdreg $0x0  }
0xa8: {  	s5 =	sshll.u32 s28, $0x1;
	[dreg:$0x2] =	wrdreg s3  }
0xa9: {  	[dreg:$0x3] =	wrdreg s5  }
0xaa: {  	[dreg:$0x4] =	wrdreg $0xC0  }
0xab: {  	_ =	task [dreg:s7], $0x5FFFF  }
0xac: {  	[dreg:$0x1] =	wrdreg $0xFFFFFFFF  }
0xad: {  	[dreg:$0x0] =	wrdreg $0x60  }
0xae: {  	[dreg:$0x2] =	wrdreg s24  }
0xaf: {  	[dreg:$0x3] =	wrdreg s2  }
0xb0: {  	[dreg:$0x4] =	wrdreg $0xB0000  }
0xb1: {  	[dreg:$0x5] =	wrdreg $0x9  }
0xb2: {  	_ =	task.clear_ibuf [dreg:s7], $0x6FFFF;
	_ =	strace $0x90000052  }
0xb3: {  	s29 =	simm.s32 $0x9;
	_ =	strace $0x80000054  }
0xb4: {  	_ =	swait.ge [sflag:s29], $0x1  }
0xb5: {  	[sflag:s29] =	ssyncadd.s32 $0xFFFFFFFF  }
0xb6: {  	_ =	strace $0x90000054  }
0xb7: {  	_ =	sfence  }
0xb8: {  	s30 =	sld [smem:$0x0];
	_ =	sdelay $0x2  }
0xb9: {  	s31 =	sshll.u32 s1, $0xD;
	s1 =	sshrl.u32 s1, $0x2  }
0xba: {  	s3 =	sand.u32 $0x4000, s31;
	s1 =	sadd.s32 s1, s30  }
0xbb: {  	s0 =	sor.u32 s3, s0;
	s1 =	sshll.u32 s1, $0x11  }
0xbc: {  	s0 =	sor.u32 s1, s0  }
0xbd: {  	s0 =	sadd.s32 $0x8F2B, s0  }
0xbe: {  	[sflag:s0] =	ssyncadd.remote.s32 $0x1  }
0xbf: {  	_ =	sfence.sel $0xFFFF  }
0xc0: {  	[dreg:$0x0] =	wrdreg $0xFFFFFFFF;
	(pc) =	sbr.abs _section_cstart, $3  }
0xc1: {  	[dreg:$0x1] =	wrdreg $0xFFFFFFFF  }
0xc2: {  	_ =	task.clear_ibuf [dreg:s7], $0x2FFFF;
	_ =	strace $0x9FFFFFFF  }
0xc3: {  	(tm) =	ssettm $0x7FFFFFFF  }
tec
execute0_lowered:
.L_overlay_start_1:
0x0: {  	(tag) =	ssettag $0x1  }
0x1: {  	s0 =	srdreg.scid;
	s6 =	rddreg [dreg:$0x0]  }
0x2: {  	s29 =	stileid.u32;
	s15 =	rddreg [dreg:$0x1]  }
0x3: {  	s2 =	rddreg [dreg:$0x2];
	s3 =	simm.s32 $0x0;
	s20 =	simm.s32 $0x4  }
0x4: {  	s21 =	simm.s32 $0x2840;
	s22 =	simm.s32 $0x40;
	s23 =	simm.s32 $0x7000  }
0x5: {  	s24 =	simm.s32 $0x9000;
	s25 =	simm.s32 $0x1;
	s26 =	simm.s32 $0x2  }
0x6: {  	s28 =	simm.s32 $0x3;
	s5 =	sand.u32 $0x1, s0;
	s8 =	smul.u32 $0x14000, s29  }
0x7: {  	[smem:$0x7FF] =	sst s3;
	s4 =	sadd.s32 $0x1E600, s6;
	s11 =	smul.u32 $0x50000, s29  }
0x8: {  	s1 =	sshll.u32 s5, $0x4;
	s9 =	smul.u32 $0x140000, s5;
	s5 =	ssub.s32 $0x2, s5  }
0x9: {  	_ =	strace $0x80000053;
	s10 =	sor.u32 s29, s1;
	s31 =	sshrl.u32 s5, $0x1  }
0xa: {  	s11 =	sshrl.u32 s11, $0x2;
	s7 =	smul.u32 $0x4F8, s10;
	s30 =	sadd.s32 s8, s9  }
0xb: {  	s18 =	ssub.s32 s5, s31;
	s14 =	sadd.s32 s11, s2;
	s5 =	sadd.s32 s8, s2  }
0xc: {  	s19 =	smul.u32 $0x508, s10;
	s8 =	sadd.s32 $0x6000, s14;
	s9 =	sadd.s32 $0x8000, s14  }
0xd: {  	s10 =	sadd.s32 $0xA000, s14;
	s11 =	sadd.s32 $0xC000, s14;
	s12 =	sadd.s32 $0xE000, s14  }
0xe: {  	s13 =	sadd.s32 $0x10000, s14;
	s18 =	smax.u32 s18, $0x1;
	s16 =	sadd.s32 s7, s6  }
0xf: {  	s7 =	sshrl.u32 s30, $0x3;
	s15 =	sadd.s32 s15, s19;
	s19 =	simm.s32 $0x5000  }
0x10: {  	s17 =	sadd.s32 s7, s6;
	s6 =	sadd.s32 $0x2000, s14;
	s7 =	sadd.s32 $0x4000, s14  }
0x11: {  	v0 =	vimm.f32 $0.0e+00;
	s14 =	sadd.s32 $0x12000, s14;
	s16 =	sadd.s32 $0x14600, s16;
	s17 =	sadd.s32 $0x9E600, s17  }
.LBB2_1:
0x12: {  	s29 =	simm.s32 $0x0;
	s30 =	simm.s32 $0x200  }
.LBB2_2:
0x13: {  	p0 =	sne.s32 s30, $0x7E00;
	[tilespmem:s29+$0x5070] =	vst v0  }
0x14: {  	[tilespmem:s29+$0x5000] =	vst v0  }
0x15: {  	[tilespmem:s29+$0x5010] =	vst v0  }
.Ltmp0:
0x16: {  	[tilespmem:s29+$0x5020] =	vst v0;
	(pc) =	sbr.rel @p0 .LBB2_2-.Ltmp0, $4  }
0x17: {  	[tilespmem:s29+$0x5030] =	vst v0  }
0x18: {  	[tilespmem:s29+$0x5040] =	vst v0  }
0x19: {  	[tilespmem:s29+$0x5050] =	vst v0  }
0x1a: {  	[tilespmem:s29+$0x5060] =	vst v0;
	s29 =	sshra.s32 s30, $0x2;
	s30 =	sadd.s32 $0x200, s30  }
0x1b: {  	[tilespmem:s29+$0x5070] =	vst v0  }
0x1c: {  	[tilespmem:s29+$0x5000] =	vst v0  }
0x1d: {  	[tilespmem:s29+$0x5010] =	vst v0  }
0x1e: {  	[tilespmem:s29+$0x5020] =	vst v0  }
0x1f: {  	[tilespmem:s29+$0x5030] =	vst v0  }
0x20: {  	[tilespmem:s29+$0x5040] =	vst v0  }
0x21: {  	[tilespmem:s29+$0x5050] =	vst v0  }
0x22: {  	[tilespmem:s29+$0x5060] =	vst v0  }
0x23: {  	[spmem:s5] =	stream.linear.scatter [tilespmem:s19], [sflag:$0x4], $0x2000, $0x38;
	[tilespmem:$0x1F000] =	vst v63  }
0x24: {  	_ =	swait.ge [sflag:s20], $0x2000  }
0x25: {  	[sflag:s20] =	ssyncset.done $0x0  }
0x26: {  	[sflag:s20] =	ssyncadd.s32 $0xFFFFE000  }
0x27: {  	[spmem:s6] =	stream.linear.scatter [tilespmem:s19], [sflag:$0x4], $0x2000, $0x38;
	[tilespmem:$0x1F000] =	vst v63  }
0x28: {  	_ =	swait.ge [sflag:s20], $0x2000  }
0x29: {  	[sflag:s20] =	ssyncset.done $0x0  }
0x2a: {  	[sflag:s20] =	ssyncadd.s32 $0xFFFFE000  }
0x2b: {  	[spmem:s7] =	stream.linear.scatter [tilespmem:s19], [sflag:$0x4], $0x2000, $0x38;
	[tilespmem:$0x1F000] =	vst v63  }
0x2c: {  	_ =	swait.ge [sflag:s20], $0x2000  }
0x2d: {  	[sflag:s20] =	ssyncset.done $0x0  }
0x2e: {  	[sflag:s20] =	ssyncadd.s32 $0xFFFFE000  }
0x2f: {  	[spmem:s8] =	stream.linear.scatter [tilespmem:s19], [sflag:$0x4], $0x2000, $0x38;
	[tilespmem:$0x1F000] =	vst v63  }
0x30: {  	_ =	swait.ge [sflag:s20], $0x2000  }
0x31: {  	[sflag:s20] =	ssyncset.done $0x0  }
0x32: {  	[sflag:s20] =	ssyncadd.s32 $0xFFFFE000  }
0x33: {  	[spmem:s9] =	stream.linear.scatter [tilespmem:s19], [sflag:$0x4], $0x2000, $0x38;
	[tilespmem:$0x1F000] =	vst v63  }
0x34: {  	_ =	swait.ge [sflag:s20], $0x2000  }
0x35: {  	[sflag:s20] =	ssyncset.done $0x0  }
0x36: {  	[sflag:s20] =	ssyncadd.s32 $0xFFFFE000  }
0x37: {  	[spmem:s10] =	stream.linear.scatter [tilespmem:s19], [sflag:$0x4], $0x2000, $0x38;
	[tilespmem:$0x1F000] =	vst v63  }
0x38: {  	_ =	swait.ge [sflag:s20], $0x2000  }
0x39: {  	[sflag:s20] =	ssyncset.done $0x0  }
0x3a: {  	[sflag:s20] =	ssyncadd.s32 $0xFFFFE000  }
0x3b: {  	[spmem:s11] =	stream.linear.scatter [tilespmem:s19], [sflag:$0x4], $0x2000, $0x38;
	[tilespmem:$0x1F000] =	vst v63  }
0x3c: {  	_ =	swait.ge [sflag:s20], $0x2000  }
0x3d: {  	[sflag:s20] =	ssyncset.done $0x0  }
0x3e: {  	[sflag:s20] =	ssyncadd.s32 $0xFFFFE000  }
0x3f: {  	[spmem:s12] =	stream.linear.scatter [tilespmem:s19], [sflag:$0x4], $0x2000, $0x38;
	[tilespmem:$0x1F000] =	vst v63  }
0x40: {  	_ =	swait.ge [sflag:s20], $0x2000  }
0x41: {  	[sflag:s20] =	ssyncset.done $0x0  }
0x42: {  	[sflag:s20] =	ssyncadd.s32 $0xFFFFE000  }
0x43: {  	[spmem:s13] =	stream.linear.scatter [tilespmem:s19], [sflag:$0x4], $0x2000, $0x38;
	[tilespmem:$0x1F000] =	vst v63  }
0x44: {  	_ =	swait.ge [sflag:s20], $0x2000  }
0x45: {  	[sflag:s20] =	ssyncset.done $0x0  }
0x46: {  	[sflag:s20] =	ssyncadd.s32 $0xFFFFE000  }
0x47: {  	[spmem:s14] =	stream.linear.scatter [tilespmem:s19], [sflag:$0x4], $0x2000, $0x38;
	[tilespmem:$0x1F000] =	vst v63  }
0x48: {  	_ =	swait.ge [sflag:s20], $0x2000  }
0x49: {  	[sflag:s20] =	ssyncset.done $0x0  }
0x4a: {  	[sflag:s20] =	ssyncadd.s32 $0xFFFFE000  }
0x4b: {  	s29 =	simm.s32 $0x0;
	[bflag:$0x0] =	sbarrier.arrive $0xFFFF  }
0x4c: {  	[tilespmem:s29], [sflag:$0x4] =	stream.linear.gather [hbm4b:s15+s29], $0x2840, $0x38;
	[tilespmem:$0x1F000] =	vst v63  }
0x4d: {  	_ =	swait.ge [sflag:s20], $0x2840  }
0x4e: {  	[sflag:s20] =	ssyncset.done $0x0  }
0x4f: {  	[sflag:s20] =	ssyncadd.s32 $0xFFFFD7C0  }
0x50: {  	[tilespmem:s21], [sflag:$0x4] =	stream.linear.gather [hbm4b:s16+s29], $0x27C0, $0x38;
	[tilespmem:$0x1F000] =	vst v63  }
0x51: {  	_ =	swait.ge [sflag:s20], $0x27C0  }
0x52: {  	[sflag:s20] =	ssyncset.done $0x0  }
0x53: {  	[sflag:s20] =	ssyncadd.s32 $0xFFFFD840  }
0x54: {  	[tilespmem:s19], [sflag:$0x1] =	stream.indirect.gather [hbm4b:s4+s22], $0x80, s29, s22, $0xb8;
	[tilespmem:$0x1F000] =	vst v63  }
0x55: {  	_ = 	snop  }
0x56: {  	[tilespmem:s23], [sflag:$0x2] =	stream.indirect.gather [hbm4b:s4+s22], $0x80, s22, s22, $0xb8;
	[tilespmem:$0x1F000] =	vst v63  }
0x57: {  	s29 =	simm.s32 $0x80  }
0x58: {  	[tilespmem:s24], [sflag:$0x3] =	stream.indirect.gather [hbm4b:s4+s22], $0x80, s29, s22, $0xb8;
	[tilespmem:$0x1F000] =	vst v63  }
0x59: {  	_ =	swait.ge [sflag:s25], $0x2000  }
0x5a: {  	[sflag:s25] =	ssyncset.done $0x0  }
0x5b: {  	s29 =	simm.s32 $0x2840;
	[sflag:s25] =	ssyncadd.s32 $0xFFFFE000  }
0x5c: {  	[spmem:s2] =	stream.indirect.scatter.add.f32 [tilespmem:s19], [sflag:$0x4], $0x80, s29, s22, $0xb8;
	[tilespmem:$0x1F000] =	vst v63  }
0x5d: {  	_ =	swait.ge [sflag:s20], $0x2000  }
0x5e: {  	[sflag:s20] =	ssyncset.done $0x0  }
0x5f: {  	s29 =	simm.s32 $0xC0;
	[sflag:s20] =	ssyncadd.s32 $0xFFFFE000  }
0x60: {  	[tilespmem:s19], [sflag:$0x1] =	stream.indirect.gather [hbm4b:s4+s22], $0x80, s29, s22, $0xb8;
	[tilespmem:$0x1F000] =	vst v63  }
0x61: {  	_ =	swait.ge [sflag:s26], $0x2000  }
0x62: {  	[sflag:s26] =	ssyncset.done $0x0  }
0x63: {  	s29 =	simm.s32 $0x2880;
	[sflag:s26] =	ssyncadd.s32 $0xFFFFE000  }
0x64: {  	[spmem:s2] =	stream.indirect.scatter.add.f32 [tilespmem:s23], [sflag:$0x4], $0x80, s29, s22, $0xb8;
	[tilespmem:$0x1F000] =	vst v63  }
0x65: {  	_ =	swait.ge [sflag:s20], $0x2000  }
0x66: {  	[sflag:s20] =	ssyncset.done $0x0  }
0x67: {  	s29 =	simm.s32 $0x100;
	[sflag:s20] =	ssyncadd.s32 $0xFFFFE000  }
0x68: {  	[tilespmem:s23], [sflag:$0x2] =	stream.indirect.gather [hbm4b:s4+s22], $0x80, s29, s22, $0xb8;
	[tilespmem:$0x1F000] =	vst v63  }
0x69: {  	_ =	swait.ge [sflag:s28], $0x2000  }
0x6a: {  	[sflag:s28] =	ssyncset.done $0x0  }
0x6b: {  	s29 =	simm.s32 $0x28C0;
	[sflag:s28] =	ssyncadd.s32 $0xFFFFE000  }
0x6c: {  	[spmem:s2] =	stream.indirect.scatter.add.f32 [tilespmem:s24], [sflag:$0x4], $0x80, s29, s22, $0xb8;
	[tilespmem:$0x1F000] =	vst v63  }
0x6d: {  	_ =	swait.ge [sflag:s20], $0x2000  }
0x6e: {  	s30 =	simm.s32 $0x600;
	s29 =	simm.s32 $0xC0;
	[sflag:s20] =	ssyncset.done $0x0  }
.LBB2_4:
0x6f: {  	s31 =	sadd.s32 $0x80, s29  }
0x70: {  	[sflag:s20] =	ssyncadd.s32 $0xFFFFE000;
	s1 =	smov.u32 s30;
	s0 =	sadd.s32 $0x300, s30  }
0x71: {  	[tilespmem:s24], [sflag:$0x3] =	stream.indirect.gather [hbm4b:s4+s22], $0x80, s31, s22, $0xb8;
	[tilespmem:$0x1F000] =	vst v63  }
0x72: {  	p0 =	sne.s32 s30, $0x9C00;
	_ =	swait.ge [sflag:s25], $0x2000  }
0x73: {  	[sflag:s25] =	ssyncset.done $0x0  }
0x74: {  	s30 =	sadd.s32 $0x2840, s29;
	[sflag:s25] =	ssyncadd.s32 $0xFFFFE000  }
0x75: {  	[spmem:s2] =	stream.indirect.scatter.add.f32 [tilespmem:s19], [sflag:$0x4], $0x80, s30, s22, $0xb8;
	[tilespmem:$0x1F000] =	vst v63  }
0x76: {  	_ =	swait.ge [sflag:s20], $0x2000  }
0x77: {  	[sflag:s20] =	ssyncset.done $0x0  }
0x78: {  	s30 =	sadd.s32 $0xC0, s29;
	[sflag:s20] =	ssyncadd.s32 $0xFFFFE000  }
0x79: {  	[tilespmem:s19], [sflag:$0x1] =	stream.indirect.gather [hbm4b:s4+s22], $0x80, s30, s22, $0xb8;
	[tilespmem:$0x1F000] =	vst v63  }
0x7a: {  	_ =	swait.ge [sflag:s26], $0x2000  }
0x7b: {  	[sflag:s26] =	ssyncset.done $0x0  }
0x7c: {  	s30 =	sadd.s32 $0x2880, s29;
	[sflag:s26] =	ssyncadd.s32 $0xFFFFE000  }
0x7d: {  	[spmem:s2] =	stream.indirect.scatter.add.f32 [tilespmem:s23], [sflag:$0x4], $0x80, s30, s22, $0xb8;
	[tilespmem:$0x1F000] =	vst v63  }
0x7e: {  	_ =	swait.ge [sflag:s20], $0x2000  }
0x7f: {  	[sflag:s20] =	ssyncset.done $0x0  }
0x80: {  	s30 =	sadd.s32 $0x100, s29;
	[sflag:s20] =	ssyncadd.s32 $0xFFFFE000  }
0x81: {  	[tilespmem:s23], [sflag:$0x2] =	stream.indirect.gather [hbm4b:s4+s22], $0x80, s30, s22, $0xb8;
	[tilespmem:$0x1F000] =	vst v63  }
0x82: {  	_ =	swait.ge [sflag:s28], $0x2000  }
.Ltmp1:
0x83: {  	[sflag:s28] =	ssyncset.done $0x0;
	(pc) =	sbr.rel @p0 .LBB2_4-.Ltmp1, $4  }
0x84: {  	s29 =	sadd.s32 $0x28C0, s29;
	[sflag:s28] =	ssyncadd.s32 $0xFFFFE000  }
0x85: {  	[spmem:s2] =	stream.indirect.scatter.add.f32 [tilespmem:s24], [sflag:$0x4], $0x80, s29, s22, $0xb8;
	[tilespmem:$0x1F000] =	vst v63  }
0x86: {  	_ =	swait.ge [sflag:s20], $0x2000  }
0x87: {  	s30 =	smov.u32 s0;
	s29 =	sshra.s32 s1, $0x2;
	[sflag:s20] =	ssyncset.done $0x0  }
0x88: {  	s0 =	sadd.s32 $0x80, s29;
	[sflag:s20] =	ssyncadd.s32 $0xFFFFE000  }
0x89: {  	[tilespmem:s24], [sflag:$0x3] =	stream.indirect.gather [hbm4b:s4+s22], $0x80, s0, s22, $0xb8;
	[tilespmem:$0x1F000] =	vst v63  }
0x8a: {  	_ =	swait.ge [sflag:s25], $0x2000  }
0x8b: {  	[sflag:s25] =	ssyncset.done $0x0  }
0x8c: {  	s1 =	sadd.s32 $0x2840, s29;
	[sflag:s25] =	ssyncadd.s32 $0xFFFFE000  }
0x8d: {  	[spmem:s2] =	stream.indirect.scatter.add.f32 [tilespmem:s19], [sflag:$0x4], $0x80, s1, s22, $0xb8;
	[tilespmem:$0x1F000] =	vst v63  }
0x8e: {  	_ =	swait.ge [sflag:s20], $0x2000  }
0x8f: {  	[sflag:s20] =	ssyncset.done $0x0  }
0x90: {  	s30 =	sadd.s32 $0xC0, s29;
	[sflag:s20] =	ssyncadd.s32 $0xFFFFE000  }
0x91: {  	[tilespmem:s19], [sflag:$0x1] =	stream.indirect.gather [hbm4b:s4+s22], $0x80, s30, s22, $0xb8;
	[tilespmem:$0x1F000] =	vst v63  }
0x92: {  	_ =	swait.ge [sflag:s26], $0x2000  }
0x93: {  	[sflag:s26] =	ssyncset.done $0x0  }
0x94: {  	s31 =	sadd.s32 $0x2880, s29;
	[sflag:s26] =	ssyncadd.s32 $0xFFFFE000  }
0x95: {  	[spmem:s2] =	stream.indirect.scatter.add.f32 [tilespmem:s23], [sflag:$0x4], $0x80, s31, s22, $0xb8;
	[tilespmem:$0x1F000] =	vst v63  }
0x96: {  	_ =	swait.ge [sflag:s20], $0x2000  }
0x97: {  	[sflag:s20] =	ssyncset.done $0x0  }
0x98: {  	s1 =	sadd.s32 $0x100, s29;
	[sflag:s20] =	ssyncadd.s32 $0xFFFFE000  }
0x99: {  	[tilespmem:s23], [sflag:$0x2] =	stream.indirect.gather [hbm4b:s4+s22], $0x80, s1, s22, $0xb8;
	[tilespmem:$0x1F000] =	vst v63  }
0x9a: {  	_ =	swait.ge [sflag:s28], $0x2000  }
0x9b: {  	[sflag:s28] =	ssyncset.done $0x0  }
0x9c: {  	s30 =	sadd.s32 $0x28C0, s29;
	[sflag:s28] =	ssyncadd.s32 $0xFFFFE000  }
0x9d: {  	[spmem:s2] =	stream.indirect.scatter.add.f32 [tilespmem:s24], [sflag:$0x4], $0x80, s30, s22, $0xb8;
	[tilespmem:$0x1F000] =	vst v63  }
0x9e: {  	_ =	swait.ge [sflag:s20], $0x2000  }
0x9f: {  	[sflag:s20] =	ssyncset.done $0x0  }
0xa0: {  	[sflag:s20] =	ssyncadd.s32 $0xFFFFE000  }
0xa1: {  	_ =	swait.ge [sflag:s25], $0x2000  }
0xa2: {  	[sflag:s25] =	ssyncset.done $0x0  }
0xa3: {  	[sflag:s25] =	ssyncadd.s32 $0xFFFFE000  }
0xa4: {  	s31 =	stileid.u32;
	_ =	swait.ge [sflag:s26], $0x2000  }
0xa5: {  	s3 =	sadd.s32 $0x1, s3;
	s0 =	sshll.u32 s31, $0x6;
	[sflag:s26] =	ssyncset.done $0x0  }
0xa6: {  	p0 =	sne.s32 s3, s18;
	s0 =	sor.u32 $0x1C04, s0;
	[sflag:s26] =	ssyncadd.s32 $0xFFFFE000  }
.Ltmp2:
0xa7: {  	s1 =	sshrl.u32 s5, $0x3;
	[bflag:$0x0] =	sbarrier.arrive $0xFFFF;
	(pc) =	sbr.rel @p0 .LBB2_1-.Ltmp2, $4  }
0xa8: {  	[hbm:s17], [sflag:s0] =	dma.local [spmem:s1], $0x2800  }
0xa9: {  	_ =	swait.ge [sflag:s20], $0x2800  }
0xaa: {  	[sflag:s20] =	ssyncset.done $0x0  }
0xab: {  	[sflag:s20] =	ssyncadd.s32 $0xFFFFD800  }
0xac: {  	_ =	sfence.sel $0x180000  }
0xad: {  	[bflag:$0x0] =	sbarrier.arrive $0xFFFF  }
0xae: {  	_ =	strace $0x90000053  }
0xaf: {  	s0 =	stileid.u32;
	[bflag:$0x2] =	sbarrier.arrive $0xFFFF  }
0xb0: {  	p0 =	sne.s32 s0, $0x0;
	s0 =	rddreg [dreg:$0x3]  }
0xb1: {  	s0 =	sadd.s32 @!p0 $0x100000, s0  }
0xb2: {  	[sflag:s0] =	ssyncadd.tile.s32 @!p0 $0x1;
	_ =	shalt  }
.Lfunc_end2:
_tile_overlayer_lowered:
.L_overlay_start_2:
0xb3: {  	(tag) =	ssettag $0x2  }
0xb4: {  	s0 =	rddreg [dreg:$0x0];
	s2 =	stileid.u32  }
0xb5: {  	s1 =	rddreg [dreg:$0x1];
	p0 =	sne.s32 s2, $0x0  }
0xb6: {  	s3 =	rddreg [dreg:$0x2];
	[bflag:$0x3] =	sbarrier.arrive $0xFFFF;
	s2 =	simm.s32 @!p0 $0x1C04  }
0xb7: {  	[timem:s3], [sflag:s2] =	dma.local @!p0 [hbm:s0], s1  }
0xb8: {  	s0 =	simm.s32 @!p0 $0x4  }
0xb9: {  	_ =	swait.ge @!p0 [sflag:s0], s1  }
0xba: {  	s1 =	ssub.s32 @!p0 $0x0, s1;
	[sflag:s0] =	ssyncset.done @!p0 $0x0  }
0xbb: {  	[sflag:s0] =	ssyncadd.s32 @!p0 s1  }
0xbc: {  	[bflag:$0x3] =	sbarrier.arrive $0xFFFF  }
0xbd: {  	_ =	shalt  }

// kernel: kernel.34.cloned.1.call-start
scs
__scs_entry_jumppad:
0x0: {  	(pc) =	sbr.rel $0x88, $3  }
0x1: {  	(tag) =	ssettag $0x0;
	lr =	simm.s32 $0x1  }
0x2: {  	[smem:$0x3F94] =	sst lr;
	_ =	strace $0xD0000000  }
0x3: {  	_ = 	snop  }
0x4: {  	_ = 	snop  }
0x5: {  	_ = 	snop  }
0x6: {  	_ = 	snop  }
0x7: {  	_ = 	snop  }
__scs_overlays_trampoline_lowered:
0x8: {  	[smem:$0x3FA3] =	sst s0  }
0x9: {  	[smem:$0x3FA4] =	sst s1  }
0xa: {  	[smem:$0x3FA5] =	sst s2  }
0xb: {  	[smem:$0x3FA6] =	sst s3  }
0xc: {  	[smem:$0x3FA7] =	sst s4  }
0xd: {  	[smem:$0x3FA8] =	sst s5  }
0xe: {  	[smem:$0x3FA9] =	sst s6  }
0xf: {  	[smem:$0x3FAA] =	sst s7  }
0x10: {  	[smem:$0x3FAB] =	sst s8  }
0x11: {  	[smem:$0x3FAC] =	sst s9;
	s0 =	simm.s32 @!p0 $0x0  }
0x12: {  	s1 =	sld [smem:$0x3F92];
	s0 =	simm.s32 @p0 $0x1  }
0x13: {  	[smem:$0x3FAD] =	sst s0;
	s0 =	simm.s32 @!p1 $0x0  }
0x14: {  	s2 =	sld [smem:$0x3F91];
	s0 =	simm.s32 @p1 $0x1  }
0x15: {  	[smem:$0x3FAE] =	sst s0;
	s0 =	simm.s32 @!p2 $0x0  }
0x16: {  	s3 =	sld [smem:$0x3FDB];
	s0 =	simm.s32 @p2 $0x1  }
0x17: {  	s4 =	simm.s32 $0x1BF5;
	[smem:$0x3FB0] =	sst s0  }
0x18: {  	s0 =	sld [smem:$0x3F93];
	_ =	swait.ge [sflag:s4], $0x0  }
0x19: {  	s7 =	sld [smem:$0x3F94]  }
0x1a: {  	s8 =	sadd.s32 $0xFFFFE003, lr  }
0x1b: {  	s9 =	sadd.s32 $0xFFFFFEF7, lr;
	s5 =	simm.s32 $0xFFFFFFFF;
	p2 =	slt.u32 s8, $0xFFFFF086  }
0x1c: {  	p1 =	slt.u32 s9, $0xF7A;
	s5 =	simm.s32 @!p2 $0x0  }
0x1d: {  	s5 =	simm.s32 @p1 $0x1;
	p0 =	seq.s32 s7, s2  }
0x1e: {  	s7 =	smul.u32 @!p0 $0xF7A, s2;
	p2 =	seq.s32 @!p0 s5, $0x0  }
0x1f: {  	s9 =	smul.u32 $0xF7A, s1;
	s8 =	simm.s32 @!p0 $0x1BF5;
	p2 =	por !p2, p0  }
0x20: {  	[sflag:s8] =	ssyncset.s32 @!p0 $0xFFFFF086;
	s6 =	sadd.s32 @!p0 s3, s7;
	s7 =	simm.s32 @!p0 $0x108  }
0x21: {  	s3 =	sadd.s32 s3, s9;
	s6 =	sadd.s32 @!p0 $0x88, s6;
	s7 =	simm.s32 @p2 $0x1082  }
0x22: {  	[simem:s7], [sflag:s8] =	dma.local @!p0 [hbm:s6], $0xF7A  }
0x23: {  	s9 =	sor.u32 $0xD0000000, s2;
	s6 =	simm.s32 $0x108;
	_ =	swait.ge @!p0 [sflag:s8], $0x0  }
0x24: {  	s3 =	sadd.s32 $0x88, s3;
	s6 =	simm.s32 @!p1 $0x1082;
	[sflag:s4] =	ssyncset.s32 $0xFFFFF086  }
0x25: {  	[simem:s6], [sflag:s4] =	dma.local [hbm:s3], $0xF7A  }
0x26: {  	[smem:$0x3F94] =	sst s1;
	(tag) =	ssettag s2;
	_ =	strace s9  }
0x27: {  	s1 =	sld [smem:$0x3FA4]  }
0x28: {  	s2 =	sld [smem:$0x3FA5]  }
0x29: {  	s4 =	sld [smem:$0x3FA7]  }
0x2a: {  	p0 =	seq.s32 s5, $0x0;
	s5 =	sld [smem:$0x3FA8]  }
0x2b: {  	s6 =	sld [smem:$0x3FA9]  }
0x2c: {  	s7 =	sld [smem:$0x3FAA]  }
0x2d: {  	s3 =	simm.s32 $0x108;
	s8 =	sld [smem:$0x3FAB]  }
0x2e: {  	s3 =	simm.s32 @!p0 $0x1082;
	s9 =	sld [smem:$0x3FAC]  }
0x2f: {  	lr =	sadd.s32 s0, s3;
	s0 =	sld [smem:$0x3FA3]  }
0x30: {  	s3 =	sld [smem:$0x3FA6]  }
0x31: {  	[smem:$0x3FAF] =	sst s10  }
0x32: {  	s10 =	sld [smem:$0x3FAD];
	_ =	sdelay $0x3  }
0x33: {  	p0 =	seq.s32 s10, $0x1;
	s10 =	sld [smem:$0x3FAF];
	_ =	sdelay $0x3  }
0x34: {  	[smem:$0x3FAF] =	sst s10  }
0x35: {  	s10 =	sld [smem:$0x3FAE];
	_ =	sdelay $0x3  }
0x36: {  	p1 =	seq.s32 s10, $0x1;
	s10 =	sld [smem:$0x3FAF];
	_ =	sdelay $0x3  }
0x37: {  	[smem:$0x3FAF] =	sst s10  }
0x38: {  	s10 =	sld [smem:$0x3FB0]  }
0x39: {  	_ = 	snop;
	(pc) =	sbr.ind lr, $3  }
0x3a: {  	_ = 	snop  }
0x3b: {  	_ = 	snop  }
0x3c: {  	p2 =	seq.s32 s10, $0x1;
	s10 =	sld [smem:$0x3FAF]  }
0x3d: {  	_ =	shalt  }
0x3e: {  	_ =	shalt  }
0x3f: {  	_ =	shalt  }
0x40: {  	_ =	shalt  }
0x41: {  	_ =	shalt  }
0x42: {  	_ =	shalt  }
0x43: {  	_ =	shalt  }
0x44: {  	_ =	shalt  }
0x45: {  	_ =	shalt  }
0x46: {  	_ =	shalt  }
0x47: {  	_ =	shalt  }
0x48: {  	_ =	shalt  }
0x49: {  	_ =	shalt  }
0x4a: {  	_ =	shalt  }
0x4b: {  	_ =	shalt  }
0x4c: {  	_ =	shalt  }
0x4d: {  	_ =	shalt  }
0x4e: {  	_ =	shalt  }
0x4f: {  	_ =	shalt  }
0x50: {  	_ =	shalt  }
0x51: {  	_ =	shalt  }
0x52: {  	_ =	shalt  }
0x53: {  	_ =	shalt  }
0x54: {  	_ =	shalt  }
0x55: {  	_ =	shalt  }
0x56: {  	_ =	shalt  }
0x57: {  	_ =	shalt  }
0x58: {  	_ =	shalt  }
0x59: {  	_ =	shalt  }
0x5a: {  	_ =	shalt  }
0x5b: {  	_ =	shalt  }
0x5c: {  	_ =	shalt  }
0x5d: {  	_ =	shalt  }
0x5e: {  	_ =	shalt  }
0x5f: {  	_ =	shalt  }
0x60: {  	_ =	shalt  }
0x61: {  	_ =	shalt  }
0x62: {  	_ =	shalt  }
0x63: {  	_ =	shalt  }
0x64: {  	_ =	shalt  }
0x65: {  	_ =	shalt  }
0x66: {  	_ =	shalt  }
0x67: {  	_ =	shalt  }
0x68: {  	_ =	shalt  }
0x69: {  	_ =	shalt  }
0x6a: {  	_ =	shalt  }
0x6b: {  	_ =	shalt  }
0x6c: {  	_ =	shalt  }
0x6d: {  	_ =	shalt  }
0x6e: {  	_ =	shalt  }
0x6f: {  	_ =	shalt  }
0x70: {  	_ =	shalt  }
0x71: {  	_ =	shalt  }
0x72: {  	_ =	shalt  }
0x73: {  	_ =	shalt  }
0x74: {  	_ =	shalt  }
0x75: {  	_ =	shalt  }
0x76: {  	_ =	shalt  }
0x77: {  	_ =	shalt  }
0x78: {  	_ =	shalt  }
0x79: {  	_ =	shalt  }
0x7a: {  	_ =	shalt  }
0x7b: {  	_ =	shalt  }
0x7c: {  	_ =	shalt  }
0x7d: {  	_ =	shalt  }
0x7e: {  	_ =	shalt  }
0x7f: {  	_ =	shalt  }
0x80: {  	_ =	shalt  }
0x81: {  	_ =	shalt  }
0x82: {  	_ =	shalt  }
0x83: {  	_ =	shalt  }
0x84: {  	_ =	shalt  }
0x85: {  	_ =	shalt  }
0x86: {  	_ =	shalt  }
0x87: {  	_ =	shalt  }
.Lfunc_end0:
.L_simem_size_0:
called_computation.5_lowered:
.L_overlay_start_0:
0x88: {  	s2 =	sld [smem:$0x3FD9]  }
0x89: {  	s3 =	sld [smem:$0x3FFE];
	_ =	sdelay $0x1  }
0x8a: {  	s1 =	srdreg.scid  }
0x8b: {  	s0 =	sand.u32 $0x1, s1  }
0x8c: {  	s17 =	sshll.u32 s0, $0xA;
	s2 =	sadd.s32 s3, s2  }
0x8d: {  	s2 =	sadd.s32 s2, s17  }
0x8e: {  	[smem:$0x3FBB] =	sst s2  }
0x8f: {  	_ = 	snop  }
0x90: {  	s2 =	sld [smem:$0x3FD0];
	(tm) =	ssettm $0x1  }
0x91: {  	s18 =	sld [smem:$0x3FFB];
	_ =	sdelay $0x3  }
0x92: {  	_ =	strace s18  }
0x93: {  	s3 =	sld [smem:$0x3FFC];
	_ =	sdelay $0x3  }
0x94: {  	_ =	strace s3  }
0x95: {  	s3 =	sld [smem:$0x3FFD];
	_ =	sdelay $0x3  }
0x96: {  	_ =	strace s3  }
0x97: {  	_ =	strace $0x8FFFFFFF  }
0x98: {  	s19 =	sld [smem:$0x3FDB];
	_ =	sdelay $0x1  }
0x99: {  	s4 =	simm.s32 $_scs_section_size  }
0x9a: {  	s5 =	simm.s32 $_size__tile_overlayer_lowered;
	s6 =	simm.s32 $_tile_overlayer_lowered  }
0x9b: {  	s22 =	simm.s32 $0x1BFF;
	s21 =	sshll.u32 s6, $0x1;
	s3 =	sadd.s32 s4, s19  }
0x9c: {  	s7 =	simm.s32 $0x0;
	s20 =	sshll.u32 s5, $0x1;
	s5 =	sadd.s32 s21, s3  }
0x9d: {  	[timem:s7], [sflag:s22] =	dma.local [hbm:s5], s20  }
0x9e: {  	_ =	swait.ge [sflag:s22], s20  }
0x9f: {  	s4 =	ssub.s32 $0x0, s20;
	[sflag:s22] =	ssyncset.done $0x0  }
0xa0: {  	[sflag:s22] =	ssyncadd.s32 s4;
	_ =	sdelay $0x1  }
0xa1: {  	s23 =	simm.s32 $0x1B8B  }
0xa2: {  	_ =	swait.ge [sflag:s23], $0x1  }
0xa3: {  	[sflag:s23] =	ssyncset.done $0x0  }
0xa4: {  	s25 =	simm.s32 $0x1B8E;
	s24 =	sld [smem:$0x3FFE];
	[sflag:s23] =	ssyncadd.s32 $0xFFFFFFFF  }
0xa5: {  	s26 =	simm.s32 $execute0_lowered;
	[smem:$0x3FD2] =	sst s25  }
0xa6: {  	s5 =	sshll.u32 s26, $0x1;
	_ =	strace $0x80000055;
	[dreg:$0x1] =	wrdreg $0xFFFFFFFF  }
0xa7: {  	s28 =	simm.s32 $_size_execute0_lowered;
	s3 =	sadd.s32 s3, s5;
	[dreg:$0x0] =	wrdreg $0x0  }
0xa8: {  	s5 =	sshll.u32 s28, $0x1;
	[dreg:$0x2] =	wrdreg s3  }
0xa9: {  	[dreg:$0x3] =	wrdreg s5  }
0xaa: {  	[dreg:$0x4] =	wrdreg $0xC0  }
0xab: {  	_ =	task [dreg:s7], $0x5FFFF  }
0xac: {  	[dreg:$0x1] =	wrdreg $0xFFFFFFFF  }
0xad: {  	[dreg:$0x0] =	wrdreg $0x60  }
0xae: {  	[dreg:$0x2] =	wrdreg s24  }
0xaf: {  	[dreg:$0x3] =	wrdreg s2  }
0xb0: {  	[dreg:$0x4] =	wrdreg $0xB0000  }
0xb1: {  	[dreg:$0x5] =	wrdreg $0x9  }
0xb2: {  	_ =	task.clear_ibuf [dreg:s7], $0x6FFFF;
	_ =	strace $0x90000055  }
0xb3: {  	s29 =	simm.s32 $0x9;
	_ =	strace $0x80000057  }
0xb4: {  	_ =	swait.ge [sflag:s29], $0x1  }
0xb5: {  	[sflag:s29] =	ssyncadd.s32 $0xFFFFFFFF  }
0xb6: {  	_ =	strace $0x90000057  }
0xb7: {  	_ =	sfence  }
0xb8: {  	s30 =	sld [smem:$0x0];
	_ =	sdelay $0x2  }
0xb9: {  	s31 =	sshll.u32 s1, $0xD;
	s1 =	sshrl.u32 s1, $0x2  }
0xba: {  	s3 =	sand.u32 $0x4000, s31;
	s1 =	sadd.s32 s1, s30  }
0xbb: {  	s0 =	sor.u32 s3, s0;
	s1 =	sshll.u32 s1, $0x11  }
0xbc: {  	s0 =	sor.u32 s1, s0  }
0xbd: {  	s0 =	sadd.s32 $0x8F2B, s0  }
0xbe: {  	[sflag:s0] =	ssyncadd.remote.s32 $0x1  }
0xbf: {  	_ =	sfence.sel $0xFFFF  }
0xc0: {  	[dreg:$0x0] =	wrdreg $0xFFFFFFFF;
	(pc) =	sbr.abs _section_cstart, $3  }
0xc1: {  	[dreg:$0x1] =	wrdreg $0xFFFFFFFF  }
0xc2: {  	_ =	task.clear_ibuf [dreg:s7], $0x2FFFF;
	_ =	strace $0x9FFFFFFF  }
0xc3: {  	(tm) =	ssettm $0x7FFFFFFF  }
tec
execute0_lowered:
.L_overlay_start_1:
0x0: {  	(tag) =	ssettag $0x1  }
0x1: {  	s0 =	srdreg.scid;
	s6 =	rddreg [dreg:$0x0]  }
0x2: {  	s29 =	stileid.u32;
	s15 =	rddreg [dreg:$0x1]  }
0x3: {  	s2 =	rddreg [dreg:$0x2];
	s3 =	simm.s32 $0x0;
	s20 =	simm.s32 $0x4  }
0x4: {  	s21 =	simm.s32 $0x2840;
	s22 =	simm.s32 $0x40;
	s23 =	simm.s32 $0x7000  }
0x5: {  	s24 =	simm.s32 $0x9000;
	s25 =	simm.s32 $0x1;
	s26 =	simm.s32 $0x2  }
0x6: {  	s28 =	simm.s32 $0x3;
	s5 =	sand.u32 $0x1, s0;
	s8 =	smul.u32 $0x14000, s29  }
0x7: {  	[smem:$0x7FF] =	sst s3;
	s4 =	sadd.s32 $0x1E600, s6;
	s11 =	smul.u32 $0x50000, s29  }
0x8: {  	s1 =	sshll.u32 s5, $0x4;
	s9 =	smul.u32 $0x140000, s5;
	s5 =	ssub.s32 $0x2, s5  }
0x9: {  	_ =	strace $0x80000056;
	s10 =	sor.u32 s29, s1;
	s31 =	sshrl.u32 s5, $0x1  }
0xa: {  	s11 =	sshrl.u32 s11, $0x2;
	s7 =	smul.u32 $0x4F8, s10;
	s30 =	sadd.s32 s8, s9  }
0xb: {  	s18 =	ssub.s32 s5, s31;
	s14 =	sadd.s32 s11, s2;
	s5 =	sadd.s32 s8, s2  }
0xc: {  	s19 =	smul.u32 $0x508, s10;
	s8 =	sadd.s32 $0x6000, s14;
	s9 =	sadd.s32 $0x8000, s14  }
0xd: {  	s10 =	sadd.s32 $0xA000, s14;
	s11 =	sadd.s32 $0xC000, s14;
	s12 =	sadd.s32 $0xE000, s14  }
0xe: {  	s13 =	sadd.s32 $0x10000, s14;
	s18 =	smax.u32 s18, $0x1;
	s16 =	sadd.s32 s7, s6  }
0xf: {  	s7 =	sshrl.u32 s30, $0x3;
	s15 =	sadd.s32 s15, s19;
	s19 =	simm.s32 $0x5000  }
0x10: {  	s17 =	sadd.s32 s7, s6;
	s6 =	sadd.s32 $0x2000, s14;
	s7 =	sadd.s32 $0x4000, s14  }
0x11: {  	v0 =	vimm.f32 $0.0e+00;
	s14 =	sadd.s32 $0x12000, s14;
	s16 =	sadd.s32 $0x14600, s16;
	s17 =	sadd.s32 $0x9E600, s17  }
.LBB2_1:
0x12: {  	s29 =	simm.s32 $0x0;
	s30 =	simm.s32 $0x200  }
.LBB2_2:
0x13: {  	p0 =	sne.s32 s30, $0x7E00;
	[tilespmem:s29+$0x5070] =	vst v0  }
0x14: {  	[tilespmem:s29+$0x5000] =	vst v0  }
0x15: {  	[tilespmem:s29+$0x5010] =	vst v0  }
.Ltmp0:
0x16: {  	[tilespmem:s29+$0x5020] =	vst v0;
	(pc) =	sbr.rel @p0 .LBB2_2-.Ltmp0, $4  }
0x17: {  	[tilespmem:s29+$0x5030] =	vst v0  }
0x18: {  	[tilespmem:s29+$0x5040] =	vst v0  }
0x19: {  	[tilespmem:s29+$0x5050] =	vst v0  }
0x1a: {  	[tilespmem:s29+$0x5060] =	vst v0;
	s29 =	sshra.s32 s30, $0x2;
	s30 =	sadd.s32 $0x200, s30  }
0x1b: {  	[tilespmem:s29+$0x5070] =	vst v0  }
0x1c: {  	[tilespmem:s29+$0x5000] =	vst v0  }
0x1d: {  	[tilespmem:s29+$0x5010] =	vst v0  }
0x1e: {  	[tilespmem:s29+$0x5020] =	vst v0  }
0x1f: {  	[tilespmem:s29+$0x5030] =	vst v0  }
0x20: {  	[tilespmem:s29+$0x5040] =	vst v0  }
0x21: {  	[tilespmem:s29+$0x5050] =	vst v0  }
0x22: {  	[tilespmem:s29+$0x5060] =	vst v0  }
0x23: {  	[spmem:s5] =	stream.linear.scatter [tilespmem:s19], [sflag:$0x4], $0x2000, $0x38;
	[tilespmem:$0x1F000] =	vst v63  }
0x24: {  	_ =	swait.ge [sflag:s20], $0x2000  }
0x25: {  	[sflag:s20] =	ssyncset.done $0x0  }
0x26: {  	[sflag:s20] =	ssyncadd.s32 $0xFFFFE000  }
0x27: {  	[spmem:s6] =	stream.linear.scatter [tilespmem:s19], [sflag:$0x4], $0x2000, $0x38;
	[tilespmem:$0x1F000] =	vst v63  }
0x28: {  	_ =	swait.ge [sflag:s20], $0x2000  }
0x29: {  	[sflag:s20] =	ssyncset.done $0x0  }
0x2a: {  	[sflag:s20] =	ssyncadd.s32 $0xFFFFE000  }
0x2b: {  	[spmem:s7] =	stream.linear.scatter [tilespmem:s19], [sflag:$0x4], $0x2000, $0x38;
	[tilespmem:$0x1F000] =	vst v63  }
0x2c: {  	_ =	swait.ge [sflag:s20], $0x2000  }
0x2d: {  	[sflag:s20] =	ssyncset.done $0x0  }
0x2e: {  	[sflag:s20] =	ssyncadd.s32 $0xFFFFE000  }
0x2f: {  	[spmem:s8] =	stream.linear.scatter [tilespmem:s19], [sflag:$0x4], $0x2000, $0x38;
	[tilespmem:$0x1F000] =	vst v63  }
0x30: {  	_ =	swait.ge [sflag:s20], $0x2000  }
0x31: {  	[sflag:s20] =	ssyncset.done $0x0  }
0x32: {  	[sflag:s20] =	ssyncadd.s32 $0xFFFFE000  }
0x33: {  	[spmem:s9] =	stream.linear.scatter [tilespmem:s19], [sflag:$0x4], $0x2000, $0x38;
	[tilespmem:$0x1F000] =	vst v63  }
0x34: {  	_ =	swait.ge [sflag:s20], $0x2000  }
0x35: {  	[sflag:s20] =	ssyncset.done $0x0  }
0x36: {  	[sflag:s20] =	ssyncadd.s32 $0xFFFFE000  }
0x37: {  	[spmem:s10] =	stream.linear.scatter [tilespmem:s19], [sflag:$0x4], $0x2000, $0x38;
	[tilespmem:$0x1F000] =	vst v63  }
0x38: {  	_ =	swait.ge [sflag:s20], $0x2000  }
0x39: {  	[sflag:s20] =	ssyncset.done $0x0  }
0x3a: {  	[sflag:s20] =	ssyncadd.s32 $0xFFFFE000  }
0x3b: {  	[spmem:s11] =	stream.linear.scatter [tilespmem:s19], [sflag:$0x4], $0x2000, $0x38;
	[tilespmem:$0x1F000] =	vst v63  }
0x3c: {  	_ =	swait.ge [sflag:s20], $0x2000  }
0x3d: {  	[sflag:s20] =	ssyncset.done $0x0  }
0x3e: {  	[sflag:s20] =	ssyncadd.s32 $0xFFFFE000  }
0x3f: {  	[spmem:s12] =	stream.linear.scatter [tilespmem:s19], [sflag:$0x4], $0x2000, $0x38;
	[tilespmem:$0x1F000] =	vst v63  }
0x40: {  	_ =	swait.ge [sflag:s20], $0x2000  }
0x41: {  	[sflag:s20] =	ssyncset.done $0x0  }
0x42: {  	[sflag:s20] =	ssyncadd.s32 $0xFFFFE000  }
0x43: {  	[spmem:s13] =	stream.linear.scatter [tilespmem:s19], [sflag:$0x4], $0x2000, $0x38;
	[tilespmem:$0x1F000] =	vst v63  }
0x44: {  	_ =	swait.ge [sflag:s20], $0x2000  }
0x45: {  	[sflag:s20] =	ssyncset.done $0x0  }
0x46: {  	[sflag:s20] =	ssyncadd.s32 $0xFFFFE000  }
0x47: {  	[spmem:s14] =	stream.linear.scatter [tilespmem:s19], [sflag:$0x4], $0x2000, $0x38;
	[tilespmem:$0x1F000] =	vst v63  }
0x48: {  	_ =	swait.ge [sflag:s20], $0x2000  }
0x49: {  	[sflag:s20] =	ssyncset.done $0x0  }
0x4a: {  	[sflag:s20] =	ssyncadd.s32 $0xFFFFE000  }
0x4b: {  	s29 =	simm.s32 $0x0;
	[bflag:$0x0] =	sbarrier.arrive $0xFFFF  }
0x4c: {  	[tilespmem:s29], [sflag:$0x4] =	stream.linear.gather [hbm4b:s15+s29], $0x2840, $0x38;
	[tilespmem:$0x1F000] =	vst v63  }
0x4d: {  	_ =	swait.ge [sflag:s20], $0x2840  }
0x4e: {  	[sflag:s20] =	ssyncset.done $0x0  }
0x4f: {  	[sflag:s20] =	ssyncadd.s32 $0xFFFFD7C0  }
0x50: {  	[tilespmem:s21], [sflag:$0x4] =	stream.linear.gather [hbm4b:s16+s29], $0x27C0, $0x38;
	[tilespmem:$0x1F000] =	vst v63  }
0x51: {  	_ =	swait.ge [sflag:s20], $0x27C0  }
0x52: {  	[sflag:s20] =	ssyncset.done $0x0  }
0x53: {  	[sflag:s20] =	ssyncadd.s32 $0xFFFFD840  }
0x54: {  	[tilespmem:s19], [sflag:$0x1] =	stream.indirect.gather [hbm4b:s4+s22], $0x80, s29, s22, $0xb8;
	[tilespmem:$0x1F000] =	vst v63  }
0x55: {  	_ = 	snop  }
0x56: {  	[tilespmem:s23], [sflag:$0x2] =	stream.indirect.gather [hbm4b:s4+s22], $0x80, s22, s22, $0xb8;
	[tilespmem:$0x1F000] =	vst v63  }
0x57: {  	s29 =	simm.s32 $0x80  }
0x58: {  	[tilespmem:s24], [sflag:$0x3] =	stream.indirect.gather [hbm4b:s4+s22], $0x80, s29, s22, $0xb8;
	[tilespmem:$0x1F000] =	vst v63  }
0x59: {  	_ =	swait.ge [sflag:s25], $0x2000  }
0x5a: {  	[sflag:s25] =	ssyncset.done $0x0  }
0x5b: {  	s29 =	simm.s32 $0x2840;
	[sflag:s25] =	ssyncadd.s32 $0xFFFFE000  }
0x5c: {  	[spmem:s2] =	stream.indirect.scatter.add.f32 [tilespmem:s19], [sflag:$0x4], $0x80, s29, s22, $0xb8;
	[tilespmem:$0x1F000] =	vst v63  }
0x5d: {  	_ =	swait.ge [sflag:s20], $0x2000  }
0x5e: {  	[sflag:s20] =	ssyncset.done $0x0  }
0x5f: {  	s29 =	simm.s32 $0xC0;
	[sflag:s20] =	ssyncadd.s32 $0xFFFFE000  }
0x60: {  	[tilespmem:s19], [sflag:$0x1] =	stream.indirect.gather [hbm4b:s4+s22], $0x80, s29, s22, $0xb8;
	[tilespmem:$0x1F000] =	vst v63  }
0x61: {  	_ =	swait.ge [sflag:s26], $0x2000  }
0x62: {  	[sflag:s26] =	ssyncset.done $0x0  }
0x63: {  	s29 =	simm.s32 $0x2880;
	[sflag:s26] =	ssyncadd.s32 $0xFFFFE000  }
0x64: {  	[spmem:s2] =	stream.indirect.scatter.add.f32 [tilespmem:s23], [sflag:$0x4], $0x80, s29, s22, $0xb8;
	[tilespmem:$0x1F000] =	vst v63  }
0x65: {  	_ =	swait.ge [sflag:s20], $0x2000  }
0x66: {  	[sflag:s20] =	ssyncset.done $0x0  }
0x67: {  	s29 =	simm.s32 $0x100;
	[sflag:s20] =	ssyncadd.s32 $0xFFFFE000  }
0x68: {  	[tilespmem:s23], [sflag:$0x2] =	stream.indirect.gather [hbm4b:s4+s22], $0x80, s29, s22, $0xb8;
	[tilespmem:$0x1F000] =	vst v63  }
0x69: {  	_ =	swait.ge [sflag:s28], $0x2000  }
0x6a: {  	[sflag:s28] =	ssyncset.done $0x0  }
0x6b: {  	s29 =	simm.s32 $0x28C0;
	[sflag:s28] =	ssyncadd.s32 $0xFFFFE000  }
0x6c: {  	[spmem:s2] =	stream.indirect.scatter.add.f32 [tilespmem:s24], [sflag:$0x4], $0x80, s29, s22, $0xb8;
	[tilespmem:$0x1F000] =	vst v63  }
0x6d: {  	_ =	swait.ge [sflag:s20], $0x2000  }
0x6e: {  	s30 =	simm.s32 $0x600;
	s29 =	simm.s32 $0xC0;
	[sflag:s20] =	ssyncset.done $0x0  }
.LBB2_4:
0x6f: {  	s31 =	sadd.s32 $0x80, s29  }
0x70: {  	[sflag:s20] =	ssyncadd.s32 $0xFFFFE000;
	s1 =	smov.u32 s30;
	s0 =	sadd.s32 $0x300, s30  }
0x71: {  	[tilespmem:s24], [sflag:$0x3] =	stream.indirect.gather [hbm4b:s4+s22], $0x80, s31, s22, $0xb8;
	[tilespmem:$0x1F000] =	vst v63  }
0x72: {  	p0 =	sne.s32 s30, $0x9C00;
	_ =	swait.ge [sflag:s25], $0x2000  }
0x73: {  	[sflag:s25] =	ssyncset.done $0x0  }
0x74: {  	s30 =	sadd.s32 $0x2840, s29;
	[sflag:s25] =	ssyncadd.s32 $0xFFFFE000  }
0x75: {  	[spmem:s2] =	stream.indirect.scatter.add.f32 [tilespmem:s19], [sflag:$0x4], $0x80, s30, s22, $0xb8;
	[tilespmem:$0x1F000] =	vst v63  }
0x76: {  	_ =	swait.ge [sflag:s20], $0x2000  }
0x77: {  	[sflag:s20] =	ssyncset.done $0x0  }
0x78: {  	s30 =	sadd.s32 $0xC0, s29;
	[sflag:s20] =	ssyncadd.s32 $0xFFFFE000  }
0x79: {  	[tilespmem:s19], [sflag:$0x1] =	stream.indirect.gather [hbm4b:s4+s22], $0x80, s30, s22, $0xb8;
	[tilespmem:$0x1F000] =	vst v63  }
0x7a: {  	_ =	swait.ge [sflag:s26], $0x2000  }
0x7b: {  	[sflag:s26] =	ssyncset.done $0x0  }
0x7c: {  	s30 =	sadd.s32 $0x2880, s29;
	[sflag:s26] =	ssyncadd.s32 $0xFFFFE000  }
0x7d: {  	[spmem:s2] =	stream.indirect.scatter.add.f32 [tilespmem:s23], [sflag:$0x4], $0x80, s30, s22, $0xb8;
	[tilespmem:$0x1F000] =	vst v63  }
0x7e: {  	_ =	swait.ge [sflag:s20], $0x2000  }
0x7f: {  	[sflag:s20] =	ssyncset.done $0x0  }
0x80: {  	s30 =	sadd.s32 $0x100, s29;
	[sflag:s20] =	ssyncadd.s32 $0xFFFFE000  }
0x81: {  	[tilespmem:s23], [sflag:$0x2] =	stream.indirect.gather [hbm4b:s4+s22], $0x80, s30, s22, $0xb8;
	[tilespmem:$0x1F000] =	vst v63  }
0x82: {  	_ =	swait.ge [sflag:s28], $0x2000  }
.Ltmp1:
0x83: {  	[sflag:s28] =	ssyncset.done $0x0;
	(pc) =	sbr.rel @p0 .LBB2_4-.Ltmp1, $4  }
0x84: {  	s29 =	sadd.s32 $0x28C0, s29;
	[sflag:s28] =	ssyncadd.s32 $0xFFFFE000  }
0x85: {  	[spmem:s2] =	stream.indirect.scatter.add.f32 [tilespmem:s24], [sflag:$0x4], $0x80, s29, s22, $0xb8;
	[tilespmem:$0x1F000] =	vst v63  }
0x86: {  	_ =	swait.ge [sflag:s20], $0x2000  }
0x87: {  	s30 =	smov.u32 s0;
	s29 =	sshra.s32 s1, $0x2;
	[sflag:s20] =	ssyncset.done $0x0  }
0x88: {  	s0 =	sadd.s32 $0x80, s29;
	[sflag:s20] =	ssyncadd.s32 $0xFFFFE000  }
0x89: {  	[tilespmem:s24], [sflag:$0x3] =	stream.indirect.gather [hbm4b:s4+s22], $0x80, s0, s22, $0xb8;
	[tilespmem:$0x1F000] =	vst v63  }
0x8a: {  	_ =	swait.ge [sflag:s25], $0x2000  }
0x8b: {  	[sflag:s25] =	ssyncset.done $0x0  }
0x8c: {  	s1 =	sadd.s32 $0x2840, s29;
	[sflag:s25] =	ssyncadd.s32 $0xFFFFE000  }
0x8d: {  	[spmem:s2] =	stream.indirect.scatter.add.f32 [tilespmem:s19], [sflag:$0x4], $0x80, s1, s22, $0xb8;
	[tilespmem:$0x1F000] =	vst v63  }
0x8e: {  	_ =	swait.ge [sflag:s20], $0x2000  }
0x8f: {  	[sflag:s20] =	ssyncset.done $0x0  }
0x90: {  	s30 =	sadd.s32 $0xC0, s29;
	[sflag:s20] =	ssyncadd.s32 $0xFFFFE000  }
0x91: {  	[tilespmem:s19], [sflag:$0x1] =	stream.indirect.gather [hbm4b:s4+s22], $0x80, s30, s22, $0xb8;
	[tilespmem:$0x1F000] =	vst v63  }
0x92: {  	_ =	swait.ge [sflag:s26], $0x2000  }
0x93: {  	[sflag:s26] =	ssyncset.done $0x0  }
0x94: {  	s31 =	sadd.s32 $0x2880, s29;
	[sflag:s26] =	ssyncadd.s32 $0xFFFFE000  }
0x95: {  	[spmem:s2] =	stream.indirect.scatter.add.f32 [tilespmem:s23], [sflag:$0x4], $0x80, s31, s22, $0xb8;
	[tilespmem:$0x1F000] =	vst v63  }
0x96: {  	_ =	swait.ge [sflag:s20], $0x2000  }
0x97: {  	[sflag:s20] =	ssyncset.done $0x0  }
0x98: {  	s1 =	sadd.s32 $0x100, s29;
	[sflag:s20] =	ssyncadd.s32 $0xFFFFE000  }
0x99: {  	[tilespmem:s23], [sflag:$0x2] =	stream.indirect.gather [hbm4b:s4+s22], $0x80, s1, s22, $0xb8;
	[tilespmem:$0x1F000] =	vst v63  }
0x9a: {  	_ =	swait.ge [sflag:s28], $0x2000  }
0x9b: {  	[sflag:s28] =	ssyncset.done $0x0  }
0x9c: {  	s30 =	sadd.s32 $0x28C0, s29;
	[sflag:s28] =	ssyncadd.s32 $0xFFFFE000  }
0x9d: {  	[spmem:s2] =	stream.indirect.scatter.add.f32 [tilespmem:s24], [sflag:$0x4], $0x80, s30, s22, $0xb8;
	[tilespmem:$0x1F000] =	vst v63  }
0x9e: {  	_ =	swait.ge [sflag:s20], $0x2000  }
0x9f: {  	[sflag:s20] =	ssyncset.done $0x0  }
0xa0: {  	[sflag:s20] =	ssyncadd.s32 $0xFFFFE000  }
0xa1: {  	_ =	swait.ge [sflag:s25], $0x2000  }
0xa2: {  	[sflag:s25] =	ssyncset.done $0x0  }
0xa3: {  	[sflag:s25] =	ssyncadd.s32 $0xFFFFE000  }
0xa4: {  	s31 =	stileid.u32;
	_ =	swait.ge [sflag:s26], $0x2000  }
0xa5: {  	s3 =	sadd.s32 $0x1, s3;
	s0 =	sshll.u32 s31, $0x6;
	[sflag:s26] =	ssyncset.done $0x0  }
0xa6: {  	p0 =	sne.s32 s3, s18;
	s0 =	sor.u32 $0x1C04, s0;
	[sflag:s26] =	ssyncadd.s32 $0xFFFFE000  }
.Ltmp2:
0xa7: {  	s1 =	sshrl.u32 s5, $0x3;
	[bflag:$0x0] =	sbarrier.arrive $0xFFFF;
	(pc) =	sbr.rel @p0 .LBB2_1-.Ltmp2, $4  }
0xa8: {  	[hbm:s17], [sflag:s0] =	dma.local [spmem:s1], $0x2800  }
0xa9: {  	_ =	swait.ge [sflag:s20], $0x2800  }
0xaa: {  	[sflag:s20] =	ssyncset.done $0x0  }
0xab: {  	[sflag:s20] =	ssyncadd.s32 $0xFFFFD800  }
0xac: {  	_ =	sfence.sel $0x180000  }
0xad: {  	[bflag:$0x0] =	sbarrier.arrive $0xFFFF  }
0xae: {  	_ =	strace $0x90000056  }
0xaf: {  	s0 =	stileid.u32;
	[bflag:$0x2] =	sbarrier.arrive $0xFFFF  }
0xb0: {  	p0 =	sne.s32 s0, $0x0;
	s0 =	rddreg [dreg:$0x3]  }
0xb1: {  	s0 =	sadd.s32 @!p0 $0x100000, s0  }
0xb2: {  	[sflag:s0] =	ssyncadd.tile.s32 @!p0 $0x1;
	_ =	shalt  }
.Lfunc_end2:
_tile_overlayer_lowered:
.L_overlay_start_2:
0xb3: {  	(tag) =	ssettag $0x2  }
0xb4: {  	s0 =	rddreg [dreg:$0x0];
	s2 =	stileid.u32  }
0xb5: {  	s1 =	rddreg [dreg:$0x1];
	p0 =	sne.s32 s2, $0x0  }
0xb6: {  	s3 =	rddreg [dreg:$0x2];
	[bflag:$0x3] =	sbarrier.arrive $0xFFFF;
	s2 =	simm.s32 @!p0 $0x1C04  }
0xb7: {  	[timem:s3], [sflag:s2] =	dma.local @!p0 [hbm:s0], s1  }
0xb8: {  	s0 =	simm.s32 @!p0 $0x4  }
0xb9: {  	_ =	swait.ge @!p0 [sflag:s0], s1  }
0xba: {  	s1 =	ssub.s32 @!p0 $0x0, s1;
	[sflag:s0] =	ssyncset.done @!p0 $0x0  }
0xbb: {  	[sflag:s0] =	ssyncadd.s32 @!p0 s1  }
0xbc: {  	[bflag:$0x3] =	sbarrier.arrive $0xFFFF  }
0xbd: {  	_ =	shalt  }

</sc_bundles>
